<compile_context>
chip_gen: v7x
topology: tpu7x:2x2x1
jax: 0.10.2.dev20260603
libtpu: 0.0.44.dev20260713+nightly
codegen_flags: <defaults>
</compile_context>

<pallas_src>
import functools

import jax
import jax.numpy as jnp
from jax import lax
from jax.experimental import pallas as pl
from jax.experimental.pallas import tpu as pltpu
from jax.experimental.pallas import tpu_sc as plsc

T = 2048
D = 1024
E = 64
TOPK = 2
DFF = 512
SDFF = 1024
SCALE = 1.0

N_R = T * TOPK
BT = 256
NB = N_R // BT
G = NB + E - 1
GP = 128
NBG = T // 256

SC_CORES = 2
SC_SUBCORES = 16
NW = SC_CORES * SC_SUBCORES
GCH = 32
TT = 32



def _gating_body(x_ref, rw_ref, vals_ref, idx_ref, rank_ref, cnt_ref):
    x = x_ref[...]
    rw = rw_ref[...]
    logits = lax.dot_general(x, rw, (((1,), (1,)), ((), ())),
                             preferred_element_type=jnp.float32)
    m = jnp.max(logits, axis=1, keepdims=True)
    ex = jnp.exp(logits - m)
    scores = ex / jnp.sum(ex, axis=1, keepdims=True)
    col = lax.broadcasted_iota(jnp.int32, scores.shape, 1)
    v1 = jnp.max(scores, axis=1)
    i1 = jnp.min(jnp.where(scores == v1[:, None], col, E), axis=1)
    s2 = jnp.where(col == i1[:, None], -jnp.inf, scores)
    v2 = jnp.max(s2, axis=1)
    i2 = jnp.min(jnp.where(s2 == v2[:, None], col, E), axis=1)
    vals_ref[...] = jnp.stack([v1, v2], axis=1)
    idx_ref[...] = jnp.stack([i1, i2], axis=1)

    c1 = (i1[:, None] == col).astype(jnp.float32)
    c2 = (i2[:, None] == col).astype(jnp.float32)
    bt = x.shape[0]
    r_io = lax.broadcasted_iota(jnp.int32, (bt, bt), 0)
    c_io = lax.broadcasted_iota(jnp.int32, (bt, bt), 1)
    ltri = (r_io > c_io).astype(jnp.float32)
    s1 = lax.dot_general(ltri, c1, (((1,), (0,)), ((), ())),
                         precision=lax.Precision.HIGHEST,
                           preferred_element_type=jnp.float32)
    s2m = lax.dot_general(ltri, c2, (((1,), (0,)), ((), ())),
                          precision=lax.Precision.HIGHEST,
                           preferred_element_type=jnp.float32)
    s12 = s1 + s2m
    r0 = jnp.sum(s12 * c1, axis=1)
    r1 = jnp.sum(s12 * c2, axis=1) + jnp.sum(c1 * c2, axis=1)
    rank_ref[...] = jnp.stack([r0, r1], axis=1).astype(jnp.int32)
    cnt_ref[...] = jnp.sum(
        c1 + c2, axis=0, keepdims=True)[None, :, :].astype(jnp.int32)


def _gating(hidden, router_weight):
    bt = 256
    return pl.pallas_call(
        _gating_body,
        grid=(T // bt,),
        in_specs=[
            pl.BlockSpec((bt, D), lambda i: (i, 0)),
            pl.BlockSpec((E, D), lambda i: (0, 0)),
        ],
        out_specs=[
            pl.BlockSpec((bt, TOPK), lambda i: (i, 0)),
            pl.BlockSpec((bt, TOPK), lambda i: (i, 0)),
            pl.BlockSpec((bt, TOPK), lambda i: (i, 0)),
            pl.BlockSpec((1, 1, E), lambda i: (i, 0, 0)),
        ],
        out_shape=[
            jax.ShapeDtypeStruct((T, TOPK), jnp.float32),
            jax.ShapeDtypeStruct((T, TOPK), jnp.int32),
            jax.ShapeDtypeStruct((T, TOPK), jnp.int32),
            jax.ShapeDtypeStruct((NBG, 1, E), jnp.int32),
        ],
    )(hidden, router_weight)



def _plan_body(idx_ref, rank_ref, cnt_ref, pos_ref, ve_ref, vm_ref,
               vs_ref, vz_ref, vv_ref, vf_ref):
    cntb = cnt_ref[:, 0, :].astype(jnp.float32)
    counts = jnp.sum(cntb, axis=0, keepdims=True)
    e_r = lax.broadcasted_iota(jnp.int32, (E, E), 0)
    e_c = lax.broadcasted_iota(jnp.int32, (E, E), 1)
    tri_incl = (e_r <= e_c).astype(jnp.float32)
    incl = lax.dot_general(counts, tri_incl, (((1,), (0,)), ((), ())),
                           precision=lax.Precision.HIGHEST,
                           preferred_element_type=jnp.float32)
    off_ex = incl - counts
    b_r = lax.broadcasted_iota(jnp.int32, (NBG, NBG), 0)
    b_c = lax.broadcasted_iota(jnp.int32, (NBG, NBG), 1)
    btri = (b_r > b_c).astype(jnp.float32)
    blk_prefix = lax.dot_general(btri, cntb, (((1,), (0,)), ((), ())),
                                 precision=lax.Precision.HIGHEST,
                           preferred_element_type=jnp.float32)
    blkoff = blk_prefix + off_ex

    idx2 = idx_ref[...]
    rank2 = rank_ref[...].astype(jnp.float32)
    trow = lax.broadcasted_iota(jnp.int32, (T, NBG), 0) // (T // NBG)
    bcol = lax.broadcasted_iota(jnp.int32, (T, NBG), 1)
    onehot_b = (trow == bcol).astype(jnp.float32)
    bo_rows = lax.dot_general(onehot_b, blkoff, (((1,), (0,)), ((), ())),
                              precision=lax.Precision.HIGHEST,
                           preferred_element_type=jnp.float32)
    ecolT = lax.broadcasted_iota(jnp.int32, (T, E), 1)
    p0 = jnp.sum(bo_rows * (idx2[:, 0][:, None] == ecolT), axis=1) + rank2[:, 0]
    p1 = jnp.sum(bo_rows * (idx2[:, 1][:, None] == ecolT), axis=1) + rank2[:, 1]
    pos_ref[...] = jnp.stack([p0, p1], axis=1).astype(jnp.int32)

    cnt1 = counts[0]
    off1 = off_ex[0]
    first_blk = jnp.floor(off1 / BT)
    last_blk = jnp.floor((off1 + cnt1 - 1.0) / BT)
    nb_e = jnp.where(cnt1 > 0, last_blk - first_blk + 1.0, 0.0)
    vcum = lax.dot_general(nb_e[None, :], tri_incl, (((1,), (0,)), ((), ())),
                           precision=lax.Precision.HIGHEST,
                           preferred_element_type=jnp.float32)[0]
    total = jnp.max(vcum)
    gcol = lax.broadcasted_iota(jnp.int32, (E, GP), 1).astype(jnp.float32)
    eg = jnp.sum((vcum[:, None] <= gcol).astype(jnp.float32), axis=0)
    eg = jnp.minimum(eg, float(E - 1))
    erow = lax.broadcasted_iota(jnp.int32, (E, GP), 0).astype(jnp.float32)
    oh_eg = (erow == eg[None, :]).astype(jnp.float32)

    def pick(a):
        return jnp.sum(oh_eg * a[:, None], axis=0)

    prev = pick(vcum) - pick(nb_e)
    garr = lax.broadcasted_iota(
        jnp.int32, (1, GP), 1).astype(jnp.float32)[0]
    mvis = pick(first_blk) + (garr - prev)
    validg = garr < total
    ve_ref[...] = jnp.where(validg, eg, float(E - 1)).astype(jnp.int32)[None, :]
    vm_ref[...] = jnp.where(validg, mvis, float(NB - 1)).astype(jnp.int32)[None, :]
    vs_ref[...] = jnp.where(validg, pick(off1), 0.0).astype(jnp.int32)[None, :]
    vz_ref[...] = jnp.where(validg, pick(off1 + cnt1), 0.0).astype(jnp.int32)[None, :]
    vv_ref[...] = validg.astype(jnp.int32)[None, :]
    vmv = jnp.where(validg, mvis, float(NB - 1))
    newblk = jnp.concatenate(
        [jnp.ones((1,), jnp.float32),
         (vmv[1:] != vmv[:-1]).astype(jnp.float32)])
    vf_ref[...] = (newblk * validg.astype(jnp.float32)
                   ).astype(jnp.int32)[None, :]


def _plan(idx2, rank2, cntb):
    return pl.pallas_call(
        _plan_body,
        grid=(1,),
        in_specs=[
            pl.BlockSpec((T, TOPK), lambda i: (0, 0)),
            pl.BlockSpec((T, TOPK), lambda i: (0, 0)),
            pl.BlockSpec((NBG, 1, E), lambda i: (0, 0, 0)),
        ],
        out_specs=[
            pl.BlockSpec((T, TOPK), lambda i: (0, 0)),
            pl.BlockSpec((1, GP), lambda i: (0, 0)),
            pl.BlockSpec((1, GP), lambda i: (0, 0)),
            pl.BlockSpec((1, GP), lambda i: (0, 0)),
            pl.BlockSpec((1, GP), lambda i: (0, 0)),
            pl.BlockSpec((1, GP), lambda i: (0, 0)),
            pl.BlockSpec((1, GP), lambda i: (0, 0)),
        ],
        out_shape=[
            jax.ShapeDtypeStruct((T, TOPK), jnp.int32),
            jax.ShapeDtypeStruct((1, GP), jnp.int32),
            jax.ShapeDtypeStruct((1, GP), jnp.int32),
            jax.ShapeDtypeStruct((1, GP), jnp.int32),
            jax.ShapeDtypeStruct((1, GP), jnp.int32),
            jax.ShapeDtypeStruct((1, GP), jnp.int32),
            jax.ShapeDtypeStruct((1, GP), jnp.int32),
        ],
    )(idx2, rank2, cntb)



def _dispatch_scatter(hidden, tok_flat, pos3):
    return _make_sc_dispatch()(hidden, tok_flat, pos3)


@functools.lru_cache(maxsize=None)
def _make_sc_dispatch():
    mesh = plsc.VectorSubcoreMesh(core_axis_name="c", subcore_axis_name="s")
    rows_per_w = N_R // NW
    n_chunks = rows_per_w // GCH

    @functools.partial(
        pl.kernel,
        mesh=mesh,
        out_type=jax.ShapeDtypeStruct((N_R, D), jnp.float32),
        scratch_types=[
            pltpu.VMEM((rows_per_w,), jnp.int32),
            pltpu.VMEM((n_chunks, GCH), jnp.int32),
            pltpu.VMEM((2, GCH, D), jnp.float32),
            pltpu.SemaphoreType.DMA,
            pltpu.SemaphoreType.DMA,
        ],
    )
    def _sc_dispatch_kernel(hid_hbm, tok_hbm, pos_hbm, out_hbm,
                            tok_v, pos_v, rows_v, sem_g, sem_s):
        wid = lax.axis_index("s") * SC_CORES + lax.axis_index("c")
        base = wid * rows_per_w
        pltpu.sync_copy(tok_hbm.at[pl.ds(base, rows_per_w)], tok_v)
        pltpu.sync_copy(pos_hbm.at[wid], pos_v)
        stores = [None, None]
        for j in range(n_chunks):
            b = j % 2
            if stores[b] is not None:
                stores[b].wait()
            pltpu.async_copy(
                hid_hbm.at[tok_v.at[pl.ds(j * GCH, GCH)]],
                rows_v.at[b], sem_g).wait()
            stores[b] = pltpu.async_copy(
                rows_v.at[b], out_hbm.at[pos_v.at[j]], sem_s)
        stores[0].wait()
        stores[1].wait()

    return _sc_dispatch_kernel



def _expert_body(ve, vm, vf, vv, vs, vz,
                 xs_ref, gr_ref, ur_ref, dr_ref, sw_ref, y_ref):
    g = pl.program_id(0)
    valid = vv[g] == 1
    first = vf[g] == 1

    x = xs_ref[...]
    h1 = lax.dot_general(x, gr_ref[0], (((1,), (1,)), ((), ())),
                         preferred_element_type=jnp.float32)
    h2 = lax.dot_general(x, ur_ref[0], (((1,), (1,)), ((), ())),
                         preferred_element_type=jnp.float32)
    h = (h1 * jax.nn.sigmoid(h1)) * h2
    y = lax.dot_general(h, dr_ref[0], (((1,), (1,)), ((), ())),
                        preferred_element_type=jnp.float32)

    rg = vm[g] * BT + lax.broadcasted_iota(jnp.int32, (BT, 1), 0)
    mask = (rg >= vs[g]) & (rg < vz[g])
    w = jnp.where(mask[:, 0], sw_ref[0, 0, :], 0.0)
    contrib = y * w[:, None]

    @pl.when(valid & first)
    def _():
        y_ref[...] = contrib

    @pl.when(valid & jnp.logical_not(first))
    def _():
        y_ref[...] += contrib


def _grouped_mlp(xs, gate_w, up_w, down_w, sw3,
                 visit_e, visit_m, visit_f, visit_v, vstart, vend):
    def _xs_idx(g, ve, vm, vf, vv, vs, vz):
        return (vm[g], 0)

    def _w_idx(g, ve, vm, vf, vv, vs, vz):
        return (ve[g], 0, 0)

    def _row_idx(g, ve, vm, vf, vv, vs, vz):
        return (vm[g], 0, 0)

    grid_spec = pltpu.PrefetchScalarGridSpec(
        num_scalar_prefetch=6,
        grid=(G,),
        in_specs=[
            pl.BlockSpec((BT, D), _xs_idx),
            pl.BlockSpec((1, DFF, D), _w_idx),
            pl.BlockSpec((1, DFF, D), _w_idx),
            pl.BlockSpec((1, D, DFF), _w_idx),
            pl.BlockSpec((1, 1, BT), _row_idx),
        ],
        out_specs=pl.BlockSpec((BT, D), _xs_idx),
    )
    return pl.pallas_call(
        _expert_body,
        grid_spec=grid_spec,
        out_shape=jax.ShapeDtypeStruct((N_R, D), jnp.float32),
    )(visit_e, visit_m, visit_f, visit_v, vstart, vend,
      xs, gate_w, up_w, down_w, sw3)



def _shared_body(x_ref, gw_ref, uw_ref, dw_ref, o_ref):
    x = x_ref[...]
    h1 = lax.dot_general(x, gw_ref[...], (((1,), (1,)), ((), ())),
                         preferred_element_type=jnp.float32)
    h2 = lax.dot_general(x, uw_ref[...], (((1,), (1,)), ((), ())),
                         preferred_element_type=jnp.float32)
    h = (h1 * jax.nn.sigmoid(h1)) * h2
    o_ref[...] = lax.dot_general(h, dw_ref[...], (((1,), (1,)), ((), ())),
                                 preferred_element_type=jnp.float32)


def _shared_mlp(hidden, sgw, suw, sdw):
    bt = 256
    return pl.pallas_call(
        _shared_body,
        grid=(T // bt,),
        in_specs=[
            pl.BlockSpec((bt, D), lambda i: (i, 0)),
            pl.BlockSpec((SDFF, D), lambda i: (0, 0)),
            pl.BlockSpec((SDFF, D), lambda i: (0, 0)),
            pl.BlockSpec((D, SDFF), lambda i: (0, 0)),
        ],
        out_specs=pl.BlockSpec((bt, D), lambda i: (i, 0)),
        out_shape=jax.ShapeDtypeStruct((T, D), jnp.float32),
    )(hidden, sgw, suw, sdw)



@functools.lru_cache(maxsize=None)
def _make_sc_combine():
    mesh = plsc.VectorSubcoreMesh(core_axis_name="c", subcore_axis_name="s")

    @functools.partial(
        pl.kernel,
        mesh=mesh,
        out_type=jax.ShapeDtypeStruct((T, D), jnp.float32),
        scratch_types=[
            pltpu.VMEM((TOPK * TT,), jnp.int32),
            pltpu.VMEM((TOPK * TT, D), jnp.float32),
            pltpu.VMEM((TT, D), jnp.float32),
            pltpu.SemaphoreType.DMA,
        ],
    )
    def _sc_combine_kernel(y_hbm, sh_hbm, pos_hbm, out_hbm,
                           idx_v, rows_v, sh_v, sem):
        wid = lax.axis_index("s") * SC_CORES + lax.axis_index("c")
        tok_per_w = T // NW
        n_chunks = tok_per_w // TT
        for j in range(n_chunks):
            tok0 = wid * tok_per_w + j * TT
            pltpu.sync_copy(pos_hbm.at[pl.ds(tok0 * TOPK, TOPK * TT)], idx_v)
            gath = pltpu.async_copy(y_hbm.at[idx_v], rows_v, sem)
            pltpu.sync_copy(sh_hbm.at[pl.ds(tok0, TT)], sh_v)
            gath.wait()

            def col_body(ci, _):
                off = ci * 16
                for tt in range(TT):
                    s = (rows_v[2 * tt, pl.ds(off, 16)]
                         + rows_v[2 * tt + 1, pl.ds(off, 16)]
                         + sh_v[tt, pl.ds(off, 16)])
                    sh_v[tt, pl.ds(off, 16)] = s
                return 0

            lax.fori_loop(0, D // 16, col_body, 0)
            pltpu.sync_copy(sh_v, out_hbm.at[pl.ds(tok0, TT)])

    return _sc_combine_kernel


def _combine(y, sh, pos):
    return _make_sc_combine()(y, sh, pos)



def kernel(hidden_states, router_weight, gate_w, up_w, down_w,
           shared_gate_w, shared_up_w, shared_down_w):
    vals, idx, rank2, cntb = _gating(hidden_states, router_weight)
    pos2, veP, vmP, vsP, vzP, vvP, vfP = _plan(idx, rank2, cntb)

    visit_e = veP[0, :G]
    visit_m = vmP[0, :G]
    vstart = vsP[0, :G]
    vend = vzP[0, :G]
    visit_v = vvP[0, :G]
    visit_f = vfP[0, :G]

    pos = pos2.reshape(-1)
    tok_flat = (jnp.arange(N_R, dtype=jnp.int32) // TOPK)
    sorted_w = jnp.zeros((N_R,), jnp.float32).at[pos].set(
        (vals * SCALE).reshape(-1))
    sw3 = sorted_w.reshape(NB, 1, BT)

    xs = _dispatch_scatter(hidden_states, tok_flat,
                           pos.reshape(NW, N_R // NW // GCH, GCH))
    sh = _shared_mlp(hidden_states, shared_gate_w, shared_up_w, shared_down_w)

    y = _grouped_mlp(xs, gate_w, up_w, down_w, sw3,
                     visit_e, visit_m, visit_f, visit_v, vstart, vend)

    return _combine(y, sh, pos)

# --- scband reference (transcript-rebuilt; emitter-appended) ---
"""Pipeline reference for scband-deep-seek-v2-mo-emlp-65824668778904 (READ-ONLY COPY).

The authoritative reference and input builder live on the scoring server;
editing this copy changes nothing except your own understanding.
"""

import jax, jax.numpy as jnp
import numpy as np

T = 2048      # num_tokens = batch(1) * seq_len(2048)
D = 1024      # hidden_size
E = 64        # n_routed_experts
TOPK = 2      # num_experts_per_tok
DFF = 512     # moe_intermediate_size
N_SHARED = 2  # n_shared_experts
SDFF = N_SHARED * DFF
SCALE = 1.0   # routed_scaling_factor


def setup_inputs(seed: int = 0) -> dict:
    key = jax.random.key(seed)
    ks = jax.random.split(key, 8)
    def init(k, shape):
        return jax.random.normal(k, shape, dtype=jnp.float32) * 0.02
    return {
        "hidden_states": jax.random.normal(ks[0], (T, D), dtype=jnp.float32),
        "router_weight": init(ks[1], (E, D)),
        "gate_w": init(ks[2], (E, DFF, D)),
        "up_w": init(ks[3], (E, DFF, D)),
        "down_w": init(ks[4], (E, D, DFF)),
        "shared_gate_w": init(ks[5], (SDFF, D)),
        "shared_up_w": init(ks[6], (SDFF, D)),
        "shared_down_w": init(ks[7], (D, SDFF)),
    }


def _moe_forward(hidden_states, router_weight, gate_w, up_w, down_w,
                 shared_gate_w, shared_up_w, shared_down_w):
    Tn = hidden_states.shape[0]
    # ---- gating: softmax scores + greedy top-k (DeepSeek-V2 style) ----
    router_logits = hidden_states @ router_weight.T              # [T, E]
    scores = jax.nn.softmax(router_logits.astype(jnp.float32), axis=-1)
    topk_vals, topk_idx = jax.lax.top_k(scores, TOPK)            # [T, k]
    # norm_topk_prob = False -> use raw softmax scores as combine weights
    combine = jnp.zeros((Tn, E), dtype=hidden_states.dtype)
    combine = combine.at[jnp.arange(Tn)[:, None], topk_idx].add(
        topk_vals.astype(hidden_states.dtype))                   # [T, E]

    # ---- routed experts (SwiGLU MLPs), combined by gate weights ----
    def body(acc, xs):
        gw, uw, dw, cw = xs  # gw,uw: [DFF,D], dw: [D,DFF], cw: [T]
        h = jax.nn.silu(hidden_states @ gw.T) * (hidden_states @ uw.T)
        out = h @ dw.T                                           # [T, D]
        return acc + cw[:, None] * out, None

    routed, _ = jax.lax.scan(
        body,
        jnp.zeros_like(hidden_states),
        (gate_w, up_w, down_w, combine.T),
    )

    # ---- shared experts (always-on SwiGLU MLP) ----
    shared = (jax.nn.silu(hidden_states @ shared_gate_w.T)
              * (hidden_states @ shared_up_w.T)) @ shared_down_w.T

    return routed * SCALE + shared


def reference(hidden_states, router_weight, gate_w, up_w, down_w,
              shared_gate_w, shared_up_w, shared_down_w):
    return _moe_forward(hidden_states, router_weight, gate_w, up_w, down_w,
                        shared_gate_w, shared_up_w, shared_down_w)

if __name__ == "__main__":
    import jax
    _d = setup_inputs()
    print(jax.jit(kernel)(*tuple(_d.values())))

</pallas_src>

<mosaic_0001>
#map = affine_map<(d0, d1) -> (0, 0)>
#map1 = affine_map<(d0, d1) -> (0)>
module attributes {stable_mosaic.version = 14 : i64} {
  func.func @_sc_combine_kernel(%arg0: i32, %arg1: i32, %arg2: memref<4096x1024xf32, #tpu.memory_space<hbm>>, %arg3: memref<2048x1024xf32, #tpu.memory_space<hbm>>, %arg4: memref<4096xi32, #tpu.memory_space<hbm>>, %arg5: memref<2048x1024xf32, #tpu.memory_space<hbm>>, %arg6: memref<64xi32, #tpu.memory_space<vmem>>, %arg7: memref<64x1024xf32, #tpu.memory_space<vmem>>, %arg8: memref<32x1024xf32, #tpu.memory_space<vmem>>, %arg9: memref<!tpu.dma_semaphore, #tpu.memory_space<semaphore_mem>>) attributes {dimension_semantics = [#tpu.dimension_semantics<core_parallel>, #tpu.dimension_semantics<subcore_parallel>], iteration_bounds = array<i64: 2, 16>, scalar_prefetch = 0 : i64, scratch_operands = 4 : i64, tpu.core_type = #tpu.core_type<sc_vector_subcore>, window_params = [{transform_indices = #map}, {transform_indices = #map}, {transform_indices = #map1}, {transform_indices = #map}]} {
    %mul3A = arith.constant 2 : i32
    %mul3A_0 = arith.muli %arg1, %mul3A : i32
    %add3A = arith.addi %mul3A_0, %arg0 : i32
    %mul3A_1 = arith.constant 64 : i32
    %mul3A_2 = arith.muli %add3A, %mul3A_1 : i32
    %add3A_3 = arith.constant 0 : i32
    %add3A_4 = arith.addi %mul3A_2, %add3A_3 : i32
    %mul3A_5 = arith.constant 2 : i32
    %mul3A_6 = arith.muli %add3A_4, %mul3A_5 : i32
    "tpu.region"() ({
      %run_scoped3A = tpu.sem_alloc : memref<!tpu.dma_semaphore, #tpu.memory_space<semaphore_mem>>
      %dma_start3A_36 = tpu.memref_slice %arg4[%mul3A_6] : memref<4096xi32, #tpu.memory_space<hbm>> -> memref<64xi32, #tpu.memory_space<hbm>>
      %dma_start3A_37 = tpu.memref_slice %arg4[%mul3A_6] : memref<4096xi32, #tpu.memory_space<hbm>> -> memref<64xi32, #tpu.memory_space<hbm>>
      tpu.enqueue_dma source(%dma_start3A_37 : memref<64xi32, #tpu.memory_space<hbm>>) target(%arg6 : memref<64xi32, #tpu.memory_space<vmem>>) target_semaphore(%run_scoped3A : memref<!tpu.dma_semaphore, #tpu.memory_space<semaphore_mem>>)
      %dma_wait3A_38 = tpu.memref_slice %arg4[%mul3A_6] : memref<4096xi32, #tpu.memory_space<hbm>> -> memref<64xi32, #tpu.memory_space<hbm>>
      %dma_wait3A_39 = tpu.memref_slice %arg4[%mul3A_6] : memref<4096xi32, #tpu.memory_space<hbm>> -> memref<64xi32, #tpu.memory_space<hbm>>
      tpu.wait_dma2 semaphore(%run_scoped3A : memref<!tpu.dma_semaphore, #tpu.memory_space<semaphore_mem>>) src(%dma_wait3A_39 : memref<64xi32, #tpu.memory_space<hbm>>) dst(%arg6 : memref<64xi32, #tpu.memory_space<vmem>>)
      tpu.yield
    }) : () -> ()
    %dma_start3A = arith.constant 0 : i32
    %dma_start3A_7 = arith.constant 0 : i32
    %dma_start3A_8 = tpu.memref_slice %arg2[%dma_start3A, %dma_start3A_7] : memref<4096x1024xf32, #tpu.memory_space<hbm>> -> memref<4096x1024xf32, #tpu.memory_space<hbm>>
    tpu.enqueue_indirect_dma source(%dma_start3A_8 : memref<4096x1024xf32, #tpu.memory_space<hbm>>) target(%arg7 : memref<64x1024xf32, #tpu.memory_space<vmem>>) offsets(%arg6 : memref<64xi32, #tpu.memory_space<vmem>>) semaphore(%arg9 : memref<!tpu.dma_semaphore, #tpu.memory_space<semaphore_mem>>)
    "tpu.region"() ({
      %run_scoped3A = tpu.sem_alloc : memref<!tpu.dma_semaphore, #tpu.memory_space<semaphore_mem>>
      %dma_start3A_36 = arith.constant 0 : i32
      %dma_start3A_37 = tpu.memref_slice %arg3[%add3A_4, %dma_start3A_36] : memref<2048x1024xf32, #tpu.memory_space<hbm>> -> memref<32x1024xf32, #tpu.memory_space<hbm>>
      %dma_start3A_38 = arith.constant 0 : i32
      %dma_start3A_39 = tpu.memref_slice %arg3[%add3A_4, %dma_start3A_38] : memref<2048x1024xf32, #tpu.memory_space<hbm>> -> memref<32x1024xf32, #tpu.memory_space<hbm>>
      tpu.enqueue_dma source(%dma_start3A_39 : memref<32x1024xf32, #tpu.memory_space<hbm>>) target(%arg8 : memref<32x1024xf32, #tpu.memory_space<vmem>>) target_semaphore(%run_scoped3A : memref<!tpu.dma_semaphore, #tpu.memory_space<semaphore_mem>>)
      %dma_wait3A_40 = arith.constant 0 : i32
      %dma_wait3A_41 = tpu.memref_slice %arg3[%add3A_4, %dma_wait3A_40] : memref<2048x1024xf32, #tpu.memory_space<hbm>> -> memref<32x1024xf32, #tpu.memory_space<hbm>>
      %dma_wait3A_42 = arith.constant 0 : i32
      %dma_wait3A_43 = tpu.memref_slice %arg3[%add3A_4, %dma_wait3A_42] : memref<2048x1024xf32, #tpu.memory_space<hbm>> -> memref<32x1024xf32, #tpu.memory_space<hbm>>
      tpu.wait_dma2 semaphore(%run_scoped3A : memref<!tpu.dma_semaphore, #tpu.memory_space<semaphore_mem>>) src(%dma_wait3A_43 : memref<32x1024xf32, #tpu.memory_space<hbm>>) dst(%arg8 : memref<32x1024xf32, #tpu.memory_space<vmem>>)
      tpu.yield
    }) : () -> ()
    %dma_wait3A = arith.constant 0 : i32
    %dma_wait3A_9 = arith.constant 0 : i32
    %dma_wait3A_10 = tpu.memref_slice %arg2[%dma_wait3A, %dma_wait3A_9] : memref<4096x1024xf32, #tpu.memory_space<hbm>> -> memref<4096x1024xf32, #tpu.memory_space<hbm>>
    tpu.wait_indirect_dma semaphore(%arg9 : memref<!tpu.dma_semaphore, #tpu.memory_space<semaphore_mem>>) src(%dma_wait3A_10 : memref<4096x1024xf32, #tpu.memory_space<hbm>>) dst(%arg7 : memref<64x1024xf32, #tpu.memory_space<vmem>>)
    %scan3A = arith.constant 0 : i32
    %scan3A_11 = arith.constant 0 : i32
    %scan3A_12 = arith.constant 64 : i32
    %scan3A_13 = arith.addi %scan3A_11, %scan3A_12 : i32
    %scan3A_14 = arith.constant 1 : i32
    %scan3A_15 = scf.for %scan3A_36 = %scan3A_11 to %scan3A_13 step %scan3A_14 iter_args(%scan3A_37 = %scan3A) -> (i32)  : i32 {
      %mul3A_38 = arith.constant 16 : i32
      %mul3A_39 = arith.muli %scan3A_36, %mul3A_38 : i32
      %get3A = arith.constant 0 : i32
      %get3A_40 = arith.index_cast %get3A : i32 to index
      %get3A_41 = arith.index_cast %mul3A_39 : i32 to index
      %get3A_42 = tpu.vector_load %arg7[%get3A_40, %get3A_41] {strides = array<i32>} : memref<64x1024xf32, #tpu.memory_space<vmem>>, vector<1x16xf32>,
      %get3A_43 = vector.shape_cast %get3A_42 : vector<1x16xf32> to vector<16xf32>
      %get3A_44 = arith.constant 1 : i32
      %get3A_45 = arith.index_cast %get3A_44 : i32 to index
      %get3A_46 = arith.index_cast %mul3A_39 : i32 to index
      %get3A_47 = tpu.vector_load %arg7[%get3A_45, %get3A_46] {strides = array<i32>} : memref<64x1024xf32, #tpu.memory_space<vmem>>, vector<1x16xf32>,
      %get3A_48 = vector.shape_cast %get3A_47 : vector<1x16xf32> to vector<16xf32>
      %add3A_49 = arith.addf %get3A_43, %get3A_48 : vector<16xf32>
      %get3A_50 = arith.constant 0 : i32
      %get3A_51 = arith.index_cast %get3A_50 : i32 to index
      %get3A_52 = arith.index_cast %mul3A_39 : i32 to index
      %get3A_53 = tpu.vector_load %arg8[%get3A_51, %get3A_52] {strides = array<i32>} : memref<32x1024xf32, #tpu.memory_space<vmem>>, vector<1x16xf32>,
      %get3A_54 = vector.shape_cast %get3A_53 : vector<1x16xf32> to vector<16xf32>
      %add3A_55 = arith.addf %add3A_49, %get3A_54 : vector<16xf32>
      %swap3A = arith.constant 0 : i32
      %swap3A_56 = arith.index_cast %swap3A : i32 to index
      %swap3A_57 = arith.index_cast %mul3A_39 : i32 to index
      %swap3A_58 = tpu.vector_load %arg8[%swap3A_56, %swap3A_57] {strides = array<i32>} : memref<32x1024xf32, #tpu.memory_space<vmem>>, vector<1x16xf32>,
      %swap3A_59 = vector.shape_cast %swap3A_58 : vector<1x16xf32> to vector<16xf32>
      %swap3A_60 = vector.shape_cast %add3A_55 : vector<16xf32> to vector<1x16xf32>
      tpu.vector_store %arg8[%swap3A_56, %swap3A_57], %swap3A_60 {strides = array<i32>} : memref<32x1024xf32, #tpu.memory_space<vmem>>, vector<1x16xf32>,
      %get3A_61 = arith.constant 2 : i32
      %get3A_62 = arith.index_cast %get3A_61 : i32 to index
      %get3A_63 = arith.index_cast %mul3A_39 : i32 to index
      %get3A_64 = tpu.vector_load %arg7[%get3A_62, %get3A_63] {strides = array<i32>} : memref<64x1024xf32, #tpu.memory_space<vmem>>, vector<1x16xf32>,
      %get3A_65 = vector.shape_cast %get3A_64 : vector<1x16xf32> to vector<16xf32>
      %get3A_66 = arith.constant 3 : i32
      %get3A_67 = arith.index_cast %get3A_66 : i32 to index
      %get3A_68 = arith.index_cast %mul3A_39 : i32 to index
      %get3A_69 = tpu.vector_load %arg7[%get3A_67, %get3A_68] {strides = array<i32>} : memref<64x1024xf32, #tpu.memory_space<vmem>>, vector<1x16xf32>,
      %get3A_70 = vector.shape_cast %get3A_69 : vector<1x16xf32> to vector<16xf32>
      %add3A_71 = arith.addf %get3A_65, %get3A_70 : vector<16xf32>
      %get3A_72 = arith.constant 1 : i32
      %get3A_73 = arith.index_cast %get3A_72 : i32 to index
      %get3A_74 = arith.index_cast %mul3A_39 : i32 to index
      %get3A_75 = tpu.vector_load %arg8[%get3A_73, %get3A_74] {strides = array<i32>} : memref<32x1024xf32, #tpu.memory_space<vmem>>, vector<1x16xf32>,
      %get3A_76 = vector.shape_cast %get3A_75 : vector<1x16xf32> to vector<16xf32>
      %add3A_77 = arith.addf %add3A_71, %get3A_76 : vector<16xf32>
      %swap3A_78 = arith.constant 1 : i32
      %swap3A_79 = arith.index_cast %swap3A_78 : i32 to index
      %swap3A_80 = arith.index_cast %mul3A_39 : i32 to index
      %swap3A_81 = tpu.vector_load %arg8[%swap3A_79, %swap3A_80] {strides = array<i32>} : memref<32x1024xf32, #tpu.memory_space<vmem>>, vector<1x16xf32>,
      %swap3A_82 = vector.shape_cast %swap3A_81 : vector<1x16xf32> to vector<16xf32>
      %swap3A_83 = vector.shape_cast %add3A_77 : vector<16xf32> to vector<1x16xf32>
      tpu.vector_store %arg8[%swap3A_79, %swap3A_80], %swap3A_83 {strides = array<i32>} : memref<32x1024xf32, #tpu.memory_space<vmem>>, vector<1x16xf32>,
      %get3A_84 = arith.constant 4 : i32
      %get3A_85 = arith.index_cast %get3A_84 : i32 to index
      %get3A_86 = arith.index_cast %mul3A_39 : i32 to index
      %get3A_87 = tpu.vector_load %arg7[%get3A_85, %get3A_86] {strides = array<i32>} : memref<64x1024xf32, #tpu.memory_space<vmem>>, vector<1x16xf32>,
      %get3A_88 = vector.shape_cast %get3A_87 : vector<1x16xf32> to vector<16xf32>
      %get3A_89 = arith.constant 5 : i32
      %get3A_90 = arith.index_cast %get3A_89 : i32 to index
      %get3A_91 = arith.index_cast %mul3A_39 : i32 to index
      %get3A_92 = tpu.vector_load %arg7[%get3A_90, %get3A_91] {strides = array<i32>} : memref<64x1024xf32, #tpu.memory_space<vmem>>, vector<1x16xf32>,
      %get3A_93 = vector.shape_cast %get3A_92 : vector<1x16xf32> to vector<16xf32>
      %add3A_94 = arith.addf %get3A_88, %get3A_93 : vector<16xf32>
      %get3A_95 = arith.constant 2 : i32
      %get3A_96 = arith.index_cast %get3A_95 : i32 to index
      %get3A_97 = arith.index_cast %mul3A_39 : i32 to index
      %get3A_98 = tpu.vector_load %arg8[%get3A_96, %get3A_97] {strides = array<i32>} : memref<32x1024xf32, #tpu.memory_space<vmem>>, vector<1x16xf32>,
      %get3A_99 = vector.shape_cast %get3A_98 : vector<1x16xf32> to vector<16xf32>
      %add3A_100 = arith.addf %add3A_94, %get3A_99 : vector<16xf32>
      %swap3A_101 = arith.constant 2 : i32
      %swap3A_102 = arith.index_cast %swap3A_101 : i32 to index
      %swap3A_103 = arith.index_cast %mul3A_39 : i32 to index
      %swap3A_104 = tpu.vector_load %arg8[%swap3A_102, %swap3A_103] {strides = array<i32>} : memref<32x1024xf32, #tpu.memory_space<vmem>>, vector<1x16xf32>,
      %swap3A_105 = vector.shape_cast %swap3A_104 : vector<1x16xf32> to vector<16xf32>
      %swap3A_106 = vector.shape_cast %add3A_100 : vector<16xf32> to vector<1x16xf32>
      tpu.vector_store %arg8[%swap3A_102, %swap3A_103], %swap3A_106 {strides = array<i32>} : memref<32x1024xf32, #tpu.memory_space<vmem>>, vector<1x16xf32>,
      %get3A_107 = arith.constant 6 : i32
      %get3A_108 = arith.index_cast %get3A_107 : i32 to index
      %get3A_109 = arith.index_cast %mul3A_39 : i32 to index
      %get3A_110 = tpu.vector_load %arg7[%get3A_108, %get3A_109] {strides = array<i32>} : memref<64x1024xf32, #tpu.memory_space<vmem>>, vector<1x16xf32>,
      %get3A_111 = vector.shape_cast %get3A_110 : vector<1x16xf32> to vector<16xf32>
      %get3A_112 = arith.constant 7 : i32
      %get3A_113 = arith.index_cast %get3A_112 : i32 to index
      %get3A_114 = arith.index_cast %mul3A_39 : i32 to index
      %get3A_115 = tpu.vector_load %arg7[%get3A_113, %get3A_114] {strides = array<i32>} : memref<64x1024xf32, #tpu.memory_space<vmem>>, vector<1x16xf32>,
      %get3A_116 = vector.shape_cast %get3A_115 : vector<1x16xf32> to vector<16xf32>
      %add3A_117 = arith.addf %get3A_111, %get3A_116 : vector<16xf32>
      %get3A_118 = arith.constant 3 : i32
      %get3A_119 = arith.index_cast %get3A_118 : i32 to index
      %get3A_120 = arith.index_cast %mul3A_39 : i32 to index
      %get3A_121 = tpu.vector_load %arg8[%get3A_119, %get3A_120] {strides = array<i32>} : memref<32x1024xf32, #tpu.memory_space<vmem>>, vector<1x16xf32>,
      %get3A_122 = vector.shape_cast %get3A_121 : vector<1x16xf32> to vector<16xf32>
      %add3A_123 = arith.addf %add3A_117, %get3A_122 : vector<16xf32>
      %swap3A_124 = arith.constant 3 : i32
      %swap3A_125 = arith.index_cast %swap3A_124 : i32 to index
      %swap3A_126 = arith.index_cast %mul3A_39 : i32 to index
      %swap3A_127 = tpu.vector_load %arg8[%swap3A_125, %swap3A_126] {strides = array<i32>} : memref<32x1024xf32, #tpu.memory_space<vmem>>, vector<1x16xf32>,
      %swap3A_128 = vector.shape_cast %swap3A_127 : vector<1x16xf32> to vector<16xf32>
      %swap3A_129 = vector.shape_cast %add3A_123 : vector<16xf32> to vector<1x16xf32>
      tpu.vector_store %arg8[%swap3A_125, %swap3A_126], %swap3A_129 {strides = array<i32>} : memref<32x1024xf32, #tpu.memory_space<vmem>>, vector<1x16xf32>,
      %get3A_130 = arith.constant 8 : i32
      %get3A_131 = arith.index_cast %get3A_130 : i32 to index
      %get3A_132 = arith.index_cast %mul3A_39 : i32 to index
      %get3A_133 = tpu.vector_load %arg7[%get3A_131, %get3A_132] {strides = array<i32>} : memref<64x1024xf32, #tpu.memory_space<vmem>>, vector<1x16xf32>,
      %get3A_134 = vector.shape_cast %get3A_133 : vector<1x16xf32> to vector<16xf32>
      %get3A_135 = arith.constant 9 : i32
      %get3A_136 = arith.index_cast %get3A_135 : i32 to index
      %get3A_137 = arith.index_cast %mul3A_39 : i32 to index
      %get3A_138 = tpu.vector_load %arg7[%get3A_136, %get3A_137] {strides = array<i32>} : memref<64x1024xf32, #tpu.memory_space<vmem>>, vector<1x16xf32>,
      %get3A_139 = vector.shape_cast %get3A_138 : vector<1x16xf32> to vector<16xf32>
      %add3A_140 = arith.addf %get3A_134, %get3A_139 : vector<16xf32>
      %get3A_141 = arith.constant 4 : i32
      %get3A_142 = arith.index_cast %get3A_141 : i32 to index
      %get3A_143 = arith.index_cast %mul3A_39 : i32 to index
      %get3A_144 = tpu.vector_load %arg8[%get3A_142, %get3A_143] {strides = array<i32>} : memref<32x1024xf32, #tpu.memory_space<vmem>>, vector<1x16xf32>,
      %get3A_145 = vector.shape_cast %get3A_144 : vector<1x16xf32> to vector<16xf32>
      %add3A_146 = arith.addf %add3A_140, %get3A_145 : vector<16xf32>
      %swap3A_147 = arith.constant 4 : i32
      %swap3A_148 = arith.index_cast %swap3A_147 : i32 to index
      %swap3A_149 = arith.index_cast %mul3A_39 : i32 to index
      %swap3A_150 = tpu.vector_load %arg8[%swap3A_148, %swap3A_149] {strides = array<i32>} : memref<32x1024xf32, #tpu.memory_space<vmem>>, vector<1x16xf32>,
      %swap3A_151 = vector.shape_cast %swap3A_150 : vector<1x16xf32> to vector<16xf32>
      %swap3A_152 = vector.shape_cast %add3A_146 : vector<16xf32> to vector<1x16xf32>
      tpu.vector_store %arg8[%swap3A_148, %swap3A_149], %swap3A_152 {strides = array<i32>} : memref<32x1024xf32, #tpu.memory_space<vmem>>, vector<1x16xf32>,
      %get3A_153 = arith.constant 10 : i32
      %get3A_154 = arith.index_cast %get3A_153 : i32 to index
      %get3A_155 = arith.index_cast %mul3A_39 : i32 to index
      %get3A_156 = tpu.vector_load %arg7[%get3A_154, %get3A_155] {strides = array<i32>} : memref<64x1024xf32, #tpu.memory_space<vmem>>, vector<1x16xf32>,
      %get3A_157 = vector.shape_cast %get3A_156 : vector<1x16xf32> to vector<16xf32>
      %get3A_158 = arith.constant 11 : i32
      %get3A_159 = arith.index_cast %get3A_158 : i32 to index
      %get3A_160 = arith.index_cast %mul3A_39 : i32 to index
      %get3A_161 = tpu.vector_load %arg7[%get3A_159, %get3A_160] {strides = array<i32>} : memref<64x1024xf32, #tpu.memory_space<vmem>>, vector<1x16xf32>,
      %get3A_162 = vector.shape_cast %get3A_161 : vector<1x16xf32> to vector<16xf32>
      %add3A_163 = arith.addf %get3A_157, %get3A_162 : vector<16xf32>
      %get3A_164 = arith.constant 5 : i32
      %get3A_165 = arith.index_cast %get3A_164 : i32 to index
      %get3A_166 = arith.index_cast %mul3A_39 : i32 to index
      %get3A_167 = tpu.vector_load %arg8[%get3A_165, %get3A_166] {strides = array<i32>} : memref<32x1024xf32, #tpu.memory_space<vmem>>, vector<1x16xf32>,
      %get3A_168 = vector.shape_cast %get3A_167 : vector<1x16xf32> to vector<16xf32>
      %add3A_169 = arith.addf %add3A_163, %get3A_168 : vector<16xf32>
      %swap3A_170 = arith.constant 5 : i32
      %swap3A_171 = arith.index_cast %swap3A_170 : i32 to index
      %swap3A_172 = arith.index_cast %mul3A_39 : i32 to index
      %swap3A_173 = tpu.vector_load %arg8[%swap3A_171, %swap3A_172] {strides = array<i32>} : memref<32x1024xf32, #tpu.memory_space<vmem>>, vector<1x16xf32>,
      %swap3A_174 = vector.shape_cast %swap3A_173 : vector<1x16xf32> to vector<16xf32>
      %swap3A_175 = vector.shape_cast %add3A_169 : vector<16xf32> to vector<1x16xf32>
      tpu.vector_store %arg8[%swap3A_171, %swap3A_172], %swap3A_175 {strides = array<i32>} : memref<32x1024xf32, #tpu.memory_space<vmem>>, vector<1x16xf32>,
      %get3A_176 = arith.constant 12 : i32
      %get3A_177 = arith.index_cast %get3A_176 : i32 to index
      %get3A_178 = arith.index_cast %mul3A_39 : i32 to index
      %get3A_179 = tpu.vector_load %arg7[%get3A_177, %get3A_178] {strides = array<i32>} : memref<64x1024xf32, #tpu.memory_space<vmem>>, vector<1x16xf32>,
      %get3A_180 = vector.shape_cast %get3A_179 : vector<1x16xf32> to vector<16xf32>
      %get3A_181 = arith.constant 13 : i32
      %get3A_182 = arith.index_cast %get3A_181 : i32 to index
      %get3A_183 = arith.index_cast %mul3A_39 : i32 to index
      %get3A_184 = tpu.vector_load %arg7[%get3A_182, %get3A_183] {strides = array<i32>} : memref<64x1024xf32, #tpu.memory_space<vmem>>, vector<1x16xf32>,
      %get3A_185 = vector.shape_cast %get3A_184 : vector<1x16xf32> to vector<16xf32>
      %add3A_186 = arith.addf %get3A_180, %get3A_185 : vector<16xf32>
      %get3A_187 = arith.constant 6 : i32
      %get3A_188 = arith.index_cast %get3A_187 : i32 to index
      %get3A_189 = arith.index_cast %mul3A_39 : i32 to index
      %get3A_190 = tpu.vector_load %arg8[%get3A_188, %get3A_189] {strides = array<i32>} : memref<32x1024xf32, #tpu.memory_space<vmem>>, vector<1x16xf32>,
      %get3A_191 = vector.shape_cast %get3A_190 : vector<1x16xf32> to vector<16xf32>
      %add3A_192 = arith.addf %add3A_186, %get3A_191 : vector<16xf32>
      %swap3A_193 = arith.constant 6 : i32
      %swap3A_194 = arith.index_cast %swap3A_193 : i32 to index
      %swap3A_195 = arith.index_cast %mul3A_39 : i32 to index
      %swap3A_196 = tpu.vector_load %arg8[%swap3A_194, %swap3A_195] {strides = array<i32>} : memref<32x1024xf32, #tpu.memory_space<vmem>>, vector<1x16xf32>,
      %swap3A_197 = vector.shape_cast %swap3A_196 : vector<1x16xf32> to vector<16xf32>
      %swap3A_198 = vector.shape_cast %add3A_192 : vector<16xf32> to vector<1x16xf32>
      tpu.vector_store %arg8[%swap3A_194, %swap3A_195], %swap3A_198 {strides = array<i32>} : memref<32x1024xf32, #tpu.memory_space<vmem>>, vector<1x16xf32>,
      %get3A_199 = arith.constant 14 : i32
      %get3A_200 = arith.index_cast %get3A_199 : i32 to index
      %get3A_201 = arith.index_cast %mul3A_39 : i32 to index
      %get3A_202 = tpu.vector_load %arg7[%get3A_200, %get3A_201] {strides = array<i32>} : memref<64x1024xf32, #tpu.memory_space<vmem>>, vector<1x16xf32>,
      %get3A_203 = vector.shape_cast %get3A_202 : vector<1x16xf32> to vector<16xf32>
      %get3A_204 = arith.constant 15 : i32
      %get3A_205 = arith.index_cast %get3A_204 : i32 to index
      %get3A_206 = arith.index_cast %mul3A_39 : i32 to index
      %get3A_207 = tpu.vector_load %arg7[%get3A_205, %get3A_206] {strides = array<i32>} : memref<64x1024xf32, #tpu.memory_space<vmem>>, vector<1x16xf32>,
      %get3A_208 = vector.shape_cast %get3A_207 : vector<1x16xf32> to vector<16xf32>
      %add3A_209 = arith.addf %get3A_203, %get3A_208 : vector<16xf32>
      %get3A_210 = arith.constant 7 : i32
      %get3A_211 = arith.index_cast %get3A_210 : i32 to index
      %get3A_212 = arith.index_cast %mul3A_39 : i32 to index
      %get3A_213 = tpu.vector_load %arg8[%get3A_211, %get3A_212] {strides = array<i32>} : memref<32x1024xf32, #tpu.memory_space<vmem>>, vector<1x16xf32>,
      %get3A_214 = vector.shape_cast %get3A_213 : vector<1x16xf32> to vector<16xf32>
      %add3A_215 = arith.addf %add3A_209, %get3A_214 : vector<16xf32>
      %swap3A_216 = arith.constant 7 : i32
      %swap3A_217 = arith.index_cast %swap3A_216 : i32 to index
      %swap3A_218 = arith.index_cast %mul3A_39 : i32 to index
      %swap3A_219 = tpu.vector_load %arg8[%swap3A_217, %swap3A_218] {strides = array<i32>} : memref<32x1024xf32, #tpu.memory_space<vmem>>, vector<1x16xf32>,
      %swap3A_220 = vector.shape_cast %swap3A_219 : vector<1x16xf32> to vector<16xf32>
      %swap3A_221 = vector.shape_cast %add3A_215 : vector<16xf32> to vector<1x16xf32>
      tpu.vector_store %arg8[%swap3A_217, %swap3A_218], %swap3A_221 {strides = array<i32>} : memref<32x1024xf32, #tpu.memory_space<vmem>>, vector<1x16xf32>,
      %get3A_222 = arith.constant 16 : i32
      %get3A_223 = arith.index_cast %get3A_222 : i32 to index
      %get3A_224 = arith.index_cast %mul3A_39 : i32 to index
      %get3A_225 = tpu.vector_load %arg7[%get3A_223, %get3A_224] {strides = array<i32>} : memref<64x1024xf32, #tpu.memory_space<vmem>>, vector<1x16xf32>,
      %get3A_226 = vector.shape_cast %get3A_225 : vector<1x16xf32> to vector<16xf32>
      %get3A_227 = arith.constant 17 : i32
      %get3A_228 = arith.index_cast %get3A_227 : i32 to index
      %get3A_229 = arith.index_cast %mul3A_39 : i32 to index
      %get3A_230 = tpu.vector_load %arg7[%get3A_228, %get3A_229] {strides = array<i32>} : memref<64x1024xf32, #tpu.memory_space<vmem>>, vector<1x16xf32>,
      %get3A_231 = vector.shape_cast %get3A_230 : vector<1x16xf32> to vector<16xf32>
      %add3A_232 = arith.addf %get3A_226, %get3A_231 : vector<16xf32>
      %get3A_233 = arith.constant 8 : i32
      %get3A_234 = arith.index_cast %get3A_233 : i32 to index
      %get3A_235 = arith.index_cast %mul3A_39 : i32 to index
      %get3A_236 = tpu.vector_load %arg8[%get3A_234, %get3A_235] {strides = array<i32>} : memref<32x1024xf32, #tpu.memory_space<vmem>>, vector<1x16xf32>,
      %get3A_237 = vector.shape_cast %get3A_236 : vector<1x16xf32> to vector<16xf32>
      %add3A_238 = arith.addf %add3A_232, %get3A_237 : vector<16xf32>
      %swap3A_239 = arith.constant 8 : i32
      %swap3A_240 = arith.index_cast %swap3A_239 : i32 to index
      %swap3A_241 = arith.index_cast %mul3A_39 : i32 to index
      %swap3A_242 = tpu.vector_load %arg8[%swap3A_240, %swap3A_241] {strides = array<i32>} : memref<32x1024xf32, #tpu.memory_space<vmem>>, vector<1x16xf32>,
      %swap3A_243 = vector.shape_cast %swap3A_242 : vector<1x16xf32> to vector<16xf32>
      %swap3A_244 = vector.shape_cast %add3A_238 : vector<16xf32> to vector<1x16xf32>
      tpu.vector_store %arg8[%swap3A_240, %swap3A_241], %swap3A_244 {strides = array<i32>} : memref<32x1024xf32, #tpu.memory_space<vmem>>, vector<1x16xf32>,
      %get3A_245 = arith.constant 18 : i32
      %get3A_246 = arith.index_cast %get3A_245 : i32 to index
      %get3A_247 = arith.index_cast %mul3A_39 : i32 to index
      %get3A_248 = tpu.vector_load %arg7[%get3A_246, %get3A_247] {strides = array<i32>} : memref<64x1024xf32, #tpu.memory_space<vmem>>, vector<1x16xf32>,
      %get3A_249 = vector.shape_cast %get3A_248 : vector<1x16xf32> to vector<16xf32>
      %get3A_250 = arith.constant 19 : i32
      %get3A_251 = arith.index_cast %get3A_250 : i32 to index
      %get3A_252 = arith.index_cast %mul3A_39 : i32 to index
      %get3A_253 = tpu.vector_load %arg7[%get3A_251, %get3A_252] {strides = array<i32>} : memref<64x1024xf32, #tpu.memory_space<vmem>>, vector<1x16xf32>,
      %get3A_254 = vector.shape_cast %get3A_253 : vector<1x16xf32> to vector<16xf32>
      %add3A_255 = arith.addf %get3A_249, %get3A_254 : vector<16xf32>
      %get3A_256 = arith.constant 9 : i32
      %get3A_257 = arith.index_cast %get3A_256 : i32 to index
      %get3A_258 = arith.index_cast %mul3A_39 : i32 to index
      %get3A_259 = tpu.vector_load %arg8[%get3A_257, %get3A_258] {strides = array<i32>} : memref<32x1024xf32, #tpu.memory_space<vmem>>, vector<1x16xf32>,
      %get3A_260 = vector.shape_cast %get3A_259 : vector<1x16xf32> to vector<16xf32>
      %add3A_261 = arith.addf %add3A_255, %get3A_260 : vector<16xf32>
      %swap3A_262 = arith.constant 9 : i32
      %swap3A_263 = arith.index_cast %swap3A_262 : i32 to index
      %swap3A_264 = arith.index_cast %mul3A_39 : i32 to index
      %swap3A_265 = tpu.vector_load %arg8[%swap3A_263, %swap3A_264] {strides = array<i32>} : memref<32x1024xf32, #tpu.memory_space<vmem>>, vector<1x16xf32>,
      %swap3A_266 = vector.shape_cast %swap3A_265 : vector<1x16xf32> to vector<16xf32>
      %swap3A_267 = vector.shape_cast %add3A_261 : vector<16xf32> to vector<1x16xf32>
      tpu.vector_store %arg8[%swap3A_263, %swap3A_264], %swap3A_267 {strides = array<i32>} : memref<32x1024xf32, #tpu.memory_space<vmem>>, vector<1x16xf32>,
      %get3A_268 = arith.constant 20 : i32
      %get3A_269 = arith.index_cast %get3A_268 : i32 to index
      %get3A_270 = arith.index_cast %mul3A_39 : i32 to index
      %get3A_271 = tpu.vector_load %arg7[%get3A_269, %get3A_270] {strides = array<i32>} : memref<64x1024xf32, #tpu.memory_space<vmem>>, vector<1x16xf32>,
      %get3A_272 = vector.shape_cast %get3A_271 : vector<1x16xf32> to vector<16xf32>
      %get3A_273 = arith.constant 21 : i32
      %get3A_274 = arith.index_cast %get3A_273 : i32 to index
      %get3A_275 = arith.index_cast %mul3A_39 : i32 to index
      %get3A_276 = tpu.vector_load %arg7[%get3A_274, %get3A_275] {strides = array<i32>} : memref<64x1024xf32, #tpu.memory_space<vmem>>, vector<1x16xf32>,
      %get3A_277 = vector.shape_cast %get3A_276 : vector<1x16xf32> to vector<16xf32>
      %add3A_278 = arith.addf %get3A_272, %get3A_277 : vector<16xf32>
      %get3A_279 = arith.constant 10 : i32
      %get3A_280 = arith.index_cast %get3A_279 : i32 to index
      %get3A_281 = arith.index_cast %mul3A_39 : i32 to index
      %get3A_282 = tpu.vector_load %arg8[%get3A_280, %get3A_281] {strides = array<i32>} : memref<32x1024xf32, #tpu.memory_space<vmem>>, vector<1x16xf32>,
      %get3A_283 = vector.shape_cast %get3A_282 : vector<1x16xf32> to vector<16xf32>
      %add3A_284 = arith.addf %add3A_278, %get3A_283 : vector<16xf32>
      %swap3A_285 = arith.constant 10 : i32
      %swap3A_286 = arith.index_cast %swap3A_285 : i32 to index
      %swap3A_287 = arith.index_cast %mul3A_39 : i32 to index
      %swap3A_288 = tpu.vector_load %arg8[%swap3A_286, %swap3A_287] {strides = array<i32>} : memref<32x1024xf32, #tpu.memory_space<vmem>>, vector<1x16xf32>,
      %swap3A_289 = vector.shape_cast %swap3A_288 : vector<1x16xf32> to vector<16xf32>
      %swap3A_290 = vector.shape_cast %add3A_284 : vector<16xf32> to vector<1x16xf32>
      tpu.vector_store %arg8[%swap3A_286, %swap3A_287], %swap3A_290 {strides = array<i32>} : memref<32x1024xf32, #tpu.memory_space<vmem>>, vector<1x16xf32>,
      %get3A_291 = arith.constant 22 : i32
      %get3A_292 = arith.index_cast %get3A_291 : i32 to index
      %get3A_293 = arith.index_cast %mul3A_39 : i32 to index
      %get3A_294 = tpu.vector_load %arg7[%get3A_292, %get3A_293] {strides = array<i32>} : memref<64x1024xf32, #tpu.memory_space<vmem>>, vector<1x16xf32>,
      %get3A_295 = vector.shape_cast %get3A_294 : vector<1x16xf32> to vector<16xf32>
      %get3A_296 = arith.constant 23 : i32
      %get3A_297 = arith.index_cast %get3A_296 : i32 to index
      %get3A_298 = arith.index_cast %mul3A_39 : i32 to index
      %get3A_299 = tpu.vector_load %arg7[%get3A_297, %get3A_298] {strides = array<i32>} : memref<64x1024xf32, #tpu.memory_space<vmem>>, vector<1x16xf32>,
      %get3A_300 = vector.shape_cast %get3A_299 : vector<1x16xf32> to vector<16xf32>
      %add3A_301 = arith.addf %get3A_295, %get3A_300 : vector<16xf32>
      %get3A_302 = arith.constant 11 : i32
      %get3A_303 = arith.index_cast %get3A_302 : i32 to index
      %get3A_304 = arith.index_cast %mul3A_39 : i32 to index
      %get3A_305 = tpu.vector_load %arg8[%get3A_303, %get3A_304] {strides = array<i32>} : memref<32x1024xf32, #tpu.memory_space<vmem>>, vector<1x16xf32>,
      %get3A_306 = vector.shape_cast %get3A_305 : vector<1x16xf32> to vector<16xf32>
      %add3A_307 = arith.addf %add3A_301, %get3A_306 : vector<16xf32>
      %swap3A_308 = arith.constant 11 : i32
      %swap3A_309 = arith.index_cast %swap3A_308 : i32 to index
      %swap3A_310 = arith.index_cast %mul3A_39 : i32 to index
      %swap3A_311 = tpu.vector_load %arg8[%swap3A_309, %swap3A_310] {strides = array<i32>} : memref<32x1024xf32, #tpu.memory_space<vmem>>, vector<1x16xf32>,
      %swap3A_312 = vector.shape_cast %swap3A_311 : vector<1x16xf32> to vector<16xf32>
      %swap3A_313 = vector.shape_cast %add3A_307 : vector<16xf32> to vector<1x16xf32>
      tpu.vector_store %arg8[%swap3A_309, %swap3A_310], %swap3A_313 {strides = array<i32>} : memref<32x1024xf32, #tpu.memory_space<vmem>>, vector<1x16xf32>,
      %get3A_314 = arith.constant 24 : i32
      %get3A_315 = arith.index_cast %get3A_314 : i32 to index
      %get3A_316 = arith.index_cast %mul3A_39 : i32 to index
      %get3A_317 = tpu.vector_load %arg7[%get3A_315, %get3A_316] {strides = array<i32>} : memref<64x1024xf32, #tpu.memory_space<vmem>>, vector<1x16xf32>,
      %get3A_318 = vector.shape_cast %get3A_317 : vector<1x16xf32> to vector<16xf32>
      %get3A_319 = arith.constant 25 : i32
      %get3A_320 = arith.index_cast %get3A_319 : i32 to index
      %get3A_321 = arith.index_cast %mul3A_39 : i32 to index
      %get3A_322 = tpu.vector_load %arg7[%get3A_320, %get3A_321] {strides = array<i32>} : memref<64x1024xf32, #tpu.memory_space<vmem>>, vector<1x16xf32>,
      %get3A_323 = vector.shape_cast %get3A_322 : vector<1x16xf32> to vector<16xf32>
      %add3A_324 = arith.addf %get3A_318, %get3A_323 : vector<16xf32>
      %get3A_325 = arith.constant 12 : i32
      %get3A_326 = arith.index_cast %get3A_325 : i32 to index
      %get3A_327 = arith.index_cast %mul3A_39 : i32 to index
      %get3A_328 = tpu.vector_load %arg8[%get3A_326, %get3A_327] {strides = array<i32>} : memref<32x1024xf32, #tpu.memory_space<vmem>>, vector<1x16xf32>,
      %get3A_329 = vector.shape_cast %get3A_328 : vector<1x16xf32> to vector<16xf32>
      %add3A_330 = arith.addf %add3A_324, %get3A_329 : vector<16xf32>
      %swap3A_331 = arith.constant 12 : i32
      %swap3A_332 = arith.index_cast %swap3A_331 : i32 to index
      %swap3A_333 = arith.index_cast %mul3A_39 : i32 to index
      %swap3A_334 = tpu.vector_load %arg8[%swap3A_332, %swap3A_333] {strides = array<i32>} : memref<32x1024xf32, #tpu.memory_space<vmem>>, vector<1x16xf32>,
      %swap3A_335 = vector.shape_cast %swap3A_334 : vector<1x16xf32> to vector<16xf32>
      %swap3A_336 = vector.shape_cast %add3A_330 : vector<16xf32> to vector<1x16xf32>
      tpu.vector_store %arg8[%swap3A_332, %swap3A_333], %swap3A_336 {strides = array<i32>} : memref<32x1024xf32, #tpu.memory_space<vmem>>, vector<1x16xf32>,
      %get3A_337 = arith.constant 26 : i32
      %get3A_338 = arith.index_cast %get3A_337 : i32 to index
      %get3A_339 = arith.index_cast %mul3A_39 : i32 to index
      %get3A_340 = tpu.vector_load %arg7[%get3A_338, %get3A_339] {strides = array<i32>} : memref<64x1024xf32, #tpu.memory_space<vmem>>, vector<1x16xf32>,
      %get3A_341 = vector.shape_cast %get3A_340 : vector<1x16xf32> to vector<16xf32>
      %get3A_342 = arith.constant 27 : i32
      %get3A_343 = arith.index_cast %get3A_342 : i32 to index
      %get3A_344 = arith.index_cast %mul3A_39 : i32 to index
      %get3A_345 = tpu.vector_load %arg7[%get3A_343, %get3A_344] {strides = array<i32>} : memref<64x1024xf32, #tpu.memory_space<vmem>>, vector<1x16xf32>,
      %get3A_346 = vector.shape_cast %get3A_345 : vector<1x16xf32> to vector<16xf32>
      %add3A_347 = arith.addf %get3A_341, %get3A_346 : vector<16xf32>
      %get3A_348 = arith.constant 13 : i32
      %get3A_349 = arith.index_cast %get3A_348 : i32 to index
      %get3A_350 = arith.index_cast %mul3A_39 : i32 to index
      %get3A_351 = tpu.vector_load %arg8[%get3A_349, %get3A_350] {strides = array<i32>} : memref<32x1024xf32, #tpu.memory_space<vmem>>, vector<1x16xf32>,
      %get3A_352 = vector.shape_cast %get3A_351 : vector<1x16xf32> to vector<16xf32>
      %add3A_353 = arith.addf %add3A_347, %get3A_352 : vector<16xf32>
      %swap3A_354 = arith.constant 13 : i32
      %swap3A_355 = arith.index_cast %swap3A_354 : i32 to index
      %swap3A_356 = arith.index_cast %mul3A_39 : i32 to index
      %swap3A_357 = tpu.vector_load %arg8[%swap3A_355, %swap3A_356] {strides = array<i32>} : memref<32x1024xf32, #tpu.memory_space<vmem>>, vector<1x16xf32>,
      %swap3A_358 = vector.shape_cast %swap3A_357 : vector<1x16xf32> to vector<16xf32>
      %swap3A_359 = vector.shape_cast %add3A_353 : vector<16xf32> to vector<1x16xf32>
      tpu.vector_store %arg8[%swap3A_355, %swap3A_356], %swap3A_359 {strides = array<i32>} : memref<32x1024xf32, #tpu.memory_space<vmem>>, vector<1x16xf32>,
      %get3A_360 = arith.constant 28 : i32
      %get3A_361 = arith.index_cast %get3A_360 : i32 to index
      %get3A_362 = arith.index_cast %mul3A_39 : i32 to index
      %get3A_363 = tpu.vector_load %arg7[%get3A_361, %get3A_362] {strides = array<i32>} : memref<64x1024xf32, #tpu.memory_space<vmem>>, vector<1x16xf32>,
      %get3A_364 = vector.shape_cast %get3A_363 : vector<1x16xf32> to vector<16xf32>
      %get3A_365 = arith.constant 29 : i32
      %get3A_366 = arith.index_cast %get3A_365 : i32 to index
      %get3A_367 = arith.index_cast %mul3A_39 : i32 to index
      %get3A_368 = tpu.vector_load %arg7[%get3A_366, %get3A_367] {strides = array<i32>} : memref<64x1024xf32, #tpu.memory_space<vmem>>, vector<1x16xf32>,
      %get3A_369 = vector.shape_cast %get3A_368 : vector<1x16xf32> to vector<16xf32>
      %add3A_370 = arith.addf %get3A_364, %get3A_369 : vector<16xf32>
      %get3A_371 = arith.constant 14 : i32
      %get3A_372 = arith.index_cast %get3A_371 : i32 to index
      %get3A_373 = arith.index_cast %mul3A_39 : i32 to index
      %get3A_374 = tpu.vector_load %arg8[%get3A_372, %get3A_373] {strides = array<i32>} : memref<32x1024xf32, #tpu.memory_space<vmem>>, vector<1x16xf32>,
      %get3A_375 = vector.shape_cast %get3A_374 : vector<1x16xf32> to vector<16xf32>
      %add3A_376 = arith.addf %add3A_370, %get3A_375 : vector<16xf32>
      %swap3A_377 = arith.constant 14 : i32
      %swap3A_378 = arith.index_cast %swap3A_377 : i32 to index
      %swap3A_379 = arith.index_cast %mul3A_39 : i32 to index
      %swap3A_380 = tpu.vector_load %arg8[%swap3A_378, %swap3A_379] {strides = array<i32>} : memref<32x1024xf32, #tpu.memory_space<vmem>>, vector<1x16xf32>,
      %swap3A_381 = vector.shape_cast %swap3A_380 : vector<1x16xf32> to vector<16xf32>
      %swap3A_382 = vector.shape_cast %add3A_376 : vector<16xf32> to vector<1x16xf32>
      tpu.vector_store %arg8[%swap3A_378, %swap3A_379], %swap3A_382 {strides = array<i32>} : memref<32x1024xf32, #tpu.memory_space<vmem>>, vector<1x16xf32>,
      %get3A_383 = arith.constant 30 : i32
      %get3A_384 = arith.index_cast %get3A_383 : i32 to index
      %get3A_385 = arith.index_cast %mul3A_39 : i32 to index
      %get3A_386 = tpu.vector_load %arg7[%get3A_384, %get3A_385] {strides = array<i32>} : memref<64x1024xf32, #tpu.memory_space<vmem>>, vector<1x16xf32>,
      %get3A_387 = vector.shape_cast %get3A_386 : vector<1x16xf32> to vector<16xf32>
      %get3A_388 = arith.constant 31 : i32
      %get3A_389 = arith.index_cast %get3A_388 : i32 to index
      %get3A_390 = arith.index_cast %mul3A_39 : i32 to index
      %get3A_391 = tpu.vector_load %arg7[%get3A_389, %get3A_390] {strides = array<i32>} : memref<64x1024xf32, #tpu.memory_space<vmem>>, vector<1x16xf32>,
      %get3A_392 = vector.shape_cast %get3A_391 : vector<1x16xf32> to vector<16xf32>
      %add3A_393 = arith.addf %get3A_387, %get3A_392 : vector<16xf32>
      %get3A_394 = arith.constant 15 : i32
      %get3A_395 = arith.index_cast %get3A_394 : i32 to index
      %get3A_396 = arith.index_cast %mul3A_39 : i32 to index
      %get3A_397 = tpu.vector_load %arg8[%get3A_395, %get3A_396] {strides = array<i32>} : memref<32x1024xf32, #tpu.memory_space<vmem>>, vector<1x16xf32>,
      %get3A_398 = vector.shape_cast %get3A_397 : vector<1x16xf32> to vector<16xf32>
      %add3A_399 = arith.addf %add3A_393, %get3A_398 : vector<16xf32>
      %swap3A_400 = arith.constant 15 : i32
      %swap3A_401 = arith.index_cast %swap3A_400 : i32 to index
      %swap3A_402 = arith.index_cast %mul3A_39 : i32 to index
      %swap3A_403 = tpu.vector_load %arg8[%swap3A_401, %swap3A_402] {strides = array<i32>} : memref<32x1024xf32, #tpu.memory_space<vmem>>, vector<1x16xf32>,
      %swap3A_404 = vector.shape_cast %swap3A_403 : vector<1x16xf32> to vector<16xf32>
      %swap3A_405 = vector.shape_cast %add3A_399 : vector<16xf32> to vector<1x16xf32>
      tpu.vector_store %arg8[%swap3A_401, %swap3A_402], %swap3A_405 {strides = array<i32>} : memref<32x1024xf32, #tpu.memory_space<vmem>>, vector<1x16xf32>,
      %get3A_406 = arith.constant 32 : i32
      %get3A_407 = arith.index_cast %get3A_406 : i32 to index
      %get3A_408 = arith.index_cast %mul3A_39 : i32 to index
      %get3A_409 = tpu.vector_load %arg7[%get3A_407, %get3A_408] {strides = array<i32>} : memref<64x1024xf32, #tpu.memory_space<vmem>>, vector<1x16xf32>,
      %get3A_410 = vector.shape_cast %get3A_409 : vector<1x16xf32> to vector<16xf32>
      %get3A_411 = arith.constant 33 : i32
      %get3A_412 = arith.index_cast %get3A_411 : i32 to index
      %get3A_413 = arith.index_cast %mul3A_39 : i32 to index
      %get3A_414 = tpu.vector_load %arg7[%get3A_412, %get3A_413] {strides = array<i32>} : memref<64x1024xf32, #tpu.memory_space<vmem>>, vector<1x16xf32>,
      %get3A_415 = vector.shape_cast %get3A_414 : vector<1x16xf32> to vector<16xf32>
      %add3A_416 = arith.addf %get3A_410, %get3A_415 : vector<16xf32>
      %get3A_417 = arith.constant 16 : i32
      %get3A_418 = arith.index_cast %get3A_417 : i32 to index
      %get3A_419 = arith.index_cast %mul3A_39 : i32 to index
      %get3A_420 = tpu.vector_load %arg8[%get3A_418, %get3A_419] {strides = array<i32>} : memref<32x1024xf32, #tpu.memory_space<vmem>>, vector<1x16xf32>,
      %get3A_421 = vector.shape_cast %get3A_420 : vector<1x16xf32> to vector<16xf32>
      %add3A_422 = arith.addf %add3A_416, %get3A_421 : vector<16xf32>
      %swap3A_423 = arith.constant 16 : i32
      %swap3A_424 = arith.index_cast %swap3A_423 : i32 to index
      %swap3A_425 = arith.index_cast %mul3A_39 : i32 to index
      %swap3A_426 = tpu.vector_load %arg8[%swap3A_424, %swap3A_425] {strides = array<i32>} : memref<32x1024xf32, #tpu.memory_space<vmem>>, vector<1x16xf32>,
      %swap3A_427 = vector.shape_cast %swap3A_426 : vector<1x16xf32> to vector<16xf32>
      %swap3A_428 = vector.shape_cast %add3A_422 : vector<16xf32> to vector<1x16xf32>
      tpu.vector_store %arg8[%swap3A_424, %swap3A_425], %swap3A_428 {strides = array<i32>} : memref<32x1024xf32, #tpu.memory_space<vmem>>, vector<1x16xf32>,
      %get3A_429 = arith.constant 34 : i32
      %get3A_430 = arith.index_cast %get3A_429 : i32 to index
      %get3A_431 = arith.index_cast %mul3A_39 : i32 to index
      %get3A_432 = tpu.vector_load %arg7[%get3A_430, %get3A_431] {strides = array<i32>} : memref<64x1024xf32, #tpu.memory_space<vmem>>, vector<1x16xf32>,
      %get3A_433 = vector.shape_cast %get3A_432 : vector<1x16xf32> to vector<16xf32>
      %get3A_434 = arith.constant 35 : i32
      %get3A_435 = arith.index_cast %get3A_434 : i32 to index
      %get3A_436 = arith.index_cast %mul3A_39 : i32 to index
      %get3A_437 = tpu.vector_load %arg7[%get3A_435, %get3A_436] {strides = array<i32>} : memref<64x1024xf32, #tpu.memory_space<vmem>>, vector<1x16xf32>,
      %get3A_438 = vector.shape_cast %get3A_437 : vector<1x16xf32> to vector<16xf32>
      %add3A_439 = arith.addf %get3A_433, %get3A_438 : vector<16xf32>
      %get3A_440 = arith.constant 17 : i32
      %get3A_441 = arith.index_cast %get3A_440 : i32 to index
      %get3A_442 = arith.index_cast %mul3A_39 : i32 to index
      %get3A_443 = tpu.vector_load %arg8[%get3A_441, %get3A_442] {strides = array<i32>} : memref<32x1024xf32, #tpu.memory_space<vmem>>, vector<1x16xf32>,
      %get3A_444 = vector.shape_cast %get3A_443 : vector<1x16xf32> to vector<16xf32>
      %add3A_445 = arith.addf %add3A_439, %get3A_444 : vector<16xf32>
      %swap3A_446 = arith.constant 17 : i32
      %swap3A_447 = arith.index_cast %swap3A_446 : i32 to index
      %swap3A_448 = arith.index_cast %mul3A_39 : i32 to index
      %swap3A_449 = tpu.vector_load %arg8[%swap3A_447, %swap3A_448] {strides = array<i32>} : memref<32x1024xf32, #tpu.memory_space<vmem>>, vector<1x16xf32>,
      %swap3A_450 = vector.shape_cast %swap3A_449 : vector<1x16xf32> to vector<16xf32>
      %swap3A_451 = vector.shape_cast %add3A_445 : vector<16xf32> to vector<1x16xf32>
      tpu.vector_store %arg8[%swap3A_447, %swap3A_448], %swap3A_451 {strides = array<i32>} : memref<32x1024xf32, #tpu.memory_space<vmem>>, vector<1x16xf32>,
      %get3A_452 = arith.constant 36 : i32
      %get3A_453 = arith.index_cast %get3A_452 : i32 to index
      %get3A_454 = arith.index_cast %mul3A_39 : i32 to index
      %get3A_455 = tpu.vector_load %arg7[%get3A_453, %get3A_454] {strides = array<i32>} : memref<64x1024xf32, #tpu.memory_space<vmem>>, vector<1x16xf32>,
      %get3A_456 = vector.shape_cast %get3A_455 : vector<1x16xf32> to vector<16xf32>
      %get3A_457 = arith.constant 37 : i32
      %get3A_458 = arith.index_cast %get3A_457 : i32 to index
      %get3A_459 = arith.index_cast %mul3A_39 : i32 to index
      %get3A_460 = tpu.vector_load %arg7[%get3A_458, %get3A_459] {strides = array<i32>} : memref<64x1024xf32, #tpu.memory_space<vmem>>, vector<1x16xf32>,
      %get3A_461 = vector.shape_cast %get3A_460 : vector<1x16xf32> to vector<16xf32>
      %add3A_462 = arith.addf %get3A_456, %get3A_461 : vector<16xf32>
      %get3A_463 = arith.constant 18 : i32
      %get3A_464 = arith.index_cast %get3A_463 : i32 to index
      %get3A_465 = arith.index_cast %mul3A_39 : i32 to index
      %get3A_466 = tpu.vector_load %arg8[%get3A_464, %get3A_465] {strides = array<i32>} : memref<32x1024xf32, #tpu.memory_space<vmem>>, vector<1x16xf32>,
      %get3A_467 = vector.shape_cast %get3A_466 : vector<1x16xf32> to vector<16xf32>
      %add3A_468 = arith.addf %add3A_462, %get3A_467 : vector<16xf32>
      %swap3A_469 = arith.constant 18 : i32
      %swap3A_470 = arith.index_cast %swap3A_469 : i32 to index
      %swap3A_471 = arith.index_cast %mul3A_39 : i32 to index
      %swap3A_472 = tpu.vector_load %arg8[%swap3A_470, %swap3A_471] {strides = array<i32>} : memref<32x1024xf32, #tpu.memory_space<vmem>>, vector<1x16xf32>,
      %swap3A_473 = vector.shape_cast %swap3A_472 : vector<1x16xf32> to vector<16xf32>
      %swap3A_474 = vector.shape_cast %add3A_468 : vector<16xf32> to vector<1x16xf32>
      tpu.vector_store %arg8[%swap3A_470, %swap3A_471], %swap3A_474 {strides = array<i32>} : memref<32x1024xf32, #tpu.memory_space<vmem>>, vector<1x16xf32>,
      %get3A_475 = arith.constant 38 : i32
      %get3A_476 = arith.index_cast %get3A_475 : i32 to index
      %get3A_477 = arith.index_cast %mul3A_39 : i32 to index
      %get3A_478 = tpu.vector_load %arg7[%get3A_476, %get3A_477] {strides = array<i32>} : memref<64x1024xf32, #tpu.memory_space<vmem>>, vector<1x16xf32>,
      %get3A_479 = vector.shape_cast %get3A_478 : vector<1x16xf32> to vector<16xf32>
      %get3A_480 = arith.constant 39 : i32
      %get3A_481 = arith.index_cast %get3A_480 : i32 to index
      %get3A_482 = arith.index_cast %mul3A_39 : i32 to index
      %get3A_483 = tpu.vector_load %arg7[%get3A_481, %get3A_482] {strides = array<i32>} : memref<64x1024xf32, #tpu.memory_space<vmem>>, vector<1x16xf32>,
      %get3A_484 = vector.shape_cast %get3A_483 : vector<1x16xf32> to vector<16xf32>
      %add3A_485 = arith.addf %get3A_479, %get3A_484 : vector<16xf32>
      %get3A_486 = arith.constant 19 : i32
      %get3A_487 = arith.index_cast %get3A_486 : i32 to index
      %get3A_488 = arith.index_cast %mul3A_39 : i32 to index
      %get3A_489 = tpu.vector_load %arg8[%get3A_487, %get3A_488] {strides = array<i32>} : memref<32x1024xf32, #tpu.memory_space<vmem>>, vector<1x16xf32>,
      %get3A_490 = vector.shape_cast %get3A_489 : vector<1x16xf32> to vector<16xf32>
      %add3A_491 = arith.addf %add3A_485, %get3A_490 : vector<16xf32>
      %swap3A_492 = arith.constant 19 : i32
      %swap3A_493 = arith.index_cast %swap3A_492 : i32 to index
      %swap3A_494 = arith.index_cast %mul3A_39 : i32 to index
      %swap3A_495 = tpu.vector_load %arg8[%swap3A_493, %swap3A_494] {strides = array<i32>} : memref<32x1024xf32, #tpu.memory_space<vmem>>, vector<1x16xf32>,
      %swap3A_496 = vector.shape_cast %swap3A_495 : vector<1x16xf32> to vector<16xf32>
      %swap3A_497 = vector.shape_cast %add3A_491 : vector<16xf32> to vector<1x16xf32>
      tpu.vector_store %arg8[%swap3A_493, %swap3A_494], %swap3A_497 {strides = array<i32>} : memref<32x1024xf32, #tpu.memory_space<vmem>>, vector<1x16xf32>,
      %get3A_498 = arith.constant 40 : i32
      %get3A_499 = arith.index_cast %get3A_498 : i32 to index
      %get3A_500 = arith.index_cast %mul3A_39 : i32 to index
      %get3A_501 = tpu.vector_load %arg7[%get3A_499, %get3A_500] {strides = array<i32>} : memref<64x1024xf32, #tpu.memory_space<vmem>>, vector<1x16xf32>,
      %get3A_502 = vector.shape_cast %get3A_501 : vector<1x16xf32> to vector<16xf32>
      %get3A_503 = arith.constant 41 : i32
      %get3A_504 = arith.index_cast %get3A_503 : i32 to index
      %get3A_505 = arith.index_cast %mul3A_39 : i32 to index
      %get3A_506 = tpu.vector_load %arg7[%get3A_504, %get3A_505] {strides = array<i32>} : memref<64x1024xf32, #tpu.memory_space<vmem>>, vector<1x16xf32>,
      %get3A_507 = vector.shape_cast %get3A_506 : vector<1x16xf32> to vector<16xf32>
      %add3A_508 = arith.addf %get3A_502, %get3A_507 : vector<16xf32>
      %get3A_509 = arith.constant 20 : i32
      %get3A_510 = arith.index_cast %get3A_509 : i32 to index
      %get3A_511 = arith.index_cast %mul3A_39 : i32 to index
      %get3A_512 = tpu.vector_load %arg8[%get3A_510, %get3A_511] {strides = array<i32>} : memref<32x1024xf32, #tpu.memory_space<vmem>>, vector<1x16xf32>,
      %get3A_513 = vector.shape_cast %get3A_512 : vector<1x16xf32> to vector<16xf32>
      %add3A_514 = arith.addf %add3A_508, %get3A_513 : vector<16xf32>
      %swap3A_515 = arith.constant 20 : i32
      %swap3A_516 = arith.index_cast %swap3A_515 : i32 to index
      %swap3A_517 = arith.index_cast %mul3A_39 : i32 to index
      %swap3A_518 = tpu.vector_load %arg8[%swap3A_516, %swap3A_517] {strides = array<i32>} : memref<32x1024xf32, #tpu.memory_space<vmem>>, vector<1x16xf32>,
      %swap3A_519 = vector.shape_cast %swap3A_518 : vector<1x16xf32> to vector<16xf32>
      %swap3A_520 = vector.shape_cast %add3A_514 : vector<16xf32> to vector<1x16xf32>
      tpu.vector_store %arg8[%swap3A_516, %swap3A_517], %swap3A_520 {strides = array<i32>} : memref<32x1024xf32, #tpu.memory_space<vmem>>, vector<1x16xf32>,
      %get3A_521 = arith.constant 42 : i32
      %get3A_522 = arith.index_cast %get3A_521 : i32 to index
      %get3A_523 = arith.index_cast %mul3A_39 : i32 to index
      %get3A_524 = tpu.vector_load %arg7[%get3A_522, %get3A_523] {strides = array<i32>} : memref<64x1024xf32, #tpu.memory_space<vmem>>, vector<1x16xf32>,
      %get3A_525 = vector.shape_cast %get3A_524 : vector<1x16xf32> to vector<16xf32>
      %get3A_526 = arith.constant 43 : i32
      %get3A_527 = arith.index_cast %get3A_526 : i32 to index
      %get3A_528 = arith.index_cast %mul3A_39 : i32 to index
      %get3A_529 = tpu.vector_load %arg7[%get3A_527, %get3A_528] {strides = array<i32>} : memref<64x1024xf32, #tpu.memory_space<vmem>>, vector<1x16xf32>,
      %get3A_530 = vector.shape_cast %get3A_529 : vector<1x16xf32> to vector<16xf32>
      %add3A_531 = arith.addf %get3A_525, %get3A_530 : vector<16xf32>
      %get3A_532 = arith.constant 21 : i32
      %get3A_533 = arith.index_cast %get3A_532 : i32 to index
      %get3A_534 = arith.index_cast %mul3A_39 : i32 to index
      %get3A_535 = tpu.vector_load %arg8[%get3A_533, %get3A_534] {strides = array<i32>} : memref<32x1024xf32, #tpu.memory_space<vmem>>, vector<1x16xf32>,
      %get3A_536 = vector.shape_cast %get3A_535 : vector<1x16xf32> to vector<16xf32>
      %add3A_537 = arith.addf %add3A_531, %get3A_536 : vector<16xf32>
      %swap3A_538 = arith.constant 21 : i32
      %swap3A_539 = arith.index_cast %swap3A_538 : i32 to index
      %swap3A_540 = arith.index_cast %mul3A_39 : i32 to index
      %swap3A_541 = tpu.vector_load %arg8[%swap3A_539, %swap3A_540] {strides = array<i32>} : memref<32x1024xf32, #tpu.memory_space<vmem>>, vector<1x16xf32>,
      %swap3A_542 = vector.shape_cast %swap3A_541 : vector<1x16xf32> to vector<16xf32>
      %swap3A_543 = vector.shape_cast %add3A_537 : vector<16xf32> to vector<1x16xf32>
      tpu.vector_store %arg8[%swap3A_539, %swap3A_540], %swap3A_543 {strides = array<i32>} : memref<32x1024xf32, #tpu.memory_space<vmem>>, vector<1x16xf32>,
      %get3A_544 = arith.constant 44 : i32
      %get3A_545 = arith.index_cast %get3A_544 : i32 to index
      %get3A_546 = arith.index_cast %mul3A_39 : i32 to index
      %get3A_547 = tpu.vector_load %arg7[%get3A_545, %get3A_546] {strides = array<i32>} : memref<64x1024xf32, #tpu.memory_space<vmem>>, vector<1x16xf32>,
      %get3A_548 = vector.shape_cast %get3A_547 : vector<1x16xf32> to vector<16xf32>
      %get3A_549 = arith.constant 45 : i32
      %get3A_550 = arith.index_cast %get3A_549 : i32 to index
      %get3A_551 = arith.index_cast %mul3A_39 : i32 to index
      %get3A_552 = tpu.vector_load %arg7[%get3A_550, %get3A_551] {strides = array<i32>} : memref<64x1024xf32, #tpu.memory_space<vmem>>, vector<1x16xf32>,
      %get3A_553 = vector.shape_cast %get3A_552 : vector<1x16xf32> to vector<16xf32>
      %add3A_554 = arith.addf %get3A_548, %get3A_553 : vector<16xf32>
      %get3A_555 = arith.constant 22 : i32
      %get3A_556 = arith.index_cast %get3A_555 : i32 to index
      %get3A_557 = arith.index_cast %mul3A_39 : i32 to index
      %get3A_558 = tpu.vector_load %arg8[%get3A_556, %get3A_557] {strides = array<i32>} : memref<32x1024xf32, #tpu.memory_space<vmem>>, vector<1x16xf32>,
      %get3A_559 = vector.shape_cast %get3A_558 : vector<1x16xf32> to vector<16xf32>
      %add3A_560 = arith.addf %add3A_554, %get3A_559 : vector<16xf32>
      %swap3A_561 = arith.constant 22 : i32
      %swap3A_562 = arith.index_cast %swap3A_561 : i32 to index
      %swap3A_563 = arith.index_cast %mul3A_39 : i32 to index
      %swap3A_564 = tpu.vector_load %arg8[%swap3A_562, %swap3A_563] {strides = array<i32>} : memref<32x1024xf32, #tpu.memory_space<vmem>>, vector<1x16xf32>,
      %swap3A_565 = vector.shape_cast %swap3A_564 : vector<1x16xf32> to vector<16xf32>
      %swap3A_566 = vector.shape_cast %add3A_560 : vector<16xf32> to vector<1x16xf32>
      tpu.vector_store %arg8[%swap3A_562, %swap3A_563], %swap3A_566 {strides = array<i32>} : memref<32x1024xf32, #tpu.memory_space<vmem>>, vector<1x16xf32>,
      %get3A_567 = arith.constant 46 : i32
      %get3A_568 = arith.index_cast %get3A_567 : i32 to index
      %get3A_569 = arith.index_cast %mul3A_39 : i32 to index
      %get3A_570 = tpu.vector_load %arg7[%get3A_568, %get3A_569] {strides = array<i32>} : memref<64x1024xf32, #tpu.memory_space<vmem>>, vector<1x16xf32>,
      %get3A_571 = vector.shape_cast %get3A_570 : vector<1x16xf32> to vector<16xf32>
      %get3A_572 = arith.constant 47 : i32
      %get3A_573 = arith.index_cast %get3A_572 : i32 to index
      %get3A_574 = arith.index_cast %mul3A_39 : i32 to index
      %get3A_575 = tpu.vector_load %arg7[%get3A_573, %get3A_574] {strides = array<i32>} : memref<64x1024xf32, #tpu.memory_space<vmem>>, vector<1x16xf32>,
      %get3A_576 = vector.shape_cast %get3A_575 : vector<1x16xf32> to vector<16xf32>
      %add3A_577 = arith.addf %get3A_571, %get3A_576 : vector<16xf32>
      %get3A_578 = arith.constant 23 : i32
      %get3A_579 = arith.index_cast %get3A_578 : i32 to index
      %get3A_580 = arith.index_cast %mul3A_39 : i32 to index
      %get3A_581 = tpu.vector_load %arg8[%get3A_579, %get3A_580] {strides = array<i32>} : memref<32x1024xf32, #tpu.memory_space<vmem>>, vector<1x16xf32>,
      %get3A_582 = vector.shape_cast %get3A_581 : vector<1x16xf32> to vector<16xf32>
      %add3A_583 = arith.addf %add3A_577, %get3A_582 : vector<16xf32>
      %swap3A_584 = arith.constant 23 : i32
      %swap3A_585 = arith.index_cast %swap3A_584 : i32 to index
      %swap3A_586 = arith.index_cast %mul3A_39 : i32 to index
      %swap3A_587 = tpu.vector_load %arg8[%swap3A_585, %swap3A_586] {strides = array<i32>} : memref<32x1024xf32, #tpu.memory_space<vmem>>, vector<1x16xf32>,
      %swap3A_588 = vector.shape_cast %swap3A_587 : vector<1x16xf32> to vector<16xf32>
      %swap3A_589 = vector.shape_cast %add3A_583 : vector<16xf32> to vector<1x16xf32>
      tpu.vector_store %arg8[%swap3A_585, %swap3A_586], %swap3A_589 {strides = array<i32>} : memref<32x1024xf32, #tpu.memory_space<vmem>>, vector<1x16xf32>,
      %get3A_590 = arith.constant 48 : i32
      %get3A_591 = arith.index_cast %get3A_590 : i32 to index
      %get3A_592 = arith.index_cast %mul3A_39 : i32 to index
      %get3A_593 = tpu.vector_load %arg7[%get3A_591, %get3A_592] {strides = array<i32>} : memref<64x1024xf32, #tpu.memory_space<vmem>>, vector<1x16xf32>,
      %get3A_594 = vector.shape_cast %get3A_593 : vector<1x16xf32> to vector<16xf32>
      %get3A_595 = arith.constant 49 : i32
      %get3A_596 = arith.index_cast %get3A_595 : i32 to index
      %get3A_597 = arith.index_cast %mul3A_39 : i32 to index
      %get3A_598 = tpu.vector_load %arg7[%get3A_596, %get3A_597] {strides = array<i32>} : memref<64x1024xf32, #tpu.memory_space<vmem>>, vector<1x16xf32>,
      %get3A_599 = vector.shape_cast %get3A_598 : vector<1x16xf32> to vector<16xf32>
      %add3A_600 = arith.addf %get3A_594, %get3A_599 : vector<16xf32>
      %get3A_601 = arith.constant 24 : i32
      %get3A_602 = arith.index_cast %get3A_601 : i32 to index
      %get3A_603 = arith.index_cast %mul3A_39 : i32 to index
      %get3A_604 = tpu.vector_load %arg8[%get3A_602, %get3A_603] {strides = array<i32>} : memref<32x1024xf32, #tpu.memory_space<vmem>>, vector<1x16xf32>,
      %get3A_605 = vector.shape_cast %get3A_604 : vector<1x16xf32> to vector<16xf32>
      %add3A_606 = arith.addf %add3A_600, %get3A_605 : vector<16xf32>
      %swap3A_607 = arith.constant 24 : i32
      %swap3A_608 = arith.index_cast %swap3A_607 : i32 to index
      %swap3A_609 = arith.index_cast %mul3A_39 : i32 to index
      %swap3A_610 = tpu.vector_load %arg8[%swap3A_608, %swap3A_609] {strides = array<i32>} : memref<32x1024xf32, #tpu.memory_space<vmem>>, vector<1x16xf32>,
      %swap3A_611 = vector.shape_cast %swap3A_610 : vector<1x16xf32> to vector<16xf32>
      %swap3A_612 = vector.shape_cast %add3A_606 : vector<16xf32> to vector<1x16xf32>
      tpu.vector_store %arg8[%swap3A_608, %swap3A_609], %swap3A_612 {strides = array<i32>} : memref<32x1024xf32, #tpu.memory_space<vmem>>, vector<1x16xf32>,
      %get3A_613 = arith.constant 50 : i32
      %get3A_614 = arith.index_cast %get3A_613 : i32 to index
      %get3A_615 = arith.index_cast %mul3A_39 : i32 to index
      %get3A_616 = tpu.vector_load %arg7[%get3A_614, %get3A_615] {strides = array<i32>} : memref<64x1024xf32, #tpu.memory_space<vmem>>, vector<1x16xf32>,
      %get3A_617 = vector.shape_cast %get3A_616 : vector<1x16xf32> to vector<16xf32>
      %get3A_618 = arith.constant 51 : i32
      %get3A_619 = arith.index_cast %get3A_618 : i32 to index
      %get3A_620 = arith.index_cast %mul3A_39 : i32 to index
      %get3A_621 = tpu.vector_load %arg7[%get3A_619, %get3A_620] {strides = array<i32>} : memref<64x1024xf32, #tpu.memory_space<vmem>>, vector<1x16xf32>,
      %get3A_622 = vector.shape_cast %get3A_621 : vector<1x16xf32> to vector<16xf32>
      %add3A_623 = arith.addf %get3A_617, %get3A_622 : vector<16xf32>
      %get3A_624 = arith.constant 25 : i32
      %get3A_625 = arith.index_cast %get3A_624 : i32 to index
      %get3A_626 = arith.index_cast %mul3A_39 : i32 to index
      %get3A_627 = tpu.vector_load %arg8[%get3A_625, %get3A_626] {strides = array<i32>} : memref<32x1024xf32, #tpu.memory_space<vmem>>, vector<1x16xf32>,
      %get3A_628 = vector.shape_cast %get3A_627 : vector<1x16xf32> to vector<16xf32>
      %add3A_629 = arith.addf %add3A_623, %get3A_628 : vector<16xf32>
      %swap3A_630 = arith.constant 25 : i32
      %swap3A_631 = arith.index_cast %swap3A_630 : i32 to index
      %swap3A_632 = arith.index_cast %mul3A_39 : i32 to index
      %swap3A_633 = tpu.vector_load %arg8[%swap3A_631, %swap3A_632] {strides = array<i32>} : memref<32x1024xf32, #tpu.memory_space<vmem>>, vector<1x16xf32>,
      %swap3A_634 = vector.shape_cast %swap3A_633 : vector<1x16xf32> to vector<16xf32>
      %swap3A_635 = vector.shape_cast %add3A_629 : vector<16xf32> to vector<1x16xf32>
      tpu.vector_store %arg8[%swap3A_631, %swap3A_632], %swap3A_635 {strides = array<i32>} : memref<32x1024xf32, #tpu.memory_space<vmem>>, vector<1x16xf32>,
      %get3A_636 = arith.constant 52 : i32
      %get3A_637 = arith.index_cast %get3A_636 : i32 to index
      %get3A_638 = arith.index_cast %mul3A_39 : i32 to index
      %get3A_639 = tpu.vector_load %arg7[%get3A_637, %get3A_638] {strides = array<i32>} : memref<64x1024xf32, #tpu.memory_space<vmem>>, vector<1x16xf32>,
      %get3A_640 = vector.shape_cast %get3A_639 : vector<1x16xf32> to vector<16xf32>
      %get3A_641 = arith.constant 53 : i32
      %get3A_642 = arith.index_cast %get3A_641 : i32 to index
      %get3A_643 = arith.index_cast %mul3A_39 : i32 to index
      %get3A_644 = tpu.vector_load %arg7[%get3A_642, %get3A_643] {strides = array<i32>} : memref<64x1024xf32, #tpu.memory_space<vmem>>, vector<1x16xf32>,
      %get3A_645 = vector.shape_cast %get3A_644 : vector<1x16xf32> to vector<16xf32>
      %add3A_646 = arith.addf %get3A_640, %get3A_645 : vector<16xf32>
      %get3A_647 = arith.constant 26 : i32
      %get3A_648 = arith.index_cast %get3A_647 : i32 to index
      %get3A_649 = arith.index_cast %mul3A_39 : i32 to index
      %get3A_650 = tpu.vector_load %arg8[%get3A_648, %get3A_649] {strides = array<i32>} : memref<32x1024xf32, #tpu.memory_space<vmem>>, vector<1x16xf32>,
      %get3A_651 = vector.shape_cast %get3A_650 : vector<1x16xf32> to vector<16xf32>
      %add3A_652 = arith.addf %add3A_646, %get3A_651 : vector<16xf32>
      %swap3A_653 = arith.constant 26 : i32
      %swap3A_654 = arith.index_cast %swap3A_653 : i32 to index
      %swap3A_655 = arith.index_cast %mul3A_39 : i32 to index
      %swap3A_656 = tpu.vector_load %arg8[%swap3A_654, %swap3A_655] {strides = array<i32>} : memref<32x1024xf32, #tpu.memory_space<vmem>>, vector<1x16xf32>,
      %swap3A_657 = vector.shape_cast %swap3A_656 : vector<1x16xf32> to vector<16xf32>
      %swap3A_658 = vector.shape_cast %add3A_652 : vector<16xf32> to vector<1x16xf32>
      tpu.vector_store %arg8[%swap3A_654, %swap3A_655], %swap3A_658 {strides = array<i32>} : memref<32x1024xf32, #tpu.memory_space<vmem>>, vector<1x16xf32>,
      %get3A_659 = arith.constant 54 : i32
      %get3A_660 = arith.index_cast %get3A_659 : i32 to index
      %get3A_661 = arith.index_cast %mul3A_39 : i32 to index
      %get3A_662 = tpu.vector_load %arg7[%get3A_660, %get3A_661] {strides = array<i32>} : memref<64x1024xf32, #tpu.memory_space<vmem>>, vector<1x16xf32>,
      %get3A_663 = vector.shape_cast %get3A_662 : vector<1x16xf32> to vector<16xf32>
      %get3A_664 = arith.constant 55 : i32
      %get3A_665 = arith.index_cast %get3A_664 : i32 to index
      %get3A_666 = arith.index_cast %mul3A_39 : i32 to index
      %get3A_667 = tpu.vector_load %arg7[%get3A_665, %get3A_666] {strides = array<i32>} : memref<64x1024xf32, #tpu.memory_space<vmem>>, vector<1x16xf32>,
      %get3A_668 = vector.shape_cast %get3A_667 : vector<1x16xf32> to vector<16xf32>
      %add3A_669 = arith.addf %get3A_663, %get3A_668 : vector<16xf32>
      %get3A_670 = arith.constant 27 : i32
      %get3A_671 = arith.index_cast %get3A_670 : i32 to index
      %get3A_672 = arith.index_cast %mul3A_39 : i32 to index
      %get3A_673 = tpu.vector_load %arg8[%get3A_671, %get3A_672] {strides = array<i32>} : memref<32x1024xf32, #tpu.memory_space<vmem>>, vector<1x16xf32>,
      %get3A_674 = vector.shape_cast %get3A_673 : vector<1x16xf32> to vector<16xf32>
      %add3A_675 = arith.addf %add3A_669, %get3A_674 : vector<16xf32>
      %swap3A_676 = arith.constant 27 : i32
      %swap3A_677 = arith.index_cast %swap3A_676 : i32 to index
      %swap3A_678 = arith.index_cast %mul3A_39 : i32 to index
      %swap3A_679 = tpu.vector_load %arg8[%swap3A_677, %swap3A_678] {strides = array<i32>} : memref<32x1024xf32, #tpu.memory_space<vmem>>, vector<1x16xf32>,
      %swap3A_680 = vector.shape_cast %swap3A_679 : vector<1x16xf32> to vector<16xf32>
      %swap3A_681 = vector.shape_cast %add3A_675 : vector<16xf32> to vector<1x16xf32>
      tpu.vector_store %arg8[%swap3A_677, %swap3A_678], %swap3A_681 {strides = array<i32>} : memref<32x1024xf32, #tpu.memory_space<vmem>>, vector<1x16xf32>,
      %get3A_682 = arith.constant 56 : i32
      %get3A_683 = arith.index_cast %get3A_682 : i32 to index
      %get3A_684 = arith.index_cast %mul3A_39 : i32 to index
      %get3A_685 = tpu.vector_load %arg7[%get3A_683, %get3A_684] {strides = array<i32>} : memref<64x1024xf32, #tpu.memory_space<vmem>>, vector<1x16xf32>,
      %get3A_686 = vector.shape_cast %get3A_685 : vector<1x16xf32> to vector<16xf32>
      %get3A_687 = arith.constant 57 : i32
      %get3A_688 = arith.index_cast %get3A_687 : i32 to index
      %get3A_689 = arith.index_cast %mul3A_39 : i32 to index
      %get3A_690 = tpu.vector_load %arg7[%get3A_688, %get3A_689] {strides = array<i32>} : memref<64x1024xf32, #tpu.memory_space<vmem>>, vector<1x16xf32>,
      %get3A_691 = vector.shape_cast %get3A_690 : vector<1x16xf32> to vector<16xf32>
      %add3A_692 = arith.addf %get3A_686, %get3A_691 : vector<16xf32>
      %get3A_693 = arith.constant 28 : i32
      %get3A_694 = arith.index_cast %get3A_693 : i32 to index
      %get3A_695 = arith.index_cast %mul3A_39 : i32 to index
      %get3A_696 = tpu.vector_load %arg8[%get3A_694, %get3A_695] {strides = array<i32>} : memref<32x1024xf32, #tpu.memory_space<vmem>>, vector<1x16xf32>,
      %get3A_697 = vector.shape_cast %get3A_696 : vector<1x16xf32> to vector<16xf32>
      %add3A_698 = arith.addf %add3A_692, %get3A_697 : vector<16xf32>
      %swap3A_699 = arith.constant 28 : i32
      %swap3A_700 = arith.index_cast %swap3A_699 : i32 to index
      %swap3A_701 = arith.index_cast %mul3A_39 : i32 to index
      %swap3A_702 = tpu.vector_load %arg8[%swap3A_700, %swap3A_701] {strides = array<i32>} : memref<32x1024xf32, #tpu.memory_space<vmem>>, vector<1x16xf32>,
      %swap3A_703 = vector.shape_cast %swap3A_702 : vector<1x16xf32> to vector<16xf32>
      %swap3A_704 = vector.shape_cast %add3A_698 : vector<16xf32> to vector<1x16xf32>
      tpu.vector_store %arg8[%swap3A_700, %swap3A_701], %swap3A_704 {strides = array<i32>} : memref<32x1024xf32, #tpu.memory_space<vmem>>, vector<1x16xf32>,
      %get3A_705 = arith.constant 58 : i32
      %get3A_706 = arith.index_cast %get3A_705 : i32 to index
      %get3A_707 = arith.index_cast %mul3A_39 : i32 to index
      %get3A_708 = tpu.vector_load %arg7[%get3A_706, %get3A_707] {strides = array<i32>} : memref<64x1024xf32, #tpu.memory_space<vmem>>, vector<1x16xf32>,
      %get3A_709 = vector.shape_cast %get3A_708 : vector<1x16xf32> to vector<16xf32>
      %get3A_710 = arith.constant 59 : i32
      %get3A_711 = arith.index_cast %get3A_710 : i32 to index
      %get3A_712 = arith.index_cast %mul3A_39 : i32 to index
      %get3A_713 = tpu.vector_load %arg7[%get3A_711, %get3A_712] {strides = array<i32>} : memref<64x1024xf32, #tpu.memory_space<vmem>>, vector<1x16xf32>,
      %get3A_714 = vector.shape_cast %get3A_713 : vector<1x16xf32> to vector<16xf32>
      %add3A_715 = arith.addf %get3A_709, %get3A_714 : vector<16xf32>
      %get3A_716 = arith.constant 29 : i32
      %get3A_717 = arith.index_cast %get3A_716 : i32 to index
      %get3A_718 = arith.index_cast %mul3A_39 : i32 to index
      %get3A_719 = tpu.vector_load %arg8[%get3A_717, %get3A_718] {strides = array<i32>} : memref<32x1024xf32, #tpu.memory_space<vmem>>, vector<1x16xf32>,
      %get3A_720 = vector.shape_cast %get3A_719 : vector<1x16xf32> to vector<16xf32>
      %add3A_721 = arith.addf %add3A_715, %get3A_720 : vector<16xf32>
      %swap3A_722 = arith.constant 29 : i32
      %swap3A_723 = arith.index_cast %swap3A_722 : i32 to index
      %swap3A_724 = arith.index_cast %mul3A_39 : i32 to index
      %swap3A_725 = tpu.vector_load %arg8[%swap3A_723, %swap3A_724] {strides = array<i32>} : memref<32x1024xf32, #tpu.memory_space<vmem>>, vector<1x16xf32>,
      %swap3A_726 = vector.shape_cast %swap3A_725 : vector<1x16xf32> to vector<16xf32>
      %swap3A_727 = vector.shape_cast %add3A_721 : vector<16xf32> to vector<1x16xf32>
      tpu.vector_store %arg8[%swap3A_723, %swap3A_724], %swap3A_727 {strides = array<i32>} : memref<32x1024xf32, #tpu.memory_space<vmem>>, vector<1x16xf32>,
      %get3A_728 = arith.constant 60 : i32
      %get3A_729 = arith.index_cast %get3A_728 : i32 to index
      %get3A_730 = arith.index_cast %mul3A_39 : i32 to index
      %get3A_731 = tpu.vector_load %arg7[%get3A_729, %get3A_730] {strides = array<i32>} : memref<64x1024xf32, #tpu.memory_space<vmem>>, vector<1x16xf32>,
      %get3A_732 = vector.shape_cast %get3A_731 : vector<1x16xf32> to vector<16xf32>
      %get3A_733 = arith.constant 61 : i32
      %get3A_734 = arith.index_cast %get3A_733 : i32 to index
      %get3A_735 = arith.index_cast %mul3A_39 : i32 to index
      %get3A_736 = tpu.vector_load %arg7[%get3A_734, %get3A_735] {strides = array<i32>} : memref<64x1024xf32, #tpu.memory_space<vmem>>, vector<1x16xf32>,
      %get3A_737 = vector.shape_cast %get3A_736 : vector<1x16xf32> to vector<16xf32>
      %add3A_738 = arith.addf %get3A_732, %get3A_737 : vector<16xf32>
      %get3A_739 = arith.constant 30 : i32
      %get3A_740 = arith.index_cast %get3A_739 : i32 to index
      %get3A_741 = arith.index_cast %mul3A_39 : i32 to index
      %get3A_742 = tpu.vector_load %arg8[%get3A_740, %get3A_741] {strides = array<i32>} : memref<32x1024xf32, #tpu.memory_space<vmem>>, vector<1x16xf32>,
      %get3A_743 = vector.shape_cast %get3A_742 : vector<1x16xf32> to vector<16xf32>
      %add3A_744 = arith.addf %add3A_738, %get3A_743 : vector<16xf32>
      %swap3A_745 = arith.constant 30 : i32
      %swap3A_746 = arith.index_cast %swap3A_745 : i32 to index
      %swap3A_747 = arith.index_cast %mul3A_39 : i32 to index
      %swap3A_748 = tpu.vector_load %arg8[%swap3A_746, %swap3A_747] {strides = array<i32>} : memref<32x1024xf32, #tpu.memory_space<vmem>>, vector<1x16xf32>,
      %swap3A_749 = vector.shape_cast %swap3A_748 : vector<1x16xf32> to vector<16xf32>
      %swap3A_750 = vector.shape_cast %add3A_744 : vector<16xf32> to vector<1x16xf32>
      tpu.vector_store %arg8[%swap3A_746, %swap3A_747], %swap3A_750 {strides = array<i32>} : memref<32x1024xf32, #tpu.memory_space<vmem>>, vector<1x16xf32>,
      %get3A_751 = arith.constant 62 : i32
      %get3A_752 = arith.index_cast %get3A_751 : i32 to index
      %get3A_753 = arith.index_cast %mul3A_39 : i32 to index
      %get3A_754 = tpu.vector_load %arg7[%get3A_752, %get3A_753] {strides = array<i32>} : memref<64x1024xf32, #tpu.memory_space<vmem>>, vector<1x16xf32>,
      %get3A_755 = vector.shape_cast %get3A_754 : vector<1x16xf32> to vector<16xf32>
      %get3A_756 = arith.constant 63 : i32
      %get3A_757 = arith.index_cast %get3A_756 : i32 to index
      %get3A_758 = arith.index_cast %mul3A_39 : i32 to index
      %get3A_759 = tpu.vector_load %arg7[%get3A_757, %get3A_758] {strides = array<i32>} : memref<64x1024xf32, #tpu.memory_space<vmem>>, vector<1x16xf32>,
      %get3A_760 = vector.shape_cast %get3A_759 : vector<1x16xf32> to vector<16xf32>
      %add3A_761 = arith.addf %get3A_755, %get3A_760 : vector<16xf32>
      %get3A_762 = arith.constant 31 : i32
      %get3A_763 = arith.index_cast %get3A_762 : i32 to index
      %get3A_764 = arith.index_cast %mul3A_39 : i32 to index
      %get3A_765 = tpu.vector_load %arg8[%get3A_763, %get3A_764] {strides = array<i32>} : memref<32x1024xf32, #tpu.memory_space<vmem>>, vector<1x16xf32>,
      %get3A_766 = vector.shape_cast %get3A_765 : vector<1x16xf32> to vector<16xf32>
      %add3A_767 = arith.addf %add3A_761, %get3A_766 : vector<16xf32>
      %swap3A_768 = arith.constant 31 : i32
      %swap3A_769 = arith.index_cast %swap3A_768 : i32 to index
      %swap3A_770 = arith.index_cast %mul3A_39 : i32 to index
      %swap3A_771 = tpu.vector_load %arg8[%swap3A_769, %swap3A_770] {strides = array<i32>} : memref<32x1024xf32, #tpu.memory_space<vmem>>, vector<1x16xf32>,
      %swap3A_772 = vector.shape_cast %swap3A_771 : vector<1x16xf32> to vector<16xf32>
      %swap3A_773 = vector.shape_cast %add3A_767 : vector<16xf32> to vector<1x16xf32>
      tpu.vector_store %arg8[%swap3A_769, %swap3A_770], %swap3A_773 {strides = array<i32>} : memref<32x1024xf32, #tpu.memory_space<vmem>>, vector<1x16xf32>,
      %scan3A_774 = arith.constant 0 : i32
      scf.yield %scan3A_774 : i32
    }
    %scan3A_16 = arith.constant 64 : i32
    "tpu.region"() ({
      %run_scoped3A = tpu.sem_alloc : memref<!tpu.dma_semaphore, #tpu.memory_space<semaphore_mem>>
      %dma_start3A_36 = arith.constant 0 : i32
      %dma_start3A_37 = tpu.memref_slice %arg5[%add3A_4, %dma_start3A_36] : memref<2048x1024xf32, #tpu.memory_space<hbm>> -> memref<32x1024xf32, #tpu.memory_space<hbm>>
      %dma_start3A_38 = arith.constant 0 : i32
      %dma_start3A_39 = tpu.memref_slice %arg5[%add3A_4, %dma_start3A_38] : memref<2048x1024xf32, #tpu.memory_space<hbm>> -> memref<32x1024xf32, #tpu.memory_space<hbm>>
      tpu.enqueue_dma source(%arg8 : memref<32x1024xf32, #tpu.memory_space<vmem>>) target(%dma_start3A_39 : memref<32x1024xf32, #tpu.memory_space<hbm>>) target_semaphore(%run_scoped3A : memref<!tpu.dma_semaphore, #tpu.memory_space<semaphore_mem>>)
      %dma_wait3A_40 = arith.constant 0 : i32
      %dma_wait3A_41 = tpu.memref_slice %arg5[%add3A_4, %dma_wait3A_40] : memref<2048x1024xf32, #tpu.memory_space<hbm>> -> memref<32x1024xf32, #tpu.memory_space<hbm>>
      %dma_wait3A_42 = arith.constant 0 : i32
      %dma_wait3A_43 = tpu.memref_slice %arg5[%add3A_4, %dma_wait3A_42] : memref<2048x1024xf32, #tpu.memory_space<hbm>> -> memref<32x1024xf32, #tpu.memory_space<hbm>>
      tpu.wait_dma2 semaphore(%run_scoped3A : memref<!tpu.dma_semaphore, #tpu.memory_space<semaphore_mem>>) src(%arg8 : memref<32x1024xf32, #tpu.memory_space<vmem>>) dst(%dma_wait3A_43 : memref<32x1024xf32, #tpu.memory_space<hbm>>)
      tpu.yield
    }) : () -> ()
    %mul3A_17 = arith.constant 64 : i32
    %mul3A_18 = arith.muli %add3A, %mul3A_17 : i32
    %add3A_19 = arith.constant 32 : i32
    %add3A_20 = arith.addi %mul3A_18, %add3A_19 : i32
    %mul3A_21 = arith.constant 2 : i32
    %mul3A_22 = arith.muli %add3A_20, %mul3A_21 : i32
    "tpu.region"() ({
      %run_scoped3A = tpu.sem_alloc : memref<!tpu.dma_semaphore, #tpu.memory_space<semaphore_mem>>
      %dma_start3A_36 = tpu.memref_slice %arg4[%mul3A_22] : memref<4096xi32, #tpu.memory_space<hbm>> -> memref<64xi32, #tpu.memory_space<hbm>>
      %dma_start3A_37 = tpu.memref_slice %arg4[%mul3A_22] : memref<4096xi32, #tpu.memory_space<hbm>> -> memref<64xi32, #tpu.memory_space<hbm>>
      tpu.enqueue_dma source(%dma_start3A_37 : memref<64xi32, #tpu.memory_space<hbm>>) target(%arg6 : memref<64xi32, #tpu.memory_space<vmem>>) target_semaphore(%run_scoped3A : memref<!tpu.dma_semaphore, #tpu.memory_space<semaphore_mem>>)
      %dma_wait3A_38 = tpu.memref_slice %arg4[%mul3A_22] : memref<4096xi32, #tpu.memory_space<hbm>> -> memref<64xi32, #tpu.memory_space<hbm>>
      %dma_wait3A_39 = tpu.memref_slice %arg4[%mul3A_22] : memref<4096xi32, #tpu.memory_space<hbm>> -> memref<64xi32, #tpu.memory_space<hbm>>
      tpu.wait_dma2 semaphore(%run_scoped3A : memref<!tpu.dma_semaphore, #tpu.memory_space<semaphore_mem>>) src(%dma_wait3A_39 : memref<64xi32, #tpu.memory_space<hbm>>) dst(%arg6 : memref<64xi32, #tpu.memory_space<vmem>>)
      tpu.yield
    }) : () -> ()
    %dma_start3A_23 = arith.constant 0 : i32
    %dma_start3A_24 = arith.constant 0 : i32
    %dma_start3A_25 = tpu.memref_slice %arg2[%dma_start3A_23, %dma_start3A_24] : memref<4096x1024xf32, #tpu.memory_space<hbm>> -> memref<4096x1024xf32, #tpu.memory_space<hbm>>
    tpu.enqueue_indirect_dma source(%dma_start3A_25 : memref<4096x1024xf32, #tpu.memory_space<hbm>>) target(%arg7 : memref<64x1024xf32, #tpu.memory_space<vmem>>) offsets(%arg6 : memref<64xi32, #tpu.memory_space<vmem>>) semaphore(%arg9 : memref<!tpu.dma_semaphore, #tpu.memory_space<semaphore_mem>>)
    "tpu.region"() ({
      %run_scoped3A = tpu.sem_alloc : memref<!tpu.dma_semaphore, #tpu.memory_space<semaphore_mem>>
      %dma_start3A_36 = arith.constant 0 : i32
      %dma_start3A_37 = tpu.memref_slice %arg3[%add3A_20, %dma_start3A_36] : memref<2048x1024xf32, #tpu.memory_space<hbm>> -> memref<32x1024xf32, #tpu.memory_space<hbm>>
      %dma_start3A_38 = arith.constant 0 : i32
      %dma_start3A_39 = tpu.memref_slice %arg3[%add3A_20, %dma_start3A_38] : memref<2048x1024xf32, #tpu.memory_space<hbm>> -> memref<32x1024xf32, #tpu.memory_space<hbm>>
      tpu.enqueue_dma source(%dma_start3A_39 : memref<32x1024xf32, #tpu.memory_space<hbm>>) target(%arg8 : memref<32x1024xf32, #tpu.memory_space<vmem>>) target_semaphore(%run_scoped3A : memref<!tpu.dma_semaphore, #tpu.memory_space<semaphore_mem>>)
      %dma_wait3A_40 = arith.constant 0 : i32
      %dma_wait3A_41 = tpu.memref_slice %arg3[%add3A_20, %dma_wait3A_40] : memref<2048x1024xf32, #tpu.memory_space<hbm>> -> memref<32x1024xf32, #tpu.memory_space<hbm>>
      %dma_wait3A_42 = arith.constant 0 : i32
      %dma_wait3A_43 = tpu.memref_slice %arg3[%add3A_20, %dma_wait3A_42] : memref<2048x1024xf32, #tpu.memory_space<hbm>> -> memref<32x1024xf32, #tpu.memory_space<hbm>>
      tpu.wait_dma2 semaphore(%run_scoped3A : memref<!tpu.dma_semaphore, #tpu.memory_space<semaphore_mem>>) src(%dma_wait3A_43 : memref<32x1024xf32, #tpu.memory_space<hbm>>) dst(%arg8 : memref<32x1024xf32, #tpu.memory_space<vmem>>)
      tpu.yield
    }) : () -> ()
    %dma_wait3A_26 = arith.constant 0 : i32
    %dma_wait3A_27 = arith.constant 0 : i32
    %dma_wait3A_28 = tpu.memref_slice %arg2[%dma_wait3A_26, %dma_wait3A_27] : memref<4096x1024xf32, #tpu.memory_space<hbm>> -> memref<4096x1024xf32, #tpu.memory_space<hbm>>
    tpu.wait_indirect_dma semaphore(%arg9 : memref<!tpu.dma_semaphore, #tpu.memory_space<semaphore_mem>>) src(%dma_wait3A_28 : memref<4096x1024xf32, #tpu.memory_space<hbm>>) dst(%arg7 : memref<64x1024xf32, #tpu.memory_space<vmem>>)
    %scan3A_29 = arith.constant 0 : i32
    %scan3A_30 = arith.constant 0 : i32
    %scan3A_31 = arith.constant 64 : i32
    %scan3A_32 = arith.addi %scan3A_30, %scan3A_31 : i32
    %scan3A_33 = arith.constant 1 : i32
    %scan3A_34 = scf.for %scan3A_36 = %scan3A_30 to %scan3A_32 step %scan3A_33 iter_args(%scan3A_37 = %scan3A_29) -> (i32)  : i32 {
      %mul3A_38 = arith.constant 16 : i32
      %mul3A_39 = arith.muli %scan3A_36, %mul3A_38 : i32
      %get3A = arith.constant 0 : i32
      %get3A_40 = arith.index_cast %get3A : i32 to index
      %get3A_41 = arith.index_cast %mul3A_39 : i32 to index
      %get3A_42 = tpu.vector_load %arg7[%get3A_40, %get3A_41] {strides = array<i32>} : memref<64x1024xf32, #tpu.memory_space<vmem>>, vector<1x16xf32>,
      %get3A_43 = vector.shape_cast %get3A_42 : vector<1x16xf32> to vector<16xf32>
      %get3A_44 = arith.constant 1 : i32
      %get3A_45 = arith.index_cast %get3A_44 : i32 to index
      %get3A_46 = arith.index_cast %mul3A_39 : i32 to index
      %get3A_47 = tpu.vector_load %arg7[%get3A_45, %get3A_46] {strides = array<i32>} : memref<64x1024xf32, #tpu.memory_space<vmem>>, vector<1x16xf32>,
      %get3A_48 = vector.shape_cast %get3A_47 : vector<1x16xf32> to vector<16xf32>
      %add3A_49 = arith.addf %get3A_43, %get3A_48 : vector<16xf32>
      %get3A_50 = arith.constant 0 : i32
      %get3A_51 = arith.index_cast %get3A_50 : i32 to index
      %get3A_52 = arith.index_cast %mul3A_39 : i32 to index
      %get3A_53 = tpu.vector_load %arg8[%get3A_51, %get3A_52] {strides = array<i32>} : memref<32x1024xf32, #tpu.memory_space<vmem>>, vector<1x16xf32>,
      %get3A_54 = vector.shape_cast %get3A_53 : vector<1x16xf32> to vector<16xf32>
      %add3A_55 = arith.addf %add3A_49, %get3A_54 : vector<16xf32>
      %swap3A = arith.constant 0 : i32
      %swap3A_56 = arith.index_cast %swap3A : i32 to index
      %swap3A_57 = arith.index_cast %mul3A_39 : i32 to index
      %swap3A_58 = tpu.vector_load %arg8[%swap3A_56, %swap3A_57] {strides = array<i32>} : memref<32x1024xf32, #tpu.memory_space<vmem>>, vector<1x16xf32>,
      %swap3A_59 = vector.shape_cast %swap3A_58 : vector<1x16xf32> to vector<16xf32>
      %swap3A_60 = vector.shape_cast %add3A_55 : vector<16xf32> to vector<1x16xf32>
      tpu.vector_store %arg8[%swap3A_56, %swap3A_57], %swap3A_60 {strides = array<i32>} : memref<32x1024xf32, #tpu.memory_space<vmem>>, vector<1x16xf32>,
      %get3A_61 = arith.constant 2 : i32
      %get3A_62 = arith.index_cast %get3A_61 : i32 to index
      %get3A_63 = arith.index_cast %mul3A_39 : i32 to index
      %get3A_64 = tpu.vector_load %arg7[%get3A_62, %get3A_63] {strides = array<i32>} : memref<64x1024xf32, #tpu.memory_space<vmem>>, vector<1x16xf32>,
      %get3A_65 = vector.shape_cast %get3A_64 : vector<1x16xf32> to vector<16xf32>
      %get3A_66 = arith.constant 3 : i32
      %get3A_67 = arith.index_cast %get3A_66 : i32 to index
      %get3A_68 = arith.index_cast %mul3A_39 : i32 to index
      %get3A_69 = tpu.vector_load %arg7[%get3A_67, %get3A_68] {strides = array<i32>} : memref<64x1024xf32, #tpu.memory_space<vmem>>, vector<1x16xf32>,
      %get3A_70 = vector.shape_cast %get3A_69 : vector<1x16xf32> to vector<16xf32>
      %add3A_71 = arith.addf %get3A_65, %get3A_70 : vector<16xf32>
      %get3A_72 = arith.constant 1 : i32
      %get3A_73 = arith.index_cast %get3A_72 : i32 to index
      %get3A_74 = arith.index_cast %mul3A_39 : i32 to index
      %get3A_75 = tpu.vector_load %arg8[%get3A_73, %get3A_74] {strides = array<i32>} : memref<32x1024xf32, #tpu.memory_space<vmem>>, vector<1x16xf32>,
      %get3A_76 = vector.shape_cast %get3A_75 : vector<1x16xf32> to vector<16xf32>
      %add3A_77 = arith.addf %add3A_71, %get3A_76 : vector<16xf32>
      %swap3A_78 = arith.constant 1 : i32
      %swap3A_79 = arith.index_cast %swap3A_78 : i32 to index
      %swap3A_80 = arith.index_cast %mul3A_39 : i32 to index
      %swap3A_81 = tpu.vector_load %arg8[%swap3A_79, %swap3A_80] {strides = array<i32>} : memref<32x1024xf32, #tpu.memory_space<vmem>>, vector<1x16xf32>,
      %swap3A_82 = vector.shape_cast %swap3A_81 : vector<1x16xf32> to vector<16xf32>
      %swap3A_83 = vector.shape_cast %add3A_77 : vector<16xf32> to vector<1x16xf32>
      tpu.vector_store %arg8[%swap3A_79, %swap3A_80], %swap3A_83 {strides = array<i32>} : memref<32x1024xf32, #tpu.memory_space<vmem>>, vector<1x16xf32>,
      %get3A_84 = arith.constant 4 : i32
      %get3A_85 = arith.index_cast %get3A_84 : i32 to index
      %get3A_86 = arith.index_cast %mul3A_39 : i32 to index
      %get3A_87 = tpu.vector_load %arg7[%get3A_85, %get3A_86] {strides = array<i32>} : memref<64x1024xf32, #tpu.memory_space<vmem>>, vector<1x16xf32>,
      %get3A_88 = vector.shape_cast %get3A_87 : vector<1x16xf32> to vector<16xf32>
      %get3A_89 = arith.constant 5 : i32
      %get3A_90 = arith.index_cast %get3A_89 : i32 to index
      %get3A_91 = arith.index_cast %mul3A_39 : i32 to index
      %get3A_92 = tpu.vector_load %arg7[%get3A_90, %get3A_91] {strides = array<i32>} : memref<64x1024xf32, #tpu.memory_space<vmem>>, vector<1x16xf32>,
      %get3A_93 = vector.shape_cast %get3A_92 : vector<1x16xf32> to vector<16xf32>
      %add3A_94 = arith.addf %get3A_88, %get3A_93 : vector<16xf32>
      %get3A_95 = arith.constant 2 : i32
      %get3A_96 = arith.index_cast %get3A_95 : i32 to index
      %get3A_97 = arith.index_cast %mul3A_39 : i32 to index
      %get3A_98 = tpu.vector_load %arg8[%get3A_96, %get3A_97] {strides = array<i32>} : memref<32x1024xf32, #tpu.memory_space<vmem>>, vector<1x16xf32>,
      %get3A_99 = vector.shape_cast %get3A_98 : vector<1x16xf32> to vector<16xf32>
      %add3A_100 = arith.addf %add3A_94, %get3A_99 : vector<16xf32>
      %swap3A_101 = arith.constant 2 : i32
      %swap3A_102 = arith.index_cast %swap3A_101 : i32 to index
      %swap3A_103 = arith.index_cast %mul3A_39 : i32 to index
      %swap3A_104 = tpu.vector_load %arg8[%swap3A_102, %swap3A_103] {strides = array<i32>} : memref<32x1024xf32, #tpu.memory_space<vmem>>, vector<1x16xf32>,
      %swap3A_105 = vector.shape_cast %swap3A_104 : vector<1x16xf32> to vector<16xf32>
      %swap3A_106 = vector.shape_cast %add3A_100 : vector<16xf32> to vector<1x16xf32>
      tpu.vector_store %arg8[%swap3A_102, %swap3A_103], %swap3A_106 {strides = array<i32>} : memref<32x1024xf32, #tpu.memory_space<vmem>>, vector<1x16xf32>,
      %get3A_107 = arith.constant 6 : i32
      %get3A_108 = arith.index_cast %get3A_107 : i32 to index
      %get3A_109 = arith.index_cast %mul3A_39 : i32 to index
      %get3A_110 = tpu.vector_load %arg7[%get3A_108, %get3A_109] {strides = array<i32>} : memref<64x1024xf32, #tpu.memory_space<vmem>>, vector<1x16xf32>,
      %get3A_111 = vector.shape_cast %get3A_110 : vector<1x16xf32> to vector<16xf32>
      %get3A_112 = arith.constant 7 : i32
      %get3A_113 = arith.index_cast %get3A_112 : i32 to index
      %get3A_114 = arith.index_cast %mul3A_39 : i32 to index
      %get3A_115 = tpu.vector_load %arg7[%get3A_113, %get3A_114] {strides = array<i32>} : memref<64x1024xf32, #tpu.memory_space<vmem>>, vector<1x16xf32>,
      %get3A_116 = vector.shape_cast %get3A_115 : vector<1x16xf32> to vector<16xf32>
      %add3A_117 = arith.addf %get3A_111, %get3A_116 : vector<16xf32>
      %get3A_118 = arith.constant 3 : i32
      %get3A_119 = arith.index_cast %get3A_118 : i32 to index
      %get3A_120 = arith.index_cast %mul3A_39 : i32 to index
      %get3A_121 = tpu.vector_load %arg8[%get3A_119, %get3A_120] {strides = array<i32>} : memref<32x1024xf32, #tpu.memory_space<vmem>>, vector<1x16xf32>,
      %get3A_122 = vector.shape_cast %get3A_121 : vector<1x16xf32> to vector<16xf32>
      %add3A_123 = arith.addf %add3A_117, %get3A_122 : vector<16xf32>
      %swap3A_124 = arith.constant 3 : i32
      %swap3A_125 = arith.index_cast %swap3A_124 : i32 to index
      %swap3A_126 = arith.index_cast %mul3A_39 : i32 to index
      %swap3A_127 = tpu.vector_load %arg8[%swap3A_125, %swap3A_126] {strides = array<i32>} : memref<32x1024xf32, #tpu.memory_space<vmem>>, vector<1x16xf32>,
      %swap3A_128 = vector.shape_cast %swap3A_127 : vector<1x16xf32> to vector<16xf32>
      %swap3A_129 = vector.shape_cast %add3A_123 : vector<16xf32> to vector<1x16xf32>
      tpu.vector_store %arg8[%swap3A_125, %swap3A_126], %swap3A_129 {strides = array<i32>} : memref<32x1024xf32, #tpu.memory_space<vmem>>, vector<1x16xf32>,
      %get3A_130 = arith.constant 8 : i32
      %get3A_131 = arith.index_cast %get3A_130 : i32 to index
      %get3A_132 = arith.index_cast %mul3A_39 : i32 to index
      %get3A_133 = tpu.vector_load %arg7[%get3A_131, %get3A_132] {strides = array<i32>} : memref<64x1024xf32, #tpu.memory_space<vmem>>, vector<1x16xf32>,
      %get3A_134 = vector.shape_cast %get3A_133 : vector<1x16xf32> to vector<16xf32>
      %get3A_135 = arith.constant 9 : i32
      %get3A_136 = arith.index_cast %get3A_135 : i32 to index
      %get3A_137 = arith.index_cast %mul3A_39 : i32 to index
      %get3A_138 = tpu.vector_load %arg7[%get3A_136, %get3A_137] {strides = array<i32>} : memref<64x1024xf32, #tpu.memory_space<vmem>>, vector<1x16xf32>,
      %get3A_139 = vector.shape_cast %get3A_138 : vector<1x16xf32> to vector<16xf32>
      %add3A_140 = arith.addf %get3A_134, %get3A_139 : vector<16xf32>
      %get3A_141 = arith.constant 4 : i32
      %get3A_142 = arith.index_cast %get3A_141 : i32 to index
      %get3A_143 = arith.index_cast %mul3A_39 : i32 to index
      %get3A_144 = tpu.vector_load %arg8[%get3A_142, %get3A_143] {strides = array<i32>} : memref<32x1024xf32, #tpu.memory_space<vmem>>, vector<1x16xf32>,
      %get3A_145 = vector.shape_cast %get3A_144 : vector<1x16xf32> to vector<16xf32>
      %add3A_146 = arith.addf %add3A_140, %get3A_145 : vector<16xf32>
      %swap3A_147 = arith.constant 4 : i32
      %swap3A_148 = arith.index_cast %swap3A_147 : i32 to index
      %swap3A_149 = arith.index_cast %mul3A_39 : i32 to index
      %swap3A_150 = tpu.vector_load %arg8[%swap3A_148, %swap3A_149] {strides = array<i32>} : memref<32x1024xf32, #tpu.memory_space<vmem>>, vector<1x16xf32>,
      %swap3A_151 = vector.shape_cast %swap3A_150 : vector<1x16xf32> to vector<16xf32>
      %swap3A_152 = vector.shape_cast %add3A_146 : vector<16xf32> to vector<1x16xf32>
      tpu.vector_store %arg8[%swap3A_148, %swap3A_149], %swap3A_152 {strides = array<i32>} : memref<32x1024xf32, #tpu.memory_space<vmem>>, vector<1x16xf32>,
      %get3A_153 = arith.constant 10 : i32
      %get3A_154 = arith.index_cast %get3A_153 : i32 to index
      %get3A_155 = arith.index_cast %mul3A_39 : i32 to index
      %get3A_156 = tpu.vector_load %arg7[%get3A_154, %get3A_155] {strides = array<i32>} : memref<64x1024xf32, #tpu.memory_space<vmem>>, vector<1x16xf32>,
      %get3A_157 = vector.shape_cast %get3A_156 : vector<1x16xf32> to vector<16xf32>
      %get3A_158 = arith.constant 11 : i32
      %get3A_159 = arith.index_cast %get3A_158 : i32 to index
      %get3A_160 = arith.index_cast %mul3A_39 : i32 to index
      %get3A_161 = tpu.vector_load %arg7[%get3A_159, %get3A_160] {strides = array<i32>} : memref<64x1024xf32, #tpu.memory_space<vmem>>, vector<1x16xf32>,
      %get3A_162 = vector.shape_cast %get3A_161 : vector<1x16xf32> to vector<16xf32>
      %add3A_163 = arith.addf %get3A_157, %get3A_162 : vector<16xf32>
      %get3A_164 = arith.constant 5 : i32
      %get3A_165 = arith.index_cast %get3A_164 : i32 to index
      %get3A_166 = arith.index_cast %mul3A_39 : i32 to index
      %get3A_167 = tpu.vector_load %arg8[%get3A_165, %get3A_166] {strides = array<i32>} : memref<32x1024xf32, #tpu.memory_space<vmem>>, vector<1x16xf32>,
      %get3A_168 = vector.shape_cast %get3A_167 : vector<1x16xf32> to vector<16xf32>
      %add3A_169 = arith.addf %add3A_163, %get3A_168 : vector<16xf32>
      %swap3A_170 = arith.constant 5 : i32
      %swap3A_171 = arith.index_cast %swap3A_170 : i32 to index
      %swap3A_172 = arith.index_cast %mul3A_39 : i32 to index
      %swap3A_173 = tpu.vector_load %arg8[%swap3A_171, %swap3A_172] {strides = array<i32>} : memref<32x1024xf32, #tpu.memory_space<vmem>>, vector<1x16xf32>,
      %swap3A_174 = vector.shape_cast %swap3A_173 : vector<1x16xf32> to vector<16xf32>
      %swap3A_175 = vector.shape_cast %add3A_169 : vector<16xf32> to vector<1x16xf32>
      tpu.vector_store %arg8[%swap3A_171, %swap3A_172], %swap3A_175 {strides = array<i32>} : memref<32x1024xf32, #tpu.memory_space<vmem>>, vector<1x16xf32>,
      %get3A_176 = arith.constant 12 : i32
      %get3A_177 = arith.index_cast %get3A_176 : i32 to index
      %get3A_178 = arith.index_cast %mul3A_39 : i32 to index
      %get3A_179 = tpu.vector_load %arg7[%get3A_177, %get3A_178] {strides = array<i32>} : memref<64x1024xf32, #tpu.memory_space<vmem>>, vector<1x16xf32>,
      %get3A_180 = vector.shape_cast %get3A_179 : vector<1x16xf32> to vector<16xf32>
      %get3A_181 = arith.constant 13 : i32
      %get3A_182 = arith.index_cast %get3A_181 : i32 to index
      %get3A_183 = arith.index_cast %mul3A_39 : i32 to index
      %get3A_184 = tpu.vector_load %arg7[%get3A_182, %get3A_183] {strides = array<i32>} : memref<64x1024xf32, #tpu.memory_space<vmem>>, vector<1x16xf32>,
      %get3A_185 = vector.shape_cast %get3A_184 : vector<1x16xf32> to vector<16xf32>
      %add3A_186 = arith.addf %get3A_180, %get3A_185 : vector<16xf32>
      %get3A_187 = arith.constant 6 : i32
      %get3A_188 = arith.index_cast %get3A_187 : i32 to index
      %get3A_189 = arith.index_cast %mul3A_39 : i32 to index
      %get3A_190 = tpu.vector_load %arg8[%get3A_188, %get3A_189] {strides = array<i32>} : memref<32x1024xf32, #tpu.memory_space<vmem>>, vector<1x16xf32>,
      %get3A_191 = vector.shape_cast %get3A_190 : vector<1x16xf32> to vector<16xf32>
      %add3A_192 = arith.addf %add3A_186, %get3A_191 : vector<16xf32>
      %swap3A_193 = arith.constant 6 : i32
      %swap3A_194 = arith.index_cast %swap3A_193 : i32 to index
      %swap3A_195 = arith.index_cast %mul3A_39 : i32 to index
      %swap3A_196 = tpu.vector_load %arg8[%swap3A_194, %swap3A_195] {strides = array<i32>} : memref<32x1024xf32, #tpu.memory_space<vmem>>, vector<1x16xf32>,
      %swap3A_197 = vector.shape_cast %swap3A_196 : vector<1x16xf32> to vector<16xf32>
      %swap3A_198 = vector.shape_cast %add3A_192 : vector<16xf32> to vector<1x16xf32>
      tpu.vector_store %arg8[%swap3A_194, %swap3A_195], %swap3A_198 {strides = array<i32>} : memref<32x1024xf32, #tpu.memory_space<vmem>>, vector<1x16xf32>,
      %get3A_199 = arith.constant 14 : i32
      %get3A_200 = arith.index_cast %get3A_199 : i32 to index
      %get3A_201 = arith.index_cast %mul3A_39 : i32 to index
      %get3A_202 = tpu.vector_load %arg7[%get3A_200, %get3A_201] {strides = array<i32>} : memref<64x1024xf32, #tpu.memory_space<vmem>>, vector<1x16xf32>,
      %get3A_203 = vector.shape_cast %get3A_202 : vector<1x16xf32> to vector<16xf32>
      %get3A_204 = arith.constant 15 : i32
      %get3A_205 = arith.index_cast %get3A_204 : i32 to index
      %get3A_206 = arith.index_cast %mul3A_39 : i32 to index
      %get3A_207 = tpu.vector_load %arg7[%get3A_205, %get3A_206] {strides = array<i32>} : memref<64x1024xf32, #tpu.memory_space<vmem>>, vector<1x16xf32>,
      %get3A_208 = vector.shape_cast %get3A_207 : vector<1x16xf32> to vector<16xf32>
      %add3A_209 = arith.addf %get3A_203, %get3A_208 : vector<16xf32>
      %get3A_210 = arith.constant 7 : i32
      %get3A_211 = arith.index_cast %get3A_210 : i32 to index
      %get3A_212 = arith.index_cast %mul3A_39 : i32 to index
      %get3A_213 = tpu.vector_load %arg8[%get3A_211, %get3A_212] {strides = array<i32>} : memref<32x1024xf32, #tpu.memory_space<vmem>>, vector<1x16xf32>,
      %get3A_214 = vector.shape_cast %get3A_213 : vector<1x16xf32> to vector<16xf32>
      %add3A_215 = arith.addf %add3A_209, %get3A_214 : vector<16xf32>
      %swap3A_216 = arith.constant 7 : i32
      %swap3A_217 = arith.index_cast %swap3A_216 : i32 to index
      %swap3A_218 = arith.index_cast %mul3A_39 : i32 to index
      %swap3A_219 = tpu.vector_load %arg8[%swap3A_217, %swap3A_218] {strides = array<i32>} : memref<32x1024xf32, #tpu.memory_space<vmem>>, vector<1x16xf32>,
      %swap3A_220 = vector.shape_cast %swap3A_219 : vector<1x16xf32> to vector<16xf32>
      %swap3A_221 = vector.shape_cast %add3A_215 : vector<16xf32> to vector<1x16xf32>
      tpu.vector_store %arg8[%swap3A_217, %swap3A_218], %swap3A_221 {strides = array<i32>} : memref<32x1024xf32, #tpu.memory_space<vmem>>, vector<1x16xf32>,
      %get3A_222 = arith.constant 16 : i32
      %get3A_223 = arith.index_cast %get3A_222 : i32 to index
      %get3A_224 = arith.index_cast %mul3A_39 : i32 to index
      %get3A_225 = tpu.vector_load %arg7[%get3A_223, %get3A_224] {strides = array<i32>} : memref<64x1024xf32, #tpu.memory_space<vmem>>, vector<1x16xf32>,
      %get3A_226 = vector.shape_cast %get3A_225 : vector<1x16xf32> to vector<16xf32>
      %get3A_227 = arith.constant 17 : i32
      %get3A_228 = arith.index_cast %get3A_227 : i32 to index
      %get3A_229 = arith.index_cast %mul3A_39 : i32 to index
      %get3A_230 = tpu.vector_load %arg7[%get3A_228, %get3A_229] {strides = array<i32>} : memref<64x1024xf32, #tpu.memory_space<vmem>>, vector<1x16xf32>,
      %get3A_231 = vector.shape_cast %get3A_230 : vector<1x16xf32> to vector<16xf32>
      %add3A_232 = arith.addf %get3A_226, %get3A_231 : vector<16xf32>
      %get3A_233 = arith.constant 8 : i32
      %get3A_234 = arith.index_cast %get3A_233 : i32 to index
      %get3A_235 = arith.index_cast %mul3A_39 : i32 to index
      %get3A_236 = tpu.vector_load %arg8[%get3A_234, %get3A_235] {strides = array<i32>} : memref<32x1024xf32, #tpu.memory_space<vmem>>, vector<1x16xf32>,
      %get3A_237 = vector.shape_cast %get3A_236 : vector<1x16xf32> to vector<16xf32>
      %add3A_238 = arith.addf %add3A_232, %get3A_237 : vector<16xf32>
      %swap3A_239 = arith.constant 8 : i32
      %swap3A_240 = arith.index_cast %swap3A_239 : i32 to index
      %swap3A_241 = arith.index_cast %mul3A_39 : i32 to index
      %swap3A_242 = tpu.vector_load %arg8[%swap3A_240, %swap3A_241] {strides = array<i32>} : memref<32x1024xf32, #tpu.memory_space<vmem>>, vector<1x16xf32>,
      %swap3A_243 = vector.shape_cast %swap3A_242 : vector<1x16xf32> to vector<16xf32>
      %swap3A_244 = vector.shape_cast %add3A_238 : vector<16xf32> to vector<1x16xf32>
      tpu.vector_store %arg8[%swap3A_240, %swap3A_241], %swap3A_244 {strides = array<i32>} : memref<32x1024xf32, #tpu.memory_space<vmem>>, vector<1x16xf32>,
      %get3A_245 = arith.constant 18 : i32
      %get3A_246 = arith.index_cast %get3A_245 : i32 to index
      %get3A_247 = arith.index_cast %mul3A_39 : i32 to index
      %get3A_248 = tpu.vector_load %arg7[%get3A_246, %get3A_247] {strides = array<i32>} : memref<64x1024xf32, #tpu.memory_space<vmem>>, vector<1x16xf32>,
      %get3A_249 = vector.shape_cast %get3A_248 : vector<1x16xf32> to vector<16xf32>
      %get3A_250 = arith.constant 19 : i32
      %get3A_251 = arith.index_cast %get3A_250 : i32 to index
      %get3A_252 = arith.index_cast %mul3A_39 : i32 to index
      %get3A_253 = tpu.vector_load %arg7[%get3A_251, %get3A_252] {strides = array<i32>} : memref<64x1024xf32, #tpu.memory_space<vmem>>, vector<1x16xf32>,
      %get3A_254 = vector.shape_cast %get3A_253 : vector<1x16xf32> to vector<16xf32>
      %add3A_255 = arith.addf %get3A_249, %get3A_254 : vector<16xf32>
      %get3A_256 = arith.constant 9 : i32
      %get3A_257 = arith.index_cast %get3A_256 : i32 to index
      %get3A_258 = arith.index_cast %mul3A_39 : i32 to index
      %get3A_259 = tpu.vector_load %arg8[%get3A_257, %get3A_258] {strides = array<i32>} : memref<32x1024xf32, #tpu.memory_space<vmem>>, vector<1x16xf32>,
      %get3A_260 = vector.shape_cast %get3A_259 : vector<1x16xf32> to vector<16xf32>
      %add3A_261 = arith.addf %add3A_255, %get3A_260 : vector<16xf32>
      %swap3A_262 = arith.constant 9 : i32
      %swap3A_263 = arith.index_cast %swap3A_262 : i32 to index
      %swap3A_264 = arith.index_cast %mul3A_39 : i32 to index
      %swap3A_265 = tpu.vector_load %arg8[%swap3A_263, %swap3A_264] {strides = array<i32>} : memref<32x1024xf32, #tpu.memory_space<vmem>>, vector<1x16xf32>,
      %swap3A_266 = vector.shape_cast %swap3A_265 : vector<1x16xf32> to vector<16xf32>
      %swap3A_267 = vector.shape_cast %add3A_261 : vector<16xf32> to vector<1x16xf32>
      tpu.vector_store %arg8[%swap3A_263, %swap3A_264], %swap3A_267 {strides = array<i32>} : memref<32x1024xf32, #tpu.memory_space<vmem>>, vector<1x16xf32>,
      %get3A_268 = arith.constant 20 : i32
      %get3A_269 = arith.index_cast %get3A_268 : i32 to index
      %get3A_270 = arith.index_cast %mul3A_39 : i32 to index
      %get3A_271 = tpu.vector_load %arg7[%get3A_269, %get3A_270] {strides = array<i32>} : memref<64x1024xf32, #tpu.memory_space<vmem>>, vector<1x16xf32>,
      %get3A_272 = vector.shape_cast %get3A_271 : vector<1x16xf32> to vector<16xf32>
      %get3A_273 = arith.constant 21 : i32
      %get3A_274 = arith.index_cast %get3A_273 : i32 to index
      %get3A_275 = arith.index_cast %mul3A_39 : i32 to index
      %get3A_276 = tpu.vector_load %arg7[%get3A_274, %get3A_275] {strides = array<i32>} : memref<64x1024xf32, #tpu.memory_space<vmem>>, vector<1x16xf32>,
      %get3A_277 = vector.shape_cast %get3A_276 : vector<1x16xf32> to vector<16xf32>
      %add3A_278 = arith.addf %get3A_272, %get3A_277 : vector<16xf32>
      %get3A_279 = arith.constant 10 : i32
      %get3A_280 = arith.index_cast %get3A_279 : i32 to index
      %get3A_281 = arith.index_cast %mul3A_39 : i32 to index
      %get3A_282 = tpu.vector_load %arg8[%get3A_280, %get3A_281] {strides = array<i32>} : memref<32x1024xf32, #tpu.memory_space<vmem>>, vector<1x16xf32>,
      %get3A_283 = vector.shape_cast %get3A_282 : vector<1x16xf32> to vector<16xf32>
      %add3A_284 = arith.addf %add3A_278, %get3A_283 : vector<16xf32>
      %swap3A_285 = arith.constant 10 : i32
      %swap3A_286 = arith.index_cast %swap3A_285 : i32 to index
      %swap3A_287 = arith.index_cast %mul3A_39 : i32 to index
      %swap3A_288 = tpu.vector_load %arg8[%swap3A_286, %swap3A_287] {strides = array<i32>} : memref<32x1024xf32, #tpu.memory_space<vmem>>, vector<1x16xf32>,
      %swap3A_289 = vector.shape_cast %swap3A_288 : vector<1x16xf32> to vector<16xf32>
      %swap3A_290 = vector.shape_cast %add3A_284 : vector<16xf32> to vector<1x16xf32>
      tpu.vector_store %arg8[%swap3A_286, %swap3A_287], %swap3A_290 {strides = array<i32>} : memref<32x1024xf32, #tpu.memory_space<vmem>>, vector<1x16xf32>,
      %get3A_291 = arith.constant 22 : i32
      %get3A_292 = arith.index_cast %get3A_291 : i32 to index
      %get3A_293 = arith.index_cast %mul3A_39 : i32 to index
      %get3A_294 = tpu.vector_load %arg7[%get3A_292, %get3A_293] {strides = array<i32>} : memref<64x1024xf32, #tpu.memory_space<vmem>>, vector<1x16xf32>,
      %get3A_295 = vector.shape_cast %get3A_294 : vector<1x16xf32> to vector<16xf32>
      %get3A_296 = arith.constant 23 : i32
      %get3A_297 = arith.index_cast %get3A_296 : i32 to index
      %get3A_298 = arith.index_cast %mul3A_39 : i32 to index
      %get3A_299 = tpu.vector_load %arg7[%get3A_297, %get3A_298] {strides = array<i32>} : memref<64x1024xf32, #tpu.memory_space<vmem>>, vector<1x16xf32>,
      %get3A_300 = vector.shape_cast %get3A_299 : vector<1x16xf32> to vector<16xf32>
      %add3A_301 = arith.addf %get3A_295, %get3A_300 : vector<16xf32>
      %get3A_302 = arith.constant 11 : i32
      %get3A_303 = arith.index_cast %get3A_302 : i32 to index
      %get3A_304 = arith.index_cast %mul3A_39 : i32 to index
      %get3A_305 = tpu.vector_load %arg8[%get3A_303, %get3A_304] {strides = array<i32>} : memref<32x1024xf32, #tpu.memory_space<vmem>>, vector<1x16xf32>,
      %get3A_306 = vector.shape_cast %get3A_305 : vector<1x16xf32> to vector<16xf32>
      %add3A_307 = arith.addf %add3A_301, %get3A_306 : vector<16xf32>
      %swap3A_308 = arith.constant 11 : i32
      %swap3A_309 = arith.index_cast %swap3A_308 : i32 to index
      %swap3A_310 = arith.index_cast %mul3A_39 : i32 to index
      %swap3A_311 = tpu.vector_load %arg8[%swap3A_309, %swap3A_310] {strides = array<i32>} : memref<32x1024xf32, #tpu.memory_space<vmem>>, vector<1x16xf32>,
      %swap3A_312 = vector.shape_cast %swap3A_311 : vector<1x16xf32> to vector<16xf32>
      %swap3A_313 = vector.shape_cast %add3A_307 : vector<16xf32> to vector<1x16xf32>
      tpu.vector_store %arg8[%swap3A_309, %swap3A_310], %swap3A_313 {strides = array<i32>} : memref<32x1024xf32, #tpu.memory_space<vmem>>, vector<1x16xf32>,
      %get3A_314 = arith.constant 24 : i32
      %get3A_315 = arith.index_cast %get3A_314 : i32 to index
      %get3A_316 = arith.index_cast %mul3A_39 : i32 to index
      %get3A_317 = tpu.vector_load %arg7[%get3A_315, %get3A_316] {strides = array<i32>} : memref<64x1024xf32, #tpu.memory_space<vmem>>, vector<1x16xf32>,
      %get3A_318 = vector.shape_cast %get3A_317 : vector<1x16xf32> to vector<16xf32>
      %get3A_319 = arith.constant 25 : i32
      %get3A_320 = arith.index_cast %get3A_319 : i32 to index
      %get3A_321 = arith.index_cast %mul3A_39 : i32 to index
      %get3A_322 = tpu.vector_load %arg7[%get3A_320, %get3A_321] {strides = array<i32>} : memref<64x1024xf32, #tpu.memory_space<vmem>>, vector<1x16xf32>,
      %get3A_323 = vector.shape_cast %get3A_322 : vector<1x16xf32> to vector<16xf32>
      %add3A_324 = arith.addf %get3A_318, %get3A_323 : vector<16xf32>
      %get3A_325 = arith.constant 12 : i32
      %get3A_326 = arith.index_cast %get3A_325 : i32 to index
      %get3A_327 = arith.index_cast %mul3A_39 : i32 to index
      %get3A_328 = tpu.vector_load %arg8[%get3A_326, %get3A_327] {strides = array<i32>} : memref<32x1024xf32, #tpu.memory_space<vmem>>, vector<1x16xf32>,
      %get3A_329 = vector.shape_cast %get3A_328 : vector<1x16xf32> to vector<16xf32>
      %add3A_330 = arith.addf %add3A_324, %get3A_329 : vector<16xf32>
      %swap3A_331 = arith.constant 12 : i32
      %swap3A_332 = arith.index_cast %swap3A_331 : i32 to index
      %swap3A_333 = arith.index_cast %mul3A_39 : i32 to index
      %swap3A_334 = tpu.vector_load %arg8[%swap3A_332, %swap3A_333] {strides = array<i32>} : memref<32x1024xf32, #tpu.memory_space<vmem>>, vector<1x16xf32>,
      %swap3A_335 = vector.shape_cast %swap3A_334 : vector<1x16xf32> to vector<16xf32>
      %swap3A_336 = vector.shape_cast %add3A_330 : vector<16xf32> to vector<1x16xf32>
      tpu.vector_store %arg8[%swap3A_332, %swap3A_333], %swap3A_336 {strides = array<i32>} : memref<32x1024xf32, #tpu.memory_space<vmem>>, vector<1x16xf32>,
      %get3A_337 = arith.constant 26 : i32
      %get3A_338 = arith.index_cast %get3A_337 : i32 to index
      %get3A_339 = arith.index_cast %mul3A_39 : i32 to index
      %get3A_340 = tpu.vector_load %arg7[%get3A_338, %get3A_339] {strides = array<i32>} : memref<64x1024xf32, #tpu.memory_space<vmem>>, vector<1x16xf32>,
      %get3A_341 = vector.shape_cast %get3A_340 : vector<1x16xf32> to vector<16xf32>
      %get3A_342 = arith.constant 27 : i32
      %get3A_343 = arith.index_cast %get3A_342 : i32 to index
      %get3A_344 = arith.index_cast %mul3A_39 : i32 to index
      %get3A_345 = tpu.vector_load %arg7[%get3A_343, %get3A_344] {strides = array<i32>} : memref<64x1024xf32, #tpu.memory_space<vmem>>, vector<1x16xf32>,
      %get3A_346 = vector.shape_cast %get3A_345 : vector<1x16xf32> to vector<16xf32>
      %add3A_347 = arith.addf %get3A_341, %get3A_346 : vector<16xf32>
      %get3A_348 = arith.constant 13 : i32
      %get3A_349 = arith.index_cast %get3A_348 : i32 to index
      %get3A_350 = arith.index_cast %mul3A_39 : i32 to index
      %get3A_351 = tpu.vector_load %arg8[%get3A_349, %get3A_350] {strides = array<i32>} : memref<32x1024xf32, #tpu.memory_space<vmem>>, vector<1x16xf32>,
      %get3A_352 = vector.shape_cast %get3A_351 : vector<1x16xf32> to vector<16xf32>
      %add3A_353 = arith.addf %add3A_347, %get3A_352 : vector<16xf32>
      %swap3A_354 = arith.constant 13 : i32
      %swap3A_355 = arith.index_cast %swap3A_354 : i32 to index
      %swap3A_356 = arith.index_cast %mul3A_39 : i32 to index
      %swap3A_357 = tpu.vector_load %arg8[%swap3A_355, %swap3A_356] {strides = array<i32>} : memref<32x1024xf32, #tpu.memory_space<vmem>>, vector<1x16xf32>,
      %swap3A_358 = vector.shape_cast %swap3A_357 : vector<1x16xf32> to vector<16xf32>
      %swap3A_359 = vector.shape_cast %add3A_353 : vector<16xf32> to vector<1x16xf32>
      tpu.vector_store %arg8[%swap3A_355, %swap3A_356], %swap3A_359 {strides = array<i32>} : memref<32x1024xf32, #tpu.memory_space<vmem>>, vector<1x16xf32>,
      %get3A_360 = arith.constant 28 : i32
      %get3A_361 = arith.index_cast %get3A_360 : i32 to index
      %get3A_362 = arith.index_cast %mul3A_39 : i32 to index
      %get3A_363 = tpu.vector_load %arg7[%get3A_361, %get3A_362] {strides = array<i32>} : memref<64x1024xf32, #tpu.memory_space<vmem>>, vector<1x16xf32>,
      %get3A_364 = vector.shape_cast %get3A_363 : vector<1x16xf32> to vector<16xf32>
      %get3A_365 = arith.constant 29 : i32
      %get3A_366 = arith.index_cast %get3A_365 : i32 to index
      %get3A_367 = arith.index_cast %mul3A_39 : i32 to index
      %get3A_368 = tpu.vector_load %arg7[%get3A_366, %get3A_367] {strides = array<i32>} : memref<64x1024xf32, #tpu.memory_space<vmem>>, vector<1x16xf32>,
      %get3A_369 = vector.shape_cast %get3A_368 : vector<1x16xf32> to vector<16xf32>
      %add3A_370 = arith.addf %get3A_364, %get3A_369 : vector<16xf32>
      %get3A_371 = arith.constant 14 : i32
      %get3A_372 = arith.index_cast %get3A_371 : i32 to index
      %get3A_373 = arith.index_cast %mul3A_39 : i32 to index
      %get3A_374 = tpu.vector_load %arg8[%get3A_372, %get3A_373] {strides = array<i32>} : memref<32x1024xf32, #tpu.memory_space<vmem>>, vector<1x16xf32>,
      %get3A_375 = vector.shape_cast %get3A_374 : vector<1x16xf32> to vector<16xf32>
      %add3A_376 = arith.addf %add3A_370, %get3A_375 : vector<16xf32>
      %swap3A_377 = arith.constant 14 : i32
      %swap3A_378 = arith.index_cast %swap3A_377 : i32 to index
      %swap3A_379 = arith.index_cast %mul3A_39 : i32 to index
      %swap3A_380 = tpu.vector_load %arg8[%swap3A_378, %swap3A_379] {strides = array<i32>} : memref<32x1024xf32, #tpu.memory_space<vmem>>, vector<1x16xf32>,
      %swap3A_381 = vector.shape_cast %swap3A_380 : vector<1x16xf32> to vector<16xf32>
      %swap3A_382 = vector.shape_cast %add3A_376 : vector<16xf32> to vector<1x16xf32>
      tpu.vector_store %arg8[%swap3A_378, %swap3A_379], %swap3A_382 {strides = array<i32>} : memref<32x1024xf32, #tpu.memory_space<vmem>>, vector<1x16xf32>,
      %get3A_383 = arith.constant 30 : i32
      %get3A_384 = arith.index_cast %get3A_383 : i32 to index
      %get3A_385 = arith.index_cast %mul3A_39 : i32 to index
      %get3A_386 = tpu.vector_load %arg7[%get3A_384, %get3A_385] {strides = array<i32>} : memref<64x1024xf32, #tpu.memory_space<vmem>>, vector<1x16xf32>,
      %get3A_387 = vector.shape_cast %get3A_386 : vector<1x16xf32> to vector<16xf32>
      %get3A_388 = arith.constant 31 : i32
      %get3A_389 = arith.index_cast %get3A_388 : i32 to index
      %get3A_390 = arith.index_cast %mul3A_39 : i32 to index
      %get3A_391 = tpu.vector_load %arg7[%get3A_389, %get3A_390] {strides = array<i32>} : memref<64x1024xf32, #tpu.memory_space<vmem>>, vector<1x16xf32>,
      %get3A_392 = vector.shape_cast %get3A_391 : vector<1x16xf32> to vector<16xf32>
      %add3A_393 = arith.addf %get3A_387, %get3A_392 : vector<16xf32>
      %get3A_394 = arith.constant 15 : i32
      %get3A_395 = arith.index_cast %get3A_394 : i32 to index
      %get3A_396 = arith.index_cast %mul3A_39 : i32 to index
      %get3A_397 = tpu.vector_load %arg8[%get3A_395, %get3A_396] {strides = array<i32>} : memref<32x1024xf32, #tpu.memory_space<vmem>>, vector<1x16xf32>,
      %get3A_398 = vector.shape_cast %get3A_397 : vector<1x16xf32> to vector<16xf32>
      %add3A_399 = arith.addf %add3A_393, %get3A_398 : vector<16xf32>
      %swap3A_400 = arith.constant 15 : i32
      %swap3A_401 = arith.index_cast %swap3A_400 : i32 to index
      %swap3A_402 = arith.index_cast %mul3A_39 : i32 to index
      %swap3A_403 = tpu.vector_load %arg8[%swap3A_401, %swap3A_402] {strides = array<i32>} : memref<32x1024xf32, #tpu.memory_space<vmem>>, vector<1x16xf32>,
      %swap3A_404 = vector.shape_cast %swap3A_403 : vector<1x16xf32> to vector<16xf32>
      %swap3A_405 = vector.shape_cast %add3A_399 : vector<16xf32> to vector<1x16xf32>
      tpu.vector_store %arg8[%swap3A_401, %swap3A_402], %swap3A_405 {strides = array<i32>} : memref<32x1024xf32, #tpu.memory_space<vmem>>, vector<1x16xf32>,
      %get3A_406 = arith.constant 32 : i32
      %get3A_407 = arith.index_cast %get3A_406 : i32 to index
      %get3A_408 = arith.index_cast %mul3A_39 : i32 to index
      %get3A_409 = tpu.vector_load %arg7[%get3A_407, %get3A_408] {strides = array<i32>} : memref<64x1024xf32, #tpu.memory_space<vmem>>, vector<1x16xf32>,
      %get3A_410 = vector.shape_cast %get3A_409 : vector<1x16xf32> to vector<16xf32>
      %get3A_411 = arith.constant 33 : i32
      %get3A_412 = arith.index_cast %get3A_411 : i32 to index
      %get3A_413 = arith.index_cast %mul3A_39 : i32 to index
      %get3A_414 = tpu.vector_load %arg7[%get3A_412, %get3A_413] {strides = array<i32>} : memref<64x1024xf32, #tpu.memory_space<vmem>>, vector<1x16xf32>,
      %get3A_415 = vector.shape_cast %get3A_414 : vector<1x16xf32> to vector<16xf32>
      %add3A_416 = arith.addf %get3A_410, %get3A_415 : vector<16xf32>
      %get3A_417 = arith.constant 16 : i32
      %get3A_418 = arith.index_cast %get3A_417 : i32 to index
      %get3A_419 = arith.index_cast %mul3A_39 : i32 to index
      %get3A_420 = tpu.vector_load %arg8[%get3A_418, %get3A_419] {strides = array<i32>} : memref<32x1024xf32, #tpu.memory_space<vmem>>, vector<1x16xf32>,
      %get3A_421 = vector.shape_cast %get3A_420 : vector<1x16xf32> to vector<16xf32>
      %add3A_422 = arith.addf %add3A_416, %get3A_421 : vector<16xf32>
      %swap3A_423 = arith.constant 16 : i32
      %swap3A_424 = arith.index_cast %swap3A_423 : i32 to index
      %swap3A_425 = arith.index_cast %mul3A_39 : i32 to index
      %swap3A_426 = tpu.vector_load %arg8[%swap3A_424, %swap3A_425] {strides = array<i32>} : memref<32x1024xf32, #tpu.memory_space<vmem>>, vector<1x16xf32>,
      %swap3A_427 = vector.shape_cast %swap3A_426 : vector<1x16xf32> to vector<16xf32>
      %swap3A_428 = vector.shape_cast %add3A_422 : vector<16xf32> to vector<1x16xf32>
      tpu.vector_store %arg8[%swap3A_424, %swap3A_425], %swap3A_428 {strides = array<i32>} : memref<32x1024xf32, #tpu.memory_space<vmem>>, vector<1x16xf32>,
      %get3A_429 = arith.constant 34 : i32
      %get3A_430 = arith.index_cast %get3A_429 : i32 to index
      %get3A_431 = arith.index_cast %mul3A_39 : i32 to index
      %get3A_432 = tpu.vector_load %arg7[%get3A_430, %get3A_431] {strides = array<i32>} : memref<64x1024xf32, #tpu.memory_space<vmem>>, vector<1x16xf32>,
      %get3A_433 = vector.shape_cast %get3A_432 : vector<1x16xf32> to vector<16xf32>
      %get3A_434 = arith.constant 35 : i32
      %get3A_435 = arith.index_cast %get3A_434 : i32 to index
      %get3A_436 = arith.index_cast %mul3A_39 : i32 to index
      %get3A_437 = tpu.vector_load %arg7[%get3A_435, %get3A_436] {strides = array<i32>} : memref<64x1024xf32, #tpu.memory_space<vmem>>, vector<1x16xf32>,
      %get3A_438 = vector.shape_cast %get3A_437 : vector<1x16xf32> to vector<16xf32>
      %add3A_439 = arith.addf %get3A_433, %get3A_438 : vector<16xf32>
      %get3A_440 = arith.constant 17 : i32
      %get3A_441 = arith.index_cast %get3A_440 : i32 to index
      %get3A_442 = arith.index_cast %mul3A_39 : i32 to index
      %get3A_443 = tpu.vector_load %arg8[%get3A_441, %get3A_442] {strides = array<i32>} : memref<32x1024xf32, #tpu.memory_space<vmem>>, vector<1x16xf32>,
      %get3A_444 = vector.shape_cast %get3A_443 : vector<1x16xf32> to vector<16xf32>
      %add3A_445 = arith.addf %add3A_439, %get3A_444 : vector<16xf32>
      %swap3A_446 = arith.constant 17 : i32
      %swap3A_447 = arith.index_cast %swap3A_446 : i32 to index
      %swap3A_448 = arith.index_cast %mul3A_39 : i32 to index
      %swap3A_449 = tpu.vector_load %arg8[%swap3A_447, %swap3A_448] {strides = array<i32>} : memref<32x1024xf32, #tpu.memory_space<vmem>>, vector<1x16xf32>,
      %swap3A_450 = vector.shape_cast %swap3A_449 : vector<1x16xf32> to vector<16xf32>
      %swap3A_451 = vector.shape_cast %add3A_445 : vector<16xf32> to vector<1x16xf32>
      tpu.vector_store %arg8[%swap3A_447, %swap3A_448], %swap3A_451 {strides = array<i32>} : memref<32x1024xf32, #tpu.memory_space<vmem>>, vector<1x16xf32>,
      %get3A_452 = arith.constant 36 : i32
      %get3A_453 = arith.index_cast %get3A_452 : i32 to index
      %get3A_454 = arith.index_cast %mul3A_39 : i32 to index
      %get3A_455 = tpu.vector_load %arg7[%get3A_453, %get3A_454] {strides = array<i32>} : memref<64x1024xf32, #tpu.memory_space<vmem>>, vector<1x16xf32>,
      %get3A_456 = vector.shape_cast %get3A_455 : vector<1x16xf32> to vector<16xf32>
      %get3A_457 = arith.constant 37 : i32
      %get3A_458 = arith.index_cast %get3A_457 : i32 to index
      %get3A_459 = arith.index_cast %mul3A_39 : i32 to index
      %get3A_460 = tpu.vector_load %arg7[%get3A_458, %get3A_459] {strides = array<i32>} : memref<64x1024xf32, #tpu.memory_space<vmem>>, vector<1x16xf32>,
      %get3A_461 = vector.shape_cast %get3A_460 : vector<1x16xf32> to vector<16xf32>
      %add3A_462 = arith.addf %get3A_456, %get3A_461 : vector<16xf32>
      %get3A_463 = arith.constant 18 : i32
      %get3A_464 = arith.index_cast %get3A_463 : i32 to index
      %get3A_465 = arith.index_cast %mul3A_39 : i32 to index
      %get3A_466 = tpu.vector_load %arg8[%get3A_464, %get3A_465] {strides = array<i32>} : memref<32x1024xf32, #tpu.memory_space<vmem>>, vector<1x16xf32>,
      %get3A_467 = vector.shape_cast %get3A_466 : vector<1x16xf32> to vector<16xf32>
      %add3A_468 = arith.addf %add3A_462, %get3A_467 : vector<16xf32>
      %swap3A_469 = arith.constant 18 : i32
      %swap3A_470 = arith.index_cast %swap3A_469 : i32 to index
      %swap3A_471 = arith.index_cast %mul3A_39 : i32 to index
      %swap3A_472 = tpu.vector_load %arg8[%swap3A_470, %swap3A_471] {strides = array<i32>} : memref<32x1024xf32, #tpu.memory_space<vmem>>, vector<1x16xf32>,
      %swap3A_473 = vector.shape_cast %swap3A_472 : vector<1x16xf32> to vector<16xf32>
      %swap3A_474 = vector.shape_cast %add3A_468 : vector<16xf32> to vector<1x16xf32>
      tpu.vector_store %arg8[%swap3A_470, %swap3A_471], %swap3A_474 {strides = array<i32>} : memref<32x1024xf32, #tpu.memory_space<vmem>>, vector<1x16xf32>,
      %get3A_475 = arith.constant 38 : i32
      %get3A_476 = arith.index_cast %get3A_475 : i32 to index
      %get3A_477 = arith.index_cast %mul3A_39 : i32 to index
      %get3A_478 = tpu.vector_load %arg7[%get3A_476, %get3A_477] {strides = array<i32>} : memref<64x1024xf32, #tpu.memory_space<vmem>>, vector<1x16xf32>,
      %get3A_479 = vector.shape_cast %get3A_478 : vector<1x16xf32> to vector<16xf32>
      %get3A_480 = arith.constant 39 : i32
      %get3A_481 = arith.index_cast %get3A_480 : i32 to index
      %get3A_482 = arith.index_cast %mul3A_39 : i32 to index
      %get3A_483 = tpu.vector_load %arg7[%get3A_481, %get3A_482] {strides = array<i32>} : memref<64x1024xf32, #tpu.memory_space<vmem>>, vector<1x16xf32>,
      %get3A_484 = vector.shape_cast %get3A_483 : vector<1x16xf32> to vector<16xf32>
      %add3A_485 = arith.addf %get3A_479, %get3A_484 : vector<16xf32>
      %get3A_486 = arith.constant 19 : i32
      %get3A_487 = arith.index_cast %get3A_486 : i32 to index
      %get3A_488 = arith.index_cast %mul3A_39 : i32 to index
      %get3A_489 = tpu.vector_load %arg8[%get3A_487, %get3A_488] {strides = array<i32>} : memref<32x1024xf32, #tpu.memory_space<vmem>>, vector<1x16xf32>,
      %get3A_490 = vector.shape_cast %get3A_489 : vector<1x16xf32> to vector<16xf32>
      %add3A_491 = arith.addf %add3A_485, %get3A_490 : vector<16xf32>
      %swap3A_492 = arith.constant 19 : i32
      %swap3A_493 = arith.index_cast %swap3A_492 : i32 to index
      %swap3A_494 = arith.index_cast %mul3A_39 : i32 to index
      %swap3A_495 = tpu.vector_load %arg8[%swap3A_493, %swap3A_494] {strides = array<i32>} : memref<32x1024xf32, #tpu.memory_space<vmem>>, vector<1x16xf32>,
      %swap3A_496 = vector.shape_cast %swap3A_495 : vector<1x16xf32> to vector<16xf32>
      %swap3A_497 = vector.shape_cast %add3A_491 : vector<16xf32> to vector<1x16xf32>
      tpu.vector_store %arg8[%swap3A_493, %swap3A_494], %swap3A_497 {strides = array<i32>} : memref<32x1024xf32, #tpu.memory_space<vmem>>, vector<1x16xf32>,
      %get3A_498 = arith.constant 40 : i32
      %get3A_499 = arith.index_cast %get3A_498 : i32 to index
      %get3A_500 = arith.index_cast %mul3A_39 : i32 to index
      %get3A_501 = tpu.vector_load %arg7[%get3A_499, %get3A_500] {strides = array<i32>} : memref<64x1024xf32, #tpu.memory_space<vmem>>, vector<1x16xf32>,
      %get3A_502 = vector.shape_cast %get3A_501 : vector<1x16xf32> to vector<16xf32>
      %get3A_503 = arith.constant 41 : i32
      %get3A_504 = arith.index_cast %get3A_503 : i32 to index
      %get3A_505 = arith.index_cast %mul3A_39 : i32 to index
      %get3A_506 = tpu.vector_load %arg7[%get3A_504, %get3A_505] {strides = array<i32>} : memref<64x1024xf32, #tpu.memory_space<vmem>>, vector<1x16xf32>,
      %get3A_507 = vector.shape_cast %get3A_506 : vector<1x16xf32> to vector<16xf32>
      %add3A_508 = arith.addf %get3A_502, %get3A_507 : vector<16xf32>
      %get3A_509 = arith.constant 20 : i32
      %get3A_510 = arith.index_cast %get3A_509 : i32 to index
      %get3A_511 = arith.index_cast %mul3A_39 : i32 to index
      %get3A_512 = tpu.vector_load %arg8[%get3A_510, %get3A_511] {strides = array<i32>} : memref<32x1024xf32, #tpu.memory_space<vmem>>, vector<1x16xf32>,
      %get3A_513 = vector.shape_cast %get3A_512 : vector<1x16xf32> to vector<16xf32>
      %add3A_514 = arith.addf %add3A_508, %get3A_513 : vector<16xf32>
      %swap3A_515 = arith.constant 20 : i32
      %swap3A_516 = arith.index_cast %swap3A_515 : i32 to index
      %swap3A_517 = arith.index_cast %mul3A_39 : i32 to index
      %swap3A_518 = tpu.vector_load %arg8[%swap3A_516, %swap3A_517] {strides = array<i32>} : memref<32x1024xf32, #tpu.memory_space<vmem>>, vector<1x16xf32>,
      %swap3A_519 = vector.shape_cast %swap3A_518 : vector<1x16xf32> to vector<16xf32>
      %swap3A_520 = vector.shape_cast %add3A_514 : vector<16xf32> to vector<1x16xf32>
      tpu.vector_store %arg8[%swap3A_516, %swap3A_517], %swap3A_520 {strides = array<i32>} : memref<32x1024xf32, #tpu.memory_space<vmem>>, vector<1x16xf32>,
      %get3A_521 = arith.constant 42 : i32
      %get3A_522 = arith.index_cast %get3A_521 : i32 to index
      %get3A_523 = arith.index_cast %mul3A_39 : i32 to index
      %get3A_524 = tpu.vector_load %arg7[%get3A_522, %get3A_523] {strides = array<i32>} : memref<64x1024xf32, #tpu.memory_space<vmem>>, vector<1x16xf32>,
      %get3A_525 = vector.shape_cast %get3A_524 : vector<1x16xf32> to vector<16xf32>
      %get3A_526 = arith.constant 43 : i32
      %get3A_527 = arith.index_cast %get3A_526 : i32 to index
      %get3A_528 = arith.index_cast %mul3A_39 : i32 to index
      %get3A_529 = tpu.vector_load %arg7[%get3A_527, %get3A_528] {strides = array<i32>} : memref<64x1024xf32, #tpu.memory_space<vmem>>, vector<1x16xf32>,
      %get3A_530 = vector.shape_cast %get3A_529 : vector<1x16xf32> to vector<16xf32>
      %add3A_531 = arith.addf %get3A_525, %get3A_530 : vector<16xf32>
      %get3A_532 = arith.constant 21 : i32
      %get3A_533 = arith.index_cast %get3A_532 : i32 to index
      %get3A_534 = arith.index_cast %mul3A_39 : i32 to index
      %get3A_535 = tpu.vector_load %arg8[%get3A_533, %get3A_534] {strides = array<i32>} : memref<32x1024xf32, #tpu.memory_space<vmem>>, vector<1x16xf32>,
      %get3A_536 = vector.shape_cast %get3A_535 : vector<1x16xf32> to vector<16xf32>
      %add3A_537 = arith.addf %add3A_531, %get3A_536 : vector<16xf32>
      %swap3A_538 = arith.constant 21 : i32
      %swap3A_539 = arith.index_cast %swap3A_538 : i32 to index
      %swap3A_540 = arith.index_cast %mul3A_39 : i32 to index
      %swap3A_541 = tpu.vector_load %arg8[%swap3A_539, %swap3A_540] {strides = array<i32>} : memref<32x1024xf32, #tpu.memory_space<vmem>>, vector<1x16xf32>,
      %swap3A_542 = vector.shape_cast %swap3A_541 : vector<1x16xf32> to vector<16xf32>
      %swap3A_543 = vector.shape_cast %add3A_537 : vector<16xf32> to vector<1x16xf32>
      tpu.vector_store %arg8[%swap3A_539, %swap3A_540], %swap3A_543 {strides = array<i32>} : memref<32x1024xf32, #tpu.memory_space<vmem>>, vector<1x16xf32>,
      %get3A_544 = arith.constant 44 : i32
      %get3A_545 = arith.index_cast %get3A_544 : i32 to index
      %get3A_546 = arith.index_cast %mul3A_39 : i32 to index
      %get3A_547 = tpu.vector_load %arg7[%get3A_545, %get3A_546] {strides = array<i32>} : memref<64x1024xf32, #tpu.memory_space<vmem>>, vector<1x16xf32>,
      %get3A_548 = vector.shape_cast %get3A_547 : vector<1x16xf32> to vector<16xf32>
      %get3A_549 = arith.constant 45 : i32
      %get3A_550 = arith.index_cast %get3A_549 : i32 to index
      %get3A_551 = arith.index_cast %mul3A_39 : i32 to index
      %get3A_552 = tpu.vector_load %arg7[%get3A_550, %get3A_551] {strides = array<i32>} : memref<64x1024xf32, #tpu.memory_space<vmem>>, vector<1x16xf32>,
      %get3A_553 = vector.shape_cast %get3A_552 : vector<1x16xf32> to vector<16xf32>
      %add3A_554 = arith.addf %get3A_548, %get3A_553 : vector<16xf32>
      %get3A_555 = arith.constant 22 : i32
      %get3A_556 = arith.index_cast %get3A_555 : i32 to index
      %get3A_557 = arith.index_cast %mul3A_39 : i32 to index
      %get3A_558 = tpu.vector_load %arg8[%get3A_556, %get3A_557] {strides = array<i32>} : memref<32x1024xf32, #tpu.memory_space<vmem>>, vector<1x16xf32>,
      %get3A_559 = vector.shape_cast %get3A_558 : vector<1x16xf32> to vector<16xf32>
      %add3A_560 = arith.addf %add3A_554, %get3A_559 : vector<16xf32>
      %swap3A_561 = arith.constant 22 : i32
      %swap3A_562 = arith.index_cast %swap3A_561 : i32 to index
      %swap3A_563 = arith.index_cast %mul3A_39 : i32 to index
      %swap3A_564 = tpu.vector_load %arg8[%swap3A_562, %swap3A_563] {strides = array<i32>} : memref<32x1024xf32, #tpu.memory_space<vmem>>, vector<1x16xf32>,
      %swap3A_565 = vector.shape_cast %swap3A_564 : vector<1x16xf32> to vector<16xf32>
      %swap3A_566 = vector.shape_cast %add3A_560 : vector<16xf32> to vector<1x16xf32>
      tpu.vector_store %arg8[%swap3A_562, %swap3A_563], %swap3A_566 {strides = array<i32>} : memref<32x1024xf32, #tpu.memory_space<vmem>>, vector<1x16xf32>,
      %get3A_567 = arith.constant 46 : i32
      %get3A_568 = arith.index_cast %get3A_567 : i32 to index
      %get3A_569 = arith.index_cast %mul3A_39 : i32 to index
      %get3A_570 = tpu.vector_load %arg7[%get3A_568, %get3A_569] {strides = array<i32>} : memref<64x1024xf32, #tpu.memory_space<vmem>>, vector<1x16xf32>,
      %get3A_571 = vector.shape_cast %get3A_570 : vector<1x16xf32> to vector<16xf32>
      %get3A_572 = arith.constant 47 : i32
      %get3A_573 = arith.index_cast %get3A_572 : i32 to index
      %get3A_574 = arith.index_cast %mul3A_39 : i32 to index
      %get3A_575 = tpu.vector_load %arg7[%get3A_573, %get3A_574] {strides = array<i32>} : memref<64x1024xf32, #tpu.memory_space<vmem>>, vector<1x16xf32>,
      %get3A_576 = vector.shape_cast %get3A_575 : vector<1x16xf32> to vector<16xf32>
      %add3A_577 = arith.addf %get3A_571, %get3A_576 : vector<16xf32>
      %get3A_578 = arith.constant 23 : i32
      %get3A_579 = arith.index_cast %get3A_578 : i32 to index
      %get3A_580 = arith.index_cast %mul3A_39 : i32 to index
      %get3A_581 = tpu.vector_load %arg8[%get3A_579, %get3A_580] {strides = array<i32>} : memref<32x1024xf32, #tpu.memory_space<vmem>>, vector<1x16xf32>,
      %get3A_582 = vector.shape_cast %get3A_581 : vector<1x16xf32> to vector<16xf32>
      %add3A_583 = arith.addf %add3A_577, %get3A_582 : vector<16xf32>
      %swap3A_584 = arith.constant 23 : i32
      %swap3A_585 = arith.index_cast %swap3A_584 : i32 to index
      %swap3A_586 = arith.index_cast %mul3A_39 : i32 to index
      %swap3A_587 = tpu.vector_load %arg8[%swap3A_585, %swap3A_586] {strides = array<i32>} : memref<32x1024xf32, #tpu.memory_space<vmem>>, vector<1x16xf32>,
      %swap3A_588 = vector.shape_cast %swap3A_587 : vector<1x16xf32> to vector<16xf32>
      %swap3A_589 = vector.shape_cast %add3A_583 : vector<16xf32> to vector<1x16xf32>
      tpu.vector_store %arg8[%swap3A_585, %swap3A_586], %swap3A_589 {strides = array<i32>} : memref<32x1024xf32, #tpu.memory_space<vmem>>, vector<1x16xf32>,
      %get3A_590 = arith.constant 48 : i32
      %get3A_591 = arith.index_cast %get3A_590 : i32 to index
      %get3A_592 = arith.index_cast %mul3A_39 : i32 to index
      %get3A_593 = tpu.vector_load %arg7[%get3A_591, %get3A_592] {strides = array<i32>} : memref<64x1024xf32, #tpu.memory_space<vmem>>, vector<1x16xf32>,
      %get3A_594 = vector.shape_cast %get3A_593 : vector<1x16xf32> to vector<16xf32>
      %get3A_595 = arith.constant 49 : i32
      %get3A_596 = arith.index_cast %get3A_595 : i32 to index
      %get3A_597 = arith.index_cast %mul3A_39 : i32 to index
      %get3A_598 = tpu.vector_load %arg7[%get3A_596, %get3A_597] {strides = array<i32>} : memref<64x1024xf32, #tpu.memory_space<vmem>>, vector<1x16xf32>,
      %get3A_599 = vector.shape_cast %get3A_598 : vector<1x16xf32> to vector<16xf32>
      %add3A_600 = arith.addf %get3A_594, %get3A_599 : vector<16xf32>
      %get3A_601 = arith.constant 24 : i32
      %get3A_602 = arith.index_cast %get3A_601 : i32 to index
      %get3A_603 = arith.index_cast %mul3A_39 : i32 to index
      %get3A_604 = tpu.vector_load %arg8[%get3A_602, %get3A_603] {strides = array<i32>} : memref<32x1024xf32, #tpu.memory_space<vmem>>, vector<1x16xf32>,
      %get3A_605 = vector.shape_cast %get3A_604 : vector<1x16xf32> to vector<16xf32>
      %add3A_606 = arith.addf %add3A_600, %get3A_605 : vector<16xf32>
      %swap3A_607 = arith.constant 24 : i32
      %swap3A_608 = arith.index_cast %swap3A_607 : i32 to index
      %swap3A_609 = arith.index_cast %mul3A_39 : i32 to index
      %swap3A_610 = tpu.vector_load %arg8[%swap3A_608, %swap3A_609] {strides = array<i32>} : memref<32x1024xf32, #tpu.memory_space<vmem>>, vector<1x16xf32>,
      %swap3A_611 = vector.shape_cast %swap3A_610 : vector<1x16xf32> to vector<16xf32>
      %swap3A_612 = vector.shape_cast %add3A_606 : vector<16xf32> to vector<1x16xf32>
      tpu.vector_store %arg8[%swap3A_608, %swap3A_609], %swap3A_612 {strides = array<i32>} : memref<32x1024xf32, #tpu.memory_space<vmem>>, vector<1x16xf32>,
      %get3A_613 = arith.constant 50 : i32
      %get3A_614 = arith.index_cast %get3A_613 : i32 to index
      %get3A_615 = arith.index_cast %mul3A_39 : i32 to index
      %get3A_616 = tpu.vector_load %arg7[%get3A_614, %get3A_615] {strides = array<i32>} : memref<64x1024xf32, #tpu.memory_space<vmem>>, vector<1x16xf32>,
      %get3A_617 = vector.shape_cast %get3A_616 : vector<1x16xf32> to vector<16xf32>
      %get3A_618 = arith.constant 51 : i32
      %get3A_619 = arith.index_cast %get3A_618 : i32 to index
      %get3A_620 = arith.index_cast %mul3A_39 : i32 to index
      %get3A_621 = tpu.vector_load %arg7[%get3A_619, %get3A_620] {strides = array<i32>} : memref<64x1024xf32, #tpu.memory_space<vmem>>, vector<1x16xf32>,
      %get3A_622 = vector.shape_cast %get3A_621 : vector<1x16xf32> to vector<16xf32>
      %add3A_623 = arith.addf %get3A_617, %get3A_622 : vector<16xf32>
      %get3A_624 = arith.constant 25 : i32
      %get3A_625 = arith.index_cast %get3A_624 : i32 to index
      %get3A_626 = arith.index_cast %mul3A_39 : i32 to index
      %get3A_627 = tpu.vector_load %arg8[%get3A_625, %get3A_626] {strides = array<i32>} : memref<32x1024xf32, #tpu.memory_space<vmem>>, vector<1x16xf32>,
      %get3A_628 = vector.shape_cast %get3A_627 : vector<1x16xf32> to vector<16xf32>
      %add3A_629 = arith.addf %add3A_623, %get3A_628 : vector<16xf32>
      %swap3A_630 = arith.constant 25 : i32
      %swap3A_631 = arith.index_cast %swap3A_630 : i32 to index
      %swap3A_632 = arith.index_cast %mul3A_39 : i32 to index
      %swap3A_633 = tpu.vector_load %arg8[%swap3A_631, %swap3A_632] {strides = array<i32>} : memref<32x1024xf32, #tpu.memory_space<vmem>>, vector<1x16xf32>,
      %swap3A_634 = vector.shape_cast %swap3A_633 : vector<1x16xf32> to vector<16xf32>
      %swap3A_635 = vector.shape_cast %add3A_629 : vector<16xf32> to vector<1x16xf32>
      tpu.vector_store %arg8[%swap3A_631, %swap3A_632], %swap3A_635 {strides = array<i32>} : memref<32x1024xf32, #tpu.memory_space<vmem>>, vector<1x16xf32>,
      %get3A_636 = arith.constant 52 : i32
      %get3A_637 = arith.index_cast %get3A_636 : i32 to index
      %get3A_638 = arith.index_cast %mul3A_39 : i32 to index
      %get3A_639 = tpu.vector_load %arg7[%get3A_637, %get3A_638] {strides = array<i32>} : memref<64x1024xf32, #tpu.memory_space<vmem>>, vector<1x16xf32>,
      %get3A_640 = vector.shape_cast %get3A_639 : vector<1x16xf32> to vector<16xf32>
      %get3A_641 = arith.constant 53 : i32
      %get3A_642 = arith.index_cast %get3A_641 : i32 to index
      %get3A_643 = arith.index_cast %mul3A_39 : i32 to index
      %get3A_644 = tpu.vector_load %arg7[%get3A_642, %get3A_643] {strides = array<i32>} : memref<64x1024xf32, #tpu.memory_space<vmem>>, vector<1x16xf32>,
      %get3A_645 = vector.shape_cast %get3A_644 : vector<1x16xf32> to vector<16xf32>
      %add3A_646 = arith.addf %get3A_640, %get3A_645 : vector<16xf32>
      %get3A_647 = arith.constant 26 : i32
      %get3A_648 = arith.index_cast %get3A_647 : i32 to index
      %get3A_649 = arith.index_cast %mul3A_39 : i32 to index
      %get3A_650 = tpu.vector_load %arg8[%get3A_648, %get3A_649] {strides = array<i32>} : memref<32x1024xf32, #tpu.memory_space<vmem>>, vector<1x16xf32>,
      %get3A_651 = vector.shape_cast %get3A_650 : vector<1x16xf32> to vector<16xf32>
      %add3A_652 = arith.addf %add3A_646, %get3A_651 : vector<16xf32>
      %swap3A_653 = arith.constant 26 : i32
      %swap3A_654 = arith.index_cast %swap3A_653 : i32 to index
      %swap3A_655 = arith.index_cast %mul3A_39 : i32 to index
      %swap3A_656 = tpu.vector_load %arg8[%swap3A_654, %swap3A_655] {strides = array<i32>} : memref<32x1024xf32, #tpu.memory_space<vmem>>, vector<1x16xf32>,
      %swap3A_657 = vector.shape_cast %swap3A_656 : vector<1x16xf32> to vector<16xf32>
      %swap3A_658 = vector.shape_cast %add3A_652 : vector<16xf32> to vector<1x16xf32>
      tpu.vector_store %arg8[%swap3A_654, %swap3A_655], %swap3A_658 {strides = array<i32>} : memref<32x1024xf32, #tpu.memory_space<vmem>>, vector<1x16xf32>,
      %get3A_659 = arith.constant 54 : i32
      %get3A_660 = arith.index_cast %get3A_659 : i32 to index
      %get3A_661 = arith.index_cast %mul3A_39 : i32 to index
      %get3A_662 = tpu.vector_load %arg7[%get3A_660, %get3A_661] {strides = array<i32>} : memref<64x1024xf32, #tpu.memory_space<vmem>>, vector<1x16xf32>,
      %get3A_663 = vector.shape_cast %get3A_662 : vector<1x16xf32> to vector<16xf32>
      %get3A_664 = arith.constant 55 : i32
      %get3A_665 = arith.index_cast %get3A_664 : i32 to index
      %get3A_666 = arith.index_cast %mul3A_39 : i32 to index
      %get3A_667 = tpu.vector_load %arg7[%get3A_665, %get3A_666] {strides = array<i32>} : memref<64x1024xf32, #tpu.memory_space<vmem>>, vector<1x16xf32>,
      %get3A_668 = vector.shape_cast %get3A_667 : vector<1x16xf32> to vector<16xf32>
      %add3A_669 = arith.addf %get3A_663, %get3A_668 : vector<16xf32>
      %get3A_670 = arith.constant 27 : i32
      %get3A_671 = arith.index_cast %get3A_670 : i32 to index
      %get3A_672 = arith.index_cast %mul3A_39 : i32 to index
      %get3A_673 = tpu.vector_load %arg8[%get3A_671, %get3A_672] {strides = array<i32>} : memref<32x1024xf32, #tpu.memory_space<vmem>>, vector<1x16xf32>,
      %get3A_674 = vector.shape_cast %get3A_673 : vector<1x16xf32> to vector<16xf32>
      %add3A_675 = arith.addf %add3A_669, %get3A_674 : vector<16xf32>
      %swap3A_676 = arith.constant 27 : i32
      %swap3A_677 = arith.index_cast %swap3A_676 : i32 to index
      %swap3A_678 = arith.index_cast %mul3A_39 : i32 to index
      %swap3A_679 = tpu.vector_load %arg8[%swap3A_677, %swap3A_678] {strides = array<i32>} : memref<32x1024xf32, #tpu.memory_space<vmem>>, vector<1x16xf32>,
      %swap3A_680 = vector.shape_cast %swap3A_679 : vector<1x16xf32> to vector<16xf32>
      %swap3A_681 = vector.shape_cast %add3A_675 : vector<16xf32> to vector<1x16xf32>
      tpu.vector_store %arg8[%swap3A_677, %swap3A_678], %swap3A_681 {strides = array<i32>} : memref<32x1024xf32, #tpu.memory_space<vmem>>, vector<1x16xf32>,
      %get3A_682 = arith.constant 56 : i32
      %get3A_683 = arith.index_cast %get3A_682 : i32 to index
      %get3A_684 = arith.index_cast %mul3A_39 : i32 to index
      %get3A_685 = tpu.vector_load %arg7[%get3A_683, %get3A_684] {strides = array<i32>} : memref<64x1024xf32, #tpu.memory_space<vmem>>, vector<1x16xf32>,
      %get3A_686 = vector.shape_cast %get3A_685 : vector<1x16xf32> to vector<16xf32>
      %get3A_687 = arith.constant 57 : i32
      %get3A_688 = arith.index_cast %get3A_687 : i32 to index
      %get3A_689 = arith.index_cast %mul3A_39 : i32 to index
      %get3A_690 = tpu.vector_load %arg7[%get3A_688, %get3A_689] {strides = array<i32>} : memref<64x1024xf32, #tpu.memory_space<vmem>>, vector<1x16xf32>,
      %get3A_691 = vector.shape_cast %get3A_690 : vector<1x16xf32> to vector<16xf32>
      %add3A_692 = arith.addf %get3A_686, %get3A_691 : vector<16xf32>
      %get3A_693 = arith.constant 28 : i32
      %get3A_694 = arith.index_cast %get3A_693 : i32 to index
      %get3A_695 = arith.index_cast %mul3A_39 : i32 to index
      %get3A_696 = tpu.vector_load %arg8[%get3A_694, %get3A_695] {strides = array<i32>} : memref<32x1024xf32, #tpu.memory_space<vmem>>, vector<1x16xf32>,
      %get3A_697 = vector.shape_cast %get3A_696 : vector<1x16xf32> to vector<16xf32>
      %add3A_698 = arith.addf %add3A_692, %get3A_697 : vector<16xf32>
      %swap3A_699 = arith.constant 28 : i32
      %swap3A_700 = arith.index_cast %swap3A_699 : i32 to index
      %swap3A_701 = arith.index_cast %mul3A_39 : i32 to index
      %swap3A_702 = tpu.vector_load %arg8[%swap3A_700, %swap3A_701] {strides = array<i32>} : memref<32x1024xf32, #tpu.memory_space<vmem>>, vector<1x16xf32>,
      %swap3A_703 = vector.shape_cast %swap3A_702 : vector<1x16xf32> to vector<16xf32>
      %swap3A_704 = vector.shape_cast %add3A_698 : vector<16xf32> to vector<1x16xf32>
      tpu.vector_store %arg8[%swap3A_700, %swap3A_701], %swap3A_704 {strides = array<i32>} : memref<32x1024xf32, #tpu.memory_space<vmem>>, vector<1x16xf32>,
      %get3A_705 = arith.constant 58 : i32
      %get3A_706 = arith.index_cast %get3A_705 : i32 to index
      %get3A_707 = arith.index_cast %mul3A_39 : i32 to index
      %get3A_708 = tpu.vector_load %arg7[%get3A_706, %get3A_707] {strides = array<i32>} : memref<64x1024xf32, #tpu.memory_space<vmem>>, vector<1x16xf32>,
      %get3A_709 = vector.shape_cast %get3A_708 : vector<1x16xf32> to vector<16xf32>
      %get3A_710 = arith.constant 59 : i32
      %get3A_711 = arith.index_cast %get3A_710 : i32 to index
      %get3A_712 = arith.index_cast %mul3A_39 : i32 to index
      %get3A_713 = tpu.vector_load %arg7[%get3A_711, %get3A_712] {strides = array<i32>} : memref<64x1024xf32, #tpu.memory_space<vmem>>, vector<1x16xf32>,
      %get3A_714 = vector.shape_cast %get3A_713 : vector<1x16xf32> to vector<16xf32>
      %add3A_715 = arith.addf %get3A_709, %get3A_714 : vector<16xf32>
      %get3A_716 = arith.constant 29 : i32
      %get3A_717 = arith.index_cast %get3A_716 : i32 to index
      %get3A_718 = arith.index_cast %mul3A_39 : i32 to index
      %get3A_719 = tpu.vector_load %arg8[%get3A_717, %get3A_718] {strides = array<i32>} : memref<32x1024xf32, #tpu.memory_space<vmem>>, vector<1x16xf32>,
      %get3A_720 = vector.shape_cast %get3A_719 : vector<1x16xf32> to vector<16xf32>
      %add3A_721 = arith.addf %add3A_715, %get3A_720 : vector<16xf32>
      %swap3A_722 = arith.constant 29 : i32
      %swap3A_723 = arith.index_cast %swap3A_722 : i32 to index
      %swap3A_724 = arith.index_cast %mul3A_39 : i32 to index
      %swap3A_725 = tpu.vector_load %arg8[%swap3A_723, %swap3A_724] {strides = array<i32>} : memref<32x1024xf32, #tpu.memory_space<vmem>>, vector<1x16xf32>,
      %swap3A_726 = vector.shape_cast %swap3A_725 : vector<1x16xf32> to vector<16xf32>
      %swap3A_727 = vector.shape_cast %add3A_721 : vector<16xf32> to vector<1x16xf32>
      tpu.vector_store %arg8[%swap3A_723, %swap3A_724], %swap3A_727 {strides = array<i32>} : memref<32x1024xf32, #tpu.memory_space<vmem>>, vector<1x16xf32>,
      %get3A_728 = arith.constant 60 : i32
      %get3A_729 = arith.index_cast %get3A_728 : i32 to index
      %get3A_730 = arith.index_cast %mul3A_39 : i32 to index
      %get3A_731 = tpu.vector_load %arg7[%get3A_729, %get3A_730] {strides = array<i32>} : memref<64x1024xf32, #tpu.memory_space<vmem>>, vector<1x16xf32>,
      %get3A_732 = vector.shape_cast %get3A_731 : vector<1x16xf32> to vector<16xf32>
      %get3A_733 = arith.constant 61 : i32
      %get3A_734 = arith.index_cast %get3A_733 : i32 to index
      %get3A_735 = arith.index_cast %mul3A_39 : i32 to index
      %get3A_736 = tpu.vector_load %arg7[%get3A_734, %get3A_735] {strides = array<i32>} : memref<64x1024xf32, #tpu.memory_space<vmem>>, vector<1x16xf32>,
      %get3A_737 = vector.shape_cast %get3A_736 : vector<1x16xf32> to vector<16xf32>
      %add3A_738 = arith.addf %get3A_732, %get3A_737 : vector<16xf32>
      %get3A_739 = arith.constant 30 : i32
      %get3A_740 = arith.index_cast %get3A_739 : i32 to index
      %get3A_741 = arith.index_cast %mul3A_39 : i32 to index
      %get3A_742 = tpu.vector_load %arg8[%get3A_740, %get3A_741] {strides = array<i32>} : memref<32x1024xf32, #tpu.memory_space<vmem>>, vector<1x16xf32>,
      %get3A_743 = vector.shape_cast %get3A_742 : vector<1x16xf32> to vector<16xf32>
      %add3A_744 = arith.addf %add3A_738, %get3A_743 : vector<16xf32>
      %swap3A_745 = arith.constant 30 : i32
      %swap3A_746 = arith.index_cast %swap3A_745 : i32 to index
      %swap3A_747 = arith.index_cast %mul3A_39 : i32 to index
      %swap3A_748 = tpu.vector_load %arg8[%swap3A_746, %swap3A_747] {strides = array<i32>} : memref<32x1024xf32, #tpu.memory_space<vmem>>, vector<1x16xf32>,
      %swap3A_749 = vector.shape_cast %swap3A_748 : vector<1x16xf32> to vector<16xf32>
      %swap3A_750 = vector.shape_cast %add3A_744 : vector<16xf32> to vector<1x16xf32>
      tpu.vector_store %arg8[%swap3A_746, %swap3A_747], %swap3A_750 {strides = array<i32>} : memref<32x1024xf32, #tpu.memory_space<vmem>>, vector<1x16xf32>,
      %get3A_751 = arith.constant 62 : i32
      %get3A_752 = arith.index_cast %get3A_751 : i32 to index
      %get3A_753 = arith.index_cast %mul3A_39 : i32 to index
      %get3A_754 = tpu.vector_load %arg7[%get3A_752, %get3A_753] {strides = array<i32>} : memref<64x1024xf32, #tpu.memory_space<vmem>>, vector<1x16xf32>,
      %get3A_755 = vector.shape_cast %get3A_754 : vector<1x16xf32> to vector<16xf32>
      %get3A_756 = arith.constant 63 : i32
      %get3A_757 = arith.index_cast %get3A_756 : i32 to index
      %get3A_758 = arith.index_cast %mul3A_39 : i32 to index
      %get3A_759 = tpu.vector_load %arg7[%get3A_757, %get3A_758] {strides = array<i32>} : memref<64x1024xf32, #tpu.memory_space<vmem>>, vector<1x16xf32>,
      %get3A_760 = vector.shape_cast %get3A_759 : vector<1x16xf32> to vector<16xf32>
      %add3A_761 = arith.addf %get3A_755, %get3A_760 : vector<16xf32>
      %get3A_762 = arith.constant 31 : i32
      %get3A_763 = arith.index_cast %get3A_762 : i32 to index
      %get3A_764 = arith.index_cast %mul3A_39 : i32 to index
      %get3A_765 = tpu.vector_load %arg8[%get3A_763, %get3A_764] {strides = array<i32>} : memref<32x1024xf32, #tpu.memory_space<vmem>>, vector<1x16xf32>,
      %get3A_766 = vector.shape_cast %get3A_765 : vector<1x16xf32> to vector<16xf32>
      %add3A_767 = arith.addf %add3A_761, %get3A_766 : vector<16xf32>
      %swap3A_768 = arith.constant 31 : i32
      %swap3A_769 = arith.index_cast %swap3A_768 : i32 to index
      %swap3A_770 = arith.index_cast %mul3A_39 : i32 to index
      %swap3A_771 = tpu.vector_load %arg8[%swap3A_769, %swap3A_770] {strides = array<i32>} : memref<32x1024xf32, #tpu.memory_space<vmem>>, vector<1x16xf32>,
      %swap3A_772 = vector.shape_cast %swap3A_771 : vector<1x16xf32> to vector<16xf32>
      %swap3A_773 = vector.shape_cast %add3A_767 : vector<16xf32> to vector<1x16xf32>
      tpu.vector_store %arg8[%swap3A_769, %swap3A_770], %swap3A_773 {strides = array<i32>} : memref<32x1024xf32, #tpu.memory_space<vmem>>, vector<1x16xf32>,
      %scan3A_774 = arith.constant 0 : i32
      scf.yield %scan3A_774 : i32
    }
    %scan3A_35 = arith.constant 64 : i32
    "tpu.region"() ({
      %run_scoped3A = tpu.sem_alloc : memref<!tpu.dma_semaphore, #tpu.memory_space<semaphore_mem>>
      %dma_start3A_36 = arith.constant 0 : i32
      %dma_start3A_37 = tpu.memref_slice %arg5[%add3A_20, %dma_start3A_36] : memref<2048x1024xf32, #tpu.memory_space<hbm>> -> memref<32x1024xf32, #tpu.memory_space<hbm>>
      %dma_start3A_38 = arith.constant 0 : i32
      %dma_start3A_39 = tpu.memref_slice %arg5[%add3A_20, %dma_start3A_38] : memref<2048x1024xf32, #tpu.memory_space<hbm>> -> memref<32x1024xf32, #tpu.memory_space<hbm>>
      tpu.enqueue_dma source(%arg8 : memref<32x1024xf32, #tpu.memory_space<vmem>>) target(%dma_start3A_39 : memref<32x1024xf32, #tpu.memory_space<hbm>>) target_semaphore(%run_scoped3A : memref<!tpu.dma_semaphore, #tpu.memory_space<semaphore_mem>>)
      %dma_wait3A_40 = arith.constant 0 : i32
      %dma_wait3A_41 = tpu.memref_slice %arg5[%add3A_20, %dma_wait3A_40] : memref<2048x1024xf32, #tpu.memory_space<hbm>> -> memref<32x1024xf32, #tpu.memory_space<hbm>>
      %dma_wait3A_42 = arith.constant 0 : i32
      %dma_wait3A_43 = tpu.memref_slice %arg5[%add3A_20, %dma_wait3A_42] : memref<2048x1024xf32, #tpu.memory_space<hbm>> -> memref<32x1024xf32, #tpu.memory_space<hbm>>
      tpu.wait_dma2 semaphore(%run_scoped3A : memref<!tpu.dma_semaphore, #tpu.memory_space<semaphore_mem>>) src(%arg8 : memref<32x1024xf32, #tpu.memory_space<vmem>>) dst(%dma_wait3A_43 : memref<32x1024xf32, #tpu.memory_space<hbm>>)
      tpu.yield
    }) : () -> ()
    return
  }
}

#map = affine_map<(d0, d1) -> (0, 0)>
#map1 = affine_map<(d0, d1) -> (0)>
#map2 = affine_map<(d0, d1) -> (0, 0, 0)>
module attributes {stable_mosaic.version = 14 : i64} {
  func.func @_sc_dispatch_kernel(%arg0: i32, %arg1: i32, %arg2: memref<2048x1024xf32, #tpu.memory_space<hbm>>, %arg3: memref<4096xi32, #tpu.memory_space<hbm>>, %arg4: memref<32x4x32xi32, #tpu.memory_space<hbm>>, %arg5: memref<4096x1024xf32, #tpu.memory_space<hbm>>, %arg6: memref<128xi32, #tpu.memory_space<vmem>>, %arg7: memref<4x32xi32, #tpu.memory_space<vmem>>, %arg8: memref<2x32x1024xf32, #tpu.memory_space<vmem>>, %arg9: memref<!tpu.dma_semaphore, #tpu.memory_space<semaphore_mem>>, %arg10: memref<!tpu.dma_semaphore, #tpu.memory_space<semaphore_mem>>) attributes {dimension_semantics = [#tpu.dimension_semantics<core_parallel>, #tpu.dimension_semantics<subcore_parallel>], iteration_bounds = array<i64: 2, 16>, scalar_prefetch = 0 : i64, scratch_operands = 5 : i64, tpu.core_type = #tpu.core_type<sc_vector_subcore>, window_params = [{transform_indices = #map}, {transform_indices = #map1}, {transform_indices = #map2}, {transform_indices = #map}]} {
    %mul3A = arith.constant 2 : i32
    %mul3A_0 = arith.muli %arg1, %mul3A : i32
    %add3A = arith.addi %mul3A_0, %arg0 : i32
    %mul3A_1 = arith.constant 128 : i32
    %mul3A_2 = arith.muli %add3A, %mul3A_1 : i32
    "tpu.region"() ({
      %run_scoped3A = tpu.sem_alloc : memref<!tpu.dma_semaphore, #tpu.memory_space<semaphore_mem>>
      %dma_start3A_177 = tpu.memref_slice %arg3[%mul3A_2] : memref<4096xi32, #tpu.memory_space<hbm>> -> memref<128xi32, #tpu.memory_space<hbm>>
      %dma_start3A_178 = tpu.memref_slice %arg3[%mul3A_2] : memref<4096xi32, #tpu.memory_space<hbm>> -> memref<128xi32, #tpu.memory_space<hbm>>
      tpu.enqueue_dma source(%dma_start3A_178 : memref<128xi32, #tpu.memory_space<hbm>>) target(%arg6 : memref<128xi32, #tpu.memory_space<vmem>>) target_semaphore(%run_scoped3A : memref<!tpu.dma_semaphore, #tpu.memory_space<semaphore_mem>>)
      %dma_wait3A_179 = tpu.memref_slice %arg3[%mul3A_2] : memref<4096xi32, #tpu.memory_space<hbm>> -> memref<128xi32, #tpu.memory_space<hbm>>
      %dma_wait3A_180 = tpu.memref_slice %arg3[%mul3A_2] : memref<4096xi32, #tpu.memory_space<hbm>> -> memref<128xi32, #tpu.memory_space<hbm>>
      tpu.wait_dma2 semaphore(%run_scoped3A : memref<!tpu.dma_semaphore, #tpu.memory_space<semaphore_mem>>) src(%dma_wait3A_180 : memref<128xi32, #tpu.memory_space<hbm>>) dst(%arg6 : memref<128xi32, #tpu.memory_space<vmem>>)
      tpu.yield
    }) : () -> ()
    "tpu.region"() ({
      %run_scoped3A = tpu.sem_alloc : memref<!tpu.dma_semaphore, #tpu.memory_space<semaphore_mem>>
      %dma_start3A_177 = arith.constant 0 : i32
      %dma_start3A_178 = arith.constant 0 : i32
      %dma_start3A_179 = tpu.memref_slice %arg4[%add3A, %dma_start3A_177, %dma_start3A_178] : memref<32x4x32xi32, #tpu.memory_space<hbm>> -> memref<1x4x32xi32, #tpu.memory_space<hbm>>
      %dma_start3A_180 = tpu.memref_squeeze %dma_start3A_179 : memref<1x4x32xi32, #tpu.memory_space<hbm>> -> memref<4x32xi32, #tpu.memory_space<hbm>>
      %dma_start3A_181 = arith.constant 0 : i32
      %dma_start3A_182 = arith.constant 0 : i32
      %dma_start3A_183 = tpu.memref_slice %arg4[%add3A, %dma_start3A_181, %dma_start3A_182] : memref<32x4x32xi32, #tpu.memory_space<hbm>> -> memref<1x4x32xi32, #tpu.memory_space<hbm>>
      %dma_start3A_184 = tpu.memref_squeeze %dma_start3A_183 : memref<1x4x32xi32, #tpu.memory_space<hbm>> -> memref<4x32xi32, #tpu.memory_space<hbm>>
      tpu.enqueue_dma source(%dma_start3A_184 : memref<4x32xi32, #tpu.memory_space<hbm>>) target(%arg7 : memref<4x32xi32, #tpu.memory_space<vmem>>) target_semaphore(%run_scoped3A : memref<!tpu.dma_semaphore, #tpu.memory_space<semaphore_mem>>)
      %dma_wait3A_185 = arith.constant 0 : i32
      %dma_wait3A_186 = arith.constant 0 : i32
      %dma_wait3A_187 = tpu.memref_slice %arg4[%add3A, %dma_wait3A_185, %dma_wait3A_186] : memref<32x4x32xi32, #tpu.memory_space<hbm>> -> memref<1x4x32xi32, #tpu.memory_space<hbm>>
      %dma_wait3A_188 = tpu.memref_squeeze %dma_wait3A_187 : memref<1x4x32xi32, #tpu.memory_space<hbm>> -> memref<4x32xi32, #tpu.memory_space<hbm>>
      %dma_wait3A_189 = arith.constant 0 : i32
      %dma_wait3A_190 = arith.constant 0 : i32
      %dma_wait3A_191 = tpu.memref_slice %arg4[%add3A, %dma_wait3A_189, %dma_wait3A_190] : memref<32x4x32xi32, #tpu.memory_space<hbm>> -> memref<1x4x32xi32, #tpu.memory_space<hbm>>
      %dma_wait3A_192 = tpu.memref_squeeze %dma_wait3A_191 : memref<1x4x32xi32, #tpu.memory_space<hbm>> -> memref<4x32xi32, #tpu.memory_space<hbm>>
      tpu.wait_dma2 semaphore(%run_scoped3A : memref<!tpu.dma_semaphore, #tpu.memory_space<semaphore_mem>>) src(%dma_wait3A_192 : memref<4x32xi32, #tpu.memory_space<hbm>>) dst(%arg7 : memref<4x32xi32, #tpu.memory_space<vmem>>)
      tpu.yield
    }) : () -> ()
    %dma_start3A = arith.constant 0 : i32
    %dma_start3A_3 = arith.constant 0 : i32
    %dma_start3A_4 = arith.constant 0 : i32
    %dma_start3A_5 = tpu.memref_slice %arg8[%dma_start3A, %dma_start3A_3, %dma_start3A_4] : memref<2x32x1024xf32, #tpu.memory_space<vmem>> -> memref<1x32x1024xf32, #tpu.memory_space<vmem>>
    %dma_start3A_6 = tpu.memref_squeeze %dma_start3A_5 : memref<1x32x1024xf32, #tpu.memory_space<vmem>> -> memref<32x1024xf32, #tpu.memory_space<vmem>>
    %dma_start3A_7 = arith.constant 0 : i32
    %dma_start3A_8 = tpu.memref_slice %arg6[%dma_start3A_7] : memref<128xi32, #tpu.memory_space<vmem>> -> memref<32xi32, #tpu.memory_space<vmem>>
    %dma_start3A_9 = arith.constant 0 : i32
    %dma_start3A_10 = arith.constant 0 : i32
    %dma_start3A_11 = tpu.memref_slice %arg2[%dma_start3A_9, %dma_start3A_10] : memref<2048x1024xf32, #tpu.memory_space<hbm>> -> memref<2048x1024xf32, #tpu.memory_space<hbm>>
    tpu.enqueue_indirect_dma source(%dma_start3A_11 : memref<2048x1024xf32, #tpu.memory_space<hbm>>) target(%dma_start3A_6 : memref<32x1024xf32, #tpu.memory_space<vmem>>) offsets(%dma_start3A_8 : memref<32xi32, #tpu.memory_space<vmem>>) semaphore(%arg9 : memref<!tpu.dma_semaphore, #tpu.memory_space<semaphore_mem>>)
    %dma_wait3A = arith.constant 0 : i32
    %dma_wait3A_12 = arith.constant 0 : i32
    %dma_wait3A_13 = arith.constant 0 : i32
    %dma_wait3A_14 = tpu.memref_slice %arg8[%dma_wait3A, %dma_wait3A_12, %dma_wait3A_13] : memref<2x32x1024xf32, #tpu.memory_space<vmem>> -> memref<1x32x1024xf32, #tpu.memory_space<vmem>>
    %dma_wait3A_15 = tpu.memref_squeeze %dma_wait3A_14 : memref<1x32x1024xf32, #tpu.memory_space<vmem>> -> memref<32x1024xf32, #tpu.memory_space<vmem>>
    %dma_wait3A_16 = arith.constant 0 : i32
    %dma_wait3A_17 = tpu.memref_slice %arg6[%dma_wait3A_16] : memref<128xi32, #tpu.memory_space<vmem>> -> memref<32xi32, #tpu.memory_space<vmem>>
    %dma_wait3A_18 = arith.constant 0 : i32
    %dma_wait3A_19 = arith.constant 0 : i32
    %dma_wait3A_20 = tpu.memref_slice %arg2[%dma_wait3A_18, %dma_wait3A_19] : memref<2048x1024xf32, #tpu.memory_space<hbm>> -> memref<2048x1024xf32, #tpu.memory_space<hbm>>
    tpu.wait_indirect_dma semaphore(%arg9 : memref<!tpu.dma_semaphore, #tpu.memory_space<semaphore_mem>>) src(%dma_wait3A_20 : memref<2048x1024xf32, #tpu.memory_space<hbm>>) dst(%dma_wait3A_15 : memref<32x1024xf32, #tpu.memory_space<vmem>>)
    %dma_start3A_21 = arith.constant 0 : i32
    %dma_start3A_22 = arith.constant 0 : i32
    %dma_start3A_23 = arith.constant 0 : i32
    %dma_start3A_24 = arith.constant 0 : i32
    %dma_start3A_25 = tpu.memref_slice %arg8[%dma_start3A_21, %dma_start3A_23, %dma_start3A_24] : memref<2x32x1024xf32, #tpu.memory_space<vmem>> -> memref<1x32x1024xf32, #tpu.memory_space<vmem>>
    %dma_start3A_26 = tpu.memref_squeeze %dma_start3A_25 : memref<1x32x1024xf32, #tpu.memory_space<vmem>> -> memref<32x1024xf32, #tpu.memory_space<vmem>>
    %dma_start3A_27 = arith.constant 0 : i32
    %dma_start3A_28 = tpu.memref_slice %arg7[%dma_start3A_22, %dma_start3A_27] : memref<4x32xi32, #tpu.memory_space<vmem>> -> memref<1x32xi32, #tpu.memory_space<vmem>>
    %dma_start3A_29 = tpu.memref_squeeze %dma_start3A_28 : memref<1x32xi32, #tpu.memory_space<vmem>> -> memref<32xi32, #tpu.memory_space<vmem>>
    %dma_start3A_30 = arith.constant 0 : i32
    %dma_start3A_31 = arith.constant 0 : i32
    %dma_start3A_32 = tpu.memref_slice %arg5[%dma_start3A_30, %dma_start3A_31] : memref<4096x1024xf32, #tpu.memory_space<hbm>> -> memref<4096x1024xf32, #tpu.memory_space<hbm>>
    tpu.enqueue_indirect_dma source(%dma_start3A_26 : memref<32x1024xf32, #tpu.memory_space<vmem>>) target(%dma_start3A_32 : memref<4096x1024xf32, #tpu.memory_space<hbm>>) offsets(%dma_start3A_29 : memref<32xi32, #tpu.memory_space<vmem>>) semaphore(%arg10 : memref<!tpu.dma_semaphore, #tpu.memory_space<semaphore_mem>>)
    %dma_start3A_33 = arith.constant 1 : i32
    %dma_start3A_34 = arith.constant 0 : i32
    %dma_start3A_35 = arith.constant 0 : i32
    %dma_start3A_36 = tpu.memref_slice %arg8[%dma_start3A_33, %dma_start3A_34, %dma_start3A_35] : memref<2x32x1024xf32, #tpu.memory_space<vmem>> -> memref<1x32x1024xf32, #tpu.memory_space<vmem>>
    %dma_start3A_37 = tpu.memref_squeeze %dma_start3A_36 : memref<1x32x1024xf32, #tpu.memory_space<vmem>> -> memref<32x1024xf32, #tpu.memory_space<vmem>>
    %dma_start3A_38 = arith.constant 32 : i32
    %dma_start3A_39 = tpu.memref_slice %arg6[%dma_start3A_38] : memref<128xi32, #tpu.memory_space<vmem>> -> memref<32xi32, #tpu.memory_space<vmem>>
    %dma_start3A_40 = arith.constant 0 : i32
    %dma_start3A_41 = arith.constant 0 : i32
    %dma_start3A_42 = tpu.memref_slice %arg2[%dma_start3A_40, %dma_start3A_41] : memref<2048x1024xf32, #tpu.memory_space<hbm>> -> memref<2048x1024xf32, #tpu.memory_space<hbm>>
    tpu.enqueue_indirect_dma source(%dma_start3A_42 : memref<2048x1024xf32, #tpu.memory_space<hbm>>) target(%dma_start3A_37 : memref<32x1024xf32, #tpu.memory_space<vmem>>) offsets(%dma_start3A_39 : memref<32xi32, #tpu.memory_space<vmem>>) semaphore(%arg9 : memref<!tpu.dma_semaphore, #tpu.memory_space<semaphore_mem>>)
    %dma_wait3A_43 = arith.constant 1 : i32
    %dma_wait3A_44 = arith.constant 0 : i32
    %dma_wait3A_45 = arith.constant 0 : i32
    %dma_wait3A_46 = tpu.memref_slice %arg8[%dma_wait3A_43, %dma_wait3A_44, %dma_wait3A_45] : memref<2x32x1024xf32, #tpu.memory_space<vmem>> -> memref<1x32x1024xf32, #tpu.memory_space<vmem>>
    %dma_wait3A_47 = tpu.memref_squeeze %dma_wait3A_46 : memref<1x32x1024xf32, #tpu.memory_space<vmem>> -> memref<32x1024xf32, #tpu.memory_space<vmem>>
    %dma_wait3A_48 = arith.constant 32 : i32
    %dma_wait3A_49 = tpu.memref_slice %arg6[%dma_wait3A_48] : memref<128xi32, #tpu.memory_space<vmem>> -> memref<32xi32, #tpu.memory_space<vmem>>
    %dma_wait3A_50 = arith.constant 0 : i32
    %dma_wait3A_51 = arith.constant 0 : i32
    %dma_wait3A_52 = tpu.memref_slice %arg2[%dma_wait3A_50, %dma_wait3A_51] : memref<2048x1024xf32, #tpu.memory_space<hbm>> -> memref<2048x1024xf32, #tpu.memory_space<hbm>>
    tpu.wait_indirect_dma semaphore(%arg9 : memref<!tpu.dma_semaphore, #tpu.memory_space<semaphore_mem>>) src(%dma_wait3A_52 : memref<2048x1024xf32, #tpu.memory_space<hbm>>) dst(%dma_wait3A_47 : memref<32x1024xf32, #tpu.memory_space<vmem>>)
    %dma_start3A_53 = arith.constant 1 : i32
    %dma_start3A_54 = arith.constant 1 : i32
    %dma_start3A_55 = arith.constant 0 : i32
    %dma_start3A_56 = arith.constant 0 : i32
    %dma_start3A_57 = tpu.memref_slice %arg8[%dma_start3A_53, %dma_start3A_55, %dma_start3A_56] : memref<2x32x1024xf32, #tpu.memory_space<vmem>> -> memref<1x32x1024xf32, #tpu.memory_space<vmem>>
    %dma_start3A_58 = tpu.memref_squeeze %dma_start3A_57 : memref<1x32x1024xf32, #tpu.memory_space<vmem>> -> memref<32x1024xf32, #tpu.memory_space<vmem>>
    %dma_start3A_59 = arith.constant 0 : i32
    %dma_start3A_60 = tpu.memref_slice %arg7[%dma_start3A_54, %dma_start3A_59] : memref<4x32xi32, #tpu.memory_space<vmem>> -> memref<1x32xi32, #tpu.memory_space<vmem>>
    %dma_start3A_61 = tpu.memref_squeeze %dma_start3A_60 : memref<1x32xi32, #tpu.memory_space<vmem>> -> memref<32xi32, #tpu.memory_space<vmem>>
    %dma_start3A_62 = arith.constant 0 : i32
    %dma_start3A_63 = arith.constant 0 : i32
    %dma_start3A_64 = tpu.memref_slice %arg5[%dma_start3A_62, %dma_start3A_63] : memref<4096x1024xf32, #tpu.memory_space<hbm>> -> memref<4096x1024xf32, #tpu.memory_space<hbm>>
    tpu.enqueue_indirect_dma source(%dma_start3A_58 : memref<32x1024xf32, #tpu.memory_space<vmem>>) target(%dma_start3A_64 : memref<4096x1024xf32, #tpu.memory_space<hbm>>) offsets(%dma_start3A_61 : memref<32xi32, #tpu.memory_space<vmem>>) semaphore(%arg10 : memref<!tpu.dma_semaphore, #tpu.memory_space<semaphore_mem>>)
    %dma_wait3A_65 = arith.constant 0 : i32
    %dma_wait3A_66 = arith.constant 0 : i32
    %dma_wait3A_67 = arith.constant 0 : i32
    %dma_wait3A_68 = arith.constant 0 : i32
    %dma_wait3A_69 = tpu.memref_slice %arg8[%dma_wait3A_65, %dma_wait3A_67, %dma_wait3A_68] : memref<2x32x1024xf32, #tpu.memory_space<vmem>> -> memref<1x32x1024xf32, #tpu.memory_space<vmem>>
    %dma_wait3A_70 = tpu.memref_squeeze %dma_wait3A_69 : memref<1x32x1024xf32, #tpu.memory_space<vmem>> -> memref<32x1024xf32, #tpu.memory_space<vmem>>
    %dma_wait3A_71 = arith.constant 0 : i32
    %dma_wait3A_72 = tpu.memref_slice %arg7[%dma_wait3A_66, %dma_wait3A_71] : memref<4x32xi32, #tpu.memory_space<vmem>> -> memref<1x32xi32, #tpu.memory_space<vmem>>
    %dma_wait3A_73 = tpu.memref_squeeze %dma_wait3A_72 : memref<1x32xi32, #tpu.memory_space<vmem>> -> memref<32xi32, #tpu.memory_space<vmem>>
    %dma_wait3A_74 = arith.constant 0 : i32
    %dma_wait3A_75 = arith.constant 0 : i32
    %dma_wait3A_76 = tpu.memref_slice %arg5[%dma_wait3A_74, %dma_wait3A_75] : memref<4096x1024xf32, #tpu.memory_space<hbm>> -> memref<4096x1024xf32, #tpu.memory_space<hbm>>
    tpu.wait_indirect_dma semaphore(%arg10 : memref<!tpu.dma_semaphore, #tpu.memory_space<semaphore_mem>>) src(%dma_wait3A_70 : memref<32x1024xf32, #tpu.memory_space<vmem>>) dst(%dma_wait3A_76 : memref<4096x1024xf32, #tpu.memory_space<hbm>>)
    %dma_start3A_77 = arith.constant 0 : i32
    %dma_start3A_78 = arith.constant 0 : i32
    %dma_start3A_79 = arith.constant 0 : i32
    %dma_start3A_80 = tpu.memref_slice %arg8[%dma_start3A_77, %dma_start3A_78, %dma_start3A_79] : memref<2x32x1024xf32, #tpu.memory_space<vmem>> -> memref<1x32x1024xf32, #tpu.memory_space<vmem>>
    %dma_start3A_81 = tpu.memref_squeeze %dma_start3A_80 : memref<1x32x1024xf32, #tpu.memory_space<vmem>> -> memref<32x1024xf32, #tpu.memory_space<vmem>>
    %dma_start3A_82 = arith.constant 64 : i32
    %dma_start3A_83 = tpu.memref_slice %arg6[%dma_start3A_82] : memref<128xi32, #tpu.memory_space<vmem>> -> memref<32xi32, #tpu.memory_space<vmem>>
    %dma_start3A_84 = arith.constant 0 : i32
    %dma_start3A_85 = arith.constant 0 : i32
    %dma_start3A_86 = tpu.memref_slice %arg2[%dma_start3A_84, %dma_start3A_85] : memref<2048x1024xf32, #tpu.memory_space<hbm>> -> memref<2048x1024xf32, #tpu.memory_space<hbm>>
    tpu.enqueue_indirect_dma source(%dma_start3A_86 : memref<2048x1024xf32, #tpu.memory_space<hbm>>) target(%dma_start3A_81 : memref<32x1024xf32, #tpu.memory_space<vmem>>) offsets(%dma_start3A_83 : memref<32xi32, #tpu.memory_space<vmem>>) semaphore(%arg9 : memref<!tpu.dma_semaphore, #tpu.memory_space<semaphore_mem>>)
    %dma_wait3A_87 = arith.constant 0 : i32
    %dma_wait3A_88 = arith.constant 0 : i32
    %dma_wait3A_89 = arith.constant 0 : i32
    %dma_wait3A_90 = tpu.memref_slice %arg8[%dma_wait3A_87, %dma_wait3A_88, %dma_wait3A_89] : memref<2x32x1024xf32, #tpu.memory_space<vmem>> -> memref<1x32x1024xf32, #tpu.memory_space<vmem>>
    %dma_wait3A_91 = tpu.memref_squeeze %dma_wait3A_90 : memref<1x32x1024xf32, #tpu.memory_space<vmem>> -> memref<32x1024xf32, #tpu.memory_space<vmem>>
    %dma_wait3A_92 = arith.constant 64 : i32
    %dma_wait3A_93 = tpu.memref_slice %arg6[%dma_wait3A_92] : memref<128xi32, #tpu.memory_space<vmem>> -> memref<32xi32, #tpu.memory_space<vmem>>
    %dma_wait3A_94 = arith.constant 0 : i32
    %dma_wait3A_95 = arith.constant 0 : i32
    %dma_wait3A_96 = tpu.memref_slice %arg2[%dma_wait3A_94, %dma_wait3A_95] : memref<2048x1024xf32, #tpu.memory_space<hbm>> -> memref<2048x1024xf32, #tpu.memory_space<hbm>>
    tpu.wait_indirect_dma semaphore(%arg9 : memref<!tpu.dma_semaphore, #tpu.memory_space<semaphore_mem>>) src(%dma_wait3A_96 : memref<2048x1024xf32, #tpu.memory_space<hbm>>) dst(%dma_wait3A_91 : memref<32x1024xf32, #tpu.memory_space<vmem>>)
    %dma_start3A_97 = arith.constant 0 : i32
    %dma_start3A_98 = arith.constant 2 : i32
    %dma_start3A_99 = arith.constant 0 : i32
    %dma_start3A_100 = arith.constant 0 : i32
    %dma_start3A_101 = tpu.memref_slice %arg8[%dma_start3A_97, %dma_start3A_99, %dma_start3A_100] : memref<2x32x1024xf32, #tpu.memory_space<vmem>> -> memref<1x32x1024xf32, #tpu.memory_space<vmem>>
    %dma_start3A_102 = tpu.memref_squeeze %dma_start3A_101 : memref<1x32x1024xf32, #tpu.memory_space<vmem>> -> memref<32x1024xf32, #tpu.memory_space<vmem>>
    %dma_start3A_103 = arith.constant 0 : i32
    %dma_start3A_104 = tpu.memref_slice %arg7[%dma_start3A_98, %dma_start3A_103] : memref<4x32xi32, #tpu.memory_space<vmem>> -> memref<1x32xi32, #tpu.memory_space<vmem>>
    %dma_start3A_105 = tpu.memref_squeeze %dma_start3A_104 : memref<1x32xi32, #tpu.memory_space<vmem>> -> memref<32xi32, #tpu.memory_space<vmem>>
    %dma_start3A_106 = arith.constant 0 : i32
    %dma_start3A_107 = arith.constant 0 : i32
    %dma_start3A_108 = tpu.memref_slice %arg5[%dma_start3A_106, %dma_start3A_107] : memref<4096x1024xf32, #tpu.memory_space<hbm>> -> memref<4096x1024xf32, #tpu.memory_space<hbm>>
    tpu.enqueue_indirect_dma source(%dma_start3A_102 : memref<32x1024xf32, #tpu.memory_space<vmem>>) target(%dma_start3A_108 : memref<4096x1024xf32, #tpu.memory_space<hbm>>) offsets(%dma_start3A_105 : memref<32xi32, #tpu.memory_space<vmem>>) semaphore(%arg10 : memref<!tpu.dma_semaphore, #tpu.memory_space<semaphore_mem>>)
    %dma_wait3A_109 = arith.constant 1 : i32
    %dma_wait3A_110 = arith.constant 1 : i32
    %dma_wait3A_111 = arith.constant 0 : i32
    %dma_wait3A_112 = arith.constant 0 : i32
    %dma_wait3A_113 = tpu.memref_slice %arg8[%dma_wait3A_109, %dma_wait3A_111, %dma_wait3A_112] : memref<2x32x1024xf32, #tpu.memory_space<vmem>> -> memref<1x32x1024xf32, #tpu.memory_space<vmem>>
    %dma_wait3A_114 = tpu.memref_squeeze %dma_wait3A_113 : memref<1x32x1024xf32, #tpu.memory_space<vmem>> -> memref<32x1024xf32, #tpu.memory_space<vmem>>
    %dma_wait3A_115 = arith.constant 0 : i32
    %dma_wait3A_116 = tpu.memref_slice %arg7[%dma_wait3A_110, %dma_wait3A_115] : memref<4x32xi32, #tpu.memory_space<vmem>> -> memref<1x32xi32, #tpu.memory_space<vmem>>
    %dma_wait3A_117 = tpu.memref_squeeze %dma_wait3A_116 : memref<1x32xi32, #tpu.memory_space<vmem>> -> memref<32xi32, #tpu.memory_space<vmem>>
    %dma_wait3A_118 = arith.constant 0 : i32
    %dma_wait3A_119 = arith.constant 0 : i32
    %dma_wait3A_120 = tpu.memref_slice %arg5[%dma_wait3A_118, %dma_wait3A_119] : memref<4096x1024xf32, #tpu.memory_space<hbm>> -> memref<4096x1024xf32, #tpu.memory_space<hbm>>
    tpu.wait_indirect_dma semaphore(%arg10 : memref<!tpu.dma_semaphore, #tpu.memory_space<semaphore_mem>>) src(%dma_wait3A_114 : memref<32x1024xf32, #tpu.memory_space<vmem>>) dst(%dma_wait3A_120 : memref<4096x1024xf32, #tpu.memory_space<hbm>>)
    %dma_start3A_121 = arith.constant 1 : i32
    %dma_start3A_122 = arith.constant 0 : i32
    %dma_start3A_123 = arith.constant 0 : i32
    %dma_start3A_124 = tpu.memref_slice %arg8[%dma_start3A_121, %dma_start3A_122, %dma_start3A_123] : memref<2x32x1024xf32, #tpu.memory_space<vmem>> -> memref<1x32x1024xf32, #tpu.memory_space<vmem>>
    %dma_start3A_125 = tpu.memref_squeeze %dma_start3A_124 : memref<1x32x1024xf32, #tpu.memory_space<vmem>> -> memref<32x1024xf32, #tpu.memory_space<vmem>>
    %dma_start3A_126 = arith.constant 96 : i32
    %dma_start3A_127 = tpu.memref_slice %arg6[%dma_start3A_126] : memref<128xi32, #tpu.memory_space<vmem>> -> memref<32xi32, #tpu.memory_space<vmem>>
    %dma_start3A_128 = arith.constant 0 : i32
    %dma_start3A_129 = arith.constant 0 : i32
    %dma_start3A_130 = tpu.memref_slice %arg2[%dma_start3A_128, %dma_start3A_129] : memref<2048x1024xf32, #tpu.memory_space<hbm>> -> memref<2048x1024xf32, #tpu.memory_space<hbm>>
    tpu.enqueue_indirect_dma source(%dma_start3A_130 : memref<2048x1024xf32, #tpu.memory_space<hbm>>) target(%dma_start3A_125 : memref<32x1024xf32, #tpu.memory_space<vmem>>) offsets(%dma_start3A_127 : memref<32xi32, #tpu.memory_space<vmem>>) semaphore(%arg9 : memref<!tpu.dma_semaphore, #tpu.memory_space<semaphore_mem>>)
    %dma_wait3A_131 = arith.constant 1 : i32
    %dma_wait3A_132 = arith.constant 0 : i32
    %dma_wait3A_133 = arith.constant 0 : i32
    %dma_wait3A_134 = tpu.memref_slice %arg8[%dma_wait3A_131, %dma_wait3A_132, %dma_wait3A_133] : memref<2x32x1024xf32, #tpu.memory_space<vmem>> -> memref<1x32x1024xf32, #tpu.memory_space<vmem>>
    %dma_wait3A_135 = tpu.memref_squeeze %dma_wait3A_134 : memref<1x32x1024xf32, #tpu.memory_space<vmem>> -> memref<32x1024xf32, #tpu.memory_space<vmem>>
    %dma_wait3A_136 = arith.constant 96 : i32
    %dma_wait3A_137 = tpu.memref_slice %arg6[%dma_wait3A_136] : memref<128xi32, #tpu.memory_space<vmem>> -> memref<32xi32, #tpu.memory_space<vmem>>
    %dma_wait3A_138 = arith.constant 0 : i32
    %dma_wait3A_139 = arith.constant 0 : i32
    %dma_wait3A_140 = tpu.memref_slice %arg2[%dma_wait3A_138, %dma_wait3A_139] : memref<2048x1024xf32, #tpu.memory_space<hbm>> -> memref<2048x1024xf32, #tpu.memory_space<hbm>>
    tpu.wait_indirect_dma semaphore(%arg9 : memref<!tpu.dma_semaphore, #tpu.memory_space<semaphore_mem>>) src(%dma_wait3A_140 : memref<2048x1024xf32, #tpu.memory_space<hbm>>) dst(%dma_wait3A_135 : memref<32x1024xf32, #tpu.memory_space<vmem>>)
    %dma_start3A_141 = arith.constant 1 : i32
    %dma_start3A_142 = arith.constant 3 : i32
    %dma_start3A_143 = arith.constant 0 : i32
    %dma_start3A_144 = arith.constant 0 : i32
    %dma_start3A_145 = tpu.memref_slice %arg8[%dma_start3A_141, %dma_start3A_143, %dma_start3A_144] : memref<2x32x1024xf32, #tpu.memory_space<vmem>> -> memref<1x32x1024xf32, #tpu.memory_space<vmem>>
    %dma_start3A_146 = tpu.memref_squeeze %dma_start3A_145 : memref<1x32x1024xf32, #tpu.memory_space<vmem>> -> memref<32x1024xf32, #tpu.memory_space<vmem>>
    %dma_start3A_147 = arith.constant 0 : i32
    %dma_start3A_148 = tpu.memref_slice %arg7[%dma_start3A_142, %dma_start3A_147] : memref<4x32xi32, #tpu.memory_space<vmem>> -> memref<1x32xi32, #tpu.memory_space<vmem>>
    %dma_start3A_149 = tpu.memref_squeeze %dma_start3A_148 : memref<1x32xi32, #tpu.memory_space<vmem>> -> memref<32xi32, #tpu.memory_space<vmem>>
    %dma_start3A_150 = arith.constant 0 : i32
    %dma_start3A_151 = arith.constant 0 : i32
    %dma_start3A_152 = tpu.memref_slice %arg5[%dma_start3A_150, %dma_start3A_151] : memref<4096x1024xf32, #tpu.memory_space<hbm>> -> memref<4096x1024xf32, #tpu.memory_space<hbm>>
    tpu.enqueue_indirect_dma source(%dma_start3A_146 : memref<32x1024xf32, #tpu.memory_space<vmem>>) target(%dma_start3A_152 : memref<4096x1024xf32, #tpu.memory_space<hbm>>) offsets(%dma_start3A_149 : memref<32xi32, #tpu.memory_space<vmem>>) semaphore(%arg10 : memref<!tpu.dma_semaphore, #tpu.memory_space<semaphore_mem>>)
    %dma_wait3A_153 = arith.constant 0 : i32
    %dma_wait3A_154 = arith.constant 2 : i32
    %dma_wait3A_155 = arith.constant 0 : i32
    %dma_wait3A_156 = arith.constant 0 : i32
    %dma_wait3A_157 = tpu.memref_slice %arg8[%dma_wait3A_153, %dma_wait3A_155, %dma_wait3A_156] : memref<2x32x1024xf32, #tpu.memory_space<vmem>> -> memref<1x32x1024xf32, #tpu.memory_space<vmem>>
    %dma_wait3A_158 = tpu.memref_squeeze %dma_wait3A_157 : memref<1x32x1024xf32, #tpu.memory_space<vmem>> -> memref<32x1024xf32, #tpu.memory_space<vmem>>
    %dma_wait3A_159 = arith.constant 0 : i32
    %dma_wait3A_160 = tpu.memref_slice %arg7[%dma_wait3A_154, %dma_wait3A_159] : memref<4x32xi32, #tpu.memory_space<vmem>> -> memref<1x32xi32, #tpu.memory_space<vmem>>
    %dma_wait3A_161 = tpu.memref_squeeze %dma_wait3A_160 : memref<1x32xi32, #tpu.memory_space<vmem>> -> memref<32xi32, #tpu.memory_space<vmem>>
    %dma_wait3A_162 = arith.constant 0 : i32
    %dma_wait3A_163 = arith.constant 0 : i32
    %dma_wait3A_164 = tpu.memref_slice %arg5[%dma_wait3A_162, %dma_wait3A_163] : memref<4096x1024xf32, #tpu.memory_space<hbm>> -> memref<4096x1024xf32, #tpu.memory_space<hbm>>
    tpu.wait_indirect_dma semaphore(%arg10 : memref<!tpu.dma_semaphore, #tpu.memory_space<semaphore_mem>>) src(%dma_wait3A_158 : memref<32x1024xf32, #tpu.memory_space<vmem>>) dst(%dma_wait3A_164 : memref<4096x1024xf32, #tpu.memory_space<hbm>>)
    %dma_wait3A_165 = arith.constant 1 : i32
    %dma_wait3A_166 = arith.constant 3 : i32
    %dma_wait3A_167 = arith.constant 0 : i32
    %dma_wait3A_168 = arith.constant 0 : i32
    %dma_wait3A_169 = tpu.memref_slice %arg8[%dma_wait3A_165, %dma_wait3A_167, %dma_wait3A_168] : memref<2x32x1024xf32, #tpu.memory_space<vmem>> -> memref<1x32x1024xf32, #tpu.memory_space<vmem>>
    %dma_wait3A_170 = tpu.memref_squeeze %dma_wait3A_169 : memref<1x32x1024xf32, #tpu.memory_space<vmem>> -> memref<32x1024xf32, #tpu.memory_space<vmem>>
    %dma_wait3A_171 = arith.constant 0 : i32
    %dma_wait3A_172 = tpu.memref_slice %arg7[%dma_wait3A_166, %dma_wait3A_171] : memref<4x32xi32, #tpu.memory_space<vmem>> -> memref<1x32xi32, #tpu.memory_space<vmem>>
    %dma_wait3A_173 = tpu.memref_squeeze %dma_wait3A_172 : memref<1x32xi32, #tpu.memory_space<vmem>> -> memref<32xi32, #tpu.memory_space<vmem>>
    %dma_wait3A_174 = arith.constant 0 : i32
    %dma_wait3A_175 = arith.constant 0 : i32
    %dma_wait3A_176 = tpu.memref_slice %arg5[%dma_wait3A_174, %dma_wait3A_175] : memref<4096x1024xf32, #tpu.memory_space<hbm>> -> memref<4096x1024xf32, #tpu.memory_space<hbm>>
    tpu.wait_indirect_dma semaphore(%arg10 : memref<!tpu.dma_semaphore, #tpu.memory_space<semaphore_mem>>) src(%dma_wait3A_170 : memref<32x1024xf32, #tpu.memory_space<vmem>>) dst(%dma_wait3A_176 : memref<4096x1024xf32, #tpu.memory_space<hbm>>)
    return
  }
}

module attributes {stable_mosaic.version = 14 : i64} {
  func.func @_plan_body(%arg0: i32, %arg1: memref<2048x2xi32, #tpu.memory_space<vmem>>, %arg2: memref<2048x2xi32, #tpu.memory_space<vmem>>, %arg3: memref<8x1x64xi32, #tpu.memory_space<vmem>>, %arg4: memref<2048x2xi32, #tpu.memory_space<vmem>>, %arg5: memref<1x128xi32, #tpu.memory_space<vmem>>, %arg6: memref<1x128xi32, #tpu.memory_space<vmem>>, %arg7: memref<1x128xi32, #tpu.memory_space<vmem>>, %arg8: memref<1x128xi32, #tpu.memory_space<vmem>>, %arg9: memref<1x128xi32, #tpu.memory_space<vmem>>, %arg10: memref<1x128xi32, #tpu.memory_space<vmem>>) attributes {dimension_semantics = [#tpu.dimension_semantics<arbitrary>], iteration_bounds = array<i64: 1>, scalar_prefetch = 0 : i64, scratch_operands = 0 : i64, tpu.core_type = #tpu.core_type<tc>, window_params = [{pipeline_mode = #tpu.pipeline_mode<synchronous>, transform_indices = @transform_0, window_bounds = array<i64: 2048, 2>}, {pipeline_mode = #tpu.pipeline_mode<synchronous>, transform_indices = @transform_1, window_bounds = array<i64: 2048, 2>}, {pipeline_mode = #tpu.pipeline_mode<synchronous>, transform_indices = @transform_2, window_bounds = array<i64: 8, 1, 64>}, {pipeline_mode = #tpu.pipeline_mode<synchronous>, transform_indices = @transform_3, window_bounds = array<i64: 2048, 2>}, {pipeline_mode = #tpu.pipeline_mode<synchronous>, transform_indices = @transform_4, window_bounds = array<i64: 1, 128>}, {pipeline_mode = #tpu.pipeline_mode<synchronous>, transform_indices = @transform_5, window_bounds = array<i64: 1, 128>}, {pipeline_mode = #tpu.pipeline_mode<synchronous>, transform_indices = @transform_6, window_bounds = array<i64: 1, 128>}, {pipeline_mode = #tpu.pipeline_mode<synchronous>, transform_indices = @transform_7, window_bounds = array<i64: 1, 128>}, {pipeline_mode = #tpu.pipeline_mode<synchronous>, transform_indices = @transform_8, window_bounds = array<i64: 1, 128>}, {pipeline_mode = #tpu.pipeline_mode<synchronous>, transform_indices = @transform_9, window_bounds = array<i64: 1, 128>}]} {
    %get3A = arith.constant 0 : index
    %get3A_0 = arith.constant 0 : index
    %get3A_1 = arith.constant 0 : index
    %get3A_2 = vector.load %arg3[%get3A, %get3A_0, %get3A_1] : memref<8x1x64xi32, #tpu.memory_space<vmem>>, vector<8x1x64xi32>
    %get3A_3 = vector.shape_cast %get3A_2 : vector<8x1x64xi32> to vector<8x64xi32>
    %convert_element_type3A = arith.sitofp %get3A_3 : vector<8x64xi32> to vector<8x64xf32>
    %reduce_sum3A = arith.constant dense<0.000000e+00> : vector<64xf32>
    %reduce_sum3A_4 = vector.multi_reduction <add>, %convert_element_type3A, %reduce_sum3A [0] : vector<8x64xf32> to vector<64xf32>
    %broadcast_in_dim3A = vector.shape_cast %reduce_sum3A_4 : vector<64xf32> to vector<1x64xf32>
    %iota3A = tpu.iota {dimensions = array<i32: 0>} : vector<64x64xi32>
    %iota3A_5 = tpu.iota {dimensions = array<i32: 1>} : vector<64x64xi32>
    %le3A = arith.cmpi sle, %iota3A, %iota3A_5 : vector<64x64xi32>
    %convert_element_type3A_6 = arith.extui %le3A : vector<64x64xi1> to vector<64x64xi32>
    %convert_element_type3A_7 = arith.sitofp %convert_element_type3A_6 : vector<64x64xi32> to vector<64x64xf32>
    %dot_general3A = arith.constant dense<0.000000e+00> : vector<1x64xf32>
    %dot_general3A_8 = tpu.matmul %broadcast_in_dim3A, %convert_element_type3A_7, %dot_general3A {dimension_numbers = #tpu.dot_dimension_numbers<[1], [0], [0], [1], [0, 0, 1, 1], [], []>, precision = #tpu.contract_precision<fp32>, transpose_lhs_hint = false} : vector<1x64xf32>, vector<64x64xf32>, vector<1x64xf32> -> vector<1x64xf32>
    %sub3A = arith.subf %dot_general3A_8, %broadcast_in_dim3A : vector<1x64xf32>
    %iota3A_9 = tpu.iota {dimensions = array<i32: 0>} : vector<8x8xi32>
    %iota3A_10 = tpu.iota {dimensions = array<i32: 1>} : vector<8x8xi32>
    %gt3A = arith.cmpi sgt, %iota3A_9, %iota3A_10 : vector<8x8xi32>
    %convert_element_type3A_11 = arith.extui %gt3A : vector<8x8xi1> to vector<8x8xi32>
    %convert_element_type3A_12 = arith.sitofp %convert_element_type3A_11 : vector<8x8xi32> to vector<8x8xf32>
    %dot_general3A_13 = arith.constant dense<0.000000e+00> : vector<8x64xf32>
    %dot_general3A_14 = tpu.matmul %convert_element_type3A_12, %convert_element_type3A, %dot_general3A_13 {dimension_numbers = #tpu.dot_dimension_numbers<[1], [0], [0], [1], [0, 0, 1, 1], [], []>, precision = #tpu.contract_precision<fp32>, transpose_lhs_hint = false} : vector<8x8xf32>, vector<8x64xf32>, vector<8x64xf32> -> vector<8x64xf32>
    %add3A = vector.broadcast %sub3A : vector<1x64xf32> to vector<8x64xf32>
    %add3A_15 = arith.addf %dot_general3A_14, %add3A : vector<8x64xf32>
    %get3A_16 = arith.constant 0 : index
    %get3A_17 = arith.constant 0 : index
    %get3A_18 = vector.load %arg1[%get3A_16, %get3A_17] : memref<2048x2xi32, #tpu.memory_space<vmem>>, vector<2048x2xi32>
    %get3A_19 = arith.constant 0 : index
    %get3A_20 = arith.constant 0 : index
    %get3A_21 = vector.load %arg2[%get3A_19, %get3A_20] : memref<2048x2xi32, #tpu.memory_space<vmem>>, vector<2048x2xi32>
    %convert_element_type3A_22 = arith.sitofp %get3A_21 : vector<2048x2xi32> to vector<2048x2xf32>
    %iota3A_23 = tpu.iota {dimensions = array<i32: 0>} : vector<2048x8xi32>
    %jit3A = arith.constant 256 : i32
    %div3A = vector.broadcast %jit3A : i32 to vector<2048x8xi32>
    %div3A_24 = arith.divsi %iota3A_23, %div3A : vector<2048x8xi32>
    %sign3A = arith.constant 0 : i32
    %sign3A_25 = vector.broadcast %sign3A : i32 to vector<2048x8xi32>
    %sign3A_26 = arith.cmpi sgt, %iota3A_23, %sign3A_25 : vector<2048x8xi32>
    %sign3A_27 = arith.extui %sign3A_26 : vector<2048x8xi1> to vector<2048x8xi32>
    %sign3A_28 = arith.constant 0 : i32
    %sign3A_29 = vector.broadcast %sign3A_28 : i32 to vector<2048x8xi32>
    %sign3A_30 = arith.cmpi slt, %iota3A_23, %sign3A_29 : vector<2048x8xi32>
    %sign3A_31 = arith.extui %sign3A_30 : vector<2048x8xi1> to vector<2048x8xi32>
    %sign3A_32 = arith.subi %sign3A_27, %sign3A_31 : vector<2048x8xi32>
    %sign3A_33 = arith.constant 0 : i32
    %sign3A_34 = arith.cmpi sgt, %jit3A, %sign3A_33 : i32
    %sign3A_35 = arith.extui %sign3A_34 : i1 to i32
    %sign3A_36 = arith.constant 0 : i32
    %sign3A_37 = arith.cmpi slt, %jit3A, %sign3A_36 : i32
    %sign3A_38 = arith.extui %sign3A_37 : i1 to i32
    %sign3A_39 = arith.subi %sign3A_35, %sign3A_38 : i32
    %ne3A = vector.broadcast %sign3A_39 : i32 to vector<2048x8xi32>
    %ne3A_40 = arith.cmpi ne, %sign3A_32, %ne3A : vector<2048x8xi32>
    %rem3A = vector.broadcast %jit3A : i32 to vector<2048x8xi32>
    %rem3A_41 = arith.remsi %iota3A_23, %rem3A : vector<2048x8xi32>
    %ne3A_42 = arith.constant 0 : i32
    %ne3A_43 = vector.broadcast %ne3A_42 : i32 to vector<2048x8xi32>
    %ne3A_44 = arith.cmpi ne, %rem3A_41, %ne3A_43 : vector<2048x8xi32>
    %and3A = arith.andi %ne3A_40, %ne3A_44 : vector<2048x8xi1>
    %sub3A_45 = arith.constant 1 : i32
    %sub3A_46 = vector.broadcast %sub3A_45 : i32 to vector<2048x8xi32>
    %sub3A_47 = arith.subi %div3A_24, %sub3A_46 : vector<2048x8xi32>
    %select_n3A = arith.select %and3A, %sub3A_47, %div3A_24 : vector<2048x8xi1>, vector<2048x8xi32>
    %iota3A_48 = tpu.iota {dimensions = array<i32: 1>} : vector<2048x8xi32>
    %eq3A = arith.cmpi eq, %select_n3A, %iota3A_48 : vector<2048x8xi32>
    %convert_element_type3A_49 = arith.extui %eq3A : vector<2048x8xi1> to vector<2048x8xi32>
    %convert_element_type3A_50 = arith.sitofp %convert_element_type3A_49 : vector<2048x8xi32> to vector<2048x8xf32>
    %dot_general3A_51 = arith.constant dense<0.000000e+00> : vector<2048x64xf32>
    %dot_general3A_52 = tpu.matmul %convert_element_type3A_50, %add3A_15, %dot_general3A_51 {dimension_numbers = #tpu.dot_dimension_numbers<[1], [0], [0], [1], [0, 0, 1, 1], [], []>, precision = #tpu.contract_precision<fp32>, transpose_lhs_hint = false} : vector<2048x8xf32>, vector<8x64xf32>, vector<2048x64xf32> -> vector<2048x64xf32>
    %iota3A_53 = tpu.iota {dimensions = array<i32: 1>} : vector<2048x64xi32>
    %slice3A = vector.extract_strided_slice %get3A_18 {offsets = [0, 0], sizes = [2048, 1], strides = [1, 1]} : vector<2048x2xi32> to vector<2048x1xi32>
    %squeeze3A = vector.shape_cast %slice3A : vector<2048x1xi32> to vector<2048xi32>
    %broadcast_in_dim3A_54 = vector.shape_cast %squeeze3A : vector<2048xi32> to vector<2048x1xi32>
    %eq3A_55 = vector.broadcast %broadcast_in_dim3A_54 : vector<2048x1xi32> to vector<2048x64xi32>
    %eq3A_56 = arith.cmpi eq, %eq3A_55, %iota3A_53 : vector<2048x64xi32>
    %convert_element_type3A_57 = arith.extui %eq3A_56 : vector<2048x64xi1> to vector<2048x64xi32>
    %convert_element_type3A_58 = arith.sitofp %convert_element_type3A_57 : vector<2048x64xi32> to vector<2048x64xf32>
    %mul3A = arith.mulf %dot_general3A_52, %convert_element_type3A_58 : vector<2048x64xf32>
    %reduce_sum3A_59 = arith.constant dense<0.000000e+00> : vector<2048xf32>
    %reduce_sum3A_60 = vector.multi_reduction <add>, %mul3A, %reduce_sum3A_59 [1] : vector<2048x64xf32> to vector<2048xf32>
    %slice3A_61 = vector.extract_strided_slice %convert_element_type3A_22 {offsets = [0, 0], sizes = [2048, 1], strides = [1, 1]} : vector<2048x2xf32> to vector<2048x1xf32>
    %squeeze3A_62 = vector.shape_cast %slice3A_61 : vector<2048x1xf32> to vector<2048xf32>
    %add3A_63 = arith.addf %reduce_sum3A_60, %squeeze3A_62 : vector<2048xf32>
    %slice3A_64 = vector.extract_strided_slice %get3A_18 {offsets = [0, 1], sizes = [2048, 1], strides = [1, 1]} : vector<2048x2xi32> to vector<2048x1xi32>
    %squeeze3A_65 = vector.shape_cast %slice3A_64 : vector<2048x1xi32> to vector<2048xi32>
    %broadcast_in_dim3A_66 = vector.shape_cast %squeeze3A_65 : vector<2048xi32> to vector<2048x1xi32>
    %eq3A_67 = vector.broadcast %broadcast_in_dim3A_66 : vector<2048x1xi32> to vector<2048x64xi32>
    %eq3A_68 = arith.cmpi eq, %eq3A_67, %iota3A_53 : vector<2048x64xi32>
    %convert_element_type3A_69 = arith.extui %eq3A_68 : vector<2048x64xi1> to vector<2048x64xi32>
    %convert_element_type3A_70 = arith.sitofp %convert_element_type3A_69 : vector<2048x64xi32> to vector<2048x64xf32>
    %mul3A_71 = arith.mulf %dot_general3A_52, %convert_element_type3A_70 : vector<2048x64xf32>
    %reduce_sum3A_72 = arith.constant dense<0.000000e+00> : vector<2048xf32>
    %reduce_sum3A_73 = vector.multi_reduction <add>, %mul3A_71, %reduce_sum3A_72 [1] : vector<2048x64xf32> to vector<2048xf32>
    %slice3A_74 = vector.extract_strided_slice %convert_element_type3A_22 {offsets = [0, 1], sizes = [2048, 1], strides = [1, 1]} : vector<2048x2xf32> to vector<2048x1xf32>
    %squeeze3A_75 = vector.shape_cast %slice3A_74 : vector<2048x1xf32> to vector<2048xf32>
    %add3A_76 = arith.addf %reduce_sum3A_73, %squeeze3A_75 : vector<2048xf32>
    %stack3A = vector.shape_cast %add3A_63 : vector<2048xf32> to vector<2048x1xf32>
    %stack3A_77 = vector.shape_cast %add3A_76 : vector<2048xf32> to vector<2048x1xf32>
    %stack3A_78 = tpu.concatenate %stack3A, %stack3A_77 in 1 : vector<2048x1xf32>, vector<2048x1xf32> -> vector<2048x2xf32>
    %convert_element_type3A_79 = arith.fptosi %stack3A_78 : vector<2048x2xf32> to vector<2048x2xi32>
    %swap3A = arith.constant 0 : index
    %swap3A_80 = arith.constant 0 : index
    %swap3A_81 = vector.load %arg4[%swap3A, %swap3A_80] : memref<2048x2xi32, #tpu.memory_space<vmem>>, vector<2048x2xi32>
    tpu.vector_store %arg4[%swap3A, %swap3A_80], %convert_element_type3A_79 {strides = array<i32>} : memref<2048x2xi32, #tpu.memory_space<vmem>>, vector<2048x2xi32>,
    %squeeze3A_82 = vector.shape_cast %broadcast_in_dim3A : vector<1x64xf32> to vector<64xf32>
    %squeeze3A_83 = vector.shape_cast %sub3A : vector<1x64xf32> to vector<64xf32>
    %div3A_84 = arith.constant 2.560000e+02 : f32
    %div3A_85 = vector.broadcast %div3A_84 : f32 to vector<64xf32>
    %div3A_86 = arith.divf %squeeze3A_83, %div3A_85 : vector<64xf32>
    %floor3A = math.floor %div3A_86 : vector<64xf32>
    %add3A_87 = arith.addf %squeeze3A_83, %squeeze3A_82 : vector<64xf32>
    %sub3A_88 = arith.constant 1.000000e+00 : f32
    %sub3A_89 = vector.broadcast %sub3A_88 : f32 to vector<64xf32>
    %sub3A_90 = arith.subf %add3A_87, %sub3A_89 : vector<64xf32>
    %div3A_91 = arith.constant 2.560000e+02 : f32
    %div3A_92 = vector.broadcast %div3A_91 : f32 to vector<64xf32>
    %div3A_93 = arith.divf %sub3A_90, %div3A_92 : vector<64xf32>
    %floor3A_94 = math.floor %div3A_93 : vector<64xf32>
    %gt3A_95 = arith.constant 0.000000e+00 : f32
    %gt3A_96 = vector.broadcast %gt3A_95 : f32 to vector<64xf32>
    %gt3A_97 = arith.cmpf ogt, %squeeze3A_82, %gt3A_96 : vector<64xf32>
    %sub3A_98 = arith.subf %floor3A_94, %floor3A : vector<64xf32>
    %add3A_99 = arith.constant 1.000000e+00 : f32
    %add3A_100 = vector.broadcast %add3A_99 : f32 to vector<64xf32>
    %add3A_101 = arith.addf %sub3A_98, %add3A_100 : vector<64xf32>
    %jit3A_102 = arith.constant 0.000000e+00 : f32
    %broadcast_in_dim3A_103 = vector.broadcast %jit3A_102 : f32 to vector<64xf32>
    %select_n3A_104 = arith.select %gt3A_97, %add3A_101, %broadcast_in_dim3A_103 : vector<64xi1>, vector<64xf32>
    %broadcast_in_dim3A_105 = vector.shape_cast %select_n3A_104 : vector<64xf32> to vector<1x64xf32>
    %dot_general3A_106 = arith.constant dense<0.000000e+00> : vector<1x64xf32>
    %dot_general3A_107 = tpu.matmul %broadcast_in_dim3A_105, %convert_element_type3A_7, %dot_general3A_106 {dimension_numbers = #tpu.dot_dimension_numbers<[1], [0], [0], [1], [0, 0, 1, 1], [], []>, precision = #tpu.contract_precision<fp32>, transpose_lhs_hint = false} : vector<1x64xf32>, vector<64x64xf32>, vector<1x64xf32> -> vector<1x64xf32>
    %squeeze3A_108 = vector.shape_cast %dot_general3A_107 : vector<1x64xf32> to vector<64xf32>
    %reduce_max3A = vector.shape_cast %squeeze3A_108 : vector<64xf32> to vector<1x64xf32>
    %reduce_max3A_109 = arith.constant dense<0xFF800000> : vector<1xf32>
    %reduce_max3A_110 = vector.multi_reduction <maximumf>, %reduce_max3A, %reduce_max3A_109 [1] : vector<1x64xf32> to vector<1xf32>
    %reduce_max3A_111 = vector.shape_cast %reduce_max3A_110 : vector<1xf32> to vector<1x1xf32>
    %reduce_max3A_112 = vector.extract %reduce_max3A_111[0, 0] : f32 from vector<1x1xf32>
    %iota3A_113 = tpu.iota {dimensions = array<i32: 1>} : vector<64x128xi32>
    %convert_element_type3A_114 = arith.sitofp %iota3A_113 : vector<64x128xi32> to vector<64x128xf32>
    %broadcast_in_dim3A_115 = vector.shape_cast %squeeze3A_108 : vector<64xf32> to vector<64x1xf32>
    %le3A_116 = vector.broadcast %broadcast_in_dim3A_115 : vector<64x1xf32> to vector<64x128xf32>
    %le3A_117 = arith.cmpf ole, %le3A_116, %convert_element_type3A_114 : vector<64x128xf32>
    %convert_element_type3A_118 = arith.extui %le3A_117 : vector<64x128xi1> to vector<64x128xi32>
    %convert_element_type3A_119 = arith.sitofp %convert_element_type3A_118 : vector<64x128xi32> to vector<64x128xf32>
    %reduce_sum3A_120 = arith.constant dense<0.000000e+00> : vector<128xf32>
    %reduce_sum3A_121 = vector.multi_reduction <add>, %convert_element_type3A_119, %reduce_sum3A_120 [0] : vector<64x128xf32> to vector<128xf32>
    %min3A = arith.constant 6.300000e+01 : f32
    %min3A_122 = vector.broadcast %min3A : f32 to vector<128xf32>
    %min3A_123 = arith.minimumf %reduce_sum3A_121, %min3A_122 : vector<128xf32>
    %iota3A_124 = tpu.iota {dimensions = array<i32: 0>} : vector<64x128xi32>
    %convert_element_type3A_125 = arith.sitofp %iota3A_124 : vector<64x128xi32> to vector<64x128xf32>
    %broadcast_in_dim3A_126 = vector.shape_cast %min3A_123 : vector<128xf32> to vector<1x128xf32>
    %eq3A_127 = vector.broadcast %broadcast_in_dim3A_126 : vector<1x128xf32> to vector<64x128xf32>
    %eq3A_128 = arith.cmpf oeq, %convert_element_type3A_125, %eq3A_127 : vector<64x128xf32>
    %convert_element_type3A_129 = arith.extui %eq3A_128 : vector<64x128xi1> to vector<64x128xi32>
    %convert_element_type3A_130 = arith.sitofp %convert_element_type3A_129 : vector<64x128xi32> to vector<64x128xf32>
    %broadcast_in_dim3A_131 = vector.shape_cast %squeeze3A_108 : vector<64xf32> to vector<64x1xf32>
    %mul3A_132 = vector.broadcast %broadcast_in_dim3A_131 : vector<64x1xf32> to vector<64x128xf32>
    %mul3A_133 = arith.mulf %convert_element_type3A_130, %mul3A_132 : vector<64x128xf32>
    %reduce_sum3A_134 = arith.constant dense<0.000000e+00> : vector<128xf32>
    %reduce_sum3A_135 = vector.multi_reduction <add>, %mul3A_133, %reduce_sum3A_134 [0] : vector<64x128xf32> to vector<128xf32>
    %broadcast_in_dim3A_136 = vector.shape_cast %select_n3A_104 : vector<64xf32> to vector<64x1xf32>
    %mul3A_137 = vector.broadcast %broadcast_in_dim3A_136 : vector<64x1xf32> to vector<64x128xf32>
    %mul3A_138 = arith.mulf %convert_element_type3A_130, %mul3A_137 : vector<64x128xf32>
    %reduce_sum3A_139 = arith.constant dense<0.000000e+00> : vector<128xf32>
    %reduce_sum3A_140 = vector.multi_reduction <add>, %mul3A_138, %reduce_sum3A_139 [0] : vector<64x128xf32> to vector<128xf32>
    %sub3A_141 = arith.subf %reduce_sum3A_135, %reduce_sum3A_140 : vector<128xf32>
    %iota3A_142 = tpu.iota {dimensions = array<i32: 1>} : vector<1x128xi32>
    %convert_element_type3A_143 = arith.sitofp %iota3A_142 : vector<1x128xi32> to vector<1x128xf32>
    %squeeze3A_144 = vector.shape_cast %convert_element_type3A_143 : vector<1x128xf32> to vector<128xf32>
    %broadcast_in_dim3A_145 = vector.shape_cast %floor3A : vector<64xf32> to vector<64x1xf32>
    %mul3A_146 = vector.broadcast %broadcast_in_dim3A_145 : vector<64x1xf32> to vector<64x128xf32>
    %mul3A_147 = arith.mulf %convert_element_type3A_130, %mul3A_146 : vector<64x128xf32>
    %reduce_sum3A_148 = arith.constant dense<0.000000e+00> : vector<128xf32>
    %reduce_sum3A_149 = vector.multi_reduction <add>, %mul3A_147, %reduce_sum3A_148 [0] : vector<64x128xf32> to vector<128xf32>
    %sub3A_150 = arith.subf %squeeze3A_144, %sub3A_141 : vector<128xf32>
    %add3A_151 = arith.addf %reduce_sum3A_149, %sub3A_150 : vector<128xf32>
    %lt3A = vector.broadcast %reduce_max3A_112 : f32 to vector<128xf32>
    %lt3A_152 = arith.cmpf olt, %squeeze3A_144, %lt3A : vector<128xf32>
    %jit3A_153 = arith.constant 6.300000e+01 : f32
    %broadcast_in_dim3A_154 = vector.broadcast %jit3A_153 : f32 to vector<128xf32>
    %select_n3A_155 = arith.select %lt3A_152, %min3A_123, %broadcast_in_dim3A_154 : vector<128xi1>, vector<128xf32>
    %convert_element_type3A_156 = arith.fptosi %select_n3A_155 : vector<128xf32> to vector<128xi32>
    %broadcast_in_dim3A_157 = vector.shape_cast %convert_element_type3A_156 : vector<128xi32> to vector<1x128xi32>
    %swap3A_158 = arith.constant 0 : index
    %swap3A_159 = arith.constant 0 : index
    %swap3A_160 = vector.load %arg5[%swap3A_158, %swap3A_159] : memref<1x128xi32, #tpu.memory_space<vmem>>, vector<1x128xi32>
    tpu.vector_store %arg5[%swap3A_158, %swap3A_159], %broadcast_in_dim3A_157 {strides = array<i32>} : memref<1x128xi32, #tpu.memory_space<vmem>>, vector<1x128xi32>,
    %jit3A_161 = arith.constant 1.500000e+01 : f32
    %broadcast_in_dim3A_162 = vector.broadcast %jit3A_161 : f32 to vector<128xf32>
    %select_n3A_163 = arith.select %lt3A_152, %add3A_151, %broadcast_in_dim3A_162 : vector<128xi1>, vector<128xf32>
    %convert_element_type3A_164 = arith.fptosi %select_n3A_163 : vector<128xf32> to vector<128xi32>
    %broadcast_in_dim3A_165 = vector.shape_cast %convert_element_type3A_164 : vector<128xi32> to vector<1x128xi32>
    %swap3A_166 = arith.constant 0 : index
    %swap3A_167 = arith.constant 0 : index
    %swap3A_168 = vector.load %arg6[%swap3A_166, %swap3A_167] : memref<1x128xi32, #tpu.memory_space<vmem>>, vector<1x128xi32>
    tpu.vector_store %arg6[%swap3A_166, %swap3A_167], %broadcast_in_dim3A_165 {strides = array<i32>} : memref<1x128xi32, #tpu.memory_space<vmem>>, vector<1x128xi32>,
    %broadcast_in_dim3A_169 = vector.shape_cast %squeeze3A_83 : vector<64xf32> to vector<64x1xf32>
    %mul3A_170 = vector.broadcast %broadcast_in_dim3A_169 : vector<64x1xf32> to vector<64x128xf32>
    %mul3A_171 = arith.mulf %convert_element_type3A_130, %mul3A_170 : vector<64x128xf32>
    %reduce_sum3A_172 = arith.constant dense<0.000000e+00> : vector<128xf32>
    %reduce_sum3A_173 = vector.multi_reduction <add>, %mul3A_171, %reduce_sum3A_172 [0] : vector<64x128xf32> to vector<128xf32>
    %jit3A_174 = arith.constant 0.000000e+00 : f32
    %broadcast_in_dim3A_175 = vector.broadcast %jit3A_174 : f32 to vector<128xf32>
    %select_n3A_176 = arith.select %lt3A_152, %reduce_sum3A_173, %broadcast_in_dim3A_175 : vector<128xi1>, vector<128xf32>
    %convert_element_type3A_177 = arith.fptosi %select_n3A_176 : vector<128xf32> to vector<128xi32>
    %broadcast_in_dim3A_178 = vector.shape_cast %convert_element_type3A_177 : vector<128xi32> to vector<1x128xi32>
    %swap3A_179 = arith.constant 0 : index
    %swap3A_180 = arith.constant 0 : index
    %swap3A_181 = vector.load %arg7[%swap3A_179, %swap3A_180] : memref<1x128xi32, #tpu.memory_space<vmem>>, vector<1x128xi32>
    tpu.vector_store %arg7[%swap3A_179, %swap3A_180], %broadcast_in_dim3A_178 {strides = array<i32>} : memref<1x128xi32, #tpu.memory_space<vmem>>, vector<1x128xi32>,
    %add3A_182 = arith.addf %squeeze3A_83, %squeeze3A_82 : vector<64xf32>
    %broadcast_in_dim3A_183 = vector.shape_cast %add3A_182 : vector<64xf32> to vector<64x1xf32>
    %mul3A_184 = vector.broadcast %broadcast_in_dim3A_183 : vector<64x1xf32> to vector<64x128xf32>
    %mul3A_185 = arith.mulf %convert_element_type3A_130, %mul3A_184 : vector<64x128xf32>
    %reduce_sum3A_186 = arith.constant dense<0.000000e+00> : vector<128xf32>
    %reduce_sum3A_187 = vector.multi_reduction <add>, %mul3A_185, %reduce_sum3A_186 [0] : vector<64x128xf32> to vector<128xf32>
    %jit3A_188 = arith.constant 0.000000e+00 : f32
    %broadcast_in_dim3A_189 = vector.broadcast %jit3A_188 : f32 to vector<128xf32>
    %select_n3A_190 = arith.select %lt3A_152, %reduce_sum3A_187, %broadcast_in_dim3A_189 : vector<128xi1>, vector<128xf32>
    %convert_element_type3A_191 = arith.fptosi %select_n3A_190 : vector<128xf32> to vector<128xi32>
    %broadcast_in_dim3A_192 = vector.shape_cast %convert_element_type3A_191 : vector<128xi32> to vector<1x128xi32>
    %swap3A_193 = arith.constant 0 : index
    %swap3A_194 = arith.constant 0 : index
    %swap3A_195 = vector.load %arg8[%swap3A_193, %swap3A_194] : memref<1x128xi32, #tpu.memory_space<vmem>>, vector<1x128xi32>
    tpu.vector_store %arg8[%swap3A_193, %swap3A_194], %broadcast_in_dim3A_192 {strides = array<i32>} : memref<1x128xi32, #tpu.memory_space<vmem>>, vector<1x128xi32>,
    %convert_element_type3A_196 = arith.extui %lt3A_152 : vector<128xi1> to vector<128xi32>
    %broadcast_in_dim3A_197 = vector.shape_cast %convert_element_type3A_196 : vector<128xi32> to vector<1x128xi32>
    %swap3A_198 = arith.constant 0 : index
    %swap3A_199 = arith.constant 0 : index
    %swap3A_200 = vector.load %arg9[%swap3A_198, %swap3A_199] : memref<1x128xi32, #tpu.memory_space<vmem>>, vector<1x128xi32>
    tpu.vector_store %arg9[%swap3A_198, %swap3A_199], %broadcast_in_dim3A_197 {strides = array<i32>} : memref<1x128xi32, #tpu.memory_space<vmem>>, vector<1x128xi32>,
    %jit3A_201 = arith.constant 1.500000e+01 : f32
    %broadcast_in_dim3A_202 = vector.broadcast %jit3A_201 : f32 to vector<128xf32>
    %select_n3A_203 = arith.select %lt3A_152, %add3A_151, %broadcast_in_dim3A_202 : vector<128xi1>, vector<128xf32>
    %broadcast_in_dim3A_204 = arith.constant 1.000000e+00 : f32
    %broadcast_in_dim3A_205 = vector.broadcast %broadcast_in_dim3A_204 : f32 to vector<1xf32>
    %slice3A_206 = vector.extract_strided_slice %select_n3A_203 {offsets = [1], sizes = [127], strides = [1]} : vector<128xf32> to vector<127xf32>
    %slice3A_207 = vector.extract_strided_slice %select_n3A_203 {offsets = [0], sizes = [127], strides = [1]} : vector<128xf32> to vector<127xf32>
    %ne3A_208 = arith.cmpf one, %slice3A_206, %slice3A_207 : vector<127xf32>
    %convert_element_type3A_209 = arith.extui %ne3A_208 : vector<127xi1> to vector<127xi32>
    %convert_element_type3A_210 = arith.sitofp %convert_element_type3A_209 : vector<127xi32> to vector<127xf32>
    %concatenate3A = tpu.concatenate %broadcast_in_dim3A_205, %convert_element_type3A_210 in 0 : vector<1xf32>, vector<127xf32> -> vector<128xf32>
    %convert_element_type3A_211 = arith.extui %lt3A_152 : vector<128xi1> to vector<128xi32>
    %convert_element_type3A_212 = arith.sitofp %convert_element_type3A_211 : vector<128xi32> to vector<128xf32>
    %mul3A_213 = arith.mulf %concatenate3A, %convert_element_type3A_212 : vector<128xf32>
    %convert_element_type3A_214 = arith.fptosi %mul3A_213 : vector<128xf32> to vector<128xi32>
    %broadcast_in_dim3A_215 = vector.shape_cast %convert_element_type3A_214 : vector<128xi32> to vector<1x128xi32>
    %swap3A_216 = arith.constant 0 : index
    %swap3A_217 = arith.constant 0 : index
    %swap3A_218 = vector.load %arg10[%swap3A_216, %swap3A_217] : memref<1x128xi32, #tpu.memory_space<vmem>>, vector<1x128xi32>
    tpu.vector_store %arg10[%swap3A_216, %swap3A_217], %broadcast_in_dim3A_215 {strides = array<i32>} : memref<1x128xi32, #tpu.memory_space<vmem>>, vector<1x128xi32>,
    return
  }
  func.func @transform_0(%arg0: i32) -> (i32, i32) {
    %c0_i32 = arith.constant 0 : i32
    %c0_i32_0 = arith.constant 0 : i32
    %c0_i32_1 = arith.constant 0 : i32
    return %c0_i32, %c0_i32_0 : i32, i32
  }
  func.func @transform_1(%arg0: i32) -> (i32, i32) {
    %c0_i32 = arith.constant 0 : i32
    %c0_i32_0 = arith.constant 0 : i32
    %c0_i32_1 = arith.constant 0 : i32
    return %c0_i32, %c0_i32_0 : i32, i32
  }
  func.func @transform_2(%arg0: i32) -> (i32, i32, i32) {
    %c0_i32 = arith.constant 0 : i32
    %c0_i32_0 = arith.constant 0 : i32
    %c0_i32_1 = arith.constant 0 : i32
    %c0_i32_2 = arith.constant 0 : i32
    return %c0_i32, %c0_i32_0, %c0_i32_1 : i32, i32, i32
  }
  func.func @transform_3(%arg0: i32) -> (i32, i32) {
    %c0_i32 = arith.constant 0 : i32
    %c0_i32_0 = arith.constant 0 : i32
    %c0_i32_1 = arith.constant 0 : i32
    return %c0_i32, %c0_i32_0 : i32, i32
  }
  func.func @transform_4(%arg0: i32) -> (i32, i32) {
    %c0_i32 = arith.constant 0 : i32
    %c0_i32_0 = arith.constant 0 : i32
    %c0_i32_1 = arith.constant 0 : i32
    return %c0_i32, %c0_i32_0 : i32, i32
  }
  func.func @transform_5(%arg0: i32) -> (i32, i32) {
    %c0_i32 = arith.constant 0 : i32
    %c0_i32_0 = arith.constant 0 : i32
    %c0_i32_1 = arith.constant 0 : i32
    return %c0_i32, %c0_i32_0 : i32, i32
  }
  func.func @transform_6(%arg0: i32) -> (i32, i32) {
    %c0_i32 = arith.constant 0 : i32
    %c0_i32_0 = arith.constant 0 : i32
    %c0_i32_1 = arith.constant 0 : i32
    return %c0_i32, %c0_i32_0 : i32, i32
  }
  func.func @transform_7(%arg0: i32) -> (i32, i32) {
    %c0_i32 = arith.constant 0 : i32
    %c0_i32_0 = arith.constant 0 : i32
    %c0_i32_1 = arith.constant 0 : i32
    return %c0_i32, %c0_i32_0 : i32, i32
  }
  func.func @transform_8(%arg0: i32) -> (i32, i32) {
    %c0_i32 = arith.constant 0 : i32
    %c0_i32_0 = arith.constant 0 : i32
    %c0_i32_1 = arith.constant 0 : i32
    return %c0_i32, %c0_i32_0 : i32, i32
  }
  func.func @transform_9(%arg0: i32) -> (i32, i32) {
    %c0_i32 = arith.constant 0 : i32
    %c0_i32_0 = arith.constant 0 : i32
    %c0_i32_1 = arith.constant 0 : i32
    return %c0_i32, %c0_i32_0 : i32, i32
  }
}

module attributes {stable_mosaic.version = 14 : i64} {
  func.func @_gating_body(%arg0: i32, %arg1: memref<256x1024xf32, #tpu.memory_space<vmem>>, %arg2: memref<64x1024xf32, #tpu.memory_space<vmem>>, %arg3: memref<256x2xf32, #tpu.memory_space<vmem>>, %arg4: memref<256x2xi32, #tpu.memory_space<vmem>>, %arg5: memref<256x2xi32, #tpu.memory_space<vmem>>, %arg6: memref<1x1x64xi32, #tpu.memory_space<vmem>>) attributes {dimension_semantics = [#tpu.dimension_semantics<arbitrary>], iteration_bounds = array<i64: 8>, scalar_prefetch = 0 : i64, scratch_operands = 0 : i64, tpu.core_type = #tpu.core_type<tc>, window_params = [{transform_indices = @transform_0, window_bounds = array<i64: 256, 1024>}, {pipeline_mode = #tpu.pipeline_mode<synchronous>, transform_indices = @transform_1, window_bounds = array<i64: 64, 1024>}, {transform_indices = @transform_2, window_bounds = array<i64: 256, 2>}, {transform_indices = @transform_3, window_bounds = array<i64: 256, 2>}, {transform_indices = @transform_4, window_bounds = array<i64: 256, 2>}, {transform_indices = @transform_5, window_bounds = array<i64: 1, 1, 64>}]} {
    %get3A = arith.constant 0 : index
    %get3A_0 = arith.constant 0 : index
    %get3A_1 = vector.load %arg1[%get3A, %get3A_0] : memref<256x1024xf32, #tpu.memory_space<vmem>>, vector<256x1024xf32>
    %get3A_2 = arith.constant 0 : index
    %get3A_3 = arith.constant 0 : index
    %get3A_4 = vector.load %arg2[%get3A_2, %get3A_3] : memref<64x1024xf32, #tpu.memory_space<vmem>>, vector<64x1024xf32>
    %dot_general3A = arith.constant dense<0.000000e+00> : vector<256x64xf32>
    %dot_general3A_5 = tpu.matmul %get3A_1, %get3A_4, %dot_general3A {dimension_numbers = #tpu.dot_dimension_numbers<[1], [1], [0], [0], [0, 0, 1, 0], [], []>, transpose_lhs_hint = false} : vector<256x1024xf32>, vector<64x1024xf32>, vector<256x64xf32> -> vector<256x64xf32>
    %reduce_max3A = arith.constant dense<0xFF800000> : vector<256xf32>
    %reduce_max3A_6 = vector.multi_reduction <maximumf>, %dot_general3A_5, %reduce_max3A [1] : vector<256x64xf32> to vector<256xf32>
    %broadcast_in_dim3A = vector.shape_cast %reduce_max3A_6 : vector<256xf32> to vector<256x1xf32>
    %sub3A = vector.broadcast %broadcast_in_dim3A : vector<256x1xf32> to vector<256x64xf32>
    %sub3A_7 = arith.subf %dot_general3A_5, %sub3A : vector<256x64xf32>
    %exp3A = math.exp %sub3A_7 : vector<256x64xf32>
    %reduce_sum3A = arith.constant dense<0.000000e+00> : vector<256xf32>
    %reduce_sum3A_8 = vector.multi_reduction <add>, %exp3A, %reduce_sum3A [1] : vector<256x64xf32> to vector<256xf32>
    %broadcast_in_dim3A_9 = vector.shape_cast %reduce_sum3A_8 : vector<256xf32> to vector<256x1xf32>
    %div3A = vector.broadcast %broadcast_in_dim3A_9 : vector<256x1xf32> to vector<256x64xf32>
    %div3A_10 = arith.divf %exp3A, %div3A : vector<256x64xf32>
    %iota3A = tpu.iota {dimensions = array<i32: 1>} : vector<256x64xi32>
    %reduce_max3A_11 = arith.constant dense<0xFF800000> : vector<256xf32>
    %reduce_max3A_12 = vector.multi_reduction <maximumf>, %div3A_10, %reduce_max3A_11 [1] : vector<256x64xf32> to vector<256xf32>
    %broadcast_in_dim3A_13 = vector.shape_cast %reduce_max3A_12 : vector<256xf32> to vector<256x1xf32>
    %eq3A = vector.broadcast %broadcast_in_dim3A_13 : vector<256x1xf32> to vector<256x64xf32>
    %eq3A_14 = arith.cmpf oeq, %div3A_10, %eq3A : vector<256x64xf32>
    %jit3A = arith.constant 64 : i32
    %broadcast_in_dim3A_15 = vector.broadcast %jit3A : i32 to vector<256x64xi32>
    %select_n3A = arith.select %eq3A_14, %iota3A, %broadcast_in_dim3A_15 : vector<256x64xi1>, vector<256x64xi32>
    %reduce_min3A = arith.constant dense<2147483647> : vector<256xi32>
    %reduce_min3A_16 = vector.multi_reduction <minsi>, %select_n3A, %reduce_min3A [1] : vector<256x64xi32> to vector<256xi32>
    %broadcast_in_dim3A_17 = vector.shape_cast %reduce_min3A_16 : vector<256xi32> to vector<256x1xi32>
    %eq3A_18 = vector.broadcast %broadcast_in_dim3A_17 : vector<256x1xi32> to vector<256x64xi32>
    %eq3A_19 = arith.cmpi eq, %iota3A, %eq3A_18 : vector<256x64xi32>
    %jit3A_20 = arith.constant 0xFF800000 : f32
    %broadcast_in_dim3A_21 = vector.broadcast %jit3A_20 : f32 to vector<256x64xf32>
    %select_n3A_22 = arith.select %eq3A_19, %broadcast_in_dim3A_21, %div3A_10 : vector<256x64xi1>, vector<256x64xf32>
    %reduce_max3A_23 = arith.constant dense<0xFF800000> : vector<256xf32>
    %reduce_max3A_24 = vector.multi_reduction <maximumf>, %select_n3A_22, %reduce_max3A_23 [1] : vector<256x64xf32> to vector<256xf32>
    %broadcast_in_dim3A_25 = vector.shape_cast %reduce_max3A_24 : vector<256xf32> to vector<256x1xf32>
    %eq3A_26 = vector.broadcast %broadcast_in_dim3A_25 : vector<256x1xf32> to vector<256x64xf32>
    %eq3A_27 = arith.cmpf oeq, %select_n3A_22, %eq3A_26 : vector<256x64xf32>
    %jit3A_28 = arith.constant 64 : i32
    %broadcast_in_dim3A_29 = vector.broadcast %jit3A_28 : i32 to vector<256x64xi32>
    %select_n3A_30 = arith.select %eq3A_27, %iota3A, %broadcast_in_dim3A_29 : vector<256x64xi1>, vector<256x64xi32>
    %reduce_min3A_31 = arith.constant dense<2147483647> : vector<256xi32>
    %reduce_min3A_32 = vector.multi_reduction <minsi>, %select_n3A_30, %reduce_min3A_31 [1] : vector<256x64xi32> to vector<256xi32>
    %stack3A = vector.shape_cast %reduce_max3A_12 : vector<256xf32> to vector<256x1xf32>
    %stack3A_33 = vector.shape_cast %reduce_max3A_24 : vector<256xf32> to vector<256x1xf32>
    %stack3A_34 = tpu.concatenate %stack3A, %stack3A_33 in 1 : vector<256x1xf32>, vector<256x1xf32> -> vector<256x2xf32>
    %swap3A = arith.constant 0 : index
    %swap3A_35 = arith.constant 0 : index
    %swap3A_36 = vector.load %arg3[%swap3A, %swap3A_35] : memref<256x2xf32, #tpu.memory_space<vmem>>, vector<256x2xf32>
    tpu.vector_store %arg3[%swap3A, %swap3A_35], %stack3A_34 {strides = array<i32>} : memref<256x2xf32, #tpu.memory_space<vmem>>, vector<256x2xf32>,
    %stack3A_37 = vector.shape_cast %reduce_min3A_16 : vector<256xi32> to vector<256x1xi32>
    %stack3A_38 = vector.shape_cast %reduce_min3A_32 : vector<256xi32> to vector<256x1xi32>
    %stack3A_39 = tpu.concatenate %stack3A_37, %stack3A_38 in 1 : vector<256x1xi32>, vector<256x1xi32> -> vector<256x2xi32>
    %swap3A_40 = arith.constant 0 : index
    %swap3A_41 = arith.constant 0 : index
    %swap3A_42 = vector.load %arg4[%swap3A_40, %swap3A_41] : memref<256x2xi32, #tpu.memory_space<vmem>>, vector<256x2xi32>
    tpu.vector_store %arg4[%swap3A_40, %swap3A_41], %stack3A_39 {strides = array<i32>} : memref<256x2xi32, #tpu.memory_space<vmem>>, vector<256x2xi32>,
    %broadcast_in_dim3A_43 = vector.shape_cast %reduce_min3A_16 : vector<256xi32> to vector<256x1xi32>
    %eq3A_44 = vector.broadcast %broadcast_in_dim3A_43 : vector<256x1xi32> to vector<256x64xi32>
    %eq3A_45 = arith.cmpi eq, %eq3A_44, %iota3A : vector<256x64xi32>
    %convert_element_type3A = arith.extui %eq3A_45 : vector<256x64xi1> to vector<256x64xi32>
    %convert_element_type3A_46 = arith.sitofp %convert_element_type3A : vector<256x64xi32> to vector<256x64xf32>
    %broadcast_in_dim3A_47 = vector.shape_cast %reduce_min3A_32 : vector<256xi32> to vector<256x1xi32>
    %eq3A_48 = vector.broadcast %broadcast_in_dim3A_47 : vector<256x1xi32> to vector<256x64xi32>
    %eq3A_49 = arith.cmpi eq, %eq3A_48, %iota3A : vector<256x64xi32>
    %convert_element_type3A_50 = arith.extui %eq3A_49 : vector<256x64xi1> to vector<256x64xi32>
    %convert_element_type3A_51 = arith.sitofp %convert_element_type3A_50 : vector<256x64xi32> to vector<256x64xf32>
    %iota3A_52 = tpu.iota {dimensions = array<i32: 0>} : vector<256x256xi32>
    %iota3A_53 = tpu.iota {dimensions = array<i32: 1>} : vector<256x256xi32>
    %gt3A = arith.cmpi sgt, %iota3A_52, %iota3A_53 : vector<256x256xi32>
    %convert_element_type3A_54 = arith.extui %gt3A : vector<256x256xi1> to vector<256x256xi32>
    %convert_element_type3A_55 = arith.sitofp %convert_element_type3A_54 : vector<256x256xi32> to vector<256x256xf32>
    %dot_general3A_56 = arith.constant dense<0.000000e+00> : vector<256x64xf32>
    %dot_general3A_57 = tpu.matmul %convert_element_type3A_55, %convert_element_type3A_46, %dot_general3A_56 {dimension_numbers = #tpu.dot_dimension_numbers<[1], [0], [0], [1], [0, 0, 1, 1], [], []>, precision = #tpu.contract_precision<fp32>, transpose_lhs_hint = false} : vector<256x256xf32>, vector<256x64xf32>, vector<256x64xf32> -> vector<256x64xf32>
    %dot_general3A_58 = arith.constant dense<0.000000e+00> : vector<256x64xf32>
    %dot_general3A_59 = tpu.matmul %convert_element_type3A_55, %convert_element_type3A_51, %dot_general3A_58 {dimension_numbers = #tpu.dot_dimension_numbers<[1], [0], [0], [1], [0, 0, 1, 1], [], []>, precision = #tpu.contract_precision<fp32>, transpose_lhs_hint = false} : vector<256x256xf32>, vector<256x64xf32>, vector<256x64xf32> -> vector<256x64xf32>
    %add3A = arith.addf %dot_general3A_57, %dot_general3A_59 : vector<256x64xf32>
    %mul3A = arith.mulf %add3A, %convert_element_type3A_46 : vector<256x64xf32>
    %reduce_sum3A_60 = arith.constant dense<0.000000e+00> : vector<256xf32>
    %reduce_sum3A_61 = vector.multi_reduction <add>, %mul3A, %reduce_sum3A_60 [1] : vector<256x64xf32> to vector<256xf32>
    %mul3A_62 = arith.mulf %add3A, %convert_element_type3A_51 : vector<256x64xf32>
    %reduce_sum3A_63 = arith.constant dense<0.000000e+00> : vector<256xf32>
    %reduce_sum3A_64 = vector.multi_reduction <add>, %mul3A_62, %reduce_sum3A_63 [1] : vector<256x64xf32> to vector<256xf32>
    %mul3A_65 = arith.mulf %convert_element_type3A_46, %convert_element_type3A_51 : vector<256x64xf32>
    %reduce_sum3A_66 = arith.constant dense<0.000000e+00> : vector<256xf32>
    %reduce_sum3A_67 = vector.multi_reduction <add>, %mul3A_65, %reduce_sum3A_66 [1] : vector<256x64xf32> to vector<256xf32>
    %add3A_68 = arith.addf %reduce_sum3A_64, %reduce_sum3A_67 : vector<256xf32>
    %stack3A_69 = vector.shape_cast %reduce_sum3A_61 : vector<256xf32> to vector<256x1xf32>
    %stack3A_70 = vector.shape_cast %add3A_68 : vector<256xf32> to vector<256x1xf32>
    %stack3A_71 = tpu.concatenate %stack3A_69, %stack3A_70 in 1 : vector<256x1xf32>, vector<256x1xf32> -> vector<256x2xf32>
    %convert_element_type3A_72 = arith.fptosi %stack3A_71 : vector<256x2xf32> to vector<256x2xi32>
    %swap3A_73 = arith.constant 0 : index
    %swap3A_74 = arith.constant 0 : index
    %swap3A_75 = vector.load %arg5[%swap3A_73, %swap3A_74] : memref<256x2xi32, #tpu.memory_space<vmem>>, vector<256x2xi32>
    tpu.vector_store %arg5[%swap3A_73, %swap3A_74], %convert_element_type3A_72 {strides = array<i32>} : memref<256x2xi32, #tpu.memory_space<vmem>>, vector<256x2xi32>,
    %add3A_76 = arith.addf %convert_element_type3A_46, %convert_element_type3A_51 : vector<256x64xf32>
    %reduce_sum3A_77 = arith.constant dense<0.000000e+00> : vector<64xf32>
    %reduce_sum3A_78 = vector.multi_reduction <add>, %add3A_76, %reduce_sum3A_77 [0] : vector<256x64xf32> to vector<64xf32>
    %broadcast_in_dim3A_79 = vector.shape_cast %reduce_sum3A_78 : vector<64xf32> to vector<1x64xf32>
    %broadcast_in_dim3A_80 = vector.shape_cast %broadcast_in_dim3A_79 : vector<1x64xf32> to vector<1x1x64xf32>
    %convert_element_type3A_81 = arith.fptosi %broadcast_in_dim3A_80 : vector<1x1x64xf32> to vector<1x1x64xi32>
    %swap3A_82 = arith.constant 0 : index
    %swap3A_83 = arith.constant 0 : index
    %swap3A_84 = arith.constant 0 : index
    %swap3A_85 = vector.load %arg6[%swap3A_82, %swap3A_83, %swap3A_84] : memref<1x1x64xi32, #tpu.memory_space<vmem>>, vector<1x1x64xi32>
    tpu.vector_store %arg6[%swap3A_82, %swap3A_83, %swap3A_84], %convert_element_type3A_81 {strides = array<i32>} : memref<1x1x64xi32, #tpu.memory_space<vmem>>, vector<1x1x64xi32>,
    return
  }
  func.func @transform_0(%arg0: i32) -> (i32, i32) {
    %c0_i32 = arith.constant 0 : i32
    %c0_i32_0 = arith.constant 0 : i32
    return %arg0, %c0_i32 : i32, i32
  }
  func.func @transform_1(%arg0: i32) -> (i32, i32) {
    %c0_i32 = arith.constant 0 : i32
    %c0_i32_0 = arith.constant 0 : i32
    %c0_i32_1 = arith.constant 0 : i32
    return %c0_i32, %c0_i32_0 : i32, i32
  }
  func.func @transform_2(%arg0: i32) -> (i32, i32) {
    %c0_i32 = arith.constant 0 : i32
    %c0_i32_0 = arith.constant 0 : i32
    return %arg0, %c0_i32 : i32, i32
  }
  func.func @transform_3(%arg0: i32) -> (i32, i32) {
    %c0_i32 = arith.constant 0 : i32
    %c0_i32_0 = arith.constant 0 : i32
    return %arg0, %c0_i32 : i32, i32
  }
  func.func @transform_4(%arg0: i32) -> (i32, i32) {
    %c0_i32 = arith.constant 0 : i32
    %c0_i32_0 = arith.constant 0 : i32
    return %arg0, %c0_i32 : i32, i32
  }
  func.func @transform_5(%arg0: i32) -> (i32, i32, i32) {
    %c0_i32 = arith.constant 0 : i32
    %c0_i32_0 = arith.constant 0 : i32
    %c0_i32_1 = arith.constant 0 : i32
    return %arg0, %c0_i32, %c0_i32_0 : i32, i32, i32
  }
}

module attributes {stable_mosaic.version = 14 : i64} {
  func.func @_shared_body(%arg0: i32, %arg1: memref<256x1024xf32, #tpu.memory_space<vmem>>, %arg2: memref<1024x1024xf32, #tpu.memory_space<vmem>>, %arg3: memref<1024x1024xf32, #tpu.memory_space<vmem>>, %arg4: memref<1024x1024xf32, #tpu.memory_space<vmem>>, %arg5: memref<256x1024xf32, #tpu.memory_space<vmem>>) attributes {dimension_semantics = [#tpu.dimension_semantics<arbitrary>], iteration_bounds = array<i64: 8>, scalar_prefetch = 0 : i64, scratch_operands = 0 : i64, tpu.core_type = #tpu.core_type<tc>, window_params = [{transform_indices = @transform_0, window_bounds = array<i64: 256, 1024>}, {pipeline_mode = #tpu.pipeline_mode<synchronous>, transform_indices = @transform_1, window_bounds = array<i64: 1024, 1024>}, {pipeline_mode = #tpu.pipeline_mode<synchronous>, transform_indices = @transform_2, window_bounds = array<i64: 1024, 1024>}, {pipeline_mode = #tpu.pipeline_mode<synchronous>, transform_indices = @transform_3, window_bounds = array<i64: 1024, 1024>}, {transform_indices = @transform_4, window_bounds = array<i64: 256, 1024>}]} {
    %get3A = arith.constant 0 : index
    %get3A_0 = arith.constant 0 : index
    %get3A_1 = vector.load %arg1[%get3A, %get3A_0] : memref<256x1024xf32, #tpu.memory_space<vmem>>, vector<256x1024xf32>
    %get3A_2 = arith.constant 0 : index
    %get3A_3 = arith.constant 0 : index
    %get3A_4 = vector.load %arg2[%get3A_2, %get3A_3] : memref<1024x1024xf32, #tpu.memory_space<vmem>>, vector<1024x1024xf32>
    %dot_general3A = arith.constant dense<0.000000e+00> : vector<256x1024xf32>
    %dot_general3A_5 = tpu.matmul %get3A_1, %get3A_4, %dot_general3A {dimension_numbers = #tpu.dot_dimension_numbers<[1], [1], [0], [0], [0, 0, 1, 0], [], []>, transpose_lhs_hint = false} : vector<256x1024xf32>, vector<1024x1024xf32>, vector<256x1024xf32> -> vector<256x1024xf32>
    %get3A_6 = arith.constant 0 : index
    %get3A_7 = arith.constant 0 : index
    %get3A_8 = vector.load %arg3[%get3A_6, %get3A_7] : memref<1024x1024xf32, #tpu.memory_space<vmem>>, vector<1024x1024xf32>
    %dot_general3A_9 = arith.constant dense<0.000000e+00> : vector<256x1024xf32>
    %dot_general3A_10 = tpu.matmul %get3A_1, %get3A_8, %dot_general3A_9 {dimension_numbers = #tpu.dot_dimension_numbers<[1], [1], [0], [0], [0, 0, 1, 0], [], []>, transpose_lhs_hint = false} : vector<256x1024xf32>, vector<1024x1024xf32>, vector<256x1024xf32> -> vector<256x1024xf32>
    %logistic3A = arith.negf %dot_general3A_5 : vector<256x1024xf32>
    %logistic3A_11 = math.exp %logistic3A : vector<256x1024xf32>
    %logistic3A_12 = arith.constant 1.000000e+00 : f32
    %logistic3A_13 = vector.broadcast %logistic3A_12 : f32 to vector<256x1024xf32>
    %logistic3A_14 = arith.addf %logistic3A_13, %logistic3A_11 : vector<256x1024xf32>
    %logistic3A_15 = arith.divf %logistic3A_13, %logistic3A_14 : vector<256x1024xf32>
    %mul3A = arith.mulf %dot_general3A_5, %logistic3A_15 : vector<256x1024xf32>
    %mul3A_16 = arith.mulf %mul3A, %dot_general3A_10 : vector<256x1024xf32>
    %get3A_17 = arith.constant 0 : index
    %get3A_18 = arith.constant 0 : index
    %get3A_19 = vector.load %arg4[%get3A_17, %get3A_18] : memref<1024x1024xf32, #tpu.memory_space<vmem>>, vector<1024x1024xf32>
    %dot_general3A_20 = arith.constant dense<0.000000e+00> : vector<256x1024xf32>
    %dot_general3A_21 = tpu.matmul %mul3A_16, %get3A_19, %dot_general3A_20 {dimension_numbers = #tpu.dot_dimension_numbers<[1], [1], [0], [0], [0, 0, 1, 0], [], []>, transpose_lhs_hint = false} : vector<256x1024xf32>, vector<1024x1024xf32>, vector<256x1024xf32> -> vector<256x1024xf32>
    %swap3A = arith.constant 0 : index
    %swap3A_22 = arith.constant 0 : index
    %swap3A_23 = vector.load %arg5[%swap3A, %swap3A_22] : memref<256x1024xf32, #tpu.memory_space<vmem>>, vector<256x1024xf32>
    tpu.vector_store %arg5[%swap3A, %swap3A_22], %dot_general3A_21 {strides = array<i32>} : memref<256x1024xf32, #tpu.memory_space<vmem>>, vector<256x1024xf32>,
    return
  }
  func.func @transform_0(%arg0: i32) -> (i32, i32) {
    %c0_i32 = arith.constant 0 : i32
    %c0_i32_0 = arith.constant 0 : i32
    return %arg0, %c0_i32 : i32, i32
  }
  func.func @transform_1(%arg0: i32) -> (i32, i32) {
    %c0_i32 = arith.constant 0 : i32
    %c0_i32_0 = arith.constant 0 : i32
    %c0_i32_1 = arith.constant 0 : i32
    return %c0_i32, %c0_i32_0 : i32, i32
  }
  func.func @transform_2(%arg0: i32) -> (i32, i32) {
    %c0_i32 = arith.constant 0 : i32
    %c0_i32_0 = arith.constant 0 : i32
    %c0_i32_1 = arith.constant 0 : i32
    return %c0_i32, %c0_i32_0 : i32, i32
  }
  func.func @transform_3(%arg0: i32) -> (i32, i32) {
    %c0_i32 = arith.constant 0 : i32
    %c0_i32_0 = arith.constant 0 : i32
    %c0_i32_1 = arith.constant 0 : i32
    return %c0_i32, %c0_i32_0 : i32, i32
  }
  func.func @transform_4(%arg0: i32) -> (i32, i32) {
    %c0_i32 = arith.constant 0 : i32
    %c0_i32_0 = arith.constant 0 : i32
    return %arg0, %c0_i32 : i32, i32
  }
}

module attributes {stable_mosaic.version = 14 : i64} {
  func.func @_expert_body(%arg0: i32, %arg1: memref<79xi32, #tpu.memory_space<smem>>, %arg2: memref<79xi32, #tpu.memory_space<smem>>, %arg3: memref<79xi32, #tpu.memory_space<smem>>, %arg4: memref<79xi32, #tpu.memory_space<smem>>, %arg5: memref<79xi32, #tpu.memory_space<smem>>, %arg6: memref<79xi32, #tpu.memory_space<smem>>, %arg7: memref<256x1024xf32, #tpu.memory_space<vmem>>, %arg8: memref<1x512x1024xf32, #tpu.memory_space<vmem>>, %arg9: memref<1x512x1024xf32, #tpu.memory_space<vmem>>, %arg10: memref<1x1024x512xf32, #tpu.memory_space<vmem>>, %arg11: memref<1x1x256xf32, #tpu.memory_space<vmem>>, %arg12: memref<256x1024xf32, #tpu.memory_space<vmem>>) attributes {dimension_semantics = [#tpu.dimension_semantics<arbitrary>], iteration_bounds = array<i64: 79>, scalar_prefetch = 6 : i64, scratch_operands = 0 : i64, tpu.core_type = #tpu.core_type<tc>, window_params = [{transform_indices = @transform_0, window_bounds = array<i64: 256, 1024>}, {transform_indices = @transform_1, window_bounds = array<i64: 1, 512, 1024>}, {transform_indices = @transform_2, window_bounds = array<i64: 1, 512, 1024>}, {transform_indices = @transform_3, window_bounds = array<i64: 1, 1024, 512>}, {transform_indices = @transform_4, window_bounds = array<i64: 1, 1, 256>}, {transform_indices = @transform_5, window_bounds = array<i64: 256, 1024>}]} {
    %get3A = arith.index_cast %arg0 : i32 to index
    %get3A_0 = memref.load %arg4[%get3A] : memref<79xi32, #tpu.memory_space<smem>>
    %eq3A = arith.constant 1 : i32
    %eq3A_1 = arith.cmpi eq, %get3A_0, %eq3A : i32
    %get3A_2 = arith.index_cast %arg0 : i32 to index
    %get3A_3 = memref.load %arg3[%get3A_2] : memref<79xi32, #tpu.memory_space<smem>>
    %eq3A_4 = arith.constant 1 : i32
    %eq3A_5 = arith.cmpi eq, %get3A_3, %eq3A_4 : i32
    %get3A_6 = arith.constant 0 : index
    %get3A_7 = arith.constant 0 : index
    %get3A_8 = vector.load %arg7[%get3A_6, %get3A_7] : memref<256x1024xf32, #tpu.memory_space<vmem>>, vector<256x1024xf32>
    %get3A_9 = arith.constant 0 : index
    %get3A_10 = arith.constant 0 : index
    %get3A_11 = arith.constant 0 : index
    %get3A_12 = vector.load %arg8[%get3A_9, %get3A_10, %get3A_11] : memref<1x512x1024xf32, #tpu.memory_space<vmem>>, vector<1x512x1024xf32>
    %get3A_13 = vector.shape_cast %get3A_12 : vector<1x512x1024xf32> to vector<512x1024xf32>
    %dot_general3A = arith.constant dense<0.000000e+00> : vector<256x512xf32>
    %dot_general3A_14 = tpu.matmul %get3A_8, %get3A_13, %dot_general3A {dimension_numbers = #tpu.dot_dimension_numbers<[1], [1], [0], [0], [0, 0, 1, 0], [], []>, transpose_lhs_hint = false} : vector<256x1024xf32>, vector<512x1024xf32>, vector<256x512xf32> -> vector<256x512xf32>
    %get3A_15 = arith.constant 0 : index
    %get3A_16 = arith.constant 0 : index
    %get3A_17 = arith.constant 0 : index
    %get3A_18 = vector.load %arg9[%get3A_15, %get3A_16, %get3A_17] : memref<1x512x1024xf32, #tpu.memory_space<vmem>>, vector<1x512x1024xf32>
    %get3A_19 = vector.shape_cast %get3A_18 : vector<1x512x1024xf32> to vector<512x1024xf32>
    %dot_general3A_20 = arith.constant dense<0.000000e+00> : vector<256x512xf32>
    %dot_general3A_21 = tpu.matmul %get3A_8, %get3A_19, %dot_general3A_20 {dimension_numbers = #tpu.dot_dimension_numbers<[1], [1], [0], [0], [0, 0, 1, 0], [], []>, transpose_lhs_hint = false} : vector<256x1024xf32>, vector<512x1024xf32>, vector<256x512xf32> -> vector<256x512xf32>
    %logistic3A = arith.negf %dot_general3A_14 : vector<256x512xf32>
    %logistic3A_22 = math.exp %logistic3A : vector<256x512xf32>
    %logistic3A_23 = arith.constant 1.000000e+00 : f32
    %logistic3A_24 = vector.broadcast %logistic3A_23 : f32 to vector<256x512xf32>
    %logistic3A_25 = arith.addf %logistic3A_24, %logistic3A_22 : vector<256x512xf32>
    %logistic3A_26 = arith.divf %logistic3A_24, %logistic3A_25 : vector<256x512xf32>
    %mul3A = arith.mulf %dot_general3A_14, %logistic3A_26 : vector<256x512xf32>
    %mul3A_27 = arith.mulf %mul3A, %dot_general3A_21 : vector<256x512xf32>
    %get3A_28 = arith.constant 0 : index
    %get3A_29 = arith.constant 0 : index
    %get3A_30 = arith.constant 0 : index
    %get3A_31 = vector.load %arg10[%get3A_28, %get3A_29, %get3A_30] : memref<1x1024x512xf32, #tpu.memory_space<vmem>>, vector<1x1024x512xf32>
    %get3A_32 = vector.shape_cast %get3A_31 : vector<1x1024x512xf32> to vector<1024x512xf32>
    %dot_general3A_33 = arith.constant dense<0.000000e+00> : vector<256x1024xf32>
    %dot_general3A_34 = tpu.matmul %mul3A_27, %get3A_32, %dot_general3A_33 {dimension_numbers = #tpu.dot_dimension_numbers<[1], [1], [0], [0], [0, 0, 1, 0], [], []>, transpose_lhs_hint = false} : vector<256x512xf32>, vector<1024x512xf32>, vector<256x1024xf32> -> vector<256x1024xf32>
    %get3A_35 = arith.index_cast %arg0 : i32 to index
    %get3A_36 = memref.load %arg2[%get3A_35] : memref<79xi32, #tpu.memory_space<smem>>
    %mul3A_37 = arith.constant 256 : i32
    %mul3A_38 = arith.muli %get3A_36, %mul3A_37 : i32
    %iota3A = tpu.iota {dimensions = array<i32: 0>} : vector<256x1xi32>
    %add3A = vector.broadcast %mul3A_38 : i32 to vector<256x1xi32>
    %add3A_39 = arith.addi %add3A, %iota3A : vector<256x1xi32>
    %get3A_40 = arith.index_cast %arg0 : i32 to index
    %get3A_41 = memref.load %arg5[%get3A_40] : memref<79xi32, #tpu.memory_space<smem>>
    %ge3A = vector.broadcast %get3A_41 : i32 to vector<256x1xi32>
    %ge3A_42 = arith.cmpi sge, %add3A_39, %ge3A : vector<256x1xi32>
    %get3A_43 = arith.index_cast %arg0 : i32 to index
    %get3A_44 = memref.load %arg6[%get3A_43] : memref<79xi32, #tpu.memory_space<smem>>
    %lt3A = vector.broadcast %get3A_44 : i32 to vector<256x1xi32>
    %lt3A_45 = arith.cmpi slt, %add3A_39, %lt3A : vector<256x1xi32>
    %and3A = arith.andi %ge3A_42, %lt3A_45 : vector<256x1xi1>
    %squeeze3A = vector.shape_cast %and3A : vector<256x1xi1> to vector<256xi1>
    %get3A_46 = arith.constant 0 : index
    %get3A_47 = arith.constant 0 : index
    %get3A_48 = arith.constant 0 : index
    %get3A_49 = vector.load %arg11[%get3A_46, %get3A_47, %get3A_48] : memref<1x1x256xf32, #tpu.memory_space<vmem>>, vector<1x1x256xf32>
    %get3A_50 = vector.shape_cast %get3A_49 : vector<1x1x256xf32> to vector<256xf32>
    %jit3A = arith.constant 0.000000e+00 : f32
    %broadcast_in_dim3A = vector.broadcast %jit3A : f32 to vector<256xf32>
    %select_n3A = arith.select %squeeze3A, %get3A_50, %broadcast_in_dim3A : vector<256xi1>, vector<256xf32>
    %broadcast_in_dim3A_51 = vector.shape_cast %select_n3A : vector<256xf32> to vector<256x1xf32>
    %mul3A_52 = vector.broadcast %broadcast_in_dim3A_51 : vector<256x1xf32> to vector<256x1024xf32>
    %mul3A_53 = arith.mulf %dot_general3A_34, %mul3A_52 : vector<256x1024xf32>
    %and3A_54 = arith.andi %eq3A_1, %eq3A_5 : i1
    %convert_element_type3A = arith.extui %and3A_54 : i1 to i32
    %cond3A = arith.constant 0 : i32
    %cond3A_55 = arith.cmpi ne, %convert_element_type3A, %cond3A : i32
    scf.if %cond3A_55 {
      %swap3A = arith.constant 0 : index
      %swap3A_61 = arith.constant 0 : index
      %swap3A_62 = vector.load %arg12[%swap3A, %swap3A_61] : memref<256x1024xf32, #tpu.memory_space<vmem>>, vector<256x1024xf32>
      tpu.vector_store %arg12[%swap3A, %swap3A_61], %mul3A_53 {strides = array<i32>} : memref<256x1024xf32, #tpu.memory_space<vmem>>, vector<256x1024xf32>,
    } else {
    }
    %not3A = arith.constant true
    %not3A_56 = arith.xori %eq3A_5, %not3A : i1
    %and3A_57 = arith.andi %eq3A_1, %not3A_56 : i1
    %convert_element_type3A_58 = arith.extui %and3A_57 : i1 to i32
    %cond3A_59 = arith.constant 0 : i32
    %cond3A_60 = arith.cmpi ne, %convert_element_type3A_58, %cond3A_59 : i32
    scf.if %cond3A_60 {
      %get3A_61 = arith.constant 0 : index
      %get3A_62 = arith.constant 0 : index
      %get3A_63 = vector.load %arg12[%get3A_61, %get3A_62] : memref<256x1024xf32, #tpu.memory_space<vmem>>, vector<256x1024xf32>
      %add3A_64 = arith.addf %get3A_63, %mul3A_53 : vector<256x1024xf32>
      %swap3A = arith.constant 0 : index
      %swap3A_65 = arith.constant 0 : index
      %swap3A_66 = vector.load %arg12[%swap3A, %swap3A_65] : memref<256x1024xf32, #tpu.memory_space<vmem>>, vector<256x1024xf32>
      tpu.vector_store %arg12[%swap3A, %swap3A_65], %add3A_64 {strides = array<i32>} : memref<256x1024xf32, #tpu.memory_space<vmem>>, vector<256x1024xf32>,
    } else {
    }
    return
  }
  func.func @transform_0(%arg0: i32, %arg1: memref<79xi32, #tpu.memory_space<smem>>, %arg2: memref<79xi32, #tpu.memory_space<smem>>, %arg3: memref<79xi32, #tpu.memory_space<smem>>, %arg4: memref<79xi32, #tpu.memory_space<smem>>, %arg5: memref<79xi32, #tpu.memory_space<smem>>, %arg6: memref<79xi32, #tpu.memory_space<smem>>) -> (i32, i32) {
    %get3A = arith.index_cast %arg0 : i32 to index
    %get3A_0 = memref.load %arg2[%get3A] : memref<79xi32, #tpu.memory_space<smem>>
    %c0_i32 = arith.constant 0 : i32
    %c0_i32_1 = arith.constant 0 : i32
    return %get3A_0, %c0_i32 : i32, i32
  }
  func.func @transform_1(%arg0: i32, %arg1: memref<79xi32, #tpu.memory_space<smem>>, %arg2: memref<79xi32, #tpu.memory_space<smem>>, %arg3: memref<79xi32, #tpu.memory_space<smem>>, %arg4: memref<79xi32, #tpu.memory_space<smem>>, %arg5: memref<79xi32, #tpu.memory_space<smem>>, %arg6: memref<79xi32, #tpu.memory_space<smem>>) -> (i32, i32, i32) {
    %get3A = arith.index_cast %arg0 : i32 to index
    %get3A_0 = memref.load %arg1[%get3A] : memref<79xi32, #tpu.memory_space<smem>>
    %c0_i32 = arith.constant 0 : i32
    %c0_i32_1 = arith.constant 0 : i32
    %c0_i32_2 = arith.constant 0 : i32
    return %get3A_0, %c0_i32, %c0_i32_1 : i32, i32, i32
  }
  func.func @transform_2(%arg0: i32, %arg1: memref<79xi32, #tpu.memory_space<smem>>, %arg2: memref<79xi32, #tpu.memory_space<smem>>, %arg3: memref<79xi32, #tpu.memory_space<smem>>, %arg4: memref<79xi32, #tpu.memory_space<smem>>, %arg5: memref<79xi32, #tpu.memory_space<smem>>, %arg6: memref<79xi32, #tpu.memory_space<smem>>) -> (i32, i32, i32) {
    %get3A = arith.index_cast %arg0 : i32 to index
    %get3A_0 = memref.load %arg1[%get3A] : memref<79xi32, #tpu.memory_space<smem>>
    %c0_i32 = arith.constant 0 : i32
    %c0_i32_1 = arith.constant 0 : i32
    %c0_i32_2 = arith.constant 0 : i32
    return %get3A_0, %c0_i32, %c0_i32_1 : i32, i32, i32
  }
  func.func @transform_3(%arg0: i32, %arg1: memref<79xi32, #tpu.memory_space<smem>>, %arg2: memref<79xi32, #tpu.memory_space<smem>>, %arg3: memref<79xi32, #tpu.memory_space<smem>>, %arg4: memref<79xi32, #tpu.memory_space<smem>>, %arg5: memref<79xi32, #tpu.memory_space<smem>>, %arg6: memref<79xi32, #tpu.memory_space<smem>>) -> (i32, i32, i32) {
    %get3A = arith.index_cast %arg0 : i32 to index
    %get3A_0 = memref.load %arg1[%get3A] : memref<79xi32, #tpu.memory_space<smem>>
    %c0_i32 = arith.constant 0 : i32
    %c0_i32_1 = arith.constant 0 : i32
    %c0_i32_2 = arith.constant 0 : i32
    return %get3A_0, %c0_i32, %c0_i32_1 : i32, i32, i32
  }
  func.func @transform_4(%arg0: i32, %arg1: memref<79xi32, #tpu.memory_space<smem>>, %arg2: memref<79xi32, #tpu.memory_space<smem>>, %arg3: memref<79xi32, #tpu.memory_space<smem>>, %arg4: memref<79xi32, #tpu.memory_space<smem>>, %arg5: memref<79xi32, #tpu.memory_space<smem>>, %arg6: memref<79xi32, #tpu.memory_space<smem>>) -> (i32, i32, i32) {
    %get3A = arith.index_cast %arg0 : i32 to index
    %get3A_0 = memref.load %arg2[%get3A] : memref<79xi32, #tpu.memory_space<smem>>
    %c0_i32 = arith.constant 0 : i32
    %c0_i32_1 = arith.constant 0 : i32
    %c0_i32_2 = arith.constant 0 : i32
    return %get3A_0, %c0_i32, %c0_i32_1 : i32, i32, i32
  }
  func.func @transform_5(%arg0: i32, %arg1: memref<79xi32, #tpu.memory_space<smem>>, %arg2: memref<79xi32, #tpu.memory_space<smem>>, %arg3: memref<79xi32, #tpu.memory_space<smem>>, %arg4: memref<79xi32, #tpu.memory_space<smem>>, %arg5: memref<79xi32, #tpu.memory_space<smem>>, %arg6: memref<79xi32, #tpu.memory_space<smem>>) -> (i32, i32) {
    %get3A = arith.index_cast %arg0 : i32 to index
    %get3A_0 = memref.load %arg2[%get3A] : memref<79xi32, #tpu.memory_space<smem>>
    %c0_i32 = arith.constant 0 : i32
    %c0_i32_1 = arith.constant 0 : i32
    return %get3A_0, %c0_i32 : i32, i32
  }
}

</mosaic_0001>

<sc_bundles>
// kernel: kernel.11.cloned.1.call-start
scs
__scs_entry_jumppad:
0x0: {  	(pc) =	sbr.rel $0x88, $3  }
0x1: {  	(tag) =	ssettag $0x0;
	lr =	simm.s32 $0x1  }
0x2: {  	[smem:$0x3F99] =	sst lr;
	_ =	strace $0xD0000000  }
0x3: {  	_ = 	snop  }
0x4: {  	_ = 	snop  }
0x5: {  	_ = 	snop  }
0x6: {  	_ = 	snop  }
0x7: {  	_ = 	snop  }
__scs_overlays_trampoline_lowered:
0x8: {  	[smem:$0x3FA8] =	sst s0  }
0x9: {  	[smem:$0x3FA9] =	sst s1  }
0xa: {  	[smem:$0x3FAA] =	sst s2  }
0xb: {  	[smem:$0x3FAB] =	sst s3  }
0xc: {  	[smem:$0x3FAC] =	sst s4  }
0xd: {  	[smem:$0x3FAD] =	sst s5  }
0xe: {  	[smem:$0x3FAE] =	sst s6  }
0xf: {  	[smem:$0x3FAF] =	sst s7  }
0x10: {  	[smem:$0x3FB0] =	sst s8  }
0x11: {  	[smem:$0x3FB1] =	sst s9;
	s0 =	simm.s32 @!p0 $0x0  }
0x12: {  	s1 =	sld [smem:$0x3F97];
	s0 =	simm.s32 @p0 $0x1  }
0x13: {  	[smem:$0x3FB2] =	sst s0;
	s0 =	simm.s32 @!p1 $0x0  }
0x14: {  	s2 =	sld [smem:$0x3F96];
	s0 =	simm.s32 @p1 $0x1  }
0x15: {  	[smem:$0x3FB3] =	sst s0;
	s0 =	simm.s32 @!p2 $0x0  }
0x16: {  	s3 =	sld [smem:$0x3FDB];
	s0 =	simm.s32 @p2 $0x1  }
0x17: {  	s4 =	simm.s32 $0x1BF5;
	[smem:$0x3FB5] =	sst s0  }
0x18: {  	s0 =	sld [smem:$0x3F98];
	_ =	swait.ge [sflag:s4], $0x0  }
0x19: {  	s7 =	sld [smem:$0x3F99]  }
0x1a: {  	s8 =	sadd.s32 $0xFFFFE003, lr  }
0x1b: {  	s9 =	sadd.s32 $0xFFFFFEF7, lr;
	s5 =	simm.s32 $0xFFFFFFFF;
	p2 =	slt.u32 s8, $0xFFFFF086  }
0x1c: {  	p1 =	slt.u32 s9, $0xF7A;
	s5 =	simm.s32 @!p2 $0x0  }
0x1d: {  	s5 =	simm.s32 @p1 $0x1;
	p0 =	seq.s32 s7, s2  }
0x1e: {  	s7 =	smul.u32 @!p0 $0xF7A, s2;
	p2 =	seq.s32 @!p0 s5, $0x0  }
0x1f: {  	s9 =	smul.u32 $0xF7A, s1;
	s8 =	simm.s32 @!p0 $0x1BF5;
	p2 =	por !p2, p0  }
0x20: {  	[sflag:s8] =	ssyncset.s32 @!p0 $0xFFFFF086;
	s6 =	sadd.s32 @!p0 s3, s7;
	s7 =	simm.s32 @!p0 $0x108  }
0x21: {  	s3 =	sadd.s32 s3, s9;
	s6 =	sadd.s32 @!p0 $0x88, s6;
	s7 =	simm.s32 @p2 $0x1082  }
0x22: {  	[simem:s7], [sflag:s8] =	dma.local @!p0 [hbm:s6], $0xF7A  }
0x23: {  	s9 =	sor.u32 $0xD0000000, s2;
	s6 =	simm.s32 $0x108;
	_ =	swait.ge @!p0 [sflag:s8], $0x0  }
0x24: {  	s3 =	sadd.s32 $0x88, s3;
	s6 =	simm.s32 @!p1 $0x1082;
	[sflag:s4] =	ssyncset.s32 $0xFFFFF086  }
0x25: {  	[simem:s6], [sflag:s4] =	dma.local [hbm:s3], $0xF7A  }
0x26: {  	[smem:$0x3F99] =	sst s1;
	(tag) =	ssettag s2;
	_ =	strace s9  }
0x27: {  	s1 =	sld [smem:$0x3FA9]  }
0x28: {  	s2 =	sld [smem:$0x3FAA]  }
0x29: {  	s4 =	sld [smem:$0x3FAC]  }
0x2a: {  	p0 =	seq.s32 s5, $0x0;
	s5 =	sld [smem:$0x3FAD]  }
0x2b: {  	s6 =	sld [smem:$0x3FAE]  }
0x2c: {  	s7 =	sld [smem:$0x3FAF]  }
0x2d: {  	s3 =	simm.s32 $0x108;
	s8 =	sld [smem:$0x3FB0]  }
0x2e: {  	s3 =	simm.s32 @!p0 $0x1082;
	s9 =	sld [smem:$0x3FB1]  }
0x2f: {  	lr =	sadd.s32 s0, s3;
	s0 =	sld [smem:$0x3FA8]  }
0x30: {  	s3 =	sld [smem:$0x3FAB]  }
0x31: {  	[smem:$0x3FB4] =	sst s10  }
0x32: {  	s10 =	sld [smem:$0x3FB2];
	_ =	sdelay $0x3  }
0x33: {  	p0 =	seq.s32 s10, $0x1;
	s10 =	sld [smem:$0x3FB4];
	_ =	sdelay $0x3  }
0x34: {  	[smem:$0x3FB4] =	sst s10  }
0x35: {  	s10 =	sld [smem:$0x3FB3];
	_ =	sdelay $0x3  }
0x36: {  	p1 =	seq.s32 s10, $0x1;
	s10 =	sld [smem:$0x3FB4];
	_ =	sdelay $0x3  }
0x37: {  	[smem:$0x3FB4] =	sst s10  }
0x38: {  	s10 =	sld [smem:$0x3FB5]  }
0x39: {  	_ = 	snop;
	(pc) =	sbr.ind lr, $3  }
0x3a: {  	_ = 	snop  }
0x3b: {  	_ = 	snop  }
0x3c: {  	p2 =	seq.s32 s10, $0x1;
	s10 =	sld [smem:$0x3FB4]  }
0x3d: {  	_ =	shalt  }
0x3e: {  	_ =	shalt  }
0x3f: {  	_ =	shalt  }
0x40: {  	_ =	shalt  }
0x41: {  	_ =	shalt  }
0x42: {  	_ =	shalt  }
0x43: {  	_ =	shalt  }
0x44: {  	_ =	shalt  }
0x45: {  	_ =	shalt  }
0x46: {  	_ =	shalt  }
0x47: {  	_ =	shalt  }
0x48: {  	_ =	shalt  }
0x49: {  	_ =	shalt  }
0x4a: {  	_ =	shalt  }
0x4b: {  	_ =	shalt  }
0x4c: {  	_ =	shalt  }
0x4d: {  	_ =	shalt  }
0x4e: {  	_ =	shalt  }
0x4f: {  	_ =	shalt  }
0x50: {  	_ =	shalt  }
0x51: {  	_ =	shalt  }
0x52: {  	_ =	shalt  }
0x53: {  	_ =	shalt  }
0x54: {  	_ =	shalt  }
0x55: {  	_ =	shalt  }
0x56: {  	_ =	shalt  }
0x57: {  	_ =	shalt  }
0x58: {  	_ =	shalt  }
0x59: {  	_ =	shalt  }
0x5a: {  	_ =	shalt  }
0x5b: {  	_ =	shalt  }
0x5c: {  	_ =	shalt  }
0x5d: {  	_ =	shalt  }
0x5e: {  	_ =	shalt  }
0x5f: {  	_ =	shalt  }
0x60: {  	_ =	shalt  }
0x61: {  	_ =	shalt  }
0x62: {  	_ =	shalt  }
0x63: {  	_ =	shalt  }
0x64: {  	_ =	shalt  }
0x65: {  	_ =	shalt  }
0x66: {  	_ =	shalt  }
0x67: {  	_ =	shalt  }
0x68: {  	_ =	shalt  }
0x69: {  	_ =	shalt  }
0x6a: {  	_ =	shalt  }
0x6b: {  	_ =	shalt  }
0x6c: {  	_ =	shalt  }
0x6d: {  	_ =	shalt  }
0x6e: {  	_ =	shalt  }
0x6f: {  	_ =	shalt  }
0x70: {  	_ =	shalt  }
0x71: {  	_ =	shalt  }
0x72: {  	_ =	shalt  }
0x73: {  	_ =	shalt  }
0x74: {  	_ =	shalt  }
0x75: {  	_ =	shalt  }
0x76: {  	_ =	shalt  }
0x77: {  	_ =	shalt  }
0x78: {  	_ =	shalt  }
0x79: {  	_ =	shalt  }
0x7a: {  	_ =	shalt  }
0x7b: {  	_ =	shalt  }
0x7c: {  	_ =	shalt  }
0x7d: {  	_ =	shalt  }
0x7e: {  	_ =	shalt  }
0x7f: {  	_ =	shalt  }
0x80: {  	_ =	shalt  }
0x81: {  	_ =	shalt  }
0x82: {  	_ =	shalt  }
0x83: {  	_ =	shalt  }
0x84: {  	_ =	shalt  }
0x85: {  	_ =	shalt  }
0x86: {  	_ =	shalt  }
0x87: {  	_ =	shalt  }
.Lfunc_end0:
.L_simem_size_0:
called_computation.1_lowered:
.L_overlay_start_0:
0x88: {  	s2 =	sld [smem:$0x3FD9]  }
0x89: {  	s3 =	sld [smem:$0x3FFE];
	_ =	sdelay $0x1  }
0x8a: {  	s1 =	srdreg.scid  }
0x8b: {  	s0 =	sand.u32 $0x1, s1  }
0x8c: {  	s17 =	sshll.u32 s0, $0xA;
	s2 =	sadd.s32 s3, s2  }
0x8d: {  	s2 =	sadd.s32 s2, s17  }
0x8e: {  	[smem:$0x3FC0] =	sst s2  }
0x8f: {  	_ = 	snop  }
0x90: {  	s2 =	sld [smem:$0x3FD0];
	(tm) =	ssettm $0x1  }
0x91: {  	s18 =	sld [smem:$0x3FFB];
	_ =	sdelay $0x3  }
0x92: {  	_ =	strace s18  }
0x93: {  	s3 =	sld [smem:$0x3FFC];
	_ =	sdelay $0x3  }
0x94: {  	_ =	strace s3  }
0x95: {  	s3 =	sld [smem:$0x3FFD];
	_ =	sdelay $0x3  }
0x96: {  	_ =	strace s3  }
0x97: {  	_ =	strace $0x8FFFFFFF  }
0x98: {  	s19 =	sld [smem:$0x3FDB];
	_ =	sdelay $0x1  }
0x99: {  	s4 =	simm.s32 $_scs_section_size  }
0x9a: {  	s5 =	simm.s32 $_size__tile_overlayer_lowered;
	s6 =	simm.s32 $_tile_overlayer_lowered  }
0x9b: {  	s22 =	simm.s32 $0x1BFF;
	s21 =	sshll.u32 s6, $0x1;
	s3 =	sadd.s32 s4, s19  }
0x9c: {  	s7 =	simm.s32 $0x0;
	s20 =	sshll.u32 s5, $0x1;
	s5 =	sadd.s32 s21, s3  }
0x9d: {  	[timem:s7], [sflag:s22] =	dma.local [hbm:s5], s20  }
0x9e: {  	_ =	swait.ge [sflag:s22], s20  }
0x9f: {  	s4 =	ssub.s32 $0x0, s20;
	[sflag:s22] =	ssyncset.done $0x0  }
0xa0: {  	[sflag:s22] =	ssyncadd.s32 s4;
	_ =	sdelay $0x1  }
0xa1: {  	s23 =	simm.s32 $0x1B8B  }
0xa2: {  	_ =	swait.ge [sflag:s23], $0x1  }
0xa3: {  	[sflag:s23] =	ssyncset.done $0x0  }
0xa4: {  	s25 =	simm.s32 $0x1B8E;
	s24 =	sld [smem:$0x3FFE];
	[sflag:s23] =	ssyncadd.s32 $0xFFFFFFFF  }
0xa5: {  	s26 =	simm.s32 $execute0_lowered;
	[smem:$0x3FD2] =	sst s25  }
0xa6: {  	s5 =	sshll.u32 s26, $0x1;
	_ =	strace $0x80000049;
	[dreg:$0x1] =	wrdreg $0xFFFFFFFF  }
0xa7: {  	s28 =	simm.s32 $_size_execute0_lowered;
	s3 =	sadd.s32 s3, s5;
	[dreg:$0x0] =	wrdreg $0x0  }
0xa8: {  	s5 =	sshll.u32 s28, $0x1;
	[dreg:$0x2] =	wrdreg s3  }
0xa9: {  	[dreg:$0x3] =	wrdreg s5  }
0xaa: {  	[dreg:$0x4] =	wrdreg $0xC0  }
0xab: {  	_ =	task [dreg:s7], $0x5FFFF  }
0xac: {  	[dreg:$0x1] =	wrdreg $0xFFFFFFFF  }
0xad: {  	[dreg:$0x0] =	wrdreg $0x60  }
0xae: {  	[dreg:$0x2] =	wrdreg s24  }
0xaf: {  	[dreg:$0x3] =	wrdreg s2  }
0xb0: {  	[dreg:$0x4] =	wrdreg $0x9  }
0xb1: {  	_ =	task.clear_ibuf [dreg:s7], $0x5FFFF;
	_ =	strace $0x90000049  }
0xb2: {  	s29 =	simm.s32 $0x9;
	_ =	strace $0x8000004B  }
0xb3: {  	_ =	swait.ge [sflag:s29], $0x1  }
0xb4: {  	[sflag:s29] =	ssyncadd.s32 $0xFFFFFFFF  }
0xb5: {  	_ =	strace $0x9000004B  }
0xb6: {  	_ =	sfence  }
0xb7: {  	s30 =	sld [smem:$0x0];
	_ =	sdelay $0x2  }
0xb8: {  	s31 =	sshll.u32 s1, $0xD;
	s1 =	sshrl.u32 s1, $0x2  }
0xb9: {  	s3 =	sand.u32 $0x4000, s31;
	s1 =	sadd.s32 s1, s30  }
0xba: {  	s0 =	sor.u32 s3, s0;
	s1 =	sshll.u32 s1, $0x11  }
0xbb: {  	s0 =	sor.u32 s1, s0  }
0xbc: {  	s0 =	sadd.s32 $0x8F2B, s0  }
0xbd: {  	[sflag:s0] =	ssyncadd.remote.s32 $0x1  }
0xbe: {  	_ =	sfence.sel $0xFFFF  }
0xbf: {  	[dreg:$0x0] =	wrdreg $0xFFFFFFFF;
	(pc) =	sbr.abs _section_cstart, $3  }
0xc0: {  	[dreg:$0x1] =	wrdreg $0xFFFFFFFF  }
0xc1: {  	_ =	task.clear_ibuf [dreg:s7], $0x2FFFF;
	_ =	strace $0x9FFFFFFF  }
0xc2: {  	(tm) =	ssettm $0x7FFFFFFF  }
0xc3: {  	_ =	shalt  }
tec
execute0_lowered:
.L_overlay_start_1:
0x0: {  	(tag) =	ssettag $0x1  }
0x1: {  	s0 =	rddreg [dreg:$0x0]  }
0x2: {  	s1 =	rddreg [dreg:$0x1]  }
0x3: {  	s2 =	simm.s32 $0x0;
	s3 =	srdreg.scid;
	s6 =	stileid.u32  }
0x4: {  	s14 =	simm.s32 $0x2;
	s15 =	simm.s32 $0x9880;
	s16 =	simm.s32 $0xA080  }
0x5: {  	s17 =	simm.s32 $0xB080;
	s18 =	simm.s32 $0xB880;
	s19 =	simm.s32 $0xC880  }
0x6: {  	s20 =	simm.s32 $0xD880;
	s21 =	simm.s32 $0xE880;
	s12 =	simm.s32 $0xF080  }
0x7: {  	s22 =	simm.s32 $0xF880;
	s13 =	simm.s32 $0x10080;
	s23 =	simm.s32 $0x1  }
0x8: {  	[smem:$0x7FF] =	sst s2;
	s4 =	sand.u32 $0x1, s3;
	s3 =	sadd.s32 $0x1E00, s0  }
0x9: {  	s6 =	sshll.u32 s6, $0x1;
	s8 =	sadd.s32 $0x82200, s0;
	s9 =	sadd.s32 $0x82000, s0  }
0xa: {  	_ =	strace $0x8000004A;
	s5 =	ssub.s32 $0x2, s4;
	s4 =	sor.u32 s4, s6  }
0xb: {  	s6 =	sadd.s32 $0x2000, s0;
	s7 =	sshrl.u32 s5, $0x1;
	s24 =	sshll.u32 s4, $0x4  }
0xc: {  	s25 =	sshll.u32 s4, $0x6;
	s4 =	sshll.u32 s4, $0xD;
	s10 =	ssub.s32 s5, s7  }
0xd: {  	s5 =	sadd.s32 s9, s24;
	s11 =	sor.u32 $0x20, s25;
	s7 =	sadd.s32 $0x2100, s0  }
0xe: {  	s26 =	sadd.s32 s8, s4;
	s4 =	sadd.s32 s1, s4;
	[dreg:$0x3] =	wrdreg s5  }
0xf: {  	s24 =	simm.s32 $0x0;
	s5 =	sadd.s32 $0x1F00, s0;
	[dreg:$0x4] =	wrdreg s26  }
0x10: {  	s28 =	sshrl.u32 s11, $0x2;
	[dreg:$0x5] =	wrdreg s4;
	s29 =	sshll.u32 s11, $0x7  }
0x11: {  	s31 =	smax.u32 s10, $0x1;
	s4 =	simm.s32 $0x9080;
	s10 =	simm.s32 $0xD080  }
0x12: {  	s11 =	simm.s32 $0xE080;
	s0 =	sadd.s32 s9, s28;
	[dreg:$0x9] =	wrdreg s31  }
0x13: {  	v2 =	vlaneseq.u32;
	s30 =	sadd.s32 s8, s29;
	s8 =	simm.s32 $0xA880;
	[dreg:$0x6] =	wrdreg s0  }
0x14: {  	vm0 =	vmmov $0xffff;
	v1 =	vshrl.u32 v2, $0x3;
	s9 =	simm.s32 $0xC080;
	[dreg:$0x7] =	wrdreg s30;
	s0 =	sadd.s32 s1, s29  }
0x15: {  	v0 =	vand.u32 $0x7, v2;
	v2 =	vor.u32 $0x8, v2;
	v1 =	vmul.u32 $0x8, v1;
	s1 =	simm.s32 $0x8880;
	[dreg:$0x8] =	wrdreg s0;
	s0 =	simm.s32 $0x8080  }
.LBB2_1:
0x16: {  	s25 =	rddreg [dreg:$0x3]  }
0x17: {  	[tilespmem:s2], [sflag:$0x2] =	stream.linear.gather [hbm4b:s25+s2], $0x40, $0x38;
	[tilespmem:$0x18080] =	vst v63  }
0x18: {  	_ =	swait.ge [sflag:s14], $0x40  }
0x19: {  	[sflag:s14] =	ssyncset.done $0x0  }
0x1a: {  	[sflag:s14] =	ssyncadd.s32 $0xFFFFFFC0  }
0x1b: {  	v3 =	vld [tilespmem:$0x0];
	_ =	sdelay $0x4  }
0x1c: {  	v4 =	vshll.u32 v3, $0x3  }
0x1d: {  	v3 =	vand.u32 $0x7, v3;
	v4 =	vand.u32 $0xFFFFFFC0, v4  }
0x1e: {  	v3 =	vor.u32 v3, v4  }
0x1f: {  	v4 =	vperm.xlane v3, v0;
	_ =	sdelay $0x1  }
0x20: {  	v4 =	vadd.s32 v1, v4;
	_ =	sdelay $0x3  }
0x21: {  	s30 =	simm.s32 $0x80  }
0x22: {  	[tilespmem:s30], [sflag:$0x1] =	stream.indirect_vreg.gather [hbm4b:s3+s2], $0x80, v4, vm0, $0xb8;
	[tilespmem:$0x18080] =	vst v63  }
0x23: {  	s31 =	simm.s32 $0x880;
	v3 =	vperm.xlane v3, v2  }
0x24: {  	[tilespmem:s31], [sflag:$0x1] =	stream.indirect_vreg.gather [hbm4b:s5+s2], $0x80, v4, vm0, $0xb8;
	[tilespmem:$0x18080] =	vst v63  }
0x25: {  	s26 =	simm.s32 $0x1080;
	v3 =	vadd.s32 v1, v3  }
0x26: {  	[tilespmem:s26], [sflag:$0x1] =	stream.indirect_vreg.gather [hbm4b:s6+s2], $0x80, v4, vm0, $0xb8;
	[tilespmem:$0x18080] =	vst v63  }
0x27: {  	s28 =	simm.s32 $0x1880  }
0x28: {  	[tilespmem:s28], [sflag:$0x1] =	stream.indirect_vreg.gather [hbm4b:s7+s2], $0x80, v4, vm0, $0xb8;
	[tilespmem:$0x18080] =	vst v63  }
0x29: {  	s29 =	simm.s32 $0x2080  }
0x2a: {  	[tilespmem:s29], [sflag:$0x1] =	stream.indirect_vreg.gather [hbm4b:s3+s2], $0x80, v3, vm0, $0xb8;
	[tilespmem:$0x18080] =	vst v63  }
0x2b: {  	s30 =	simm.s32 $0x2880  }
0x2c: {  	[tilespmem:s30], [sflag:$0x1] =	stream.indirect_vreg.gather [hbm4b:s5+s2], $0x80, v3, vm0, $0xb8;
	[tilespmem:$0x18080] =	vst v63  }
0x2d: {  	s31 =	simm.s32 $0x3080  }
0x2e: {  	[tilespmem:s31], [sflag:$0x1] =	stream.indirect_vreg.gather [hbm4b:s6+s2], $0x80, v3, vm0, $0xb8;
	[tilespmem:$0x18080] =	vst v63  }
0x2f: {  	s26 =	simm.s32 $0x3880  }
0x30: {  	[tilespmem:s26], [sflag:$0x1] =	stream.indirect_vreg.gather [hbm4b:s7+s2], $0x80, v3, vm0, $0xb8;
	[tilespmem:$0x18080] =	vst v63  }
0x31: {  	v3 =	vld [tilespmem:$0x10];
	_ =	sdelay $0x4  }
0x32: {  	v61 =	vshll.u32 v3, $0x3  }
0x33: {  	v3 =	vand.u32 $0x7, v3;
	v4 =	vand.u32 $0xFFFFFFC0, v61  }
0x34: {  	v3 =	vor.u32 v3, v4  }
0x35: {  	v4 =	vperm.xlane v3, v0;
	_ =	sdelay $0x1  }
0x36: {  	v4 =	vadd.s32 v1, v4;
	_ =	sdelay $0x3  }
0x37: {  	s28 =	simm.s32 $0x4080  }
0x38: {  	[tilespmem:s28], [sflag:$0x1] =	stream.indirect_vreg.gather [hbm4b:s3+s2], $0x80, v4, vm0, $0xb8;
	[tilespmem:$0x18080] =	vst v63  }
0x39: {  	s29 =	simm.s32 $0x4880;
	v3 =	vperm.xlane v3, v2  }
0x3a: {  	[tilespmem:s29], [sflag:$0x1] =	stream.indirect_vreg.gather [hbm4b:s5+s2], $0x80, v4, vm0, $0xb8;
	[tilespmem:$0x18080] =	vst v63  }
0x3b: {  	s30 =	simm.s32 $0x5080;
	v3 =	vadd.s32 v1, v3  }
0x3c: {  	[tilespmem:s30], [sflag:$0x1] =	stream.indirect_vreg.gather [hbm4b:s6+s2], $0x80, v4, vm0, $0xb8;
	[tilespmem:$0x18080] =	vst v63  }
0x3d: {  	s31 =	simm.s32 $0x5880  }
0x3e: {  	[tilespmem:s31], [sflag:$0x1] =	stream.indirect_vreg.gather [hbm4b:s7+s2], $0x80, v4, vm0, $0xb8;
	[tilespmem:$0x18080] =	vst v63  }
0x3f: {  	s26 =	simm.s32 $0x6080  }
0x40: {  	[tilespmem:s26], [sflag:$0x1] =	stream.indirect_vreg.gather [hbm4b:s3+s2], $0x80, v3, vm0, $0xb8;
	[tilespmem:$0x18080] =	vst v63  }
0x41: {  	s28 =	simm.s32 $0x6880  }
0x42: {  	[tilespmem:s28], [sflag:$0x1] =	stream.indirect_vreg.gather [hbm4b:s5+s2], $0x80, v3, vm0, $0xb8;
	[tilespmem:$0x18080] =	vst v63  }
0x43: {  	s29 =	simm.s32 $0x7080  }
0x44: {  	[tilespmem:s29], [sflag:$0x1] =	stream.indirect_vreg.gather [hbm4b:s6+s2], $0x80, v3, vm0, $0xb8;
	[tilespmem:$0x18080] =	vst v63  }
0x45: {  	s30 =	simm.s32 $0x7880  }
0x46: {  	[tilespmem:s30], [sflag:$0x1] =	stream.indirect_vreg.gather [hbm4b:s7+s2], $0x80, v3, vm0, $0xb8;
	[tilespmem:$0x18080] =	vst v63  }
0x47: {  	v3 =	vld [tilespmem:$0x20];
	_ =	sdelay $0x4  }
0x48: {  	v62 =	vshll.u32 v3, $0x3  }
0x49: {  	v3 =	vand.u32 $0x7, v3;
	v4 =	vand.u32 $0xFFFFFFC0, v62  }
0x4a: {  	v3 =	vor.u32 v3, v4  }
0x4b: {  	v4 =	vperm.xlane v3, v0;
	_ =	sdelay $0x1  }
0x4c: {  	v4 =	vadd.s32 v1, v4;
	_ =	sdelay $0x4  }
0x4d: {  	[tilespmem:s0], [sflag:$0x1] =	stream.indirect_vreg.gather [hbm4b:s3+s2], $0x80, v4, vm0, $0xb8;
	[tilespmem:$0x18080] =	vst v63  }
0x4e: {  	v3 =	vperm.xlane v3, v2  }
0x4f: {  	[tilespmem:s1], [sflag:$0x1] =	stream.indirect_vreg.gather [hbm4b:s5+s2], $0x80, v4, vm0, $0xb8;
	[tilespmem:$0x18080] =	vst v63  }
0x50: {  	v3 =	vadd.s32 v1, v3  }
0x51: {  	[tilespmem:s4], [sflag:$0x1] =	stream.indirect_vreg.gather [hbm4b:s6+s2], $0x80, v4, vm0, $0xb8;
	[tilespmem:$0x18080] =	vst v63  }
0x52: {  	_ = 	snop  }
0x53: {  	[tilespmem:s15], [sflag:$0x1] =	stream.indirect_vreg.gather [hbm4b:s7+s2], $0x80, v4, vm0, $0xb8;
	[tilespmem:$0x18080] =	vst v63  }
0x54: {  	_ = 	snop  }
0x55: {  	[tilespmem:s16], [sflag:$0x1] =	stream.indirect_vreg.gather [hbm4b:s3+s2], $0x80, v3, vm0, $0xb8;
	[tilespmem:$0x18080] =	vst v63  }
0x56: {  	_ = 	snop  }
0x57: {  	[tilespmem:s8], [sflag:$0x1] =	stream.indirect_vreg.gather [hbm4b:s5+s2], $0x80, v3, vm0, $0xb8;
	[tilespmem:$0x18080] =	vst v63  }
0x58: {  	_ = 	snop  }
0x59: {  	[tilespmem:s17], [sflag:$0x1] =	stream.indirect_vreg.gather [hbm4b:s6+s2], $0x80, v3, vm0, $0xb8;
	[tilespmem:$0x18080] =	vst v63  }
0x5a: {  	_ = 	snop  }
0x5b: {  	[tilespmem:s18], [sflag:$0x1] =	stream.indirect_vreg.gather [hbm4b:s7+s2], $0x80, v3, vm0, $0xb8;
	[tilespmem:$0x18080] =	vst v63  }
0x5c: {  	v3 =	vld [tilespmem:$0x30];
	_ =	sdelay $0x4  }
0x5d: {  	v63 =	vshll.u32 v3, $0x3  }
0x5e: {  	v3 =	vand.u32 $0x7, v3;
	v4 =	vand.u32 $0xFFFFFFC0, v63  }
0x5f: {  	v3 =	vor.u32 v3, v4  }
0x60: {  	v4 =	vperm.xlane v3, v0;
	_ =	sdelay $0x1  }
0x61: {  	v4 =	vadd.s32 v1, v4;
	_ =	sdelay $0x4  }
0x62: {  	[tilespmem:s9], [sflag:$0x1] =	stream.indirect_vreg.gather [hbm4b:s3+s2], $0x80, v4, vm0, $0xb8;
	[tilespmem:$0x18080] =	vst v63  }
0x63: {  	v3 =	vperm.xlane v3, v2  }
0x64: {  	[tilespmem:s19], [sflag:$0x1] =	stream.indirect_vreg.gather [hbm4b:s5+s2], $0x80, v4, vm0, $0xb8;
	[tilespmem:$0x18080] =	vst v63  }
0x65: {  	v3 =	vadd.s32 v1, v3  }
0x66: {  	[tilespmem:s10], [sflag:$0x1] =	stream.indirect_vreg.gather [hbm4b:s6+s2], $0x80, v4, vm0, $0xb8;
	[tilespmem:$0x18080] =	vst v63  }
0x67: {  	_ = 	snop  }
0x68: {  	[tilespmem:s20], [sflag:$0x1] =	stream.indirect_vreg.gather [hbm4b:s7+s2], $0x80, v4, vm0, $0xb8;
	[tilespmem:$0x18080] =	vst v63  }
0x69: {  	_ = 	snop  }
0x6a: {  	[tilespmem:s11], [sflag:$0x1] =	stream.indirect_vreg.gather [hbm4b:s3+s2], $0x80, v3, vm0, $0xb8;
	[tilespmem:$0x18080] =	vst v63  }
0x6b: {  	_ = 	snop  }
0x6c: {  	[tilespmem:s21], [sflag:$0x1] =	stream.indirect_vreg.gather [hbm4b:s5+s2], $0x80, v3, vm0, $0xb8;
	[tilespmem:$0x18080] =	vst v63  }
0x6d: {  	_ = 	snop  }
0x6e: {  	[tilespmem:s12], [sflag:$0x1] =	stream.indirect_vreg.gather [hbm4b:s6+s2], $0x80, v3, vm0, $0xb8;
	[tilespmem:$0x18080] =	vst v63  }
0x6f: {  	_ = 	snop  }
0x70: {  	[tilespmem:s22], [sflag:$0x1] =	stream.indirect_vreg.gather [hbm4b:s7+s2], $0x80, v3, vm0, $0xb8;
	[tilespmem:$0x18080] =	vst v63  }
0x71: {  	s31 =	rddreg [dreg:$0x4]  }
0x72: {  	[tilespmem:s13], [sflag:$0x2] =	stream.linear.gather [hbm4b:s31+s2], $0x8000, $0x38;
	[tilespmem:$0x18080] =	vst v63  }
0x73: {  	_ =	swait.ge [sflag:s14], $0x8000  }
0x74: {  	[sflag:s14] =	ssyncset.done $0x0  }
0x75: {  	[sflag:s14] =	ssyncadd.s32 $0xFFFF8000  }
0x76: {  	_ =	swait.ge [sflag:s23], $0x10000  }
0x77: {  	[sflag:s23] =	ssyncset.done $0x0  }
0x78: {  	s25 =	simm.s32 $0x0;
	s26 =	simm.s32 $0x0;
	[sflag:s23] =	ssyncadd.s32 $0xFFFF0000  }
.LBB2_2:
0x79: {  	s28 =	sand.u32 $0x70, s26;
	s29 =	sand.u32 $0x1C00, s25  }
0x7a: {  	s28 =	sor.u32 s28, s29  }
0x7b: {  	v3 =	vld [tilespmem:s28+$0x80]  }
0x7c: {  	v4 =	vld [tilespmem:s28+$0x100]  }
0x7d: {  	v5 =	vld [tilespmem:s28+$0x10080]  }
0x7e: {  	v6 =	vld [tilespmem:s28+$0x180]  }
0x7f: {  	v7 =	vld [tilespmem:s28+$0x200]  }
0x80: {  	v8 =	vld [tilespmem:s28+$0x280]  }
0x81: {  	v9 =	vld [tilespmem:s28+$0x300]  }
0x82: {  	v10 =	vld [tilespmem:s28+$0x10100]  }
0x83: {  	v11 =	vld [tilespmem:s28+$0x10180]  }
0x84: {  	v23 =	vld [tilespmem:s28+$0x10200];
	v3 =	vadd.f32 v4, v3  }
0x85: {  	v24 =	vld [tilespmem:s28+$0x2080];
	v21 =	vadd.f32 v7, v6  }
0x86: {  	v25 =	vld [tilespmem:s28+$0x2100];
	v22 =	vadd.f32 v9, v8;
	v3 =	vadd.f32 v5, v3  }
0x87: {  	v26 =	vld [tilespmem:s28+$0x10280];
	v4 =	vadd.f32 v10, v21  }
0x88: {  	v27 =	vld [tilespmem:s28+$0x2180];
	[tilespmem:s28+$0x10080] =	vst v3;
	v3 =	vadd.f32 v11, v22  }
0x89: {  	s29 =	sor.u32 s26, s25;
	v29 =	vld [tilespmem:s28+$0x2280];
	[tilespmem:s28+$0x10100] =	vst v4  }
0x8a: {  	s30 =	sor.u32 $0x380, s29;
	[tilespmem:s28+$0x10180] =	vst v3;
	v3 =	vld [tilespmem:s28+$0x380]  }
0x8b: {  	v4 =	vld [tilespmem:s30+$0x80]  }
0x8c: {  	v12 =	vld [tilespmem:s28+$0x2300]  }
0x8d: {  	v28 =	vld [tilespmem:s28+$0x2200]  }
0x8e: {  	v30 =	vld [tilespmem:s28+$0x10380]  }
0x8f: {  	v13 =	vld [tilespmem:s28+$0x10300];
	v6 =	vadd.f32 v25, v24  }
0x90: {  	v3 =	vadd.f32 v4, v3  }
0x91: {  	v32 =	vadd.f32 v12, v29;
	v6 =	vadd.f32 v26, v6  }
0x92: {  	v31 =	vadd.f32 v28, v27;
	v3 =	vadd.f32 v23, v3  }
0x93: {  	[tilespmem:s28+$0x10280] =	vst v6;
	v4 =	vadd.f32 v30, v32  }
0x94: {  	[tilespmem:s28+$0x10200] =	vst v3;
	v3 =	vadd.f32 v13, v31  }
0x95: {  	[tilespmem:s28+$0x10380] =	vst v4  }
0x96: {  	s31 =	sor.u32 $0x2380, s29;
	[tilespmem:s28+$0x10300] =	vst v3;
	v3 =	vld [tilespmem:s28+$0x2380]  }
0x97: {  	v4 =	vld [tilespmem:s31+$0x80];
	_ =	sdelay $0x1  }
0x98: {  	v33 =	vld [tilespmem:s30+$0x10080];
	_ =	sdelay $0x2  }
0x99: {  	v3 =	vadd.f32 v4, v3;
	_ =	sdelay $0x1  }
0x9a: {  	v3 =	vadd.f32 v33, v3;
	_ =	sdelay $0x1  }
0x9b: {  	[tilespmem:s30+$0x10080] =	vst v3  }
0x9c: {  	v3 =	vld [tilespmem:s28+$0x4080]  }
0x9d: {  	v34 =	vld [tilespmem:s28+$0x4100]  }
0x9e: {  	v35 =	vld [tilespmem:s28+$0x12080]  }
0x9f: {  	v36 =	vld [tilespmem:s28+$0x4180]  }
0xa0: {  	v37 =	vld [tilespmem:s28+$0x4200]  }
0xa1: {  	v38 =	vld [tilespmem:s28+$0x4280]  }
0xa2: {  	v39 =	vld [tilespmem:s28+$0x4300]  }
0xa3: {  	v40 =	vld [tilespmem:s28+$0x12100]  }
0xa4: {  	v41 =	vld [tilespmem:s28+$0x12180]  }
0xa5: {  	v44 =	vld [tilespmem:s28+$0x12200];
	v3 =	vadd.f32 v34, v3  }
0xa6: {  	v45 =	vld [tilespmem:s28+$0x6080];
	v42 =	vadd.f32 v37, v36  }
0xa7: {  	v46 =	vld [tilespmem:s28+$0x6100];
	v43 =	vadd.f32 v39, v38;
	v3 =	vadd.f32 v35, v3  }
0xa8: {  	v47 =	vld [tilespmem:s28+$0x12280];
	v4 =	vadd.f32 v40, v42  }
0xa9: {  	v48 =	vld [tilespmem:s28+$0x6180];
	[tilespmem:s28+$0x12080] =	vst v3;
	v3 =	vadd.f32 v41, v43  }
0xaa: {  	v50 =	vld [tilespmem:s28+$0x6280];
	[tilespmem:s28+$0x12100] =	vst v4  }
0xab: {  	s30 =	sor.u32 $0x4380, s29;
	[tilespmem:s28+$0x12180] =	vst v3;
	v3 =	vld [tilespmem:s28+$0x4380]  }
0xac: {  	v4 =	vld [tilespmem:s30+$0x80]  }
0xad: {  	v51 =	vld [tilespmem:s28+$0x6300]  }
0xae: {  	v49 =	vld [tilespmem:s28+$0x6200]  }
0xaf: {  	v53 =	vld [tilespmem:s28+$0x12380]  }
0xb0: {  	v52 =	vld [tilespmem:s28+$0x12300];
	v6 =	vadd.f32 v46, v45  }
0xb1: {  	v3 =	vadd.f32 v4, v3  }
0xb2: {  	v55 =	vadd.f32 v51, v50;
	v6 =	vadd.f32 v47, v6  }
0xb3: {  	v54 =	vadd.f32 v49, v48;
	v3 =	vadd.f32 v44, v3  }
0xb4: {  	[tilespmem:s28+$0x12280] =	vst v6;
	v4 =	vadd.f32 v53, v55  }
0xb5: {  	[tilespmem:s28+$0x12200] =	vst v3;
	v3 =	vadd.f32 v52, v54  }
0xb6: {  	[tilespmem:s28+$0x12380] =	vst v4  }
0xb7: {  	s29 =	sor.u32 $0x6380, s29;
	[tilespmem:s28+$0x12300] =	vst v3;
	v3 =	vld [tilespmem:s28+$0x6380]  }
0xb8: {  	v4 =	vld [tilespmem:s29+$0x80];
	_ =	sdelay $0x1  }
0xb9: {  	v56 =	vld [tilespmem:s31+$0x10080];
	_ =	sdelay $0x2  }
0xba: {  	v3 =	vadd.f32 v4, v3;
	_ =	sdelay $0x1  }
0xbb: {  	v3 =	vadd.f32 v56, v3;
	_ =	sdelay $0x1  }
0xbc: {  	[tilespmem:s31+$0x10080] =	vst v3  }
0xbd: {  	v3 =	vld [tilespmem:s28+$0x8080]  }
0xbe: {  	v57 =	vld [tilespmem:s28+$0x8100]  }
0xbf: {  	v58 =	vld [tilespmem:s28+$0x14080]  }
0xc0: {  	v59 =	vld [tilespmem:s28+$0x8180]  }
0xc1: {  	v60 =	vld [tilespmem:s28+$0x8200]  }
0xc2: {  	v61 =	vld [tilespmem:s28+$0x14100]  }
0xc3: {  	v62 =	vld [tilespmem:s28+$0x8280]  }
0xc4: {  	v63 =	vld [tilespmem:s28+$0x8300]  }
0xc5: {  	v21 =	vld [tilespmem:s28+$0x14180]  }
0xc6: {  	v22 =	vld [tilespmem:s28+$0x8380]  }
0xc7: {  	v23 =	vld [tilespmem:s28+$0x8400]  }
0xc8: {  	v14 =	vld [tilespmem:s28+$0x14200]  }
0xc9: {  	v15 =	vld [tilespmem:s28+$0xA080]  }
0xca: {  	v16 =	vld [tilespmem:s28+$0xA100]  }
0xcb: {  	v17 =	vld [tilespmem:s28+$0x14280]  }
0xcc: {  	v18 =	vld [tilespmem:s28+$0xA180]  }
0xcd: {  	v19 =	vld [tilespmem:s28+$0xA200]  }
0xce: {  	v24 =	vld [tilespmem:s28+$0xA280];
	v3 =	vadd.f32 v57, v3  }
0xcf: {  	v25 =	vld [tilespmem:s28+$0xA300];
	v6 =	vadd.f32 v60, v59  }
0xd0: {  	v27 =	vld [tilespmem:s28+$0x14300];
	v26 =	vadd.f32 v63, v62;
	v3 =	vadd.f32 v58, v3  }
0xd1: {  	v29 =	vld [tilespmem:s28+$0x14380];
	v28 =	vadd.f32 v23, v22;
	v6 =	vadd.f32 v61, v6  }
0xd2: {  	v30 =	vadd.f32 v16, v15;
	[tilespmem:s28+$0x14080] =	vst v3;
	v3 =	vadd.f32 v21, v26  }
0xd3: {  	v32 =	vadd.f32 v19, v18;
	v31 =	vadd.f32 v14, v28;
	[tilespmem:s28+$0x14100] =	vst v6  }
0xd4: {  	v4 =	vadd.f32 v25, v24;
	[tilespmem:s28+$0x14180] =	vst v3;
	v3 =	vadd.f32 v17, v30  }
0xd5: {  	v33 =	vadd.f32 v27, v32;
	[tilespmem:s28+$0x14200] =	vst v31  }
0xd6: {  	v34 =	vld [tilespmem:s28+$0xA380];
	[tilespmem:s28+$0x14280] =	vst v3;
	v3 =	vadd.f32 v29, v4  }
0xd7: {  	v35 =	vld [tilespmem:s28+$0xA400];
	[tilespmem:s28+$0x14300] =	vst v33  }
0xd8: {  	[tilespmem:s28+$0x14380] =	vst v3  }
0xd9: {  	v3 =	vld [tilespmem:s30+$0x10080];
	_ =	sdelay $0x2  }
0xda: {  	v4 =	vadd.f32 v35, v34;
	_ =	sdelay $0x1  }
0xdb: {  	v3 =	vadd.f32 v3, v4;
	_ =	sdelay $0x1  }
0xdc: {  	[tilespmem:s30+$0x10080] =	vst v3  }
0xdd: {  	v3 =	vld [tilespmem:s28+$0xC080]  }
0xde: {  	v36 =	vld [tilespmem:s28+$0xC100]  }
0xdf: {  	v37 =	vld [tilespmem:s28+$0x16080]  }
0xe0: {  	v38 =	vld [tilespmem:s28+$0xC180]  }
0xe1: {  	v39 =	vld [tilespmem:s28+$0xC200]  }
0xe2: {  	v40 =	vld [tilespmem:s28+$0x16100]  }
0xe3: {  	v41 =	vld [tilespmem:s28+$0xC280]  }
0xe4: {  	v42 =	vld [tilespmem:s28+$0xC300]  }
0xe5: {  	v43 =	vld [tilespmem:s28+$0x16180]  }
0xe6: {  	v44 =	vld [tilespmem:s28+$0xC380]  }
0xe7: {  	v45 =	vld [tilespmem:s28+$0xC400]  }
0xe8: {  	v46 =	vld [tilespmem:s28+$0x16200]  }
0xe9: {  	v47 =	vld [tilespmem:s28+$0xE080]  }
0xea: {  	v48 =	vld [tilespmem:s28+$0xE100]  }
0xeb: {  	v49 =	vld [tilespmem:s28+$0x16280]  }
0xec: {  	v50 =	vld [tilespmem:s28+$0xE180]  }
0xed: {  	v51 =	vld [tilespmem:s28+$0xE200]  }
0xee: {  	v52 =	vld [tilespmem:s28+$0xE280];
	v3 =	vadd.f32 v36, v3  }
0xef: {  	v53 =	vld [tilespmem:s28+$0xE300];
	v6 =	vadd.f32 v39, v38  }
0xf0: {  	v55 =	vld [tilespmem:s28+$0x16300];
	v54 =	vadd.f32 v42, v41;
	v3 =	vadd.f32 v37, v3  }
0xf1: {  	v57 =	vld [tilespmem:s28+$0x16380];
	v56 =	vadd.f32 v45, v44;
	v6 =	vadd.f32 v40, v6  }
0xf2: {  	v58 =	vadd.f32 v48, v47;
	[tilespmem:s28+$0x16080] =	vst v3;
	v3 =	vadd.f32 v43, v54  }
0xf3: {  	v60 =	vadd.f32 v51, v50;
	v59 =	vadd.f32 v46, v56;
	[tilespmem:s28+$0x16100] =	vst v6  }
0xf4: {  	v4 =	vadd.f32 v53, v52;
	[tilespmem:s28+$0x16180] =	vst v3;
	v3 =	vadd.f32 v49, v58  }
0xf5: {  	v61 =	vadd.f32 v55, v60;
	[tilespmem:s28+$0x16200] =	vst v59  }
0xf6: {  	v62 =	vld [tilespmem:s28+$0xE380];
	[tilespmem:s28+$0x16280] =	vst v3;
	v3 =	vadd.f32 v57, v4  }
0xf7: {  	v63 =	vld [tilespmem:s28+$0xE400];
	[tilespmem:s28+$0x16300] =	vst v61  }
0xf8: {  	[tilespmem:s28+$0x16380] =	vst v3  }
0xf9: {  	v3 =	vld [tilespmem:s29+$0x10080];
	_ =	sdelay $0x1  }
0xfa: {  	p0 =	sne.s32 s26, $0x3F0  }
.Ltmp0:
0xfb: {  	v4 =	vadd.f32 v63, v62;
	(pc) =	sbr.rel @p0 .LBB2_2-.Ltmp0, $3  }
0xfc: {  	_ = 	snop  }
0xfd: {  	v3 =	vadd.f32 v3, v4;
	_ =	sdelay $0x1  }
0xfe: {  	s25 =	sadd.s32 $0x80, s25;
	s26 =	sadd.s32 $0x10, s26;
	[tilespmem:s29+$0x10080] =	vst v3  }
0xff: {  	s25 =	simm.s32 $0x0;
	s26 =	rddreg [dreg:$0x5]  }
0x100: {  	[hbm4b:s26+s25] =	stream.linear.scatter [tilespmem:s13], [sflag:$0x2], $0x8000, $0x38;
	[tilespmem:$0x18080] =	vst v63  }
0x101: {  	_ =	swait.ge [sflag:s14], $0x8000  }
0x102: {  	[sflag:s14] =	ssyncset.done $0x0  }
0x103: {  	s30 =	rddreg [dreg:$0x6];
	[sflag:s14] =	ssyncadd.s32 $0xFFFF8000  }
0x104: {  	[tilespmem:s25], [sflag:$0x2] =	stream.linear.gather [hbm4b:s30+s25], $0x40, $0x38;
	[tilespmem:$0x18080] =	vst v63  }
0x105: {  	_ =	swait.ge [sflag:s14], $0x40  }
0x106: {  	[sflag:s14] =	ssyncset.done $0x0  }
0x107: {  	[sflag:s14] =	ssyncadd.s32 $0xFFFFFFC0  }
0x108: {  	v3 =	vld [tilespmem:$0x0];
	_ =	sdelay $0x4  }
0x109: {  	v4 =	vshll.u32 v3, $0x3  }
0x10a: {  	v3 =	vand.u32 $0x7, v3;
	v4 =	vand.u32 $0xFFFFFFC0, v4  }
0x10b: {  	v3 =	vor.u32 v3, v4  }
0x10c: {  	v4 =	vperm.xlane v3, v0;
	_ =	sdelay $0x1  }
0x10d: {  	v4 =	vadd.s32 v1, v4;
	_ =	sdelay $0x3  }
0x10e: {  	s31 =	simm.s32 $0x80  }
0x10f: {  	[tilespmem:s31], [sflag:$0x1] =	stream.indirect_vreg.gather [hbm4b:s3+s25], $0x80, v4, vm0, $0xb8;
	[tilespmem:$0x18080] =	vst v63  }
0x110: {  	s28 =	simm.s32 $0x880;
	v3 =	vperm.xlane v3, v2  }
0x111: {  	[tilespmem:s28], [sflag:$0x1] =	stream.indirect_vreg.gather [hbm4b:s5+s25], $0x80, v4, vm0, $0xb8;
	[tilespmem:$0x18080] =	vst v63  }
0x112: {  	s29 =	simm.s32 $0x1080;
	v3 =	vadd.s32 v1, v3  }
0x113: {  	[tilespmem:s29], [sflag:$0x1] =	stream.indirect_vreg.gather [hbm4b:s6+s25], $0x80, v4, vm0, $0xb8;
	[tilespmem:$0x18080] =	vst v63  }
0x114: {  	s30 =	simm.s32 $0x1880  }
0x115: {  	[tilespmem:s30], [sflag:$0x1] =	stream.indirect_vreg.gather [hbm4b:s7+s25], $0x80, v4, vm0, $0xb8;
	[tilespmem:$0x18080] =	vst v63  }
0x116: {  	s31 =	simm.s32 $0x2080  }
0x117: {  	[tilespmem:s31], [sflag:$0x1] =	stream.indirect_vreg.gather [hbm4b:s3+s25], $0x80, v3, vm0, $0xb8;
	[tilespmem:$0x18080] =	vst v63  }
0x118: {  	s28 =	simm.s32 $0x2880  }
0x119: {  	[tilespmem:s28], [sflag:$0x1] =	stream.indirect_vreg.gather [hbm4b:s5+s25], $0x80, v3, vm0, $0xb8;
	[tilespmem:$0x18080] =	vst v63  }
0x11a: {  	s29 =	simm.s32 $0x3080  }
0x11b: {  	[tilespmem:s29], [sflag:$0x1] =	stream.indirect_vreg.gather [hbm4b:s6+s25], $0x80, v3, vm0, $0xb8;
	[tilespmem:$0x18080] =	vst v63  }
0x11c: {  	s30 =	simm.s32 $0x3880  }
0x11d: {  	[tilespmem:s30], [sflag:$0x1] =	stream.indirect_vreg.gather [hbm4b:s7+s25], $0x80, v3, vm0, $0xb8;
	[tilespmem:$0x18080] =	vst v63  }
0x11e: {  	v3 =	vld [tilespmem:$0x10];
	_ =	sdelay $0x4  }
0x11f: {  	v61 =	vshll.u32 v3, $0x3  }
0x120: {  	v3 =	vand.u32 $0x7, v3;
	v4 =	vand.u32 $0xFFFFFFC0, v61  }
0x121: {  	v3 =	vor.u32 v3, v4  }
0x122: {  	v4 =	vperm.xlane v3, v0;
	_ =	sdelay $0x1  }
0x123: {  	v4 =	vadd.s32 v1, v4;
	_ =	sdelay $0x3  }
0x124: {  	s31 =	simm.s32 $0x4080  }
0x125: {  	[tilespmem:s31], [sflag:$0x1] =	stream.indirect_vreg.gather [hbm4b:s3+s25], $0x80, v4, vm0, $0xb8;
	[tilespmem:$0x18080] =	vst v63  }
0x126: {  	s28 =	simm.s32 $0x4880;
	v3 =	vperm.xlane v3, v2  }
0x127: {  	[tilespmem:s28], [sflag:$0x1] =	stream.indirect_vreg.gather [hbm4b:s5+s25], $0x80, v4, vm0, $0xb8;
	[tilespmem:$0x18080] =	vst v63  }
0x128: {  	s29 =	simm.s32 $0x5080;
	v3 =	vadd.s32 v1, v3  }
0x129: {  	[tilespmem:s29], [sflag:$0x1] =	stream.indirect_vreg.gather [hbm4b:s6+s25], $0x80, v4, vm0, $0xb8;
	[tilespmem:$0x18080] =	vst v63  }
0x12a: {  	s30 =	simm.s32 $0x5880  }
0x12b: {  	[tilespmem:s30], [sflag:$0x1] =	stream.indirect_vreg.gather [hbm4b:s7+s25], $0x80, v4, vm0, $0xb8;
	[tilespmem:$0x18080] =	vst v63  }
0x12c: {  	s31 =	simm.s32 $0x6080  }
0x12d: {  	[tilespmem:s31], [sflag:$0x1] =	stream.indirect_vreg.gather [hbm4b:s3+s25], $0x80, v3, vm0, $0xb8;
	[tilespmem:$0x18080] =	vst v63  }
0x12e: {  	s28 =	simm.s32 $0x6880  }
0x12f: {  	[tilespmem:s28], [sflag:$0x1] =	stream.indirect_vreg.gather [hbm4b:s5+s25], $0x80, v3, vm0, $0xb8;
	[tilespmem:$0x18080] =	vst v63  }
0x130: {  	s29 =	simm.s32 $0x7080  }
0x131: {  	[tilespmem:s29], [sflag:$0x1] =	stream.indirect_vreg.gather [hbm4b:s6+s25], $0x80, v3, vm0, $0xb8;
	[tilespmem:$0x18080] =	vst v63  }
0x132: {  	s30 =	simm.s32 $0x7880  }
0x133: {  	[tilespmem:s30], [sflag:$0x1] =	stream.indirect_vreg.gather [hbm4b:s7+s25], $0x80, v3, vm0, $0xb8;
	[tilespmem:$0x18080] =	vst v63  }
0x134: {  	v3 =	vld [tilespmem:$0x20];
	_ =	sdelay $0x4  }
0x135: {  	v62 =	vshll.u32 v3, $0x3  }
0x136: {  	v3 =	vand.u32 $0x7, v3;
	v4 =	vand.u32 $0xFFFFFFC0, v62  }
0x137: {  	v3 =	vor.u32 v3, v4  }
0x138: {  	v4 =	vperm.xlane v3, v0;
	_ =	sdelay $0x1  }
0x139: {  	v4 =	vadd.s32 v1, v4;
	_ =	sdelay $0x4  }
0x13a: {  	[tilespmem:s0], [sflag:$0x1] =	stream.indirect_vreg.gather [hbm4b:s3+s25], $0x80, v4, vm0, $0xb8;
	[tilespmem:$0x18080] =	vst v63  }
0x13b: {  	v3 =	vperm.xlane v3, v2  }
0x13c: {  	[tilespmem:s1], [sflag:$0x1] =	stream.indirect_vreg.gather [hbm4b:s5+s25], $0x80, v4, vm0, $0xb8;
	[tilespmem:$0x18080] =	vst v63  }
0x13d: {  	v3 =	vadd.s32 v1, v3  }
0x13e: {  	[tilespmem:s4], [sflag:$0x1] =	stream.indirect_vreg.gather [hbm4b:s6+s25], $0x80, v4, vm0, $0xb8;
	[tilespmem:$0x18080] =	vst v63  }
0x13f: {  	_ = 	snop  }
0x140: {  	[tilespmem:s15], [sflag:$0x1] =	stream.indirect_vreg.gather [hbm4b:s7+s25], $0x80, v4, vm0, $0xb8;
	[tilespmem:$0x18080] =	vst v63  }
0x141: {  	_ = 	snop  }
0x142: {  	[tilespmem:s16], [sflag:$0x1] =	stream.indirect_vreg.gather [hbm4b:s3+s25], $0x80, v3, vm0, $0xb8;
	[tilespmem:$0x18080] =	vst v63  }
0x143: {  	_ = 	snop  }
0x144: {  	[tilespmem:s8], [sflag:$0x1] =	stream.indirect_vreg.gather [hbm4b:s5+s25], $0x80, v3, vm0, $0xb8;
	[tilespmem:$0x18080] =	vst v63  }
0x145: {  	_ = 	snop  }
0x146: {  	[tilespmem:s17], [sflag:$0x1] =	stream.indirect_vreg.gather [hbm4b:s6+s25], $0x80, v3, vm0, $0xb8;
	[tilespmem:$0x18080] =	vst v63  }
0x147: {  	_ = 	snop  }
0x148: {  	[tilespmem:s18], [sflag:$0x1] =	stream.indirect_vreg.gather [hbm4b:s7+s25], $0x80, v3, vm0, $0xb8;
	[tilespmem:$0x18080] =	vst v63  }
0x149: {  	v3 =	vld [tilespmem:$0x30];
	_ =	sdelay $0x4  }
0x14a: {  	v63 =	vshll.u32 v3, $0x3  }
0x14b: {  	v3 =	vand.u32 $0x7, v3;
	v4 =	vand.u32 $0xFFFFFFC0, v63  }
0x14c: {  	v3 =	vor.u32 v3, v4  }
0x14d: {  	v4 =	vperm.xlane v3, v0;
	_ =	sdelay $0x1  }
0x14e: {  	v4 =	vadd.s32 v1, v4;
	_ =	sdelay $0x4  }
0x14f: {  	[tilespmem:s9], [sflag:$0x1] =	stream.indirect_vreg.gather [hbm4b:s3+s25], $0x80, v4, vm0, $0xb8;
	[tilespmem:$0x18080] =	vst v63  }
0x150: {  	v3 =	vperm.xlane v3, v2  }
0x151: {  	[tilespmem:s19], [sflag:$0x1] =	stream.indirect_vreg.gather [hbm4b:s5+s25], $0x80, v4, vm0, $0xb8;
	[tilespmem:$0x18080] =	vst v63  }
0x152: {  	v3 =	vadd.s32 v1, v3  }
0x153: {  	[tilespmem:s10], [sflag:$0x1] =	stream.indirect_vreg.gather [hbm4b:s6+s25], $0x80, v4, vm0, $0xb8;
	[tilespmem:$0x18080] =	vst v63  }
0x154: {  	_ = 	snop  }
0x155: {  	[tilespmem:s20], [sflag:$0x1] =	stream.indirect_vreg.gather [hbm4b:s7+s25], $0x80, v4, vm0, $0xb8;
	[tilespmem:$0x18080] =	vst v63  }
0x156: {  	_ = 	snop  }
0x157: {  	[tilespmem:s11], [sflag:$0x1] =	stream.indirect_vreg.gather [hbm4b:s3+s25], $0x80, v3, vm0, $0xb8;
	[tilespmem:$0x18080] =	vst v63  }
0x158: {  	_ = 	snop  }
0x159: {  	[tilespmem:s21], [sflag:$0x1] =	stream.indirect_vreg.gather [hbm4b:s5+s25], $0x80, v3, vm0, $0xb8;
	[tilespmem:$0x18080] =	vst v63  }
0x15a: {  	_ = 	snop  }
0x15b: {  	[tilespmem:s12], [sflag:$0x1] =	stream.indirect_vreg.gather [hbm4b:s6+s25], $0x80, v3, vm0, $0xb8;
	[tilespmem:$0x18080] =	vst v63  }
0x15c: {  	_ = 	snop  }
0x15d: {  	[tilespmem:s22], [sflag:$0x1] =	stream.indirect_vreg.gather [hbm4b:s7+s25], $0x80, v3, vm0, $0xb8;
	[tilespmem:$0x18080] =	vst v63  }
0x15e: {  	s31 =	rddreg [dreg:$0x7]  }
0x15f: {  	[tilespmem:s13], [sflag:$0x2] =	stream.linear.gather [hbm4b:s31+s25], $0x8000, $0x38;
	[tilespmem:$0x18080] =	vst v63  }
0x160: {  	_ =	swait.ge [sflag:s14], $0x8000  }
0x161: {  	[sflag:s14] =	ssyncset.done $0x0  }
0x162: {  	[sflag:s14] =	ssyncadd.s32 $0xFFFF8000  }
0x163: {  	_ =	swait.ge [sflag:s23], $0x10000  }
0x164: {  	[sflag:s23] =	ssyncset.done $0x0  }
0x165: {  	s26 =	simm.s32 $0x0;
	[sflag:s23] =	ssyncadd.s32 $0xFFFF0000  }
.LBB2_4:
0x166: {  	s28 =	sand.u32 $0x70, s26;
	s29 =	sand.u32 $0x1C00, s25  }
0x167: {  	s28 =	sor.u32 s28, s29  }
0x168: {  	v3 =	vld [tilespmem:s28+$0x80]  }
0x169: {  	v4 =	vld [tilespmem:s28+$0x100]  }
0x16a: {  	v5 =	vld [tilespmem:s28+$0x10080]  }
0x16b: {  	v6 =	vld [tilespmem:s28+$0x180]  }
0x16c: {  	v7 =	vld [tilespmem:s28+$0x200]  }
0x16d: {  	v8 =	vld [tilespmem:s28+$0x280]  }
0x16e: {  	v9 =	vld [tilespmem:s28+$0x300]  }
0x16f: {  	v10 =	vld [tilespmem:s28+$0x10100]  }
0x170: {  	v11 =	vld [tilespmem:s28+$0x10180]  }
0x171: {  	v23 =	vld [tilespmem:s28+$0x10200];
	v3 =	vadd.f32 v4, v3  }
0x172: {  	v24 =	vld [tilespmem:s28+$0x2080];
	v21 =	vadd.f32 v7, v6  }
0x173: {  	v25 =	vld [tilespmem:s28+$0x2100];
	v22 =	vadd.f32 v9, v8;
	v3 =	vadd.f32 v5, v3  }
0x174: {  	v26 =	vld [tilespmem:s28+$0x10280];
	v4 =	vadd.f32 v10, v21  }
0x175: {  	v27 =	vld [tilespmem:s28+$0x2180];
	[tilespmem:s28+$0x10080] =	vst v3;
	v3 =	vadd.f32 v11, v22  }
0x176: {  	s29 =	sor.u32 s26, s25;
	v29 =	vld [tilespmem:s28+$0x2280];
	[tilespmem:s28+$0x10100] =	vst v4  }
0x177: {  	s30 =	sor.u32 $0x380, s29;
	[tilespmem:s28+$0x10180] =	vst v3;
	v3 =	vld [tilespmem:s28+$0x380]  }
0x178: {  	v4 =	vld [tilespmem:s30+$0x80]  }
0x179: {  	v12 =	vld [tilespmem:s28+$0x2300]  }
0x17a: {  	v28 =	vld [tilespmem:s28+$0x2200]  }
0x17b: {  	v30 =	vld [tilespmem:s28+$0x10380]  }
0x17c: {  	v13 =	vld [tilespmem:s28+$0x10300];
	v6 =	vadd.f32 v25, v24  }
0x17d: {  	v3 =	vadd.f32 v4, v3  }
0x17e: {  	v32 =	vadd.f32 v12, v29;
	v6 =	vadd.f32 v26, v6  }
0x17f: {  	v31 =	vadd.f32 v28, v27;
	v3 =	vadd.f32 v23, v3  }
0x180: {  	[tilespmem:s28+$0x10280] =	vst v6;
	v4 =	vadd.f32 v30, v32  }
0x181: {  	[tilespmem:s28+$0x10200] =	vst v3;
	v3 =	vadd.f32 v13, v31  }
0x182: {  	[tilespmem:s28+$0x10380] =	vst v4  }
0x183: {  	s31 =	sor.u32 $0x2380, s29;
	[tilespmem:s28+$0x10300] =	vst v3;
	v3 =	vld [tilespmem:s28+$0x2380]  }
0x184: {  	v4 =	vld [tilespmem:s31+$0x80];
	_ =	sdelay $0x1  }
0x185: {  	v33 =	vld [tilespmem:s30+$0x10080];
	_ =	sdelay $0x2  }
0x186: {  	v3 =	vadd.f32 v4, v3;
	_ =	sdelay $0x1  }
0x187: {  	v3 =	vadd.f32 v33, v3;
	_ =	sdelay $0x1  }
0x188: {  	[tilespmem:s30+$0x10080] =	vst v3  }
0x189: {  	v3 =	vld [tilespmem:s28+$0x4080]  }
0x18a: {  	v34 =	vld [tilespmem:s28+$0x4100]  }
0x18b: {  	v35 =	vld [tilespmem:s28+$0x12080]  }
0x18c: {  	v36 =	vld [tilespmem:s28+$0x4180]  }
0x18d: {  	v37 =	vld [tilespmem:s28+$0x4200]  }
0x18e: {  	v38 =	vld [tilespmem:s28+$0x4280]  }
0x18f: {  	v39 =	vld [tilespmem:s28+$0x4300]  }
0x190: {  	v40 =	vld [tilespmem:s28+$0x12100]  }
0x191: {  	v41 =	vld [tilespmem:s28+$0x12180]  }
0x192: {  	v44 =	vld [tilespmem:s28+$0x12200];
	v3 =	vadd.f32 v34, v3  }
0x193: {  	v45 =	vld [tilespmem:s28+$0x6080];
	v42 =	vadd.f32 v37, v36  }
0x194: {  	v46 =	vld [tilespmem:s28+$0x6100];
	v43 =	vadd.f32 v39, v38;
	v3 =	vadd.f32 v35, v3  }
0x195: {  	v47 =	vld [tilespmem:s28+$0x12280];
	v4 =	vadd.f32 v40, v42  }
0x196: {  	v48 =	vld [tilespmem:s28+$0x6180];
	[tilespmem:s28+$0x12080] =	vst v3;
	v3 =	vadd.f32 v41, v43  }
0x197: {  	v50 =	vld [tilespmem:s28+$0x6280];
	[tilespmem:s28+$0x12100] =	vst v4  }
0x198: {  	s30 =	sor.u32 $0x4380, s29;
	[tilespmem:s28+$0x12180] =	vst v3;
	v3 =	vld [tilespmem:s28+$0x4380]  }
0x199: {  	v4 =	vld [tilespmem:s30+$0x80]  }
0x19a: {  	v51 =	vld [tilespmem:s28+$0x6300]  }
0x19b: {  	v49 =	vld [tilespmem:s28+$0x6200]  }
0x19c: {  	v53 =	vld [tilespmem:s28+$0x12380]  }
0x19d: {  	v52 =	vld [tilespmem:s28+$0x12300];
	v6 =	vadd.f32 v46, v45  }
0x19e: {  	v3 =	vadd.f32 v4, v3  }
0x19f: {  	v55 =	vadd.f32 v51, v50;
	v6 =	vadd.f32 v47, v6  }
0x1a0: {  	v54 =	vadd.f32 v49, v48;
	v3 =	vadd.f32 v44, v3  }
0x1a1: {  	[tilespmem:s28+$0x12280] =	vst v6;
	v4 =	vadd.f32 v53, v55  }
0x1a2: {  	[tilespmem:s28+$0x12200] =	vst v3;
	v3 =	vadd.f32 v52, v54  }
0x1a3: {  	[tilespmem:s28+$0x12380] =	vst v4  }
0x1a4: {  	s29 =	sor.u32 $0x6380, s29;
	[tilespmem:s28+$0x12300] =	vst v3;
	v3 =	vld [tilespmem:s28+$0x6380]  }
0x1a5: {  	v4 =	vld [tilespmem:s29+$0x80];
	_ =	sdelay $0x1  }
0x1a6: {  	v56 =	vld [tilespmem:s31+$0x10080];
	_ =	sdelay $0x2  }
0x1a7: {  	v3 =	vadd.f32 v4, v3;
	_ =	sdelay $0x1  }
0x1a8: {  	v3 =	vadd.f32 v56, v3;
	_ =	sdelay $0x1  }
0x1a9: {  	[tilespmem:s31+$0x10080] =	vst v3  }
0x1aa: {  	v3 =	vld [tilespmem:s28+$0x8080]  }
0x1ab: {  	v57 =	vld [tilespmem:s28+$0x8100]  }
0x1ac: {  	v58 =	vld [tilespmem:s28+$0x14080]  }
0x1ad: {  	v59 =	vld [tilespmem:s28+$0x8180]  }
0x1ae: {  	v60 =	vld [tilespmem:s28+$0x8200]  }
0x1af: {  	v61 =	vld [tilespmem:s28+$0x14100]  }
0x1b0: {  	v62 =	vld [tilespmem:s28+$0x8280]  }
0x1b1: {  	v63 =	vld [tilespmem:s28+$0x8300]  }
0x1b2: {  	v21 =	vld [tilespmem:s28+$0x14180]  }
0x1b3: {  	v22 =	vld [tilespmem:s28+$0x8380]  }
0x1b4: {  	v23 =	vld [tilespmem:s28+$0x8400]  }
0x1b5: {  	v14 =	vld [tilespmem:s28+$0x14200]  }
0x1b6: {  	v15 =	vld [tilespmem:s28+$0xA080]  }
0x1b7: {  	v16 =	vld [tilespmem:s28+$0xA100]  }
0x1b8: {  	v17 =	vld [tilespmem:s28+$0x14280]  }
0x1b9: {  	v18 =	vld [tilespmem:s28+$0xA180]  }
0x1ba: {  	v19 =	vld [tilespmem:s28+$0xA200]  }
0x1bb: {  	v24 =	vld [tilespmem:s28+$0xA280];
	v3 =	vadd.f32 v57, v3  }
0x1bc: {  	v25 =	vld [tilespmem:s28+$0xA300];
	v6 =	vadd.f32 v60, v59  }
0x1bd: {  	v27 =	vld [tilespmem:s28+$0x14300];
	v26 =	vadd.f32 v63, v62;
	v3 =	vadd.f32 v58, v3  }
0x1be: {  	v29 =	vld [tilespmem:s28+$0x14380];
	v28 =	vadd.f32 v23, v22;
	v6 =	vadd.f32 v61, v6  }
0x1bf: {  	v30 =	vadd.f32 v16, v15;
	[tilespmem:s28+$0x14080] =	vst v3;
	v3 =	vadd.f32 v21, v26  }
0x1c0: {  	v32 =	vadd.f32 v19, v18;
	v31 =	vadd.f32 v14, v28;
	[tilespmem:s28+$0x14100] =	vst v6  }
0x1c1: {  	v4 =	vadd.f32 v25, v24;
	[tilespmem:s28+$0x14180] =	vst v3;
	v3 =	vadd.f32 v17, v30  }
0x1c2: {  	v33 =	vadd.f32 v27, v32;
	[tilespmem:s28+$0x14200] =	vst v31  }
0x1c3: {  	v34 =	vld [tilespmem:s28+$0xA380];
	[tilespmem:s28+$0x14280] =	vst v3;
	v3 =	vadd.f32 v29, v4  }
0x1c4: {  	v35 =	vld [tilespmem:s28+$0xA400];
	[tilespmem:s28+$0x14300] =	vst v33  }
0x1c5: {  	[tilespmem:s28+$0x14380] =	vst v3  }
0x1c6: {  	v3 =	vld [tilespmem:s30+$0x10080];
	_ =	sdelay $0x2  }
0x1c7: {  	v4 =	vadd.f32 v35, v34;
	_ =	sdelay $0x1  }
0x1c8: {  	v3 =	vadd.f32 v3, v4;
	_ =	sdelay $0x1  }
0x1c9: {  	[tilespmem:s30+$0x10080] =	vst v3  }
0x1ca: {  	v3 =	vld [tilespmem:s28+$0xC080]  }
0x1cb: {  	v36 =	vld [tilespmem:s28+$0xC100]  }
0x1cc: {  	v37 =	vld [tilespmem:s28+$0x16080]  }
0x1cd: {  	v38 =	vld [tilespmem:s28+$0xC180]  }
0x1ce: {  	v39 =	vld [tilespmem:s28+$0xC200]  }
0x1cf: {  	v40 =	vld [tilespmem:s28+$0x16100]  }
0x1d0: {  	v41 =	vld [tilespmem:s28+$0xC280]  }
0x1d1: {  	v42 =	vld [tilespmem:s28+$0xC300]  }
0x1d2: {  	v43 =	vld [tilespmem:s28+$0x16180]  }
0x1d3: {  	v44 =	vld [tilespmem:s28+$0xC380]  }
0x1d4: {  	v45 =	vld [tilespmem:s28+$0xC400]  }
0x1d5: {  	v46 =	vld [tilespmem:s28+$0x16200]  }
0x1d6: {  	v47 =	vld [tilespmem:s28+$0xE080]  }
0x1d7: {  	v48 =	vld [tilespmem:s28+$0xE100]  }
0x1d8: {  	v49 =	vld [tilespmem:s28+$0x16280]  }
0x1d9: {  	v50 =	vld [tilespmem:s28+$0xE180]  }
0x1da: {  	v51 =	vld [tilespmem:s28+$0xE200]  }
0x1db: {  	v52 =	vld [tilespmem:s28+$0xE280];
	v3 =	vadd.f32 v36, v3  }
0x1dc: {  	v53 =	vld [tilespmem:s28+$0xE300];
	v6 =	vadd.f32 v39, v38  }
0x1dd: {  	v55 =	vld [tilespmem:s28+$0x16300];
	v54 =	vadd.f32 v42, v41;
	v3 =	vadd.f32 v37, v3  }
0x1de: {  	v57 =	vld [tilespmem:s28+$0x16380];
	v56 =	vadd.f32 v45, v44;
	v6 =	vadd.f32 v40, v6  }
0x1df: {  	v58 =	vadd.f32 v48, v47;
	[tilespmem:s28+$0x16080] =	vst v3;
	v3 =	vadd.f32 v43, v54  }
0x1e0: {  	v60 =	vadd.f32 v51, v50;
	v59 =	vadd.f32 v46, v56;
	[tilespmem:s28+$0x16100] =	vst v6  }
0x1e1: {  	v4 =	vadd.f32 v53, v52;
	[tilespmem:s28+$0x16180] =	vst v3;
	v3 =	vadd.f32 v49, v58  }
0x1e2: {  	v61 =	vadd.f32 v55, v60;
	[tilespmem:s28+$0x16200] =	vst v59  }
0x1e3: {  	v62 =	vld [tilespmem:s28+$0xE380];
	[tilespmem:s28+$0x16280] =	vst v3;
	v3 =	vadd.f32 v57, v4  }
0x1e4: {  	v63 =	vld [tilespmem:s28+$0xE400];
	[tilespmem:s28+$0x16300] =	vst v61  }
0x1e5: {  	[tilespmem:s28+$0x16380] =	vst v3  }
0x1e6: {  	v3 =	vld [tilespmem:s29+$0x10080];
	_ =	sdelay $0x1  }
0x1e7: {  	p0 =	sne.s32 s26, $0x3F0  }
.Ltmp1:
0x1e8: {  	v4 =	vadd.f32 v63, v62;
	(pc) =	sbr.rel @p0 .LBB2_4-.Ltmp1, $3  }
0x1e9: {  	_ = 	snop  }
0x1ea: {  	v3 =	vadd.f32 v3, v4;
	_ =	sdelay $0x1  }
0x1eb: {  	s25 =	sadd.s32 $0x80, s25;
	s26 =	sadd.s32 $0x10, s26;
	[tilespmem:s29+$0x10080] =	vst v3  }
0x1ec: {  	s25 =	rddreg [dreg:$0x8]  }
0x1ed: {  	[hbm4b:s25+s2] =	stream.linear.scatter [tilespmem:s13], [sflag:$0x2], $0x8000, $0x38;
	[tilespmem:$0x18080] =	vst v63  }
0x1ee: {  	_ =	swait.ge [sflag:s14], $0x8000  }
0x1ef: {  	s24 =	sadd.s32 $0x1, s24;
	s31 =	rddreg [dreg:$0x9]  }
0x1f0: {  	p0 =	sne.s32 s24, s31  }
.Ltmp2:
0x1f1: {  	_ = 	snop;
	(pc) =	sbr.rel @p0 .LBB2_1-.Ltmp2, $3  }
0x1f2: {  	_ =	sdelay $0x1  }
0x1f3: {  	[sflag:s14] =	ssyncset.done $0x0  }
0x1f4: {  	[sflag:s14] =	ssyncadd.s32 $0xFFFF8000  }
0x1f5: {  	_ =	sfence.sel $0x180000  }
0x1f6: {  	[bflag:$0x0] =	sbarrier.arrive $0xFFFF  }
0x1f7: {  	_ =	strace $0x9000004A  }
0x1f8: {  	s0 =	stileid.u32;
	[bflag:$0x2] =	sbarrier.arrive $0xFFFF  }
0x1f9: {  	p0 =	sne.s32 s0, $0x0;
	s0 =	rddreg [dreg:$0x2]  }
0x1fa: {  	s0 =	sadd.s32 @!p0 $0x100000, s0  }
0x1fb: {  	[sflag:s0] =	ssyncadd.tile.s32 @!p0 $0x1;
	_ =	shalt  }
.Lfunc_end2:
_tile_overlayer_lowered:
.L_overlay_start_2:
0x1fc: {  	(tag) =	ssettag $0x2  }
0x1fd: {  	s0 =	rddreg [dreg:$0x0];
	s2 =	stileid.u32  }
0x1fe: {  	s1 =	rddreg [dreg:$0x1];
	p0 =	sne.s32 s2, $0x0  }
0x1ff: {  	s3 =	rddreg [dreg:$0x2];
	[bflag:$0x3] =	sbarrier.arrive $0xFFFF;
	s2 =	simm.s32 @!p0 $0x1C02  }
0x200: {  	[timem:s3], [sflag:s2] =	dma.local @!p0 [hbm:s0], s1  }
0x201: {  	s0 =	simm.s32 @!p0 $0x2  }
0x202: {  	_ =	swait.ge @!p0 [sflag:s0], s1  }
0x203: {  	s1 =	ssub.s32 @!p0 $0x0, s1;
	[sflag:s0] =	ssyncset.done @!p0 $0x0  }
0x204: {  	[sflag:s0] =	ssyncadd.s32 @!p0 s1  }
0x205: {  	[bflag:$0x3] =	sbarrier.arrive $0xFFFF  }
0x206: {  	_ =	shalt  }

// kernel: kernel.8.cloned.1.call-start
scs
__scs_entry_jumppad:
0x0: {  	(pc) =	sbr.rel $0x88, $3  }
0x1: {  	(tag) =	ssettag $0x0;
	lr =	simm.s32 $0x1  }
0x2: {  	[smem:$0x3F99] =	sst lr;
	_ =	strace $0xD0000000  }
0x3: {  	_ = 	snop  }
0x4: {  	_ = 	snop  }
0x5: {  	_ = 	snop  }
0x6: {  	_ = 	snop  }
0x7: {  	_ = 	snop  }
__scs_overlays_trampoline_lowered:
0x8: {  	[smem:$0x3FA8] =	sst s0  }
0x9: {  	[smem:$0x3FA9] =	sst s1  }
0xa: {  	[smem:$0x3FAA] =	sst s2  }
0xb: {  	[smem:$0x3FAB] =	sst s3  }
0xc: {  	[smem:$0x3FAC] =	sst s4  }
0xd: {  	[smem:$0x3FAD] =	sst s5  }
0xe: {  	[smem:$0x3FAE] =	sst s6  }
0xf: {  	[smem:$0x3FAF] =	sst s7  }
0x10: {  	[smem:$0x3FB0] =	sst s8  }
0x11: {  	[smem:$0x3FB1] =	sst s9;
	s0 =	simm.s32 @!p0 $0x0  }
0x12: {  	s1 =	sld [smem:$0x3F97];
	s0 =	simm.s32 @p0 $0x1  }
0x13: {  	[smem:$0x3FB2] =	sst s0;
	s0 =	simm.s32 @!p1 $0x0  }
0x14: {  	s2 =	sld [smem:$0x3F96];
	s0 =	simm.s32 @p1 $0x1  }
0x15: {  	[smem:$0x3FB3] =	sst s0;
	s0 =	simm.s32 @!p2 $0x0  }
0x16: {  	s3 =	sld [smem:$0x3FDB];
	s0 =	simm.s32 @p2 $0x1  }
0x17: {  	s4 =	simm.s32 $0x1BF5;
	[smem:$0x3FB5] =	sst s0  }
0x18: {  	s0 =	sld [smem:$0x3F98];
	_ =	swait.ge [sflag:s4], $0x0  }
0x19: {  	s7 =	sld [smem:$0x3F99]  }
0x1a: {  	s8 =	sadd.s32 $0xFFFFE003, lr  }
0x1b: {  	s9 =	sadd.s32 $0xFFFFFEF7, lr;
	s5 =	simm.s32 $0xFFFFFFFF;
	p2 =	slt.u32 s8, $0xFFFFF086  }
0x1c: {  	p1 =	slt.u32 s9, $0xF7A;
	s5 =	simm.s32 @!p2 $0x0  }
0x1d: {  	s5 =	simm.s32 @p1 $0x1;
	p0 =	seq.s32 s7, s2  }
0x1e: {  	s7 =	smul.u32 @!p0 $0xF7A, s2;
	p2 =	seq.s32 @!p0 s5, $0x0  }
0x1f: {  	s9 =	smul.u32 $0xF7A, s1;
	s8 =	simm.s32 @!p0 $0x1BF5;
	p2 =	por !p2, p0  }
0x20: {  	[sflag:s8] =	ssyncset.s32 @!p0 $0xFFFFF086;
	s6 =	sadd.s32 @!p0 s3, s7;
	s7 =	simm.s32 @!p0 $0x108  }
0x21: {  	s3 =	sadd.s32 s3, s9;
	s6 =	sadd.s32 @!p0 $0x88, s6;
	s7 =	simm.s32 @p2 $0x1082  }
0x22: {  	[simem:s7], [sflag:s8] =	dma.local @!p0 [hbm:s6], $0xF7A  }
0x23: {  	s9 =	sor.u32 $0xD0000000, s2;
	s6 =	simm.s32 $0x108;
	_ =	swait.ge @!p0 [sflag:s8], $0x0  }
0x24: {  	s3 =	sadd.s32 $0x88, s3;
	s6 =	simm.s32 @!p1 $0x1082;
	[sflag:s4] =	ssyncset.s32 $0xFFFFF086  }
0x25: {  	[simem:s6], [sflag:s4] =	dma.local [hbm:s3], $0xF7A  }
0x26: {  	[smem:$0x3F99] =	sst s1;
	(tag) =	ssettag s2;
	_ =	strace s9  }
0x27: {  	s1 =	sld [smem:$0x3FA9]  }
0x28: {  	s2 =	sld [smem:$0x3FAA]  }
0x29: {  	s4 =	sld [smem:$0x3FAC]  }
0x2a: {  	p0 =	seq.s32 s5, $0x0;
	s5 =	sld [smem:$0x3FAD]  }
0x2b: {  	s6 =	sld [smem:$0x3FAE]  }
0x2c: {  	s7 =	sld [smem:$0x3FAF]  }
0x2d: {  	s3 =	simm.s32 $0x108;
	s8 =	sld [smem:$0x3FB0]  }
0x2e: {  	s3 =	simm.s32 @!p0 $0x1082;
	s9 =	sld [smem:$0x3FB1]  }
0x2f: {  	lr =	sadd.s32 s0, s3;
	s0 =	sld [smem:$0x3FA8]  }
0x30: {  	s3 =	sld [smem:$0x3FAB]  }
0x31: {  	[smem:$0x3FB4] =	sst s10  }
0x32: {  	s10 =	sld [smem:$0x3FB2];
	_ =	sdelay $0x3  }
0x33: {  	p0 =	seq.s32 s10, $0x1;
	s10 =	sld [smem:$0x3FB4];
	_ =	sdelay $0x3  }
0x34: {  	[smem:$0x3FB4] =	sst s10  }
0x35: {  	s10 =	sld [smem:$0x3FB3];
	_ =	sdelay $0x3  }
0x36: {  	p1 =	seq.s32 s10, $0x1;
	s10 =	sld [smem:$0x3FB4];
	_ =	sdelay $0x3  }
0x37: {  	[smem:$0x3FB4] =	sst s10  }
0x38: {  	s10 =	sld [smem:$0x3FB5]  }
0x39: {  	_ = 	snop;
	(pc) =	sbr.ind lr, $3  }
0x3a: {  	_ = 	snop  }
0x3b: {  	_ = 	snop  }
0x3c: {  	p2 =	seq.s32 s10, $0x1;
	s10 =	sld [smem:$0x3FB4]  }
0x3d: {  	_ =	shalt  }
0x3e: {  	_ =	shalt  }
0x3f: {  	_ =	shalt  }
0x40: {  	_ =	shalt  }
0x41: {  	_ =	shalt  }
0x42: {  	_ =	shalt  }
0x43: {  	_ =	shalt  }
0x44: {  	_ =	shalt  }
0x45: {  	_ =	shalt  }
0x46: {  	_ =	shalt  }
0x47: {  	_ =	shalt  }
0x48: {  	_ =	shalt  }
0x49: {  	_ =	shalt  }
0x4a: {  	_ =	shalt  }
0x4b: {  	_ =	shalt  }
0x4c: {  	_ =	shalt  }
0x4d: {  	_ =	shalt  }
0x4e: {  	_ =	shalt  }
0x4f: {  	_ =	shalt  }
0x50: {  	_ =	shalt  }
0x51: {  	_ =	shalt  }
0x52: {  	_ =	shalt  }
0x53: {  	_ =	shalt  }
0x54: {  	_ =	shalt  }
0x55: {  	_ =	shalt  }
0x56: {  	_ =	shalt  }
0x57: {  	_ =	shalt  }
0x58: {  	_ =	shalt  }
0x59: {  	_ =	shalt  }
0x5a: {  	_ =	shalt  }
0x5b: {  	_ =	shalt  }
0x5c: {  	_ =	shalt  }
0x5d: {  	_ =	shalt  }
0x5e: {  	_ =	shalt  }
0x5f: {  	_ =	shalt  }
0x60: {  	_ =	shalt  }
0x61: {  	_ =	shalt  }
0x62: {  	_ =	shalt  }
0x63: {  	_ =	shalt  }
0x64: {  	_ =	shalt  }
0x65: {  	_ =	shalt  }
0x66: {  	_ =	shalt  }
0x67: {  	_ =	shalt  }
0x68: {  	_ =	shalt  }
0x69: {  	_ =	shalt  }
0x6a: {  	_ =	shalt  }
0x6b: {  	_ =	shalt  }
0x6c: {  	_ =	shalt  }
0x6d: {  	_ =	shalt  }
0x6e: {  	_ =	shalt  }
0x6f: {  	_ =	shalt  }
0x70: {  	_ =	shalt  }
0x71: {  	_ =	shalt  }
0x72: {  	_ =	shalt  }
0x73: {  	_ =	shalt  }
0x74: {  	_ =	shalt  }
0x75: {  	_ =	shalt  }
0x76: {  	_ =	shalt  }
0x77: {  	_ =	shalt  }
0x78: {  	_ =	shalt  }
0x79: {  	_ =	shalt  }
0x7a: {  	_ =	shalt  }
0x7b: {  	_ =	shalt  }
0x7c: {  	_ =	shalt  }
0x7d: {  	_ =	shalt  }
0x7e: {  	_ =	shalt  }
0x7f: {  	_ =	shalt  }
0x80: {  	_ =	shalt  }
0x81: {  	_ =	shalt  }
0x82: {  	_ =	shalt  }
0x83: {  	_ =	shalt  }
0x84: {  	_ =	shalt  }
0x85: {  	_ =	shalt  }
0x86: {  	_ =	shalt  }
0x87: {  	_ =	shalt  }
.Lfunc_end0:
.L_simem_size_0:
called_computation_lowered:
.L_overlay_start_0:
0x88: {  	s2 =	sld [smem:$0x3FD9]  }
0x89: {  	s3 =	sld [smem:$0x3FFE];
	_ =	sdelay $0x1  }
0x8a: {  	s1 =	srdreg.scid  }
0x8b: {  	s0 =	sand.u32 $0x1, s1  }
0x8c: {  	s17 =	sshll.u32 s0, $0xA;
	s2 =	sadd.s32 s3, s2  }
0x8d: {  	s2 =	sadd.s32 s2, s17  }
0x8e: {  	[smem:$0x3FC0] =	sst s2  }
0x8f: {  	_ = 	snop  }
0x90: {  	s2 =	sld [smem:$0x3FC9]  }
0x91: {  	s18 =	sld [smem:$0x3FD0];
	(tm) =	ssettm $0x1  }
0x92: {  	s4 =	sld [smem:$0x3FFB];
	_ =	sdelay $0x3  }
0x93: {  	_ =	strace s4  }
0x94: {  	s4 =	sld [smem:$0x3FFC];
	_ =	sdelay $0x3  }
0x95: {  	_ =	strace s4  }
0x96: {  	s4 =	sld [smem:$0x3FFD];
	_ =	sdelay $0x3  }
0x97: {  	_ =	strace s4  }
0x98: {  	_ =	strace $0x8FFFFFFF  }
0x99: {  	s19 =	sld [smem:$0x3FDB];
	_ =	sdelay $0x1  }
0x9a: {  	s5 =	simm.s32 $_scs_section_size  }
0x9b: {  	s6 =	simm.s32 $_size__tile_overlayer_lowered;
	s7 =	simm.s32 $_tile_overlayer_lowered  }
0x9c: {  	s22 =	simm.s32 $0x1BFF;
	s21 =	sshll.u32 s7, $0x1;
	s4 =	sadd.s32 s5, s19  }
0x9d: {  	s8 =	simm.s32 $0x0;
	s20 =	sshll.u32 s6, $0x1;
	s6 =	sadd.s32 s21, s4  }
0x9e: {  	[timem:s8], [sflag:s22] =	dma.local [hbm:s6], s20  }
0x9f: {  	_ =	swait.ge [sflag:s22], s20  }
0xa0: {  	s5 =	ssub.s32 $0x0, s20;
	[sflag:s22] =	ssyncset.done $0x0  }
0xa1: {  	[sflag:s22] =	ssyncadd.s32 s5;
	_ =	sdelay $0x1  }
0xa2: {  	s23 =	simm.s32 $0x1B8B  }
0xa3: {  	_ =	swait.ge [sflag:s23], $0x1  }
0xa4: {  	[sflag:s23] =	ssyncset.done $0x0  }
0xa5: {  	s25 =	simm.s32 $0x1B8E;
	s24 =	sld [smem:$0x3FFE];
	[sflag:s23] =	ssyncadd.s32 $0xFFFFFFFF  }
0xa6: {  	s26 =	simm.s32 $execute0_lowered;
	[smem:$0x3FD2] =	sst s25  }
0xa7: {  	s6 =	sshll.u32 s26, $0x1;
	_ =	strace $0x80000046;
	[dreg:$0x1] =	wrdreg $0xFFFFFFFF  }
0xa8: {  	s28 =	simm.s32 $_size_execute0_lowered;
	s4 =	sadd.s32 s4, s6;
	[dreg:$0x0] =	wrdreg $0x0  }
0xa9: {  	s6 =	sshll.u32 s28, $0x1;
	[dreg:$0x2] =	wrdreg s4  }
0xaa: {  	[dreg:$0x3] =	wrdreg s6  }
0xab: {  	[dreg:$0x4] =	wrdreg $0xC0  }
0xac: {  	_ =	task [dreg:s8], $0x5FFFF  }
0xad: {  	[dreg:$0x1] =	wrdreg $0xFFFFFFFF  }
0xae: {  	[dreg:$0x0] =	wrdreg $0x60  }
0xaf: {  	[dreg:$0x2] =	wrdreg s2  }
0xb0: {  	[dreg:$0x3] =	wrdreg s24  }
0xb1: {  	[dreg:$0x4] =	wrdreg s18  }
0xb2: {  	[dreg:$0x5] =	wrdreg $0x9  }
0xb3: {  	_ =	task.clear_ibuf [dreg:s8], $0x6FFFF;
	_ =	strace $0x90000046  }
0xb4: {  	s29 =	simm.s32 $0x9;
	_ =	strace $0x80000048  }
0xb5: {  	_ =	swait.ge [sflag:s29], $0x1  }
0xb6: {  	[sflag:s29] =	ssyncadd.s32 $0xFFFFFFFF  }
0xb7: {  	_ =	strace $0x90000048  }
0xb8: {  	_ =	sfence  }
0xb9: {  	s30 =	sld [smem:$0x0];
	_ =	sdelay $0x2  }
0xba: {  	s31 =	sshll.u32 s1, $0xD;
	s1 =	sshrl.u32 s1, $0x2  }
0xbb: {  	s3 =	sand.u32 $0x4000, s31;
	s1 =	sadd.s32 s1, s30  }
0xbc: {  	s0 =	sor.u32 s3, s0;
	s1 =	sshll.u32 s1, $0x11  }
0xbd: {  	s0 =	sor.u32 s1, s0  }
0xbe: {  	s0 =	sadd.s32 $0x8F2B, s0  }
0xbf: {  	[sflag:s0] =	ssyncadd.remote.s32 $0x1  }
0xc0: {  	_ =	sfence.sel $0xFFFF  }
0xc1: {  	[dreg:$0x0] =	wrdreg $0xFFFFFFFF;
	(pc) =	sbr.abs _section_cstart, $3  }
0xc2: {  	[dreg:$0x1] =	wrdreg $0xFFFFFFFF  }
0xc3: {  	_ =	task.clear_ibuf [dreg:s8], $0x2FFFF;
	_ =	strace $0x9FFFFFFF  }
0xc4: {  	(tm) =	ssettm $0x7FFFFFFF  }
0xc5: {  	_ =	shalt  }
tec
execute0_lowered:
.L_overlay_start_1:
0x0: {  	(tag) =	ssettag $0x1  }
0x1: {  	s1 =	rddreg [dreg:$0x0]  }
0x2: {  	s0 =	rddreg [dreg:$0x1]  }
0x3: {  	s2 =	rddreg [dreg:$0x2];
	s4 =	srdreg.scid  }
0x4: {  	s6 =	stileid.u32;
	s3 =	simm.s32 $0x0;
	s30 =	simm.s32 $0x80  }
0x5: {  	s14 =	simm.s32 $0x1;
	s26 =	simm.s32 $0x2;
	s31 =	simm.s32 $0x6280  }
0x6: {  	s5 =	sand.u32 $0x1, s4;
	s29 =	sshll.u32 s6, $0x1;
	[smem:$0x7FF] =	sst s3  }
0x7: {  	s9 =	sadd.s32 $0x2200, s0;
	s10 =	sadd.s32 $0x2300, s0;
	s6 =	sor.u32 s5, s29  }
0x8: {  	_ =	strace $0x80000047;
	s5 =	ssub.s32 $0x2, s5;
	[dreg:$0x6] =	wrdreg s30  }
0x9: {  	s4 =	sshll.u32 s6, $0x4;
	s8 =	sshrl.u32 s5, $0x1;
	s6 =	sshll.u32 s6, $0x6  }
0xa: {  	s7 =	sadd.s32 s4, s0;
	s4 =	sadd.s32 $0x2000, s0;
	s11 =	ssub.s32 s5, s8  }
0xb: {  	v2 =	vlaneseq.u32;
	s2 =	sadd.s32 s2, s6;
	s5 =	sadd.s32 $0x100, s1;
	s6 =	sadd.s32 $0x200, s1  }
0xc: {  	vm0 =	vmmov $0xffff;
	v1 =	vshrl.u32 v2, $0x3;
	s8 =	sadd.s32 $0x2100, s0;
	s7 =	sadd.s32 $0x1E00, s7;
	[dreg:$0x5] =	wrdreg s2  }
0xd: {  	v0 =	vand.u32 $0x7, v2;
	v2 =	vor.u32 $0x8, v2;
	v1 =	vmul.u32 $0x8, v1;
	s11 =	smax.u32 s11, $0x1;
	[dreg:$0x4] =	wrdreg s7;
	s7 =	sadd.s32 $0x300, s1  }
.LBB2_1:
0xe: {  	s28 =	rddreg [dreg:$0x4];
	s0 =	simm.s32 $0x3  }
0xf: {  	[tilespmem:s3], [sflag:$0x3] =	stream.linear.gather [hbm4b:s28+s3], $0x80, $0x38;
	[tilespmem:$0x10280] =	vst v63  }
0x10: {  	_ =	swait.ge [sflag:s0], $0x80  }
0x11: {  	s13 =	rddreg [dreg:$0x5];
	[sflag:s0] =	ssyncset.done $0x0  }
0x12: {  	s29 =	rddreg [dreg:$0x6];
	[sflag:s0] =	ssyncadd.s32 $0xFFFFFF80  }
0x13: {  	[tilespmem:s29], [sflag:$0x3] =	stream.linear.gather [hbm4b:s13+s3], $0x200, $0x38;
	[tilespmem:$0x10280] =	vst v63  }
0x14: {  	_ =	swait.ge [sflag:s0], $0x200  }
0x15: {  	[sflag:s0] =	ssyncset.done $0x0  }
0x16: {  	[sflag:s0] =	ssyncadd.s32 $0xFFFFFE00  }
0x17: {  	v3 =	vld [tilespmem:$0x0];
	_ =	sdelay $0x4  }
0x18: {  	v4 =	vshll.u32 v3, $0x3  }
0x19: {  	v3 =	vand.u32 $0x7, v3;
	v4 =	vand.u32 $0xFFFFFFC0, v4  }
0x1a: {  	v3 =	vor.u32 v3, v4  }
0x1b: {  	v4 =	vperm.xlane v3, v0;
	_ =	sdelay $0x1  }
0x1c: {  	v4 =	vadd.s32 v1, v4;
	_ =	sdelay $0x3  }
0x1d: {  	s28 =	simm.s32 $0x280  }
0x1e: {  	[tilespmem:s28], [sflag:$0x1] =	stream.indirect_vreg.gather [hbm4b:s1+s3], $0x80, v4, vm0, $0xb8;
	[tilespmem:$0x10280] =	vst v63  }
0x1f: {  	s29 =	simm.s32 $0xA80;
	v3 =	vperm.xlane v3, v2  }
0x20: {  	[tilespmem:s29], [sflag:$0x1] =	stream.indirect_vreg.gather [hbm4b:s5+s3], $0x80, v4, vm0, $0xb8;
	[tilespmem:$0x10280] =	vst v63  }
0x21: {  	s15 =	simm.s32 $0x1280;
	v3 =	vadd.s32 v1, v3  }
0x22: {  	[tilespmem:s15], [sflag:$0x1] =	stream.indirect_vreg.gather [hbm4b:s6+s3], $0x80, v4, vm0, $0xb8;
	[tilespmem:$0x10280] =	vst v63  }
0x23: {  	s16 =	simm.s32 $0x1A80  }
0x24: {  	[tilespmem:s16], [sflag:$0x1] =	stream.indirect_vreg.gather [hbm4b:s7+s3], $0x80, v4, vm0, $0xb8;
	[tilespmem:$0x10280] =	vst v63  }
0x25: {  	s17 =	simm.s32 $0x2280  }
0x26: {  	[tilespmem:s17], [sflag:$0x1] =	stream.indirect_vreg.gather [hbm4b:s1+s3], $0x80, v3, vm0, $0xb8;
	[tilespmem:$0x10280] =	vst v63  }
0x27: {  	s19 =	simm.s32 $0x2A80  }
0x28: {  	[tilespmem:s19], [sflag:$0x1] =	stream.indirect_vreg.gather [hbm4b:s5+s3], $0x80, v3, vm0, $0xb8;
	[tilespmem:$0x10280] =	vst v63  }
0x29: {  	s20 =	simm.s32 $0x3280  }
0x2a: {  	[tilespmem:s20], [sflag:$0x1] =	stream.indirect_vreg.gather [hbm4b:s6+s3], $0x80, v3, vm0, $0xb8;
	[tilespmem:$0x10280] =	vst v63  }
0x2b: {  	s21 =	simm.s32 $0x3A80  }
0x2c: {  	[tilespmem:s21], [sflag:$0x1] =	stream.indirect_vreg.gather [hbm4b:s7+s3], $0x80, v3, vm0, $0xb8;
	[tilespmem:$0x10280] =	vst v63  }
0x2d: {  	v3 =	vld [tilespmem:$0x10];
	_ =	sdelay $0x4  }
0x2e: {  	v49 =	vshll.u32 v3, $0x3  }
0x2f: {  	v3 =	vand.u32 $0x7, v3;
	v4 =	vand.u32 $0xFFFFFFC0, v49  }
0x30: {  	v3 =	vor.u32 v3, v4  }
0x31: {  	v4 =	vperm.xlane v3, v0;
	_ =	sdelay $0x1  }
0x32: {  	v4 =	vadd.s32 v1, v4;
	_ =	sdelay $0x3  }
0x33: {  	s22 =	simm.s32 $0x4280  }
0x34: {  	[tilespmem:s22], [sflag:$0x1] =	stream.indirect_vreg.gather [hbm4b:s1+s3], $0x80, v4, vm0, $0xb8;
	[tilespmem:$0x10280] =	vst v63  }
0x35: {  	s23 =	simm.s32 $0x4A80;
	v3 =	vperm.xlane v3, v2  }
0x36: {  	[tilespmem:s23], [sflag:$0x1] =	stream.indirect_vreg.gather [hbm4b:s5+s3], $0x80, v4, vm0, $0xb8;
	[tilespmem:$0x10280] =	vst v63  }
0x37: {  	s25 =	simm.s32 $0x5280;
	v3 =	vadd.s32 v1, v3  }
0x38: {  	[tilespmem:s25], [sflag:$0x1] =	stream.indirect_vreg.gather [hbm4b:s6+s3], $0x80, v4, vm0, $0xb8;
	[tilespmem:$0x10280] =	vst v63  }
0x39: {  	s30 =	simm.s32 $0x5A80  }
0x3a: {  	[tilespmem:s30], [sflag:$0x1] =	stream.indirect_vreg.gather [hbm4b:s7+s3], $0x80, v4, vm0, $0xb8;
	[tilespmem:$0x10280] =	vst v63  }
0x3b: {  	s16 =	simm.s32 $0x6280  }
0x3c: {  	[tilespmem:s16], [sflag:$0x1] =	stream.indirect_vreg.gather [hbm4b:s1+s3], $0x80, v3, vm0, $0xb8;
	[tilespmem:$0x10280] =	vst v63  }
0x3d: {  	s17 =	simm.s32 $0x6A80  }
0x3e: {  	[tilespmem:s17], [sflag:$0x1] =	stream.indirect_vreg.gather [hbm4b:s5+s3], $0x80, v3, vm0, $0xb8;
	[tilespmem:$0x10280] =	vst v63  }
0x3f: {  	s19 =	simm.s32 $0x7280  }
0x40: {  	[tilespmem:s19], [sflag:$0x1] =	stream.indirect_vreg.gather [hbm4b:s6+s3], $0x80, v3, vm0, $0xb8;
	[tilespmem:$0x10280] =	vst v63  }
0x41: {  	s25 =	simm.s32 $0x7A80  }
0x42: {  	[tilespmem:s25], [sflag:$0x1] =	stream.indirect_vreg.gather [hbm4b:s7+s3], $0x80, v3, vm0, $0xb8;
	[tilespmem:$0x10280] =	vst v63  }
0x43: {  	_ =	swait.ge [sflag:s14], $0x8000  }
0x44: {  	[sflag:s14] =	ssyncset.done $0x0  }
0x45: {  	[sflag:s14] =	ssyncadd.s32 $0xFFFF8000  }
0x46: {  	v3 =	vld [tilespmem:$0x80];
	_ =	sdelay $0x4  }
0x47: {  	v50 =	vshll.u32 v3, $0x3  }
0x48: {  	v3 =	vand.u32 $0x7, v3;
	v4 =	vand.u32 $0xFFFFFFC0, v50  }
0x49: {  	v3 =	vor.u32 v3, v4  }
0x4a: {  	v4 =	vperm.xlane v3, v0;
	_ =	sdelay $0x1  }
0x4b: {  	v4 =	vadd.s32 v1, v4;
	_ =	sdelay $0x4  }
0x4c: {  	[hbm4b:s4+s3] =	stream.indirect_vreg.scatter [tilespmem:s28], [sflag:$0x2], $0x80, v4, vm0, $0xb8;
	[tilespmem:$0x10280] =	vst v63  }
0x4d: {  	v3 =	vperm.xlane v3, v2  }
0x4e: {  	[hbm4b:s8+s3] =	stream.indirect_vreg.scatter [tilespmem:s29], [sflag:$0x2], $0x80, v4, vm0, $0xb8;
	[tilespmem:$0x10280] =	vst v63  }
0x4f: {  	s18 =	simm.s32 $0x1280;
	v3 =	vadd.s32 v1, v3  }
0x50: {  	[hbm4b:s9+s3] =	stream.indirect_vreg.scatter [tilespmem:s18], [sflag:$0x2], $0x80, v4, vm0, $0xb8;
	[tilespmem:$0x10280] =	vst v63  }
0x51: {  	s24 =	simm.s32 $0x1A80  }
0x52: {  	[hbm4b:s10+s3] =	stream.indirect_vreg.scatter [tilespmem:s24], [sflag:$0x2], $0x80, v4, vm0, $0xb8;
	[tilespmem:$0x10280] =	vst v63  }
0x53: {  	s12 =	simm.s32 $0x2280  }
0x54: {  	[hbm4b:s4+s3] =	stream.indirect_vreg.scatter [tilespmem:s12], [sflag:$0x2], $0x80, v3, vm0, $0xb8;
	[tilespmem:$0x10280] =	vst v63  }
0x55: {  	s13 =	simm.s32 $0x2A80  }
0x56: {  	[hbm4b:s8+s3] =	stream.indirect_vreg.scatter [tilespmem:s13], [sflag:$0x2], $0x80, v3, vm0, $0xb8;
	[tilespmem:$0x10280] =	vst v63  }
0x57: {  	s2 =	simm.s32 $0x3280  }
0x58: {  	[hbm4b:s9+s3] =	stream.indirect_vreg.scatter [tilespmem:s2], [sflag:$0x2], $0x80, v3, vm0, $0xb8;
	[tilespmem:$0x10280] =	vst v63  }
0x59: {  	s20 =	simm.s32 $0x3A80  }
0x5a: {  	[hbm4b:s10+s3] =	stream.indirect_vreg.scatter [tilespmem:s20], [sflag:$0x2], $0x80, v3, vm0, $0xb8;
	[tilespmem:$0x10280] =	vst v63  }
0x5b: {  	v3 =	vld [tilespmem:$0x90];
	_ =	sdelay $0x4  }
0x5c: {  	v51 =	vshll.u32 v3, $0x3  }
0x5d: {  	v3 =	vand.u32 $0x7, v3;
	v4 =	vand.u32 $0xFFFFFFC0, v51  }
0x5e: {  	v3 =	vor.u32 v3, v4  }
0x5f: {  	v4 =	vperm.xlane v3, v0;
	_ =	sdelay $0x1  }
0x60: {  	v4 =	vadd.s32 v1, v4;
	_ =	sdelay $0x3  }
0x61: {  	s21 =	simm.s32 $0x4280  }
0x62: {  	[hbm4b:s4+s3] =	stream.indirect_vreg.scatter [tilespmem:s21], [sflag:$0x2], $0x80, v4, vm0, $0xb8;
	[tilespmem:$0x10280] =	vst v63  }
0x63: {  	s22 =	simm.s32 $0x4A80;
	v3 =	vperm.xlane v3, v2  }
0x64: {  	[hbm4b:s8+s3] =	stream.indirect_vreg.scatter [tilespmem:s22], [sflag:$0x2], $0x80, v4, vm0, $0xb8;
	[tilespmem:$0x10280] =	vst v63  }
0x65: {  	s15 =	simm.s32 $0x5280;
	v3 =	vadd.s32 v1, v3  }
0x66: {  	[hbm4b:s9+s3] =	stream.indirect_vreg.scatter [tilespmem:s15], [sflag:$0x2], $0x80, v4, vm0, $0xb8;
	[tilespmem:$0x10280] =	vst v63  }
0x67: {  	s23 =	simm.s32 $0x5A80  }
0x68: {  	[hbm4b:s10+s3] =	stream.indirect_vreg.scatter [tilespmem:s23], [sflag:$0x2], $0x80, v4, vm0, $0xb8;
	[tilespmem:$0x10280] =	vst v63  }
0x69: {  	s16 =	simm.s32 $0x6280  }
0x6a: {  	[hbm4b:s4+s3] =	stream.indirect_vreg.scatter [tilespmem:s16], [sflag:$0x2], $0x80, v3, vm0, $0xb8;
	[tilespmem:$0x10280] =	vst v63  }
0x6b: {  	s17 =	simm.s32 $0x6A80  }
0x6c: {  	[hbm4b:s8+s3] =	stream.indirect_vreg.scatter [tilespmem:s17], [sflag:$0x2], $0x80, v3, vm0, $0xb8;
	[tilespmem:$0x10280] =	vst v63  }
0x6d: {  	s19 =	simm.s32 $0x7280  }
0x6e: {  	[hbm4b:s9+s3] =	stream.indirect_vreg.scatter [tilespmem:s19], [sflag:$0x2], $0x80, v3, vm0, $0xb8;
	[tilespmem:$0x10280] =	vst v63  }
0x6f: {  	s30 =	simm.s32 $0x7A80  }
0x70: {  	[hbm4b:s10+s3] =	stream.indirect_vreg.scatter [tilespmem:s30], [sflag:$0x2], $0x80, v3, vm0, $0xb8;
	[tilespmem:$0x10280] =	vst v63  }
0x71: {  	v3 =	vld [tilespmem:$0x20];
	_ =	sdelay $0x4  }
0x72: {  	v52 =	vshll.u32 v3, $0x3  }
0x73: {  	v3 =	vand.u32 $0x7, v3;
	v4 =	vand.u32 $0xFFFFFFC0, v52  }
0x74: {  	v3 =	vor.u32 v3, v4  }
0x75: {  	v4 =	vperm.xlane v3, v0;
	_ =	sdelay $0x1  }
0x76: {  	v4 =	vadd.s32 v1, v4;
	_ =	sdelay $0x3  }
0x77: {  	s20 =	simm.s32 $0x8280  }
0x78: {  	[tilespmem:s20], [sflag:$0x1] =	stream.indirect_vreg.gather [hbm4b:s1+s3], $0x80, v4, vm0, $0xb8;
	[tilespmem:$0x10280] =	vst v63  }
0x79: {  	s21 =	simm.s32 $0x8A80;
	v3 =	vperm.xlane v3, v2  }
0x7a: {  	[tilespmem:s21], [sflag:$0x1] =	stream.indirect_vreg.gather [hbm4b:s5+s3], $0x80, v4, vm0, $0xb8;
	[tilespmem:$0x10280] =	vst v63  }
0x7b: {  	s22 =	simm.s32 $0x9280;
	v3 =	vadd.s32 v1, v3  }
0x7c: {  	[tilespmem:s22], [sflag:$0x1] =	stream.indirect_vreg.gather [hbm4b:s6+s3], $0x80, v4, vm0, $0xb8;
	[tilespmem:$0x10280] =	vst v63  }
0x7d: {  	s23 =	simm.s32 $0x9A80  }
0x7e: {  	[tilespmem:s23], [sflag:$0x1] =	stream.indirect_vreg.gather [hbm4b:s7+s3], $0x80, v4, vm0, $0xb8;
	[tilespmem:$0x10280] =	vst v63  }
0x7f: {  	s24 =	simm.s32 $0xA280  }
0x80: {  	[tilespmem:s24], [sflag:$0x1] =	stream.indirect_vreg.gather [hbm4b:s1+s3], $0x80, v3, vm0, $0xb8;
	[tilespmem:$0x10280] =	vst v63  }
0x81: {  	s25 =	simm.s32 $0xAA80  }
0x82: {  	[tilespmem:s25], [sflag:$0x1] =	stream.indirect_vreg.gather [hbm4b:s5+s3], $0x80, v3, vm0, $0xb8;
	[tilespmem:$0x10280] =	vst v63  }
0x83: {  	s30 =	simm.s32 $0xB280  }
0x84: {  	[tilespmem:s30], [sflag:$0x1] =	stream.indirect_vreg.gather [hbm4b:s6+s3], $0x80, v3, vm0, $0xb8;
	[tilespmem:$0x10280] =	vst v63  }
0x85: {  	s0 =	simm.s32 $0xBA80  }
0x86: {  	[tilespmem:s0], [sflag:$0x1] =	stream.indirect_vreg.gather [hbm4b:s7+s3], $0x80, v3, vm0, $0xb8;
	[tilespmem:$0x10280] =	vst v63  }
0x87: {  	v3 =	vld [tilespmem:$0x30];
	_ =	sdelay $0x4  }
0x88: {  	v53 =	vshll.u32 v3, $0x3  }
0x89: {  	v3 =	vand.u32 $0x7, v3;
	v4 =	vand.u32 $0xFFFFFFC0, v53  }
0x8a: {  	v3 =	vor.u32 v3, v4  }
0x8b: {  	v4 =	vperm.xlane v3, v0;
	_ =	sdelay $0x1  }
0x8c: {  	v4 =	vadd.s32 v1, v4;
	_ =	sdelay $0x3  }
0x8d: {  	s13 =	simm.s32 $0xC280  }
0x8e: {  	[tilespmem:s13], [sflag:$0x1] =	stream.indirect_vreg.gather [hbm4b:s1+s3], $0x80, v4, vm0, $0xb8;
	[tilespmem:$0x10280] =	vst v63  }
0x8f: {  	s16 =	simm.s32 $0xCA80;
	v3 =	vperm.xlane v3, v2  }
0x90: {  	[tilespmem:s16], [sflag:$0x1] =	stream.indirect_vreg.gather [hbm4b:s5+s3], $0x80, v4, vm0, $0xb8;
	[tilespmem:$0x10280] =	vst v63  }
0x91: {  	s17 =	simm.s32 $0xD280;
	v3 =	vadd.s32 v1, v3  }
0x92: {  	[tilespmem:s17], [sflag:$0x1] =	stream.indirect_vreg.gather [hbm4b:s6+s3], $0x80, v4, vm0, $0xb8;
	[tilespmem:$0x10280] =	vst v63  }
0x93: {  	s19 =	simm.s32 $0xDA80  }
0x94: {  	[tilespmem:s19], [sflag:$0x1] =	stream.indirect_vreg.gather [hbm4b:s7+s3], $0x80, v4, vm0, $0xb8;
	[tilespmem:$0x10280] =	vst v63  }
0x95: {  	s20 =	simm.s32 $0xE280  }
0x96: {  	[tilespmem:s20], [sflag:$0x1] =	stream.indirect_vreg.gather [hbm4b:s1+s3], $0x80, v3, vm0, $0xb8;
	[tilespmem:$0x10280] =	vst v63  }
0x97: {  	s17 =	simm.s32 $0xEA80  }
0x98: {  	[tilespmem:s17], [sflag:$0x1] =	stream.indirect_vreg.gather [hbm4b:s5+s3], $0x80, v3, vm0, $0xb8;
	[tilespmem:$0x10280] =	vst v63  }
0x99: {  	s20 =	simm.s32 $0xF280  }
0x9a: {  	[tilespmem:s20], [sflag:$0x1] =	stream.indirect_vreg.gather [hbm4b:s6+s3], $0x80, v3, vm0, $0xb8;
	[tilespmem:$0x10280] =	vst v63  }
0x9b: {  	s12 =	simm.s32 $0xFA80  }
0x9c: {  	[tilespmem:s12], [sflag:$0x1] =	stream.indirect_vreg.gather [hbm4b:s7+s3], $0x80, v3, vm0, $0xb8;
	[tilespmem:$0x10280] =	vst v63  }
0x9d: {  	_ =	swait.ge [sflag:s14], $0x8000  }
0x9e: {  	[sflag:s14] =	ssyncset.done $0x0  }
0x9f: {  	[sflag:s14] =	ssyncadd.s32 $0xFFFF8000  }
0xa0: {  	v3 =	vld [tilespmem:$0x100];
	_ =	sdelay $0x4  }
0xa1: {  	v54 =	vshll.u32 v3, $0x3  }
0xa2: {  	v3 =	vand.u32 $0x7, v3;
	v4 =	vand.u32 $0xFFFFFFC0, v54  }
0xa3: {  	v3 =	vor.u32 v3, v4  }
0xa4: {  	v4 =	vperm.xlane v3, v0;
	_ =	sdelay $0x1  }
0xa5: {  	v4 =	vadd.s32 v1, v4;
	_ =	sdelay $0x3  }
0xa6: {  	s2 =	simm.s32 $0x8280  }
0xa7: {  	[hbm4b:s4+s3] =	stream.indirect_vreg.scatter [tilespmem:s2], [sflag:$0x2], $0x80, v4, vm0, $0xb8;
	[tilespmem:$0x10280] =	vst v63  }
0xa8: {  	s15 =	simm.s32 $0x8A80;
	v3 =	vperm.xlane v3, v2  }
0xa9: {  	[hbm4b:s8+s3] =	stream.indirect_vreg.scatter [tilespmem:s15], [sflag:$0x2], $0x80, v4, vm0, $0xb8;
	[tilespmem:$0x10280] =	vst v63  }
0xaa: {  	s22 =	simm.s32 $0x9280;
	v3 =	vadd.s32 v1, v3  }
0xab: {  	[hbm4b:s9+s3] =	stream.indirect_vreg.scatter [tilespmem:s22], [sflag:$0x2], $0x80, v4, vm0, $0xb8;
	[tilespmem:$0x10280] =	vst v63  }
0xac: {  	s21 =	simm.s32 $0x9A80  }
0xad: {  	[hbm4b:s10+s3] =	stream.indirect_vreg.scatter [tilespmem:s21], [sflag:$0x2], $0x80, v4, vm0, $0xb8;
	[tilespmem:$0x10280] =	vst v63  }
0xae: {  	s23 =	simm.s32 $0xA280  }
0xaf: {  	[hbm4b:s4+s3] =	stream.indirect_vreg.scatter [tilespmem:s23], [sflag:$0x2], $0x80, v3, vm0, $0xb8;
	[tilespmem:$0x10280] =	vst v63  }
0xb0: {  	s18 =	simm.s32 $0xAA80  }
0xb1: {  	[hbm4b:s8+s3] =	stream.indirect_vreg.scatter [tilespmem:s18], [sflag:$0x2], $0x80, v3, vm0, $0xb8;
	[tilespmem:$0x10280] =	vst v63  }
0xb2: {  	s24 =	simm.s32 $0xB280  }
0xb3: {  	[hbm4b:s9+s3] =	stream.indirect_vreg.scatter [tilespmem:s24], [sflag:$0x2], $0x80, v3, vm0, $0xb8;
	[tilespmem:$0x10280] =	vst v63  }
0xb4: {  	s0 =	simm.s32 $0xBA80  }
0xb5: {  	[hbm4b:s10+s3] =	stream.indirect_vreg.scatter [tilespmem:s0], [sflag:$0x2], $0x80, v3, vm0, $0xb8;
	[tilespmem:$0x10280] =	vst v63  }
0xb6: {  	v3 =	vld [tilespmem:$0x110];
	_ =	sdelay $0x4  }
0xb7: {  	v55 =	vshll.u32 v3, $0x3  }
0xb8: {  	v3 =	vand.u32 $0x7, v3;
	v4 =	vand.u32 $0xFFFFFFC0, v55  }
0xb9: {  	v3 =	vor.u32 v3, v4  }
0xba: {  	v4 =	vperm.xlane v3, v0;
	_ =	sdelay $0x1  }
0xbb: {  	v4 =	vadd.s32 v1, v4;
	_ =	sdelay $0x3  }
0xbc: {  	s13 =	simm.s32 $0xC280  }
0xbd: {  	[hbm4b:s4+s3] =	stream.indirect_vreg.scatter [tilespmem:s13], [sflag:$0x2], $0x80, v4, vm0, $0xb8;
	[tilespmem:$0x10280] =	vst v63  }
0xbe: {  	s25 =	simm.s32 $0xCA80;
	v3 =	vperm.xlane v3, v2  }
0xbf: {  	[hbm4b:s8+s3] =	stream.indirect_vreg.scatter [tilespmem:s25], [sflag:$0x2], $0x80, v4, vm0, $0xb8;
	[tilespmem:$0x10280] =	vst v63  }
0xc0: {  	s16 =	simm.s32 $0xD280;
	v3 =	vadd.s32 v1, v3  }
0xc1: {  	[hbm4b:s9+s3] =	stream.indirect_vreg.scatter [tilespmem:s16], [sflag:$0x2], $0x80, v4, vm0, $0xb8;
	[tilespmem:$0x10280] =	vst v63  }
0xc2: {  	s30 =	simm.s32 $0xDA80  }
0xc3: {  	[hbm4b:s10+s3] =	stream.indirect_vreg.scatter [tilespmem:s30], [sflag:$0x2], $0x80, v4, vm0, $0xb8;
	[tilespmem:$0x10280] =	vst v63  }
0xc4: {  	s19 =	simm.s32 $0xE280  }
0xc5: {  	[hbm4b:s4+s3] =	stream.indirect_vreg.scatter [tilespmem:s19], [sflag:$0x2], $0x80, v3, vm0, $0xb8;
	[tilespmem:$0x10280] =	vst v63  }
0xc6: {  	s17 =	simm.s32 $0xEA80  }
0xc7: {  	[hbm4b:s8+s3] =	stream.indirect_vreg.scatter [tilespmem:s17], [sflag:$0x2], $0x80, v3, vm0, $0xb8;
	[tilespmem:$0x10280] =	vst v63  }
0xc8: {  	s20 =	simm.s32 $0xF280  }
0xc9: {  	[hbm4b:s9+s3] =	stream.indirect_vreg.scatter [tilespmem:s20], [sflag:$0x2], $0x80, v3, vm0, $0xb8;
	[tilespmem:$0x10280] =	vst v63  }
0xca: {  	s12 =	simm.s32 $0xFA80  }
0xcb: {  	[hbm4b:s10+s3] =	stream.indirect_vreg.scatter [tilespmem:s12], [sflag:$0x2], $0x80, v3, vm0, $0xb8;
	[tilespmem:$0x10280] =	vst v63  }
0xcc: {  	_ =	swait.ge [sflag:s26], $0x8000  }
0xcd: {  	[sflag:s26] =	ssyncset.done $0x0  }
0xce: {  	[sflag:s26] =	ssyncadd.s32 $0xFFFF8000  }
0xcf: {  	v3 =	vld [tilespmem:$0x40];
	_ =	sdelay $0x4  }
0xd0: {  	v56 =	vshll.u32 v3, $0x3  }
0xd1: {  	v3 =	vand.u32 $0x7, v3;
	v4 =	vand.u32 $0xFFFFFFC0, v56  }
0xd2: {  	v3 =	vor.u32 v3, v4  }
0xd3: {  	v4 =	vperm.xlane v3, v0;
	_ =	sdelay $0x1  }
0xd4: {  	v4 =	vadd.s32 v1, v4;
	_ =	sdelay $0x4  }
0xd5: {  	[tilespmem:s28], [sflag:$0x1] =	stream.indirect_vreg.gather [hbm4b:s1+s3], $0x80, v4, vm0, $0xb8;
	[tilespmem:$0x10280] =	vst v63  }
0xd6: {  	v3 =	vperm.xlane v3, v2  }
0xd7: {  	[tilespmem:s29], [sflag:$0x1] =	stream.indirect_vreg.gather [hbm4b:s5+s3], $0x80, v4, vm0, $0xb8;
	[tilespmem:$0x10280] =	vst v63  }
0xd8: {  	s2 =	simm.s32 $0x1280;
	v3 =	vadd.s32 v1, v3  }
0xd9: {  	[tilespmem:s2], [sflag:$0x1] =	stream.indirect_vreg.gather [hbm4b:s6+s3], $0x80, v4, vm0, $0xb8;
	[tilespmem:$0x10280] =	vst v63  }
0xda: {  	s12 =	simm.s32 $0x1A80  }
0xdb: {  	[tilespmem:s12], [sflag:$0x1] =	stream.indirect_vreg.gather [hbm4b:s7+s3], $0x80, v4, vm0, $0xb8;
	[tilespmem:$0x10280] =	vst v63  }
0xdc: {  	s13 =	simm.s32 $0x2280  }
0xdd: {  	[tilespmem:s13], [sflag:$0x1] =	stream.indirect_vreg.gather [hbm4b:s1+s3], $0x80, v3, vm0, $0xb8;
	[tilespmem:$0x10280] =	vst v63  }
0xde: {  	s19 =	simm.s32 $0x2A80  }
0xdf: {  	[tilespmem:s19], [sflag:$0x1] =	stream.indirect_vreg.gather [hbm4b:s5+s3], $0x80, v3, vm0, $0xb8;
	[tilespmem:$0x10280] =	vst v63  }
0xe0: {  	s20 =	simm.s32 $0x3280  }
0xe1: {  	[tilespmem:s20], [sflag:$0x1] =	stream.indirect_vreg.gather [hbm4b:s6+s3], $0x80, v3, vm0, $0xb8;
	[tilespmem:$0x10280] =	vst v63  }
0xe2: {  	s18 =	simm.s32 $0x3A80  }
0xe3: {  	[tilespmem:s18], [sflag:$0x1] =	stream.indirect_vreg.gather [hbm4b:s7+s3], $0x80, v3, vm0, $0xb8;
	[tilespmem:$0x10280] =	vst v63  }
0xe4: {  	v3 =	vld [tilespmem:$0x50];
	_ =	sdelay $0x4  }
0xe5: {  	v57 =	vshll.u32 v3, $0x3  }
0xe6: {  	v3 =	vand.u32 $0x7, v3;
	v4 =	vand.u32 $0xFFFFFFC0, v57  }
0xe7: {  	v3 =	vor.u32 v3, v4  }
0xe8: {  	v4 =	vperm.xlane v3, v0;
	_ =	sdelay $0x1  }
0xe9: {  	v4 =	vadd.s32 v1, v4;
	_ =	sdelay $0x3  }
0xea: {  	s23 =	simm.s32 $0x4280  }
0xeb: {  	[tilespmem:s23], [sflag:$0x1] =	stream.indirect_vreg.gather [hbm4b:s1+s3], $0x80, v4, vm0, $0xb8;
	[tilespmem:$0x10280] =	vst v63  }
0xec: {  	s24 =	simm.s32 $0x4A80;
	v3 =	vperm.xlane v3, v2  }
0xed: {  	[tilespmem:s24], [sflag:$0x1] =	stream.indirect_vreg.gather [hbm4b:s5+s3], $0x80, v4, vm0, $0xb8;
	[tilespmem:$0x10280] =	vst v63  }
0xee: {  	s0 =	simm.s32 $0x5280;
	v3 =	vadd.s32 v1, v3  }
0xef: {  	[tilespmem:s0], [sflag:$0x1] =	stream.indirect_vreg.gather [hbm4b:s6+s3], $0x80, v4, vm0, $0xb8;
	[tilespmem:$0x10280] =	vst v63  }
0xf0: {  	s30 =	simm.s32 $0x5A80  }
0xf1: {  	[tilespmem:s30], [sflag:$0x1] =	stream.indirect_vreg.gather [hbm4b:s7+s3], $0x80, v4, vm0, $0xb8;
	[tilespmem:$0x10280] =	vst v63  }
0xf2: {  	_ = 	snop  }
0xf3: {  	[tilespmem:s31], [sflag:$0x1] =	stream.indirect_vreg.gather [hbm4b:s1+s3], $0x80, v3, vm0, $0xb8;
	[tilespmem:$0x10280] =	vst v63  }
0xf4: {  	s16 =	simm.s32 $0x6A80  }
0xf5: {  	[tilespmem:s16], [sflag:$0x1] =	stream.indirect_vreg.gather [hbm4b:s5+s3], $0x80, v3, vm0, $0xb8;
	[tilespmem:$0x10280] =	vst v63  }
0xf6: {  	s17 =	simm.s32 $0x7280  }
0xf7: {  	[tilespmem:s17], [sflag:$0x1] =	stream.indirect_vreg.gather [hbm4b:s6+s3], $0x80, v3, vm0, $0xb8;
	[tilespmem:$0x10280] =	vst v63  }
0xf8: {  	s25 =	simm.s32 $0x7A80  }
0xf9: {  	[tilespmem:s25], [sflag:$0x1] =	stream.indirect_vreg.gather [hbm4b:s7+s3], $0x80, v3, vm0, $0xb8;
	[tilespmem:$0x10280] =	vst v63  }
0xfa: {  	_ =	swait.ge [sflag:s14], $0x8000  }
0xfb: {  	[sflag:s14] =	ssyncset.done $0x0  }
0xfc: {  	[sflag:s14] =	ssyncadd.s32 $0xFFFF8000  }
0xfd: {  	v3 =	vld [tilespmem:$0x180];
	_ =	sdelay $0x4  }
0xfe: {  	v58 =	vshll.u32 v3, $0x3  }
0xff: {  	v3 =	vand.u32 $0x7, v3;
	v4 =	vand.u32 $0xFFFFFFC0, v58  }
0x100: {  	v3 =	vor.u32 v3, v4  }
0x101: {  	v4 =	vperm.xlane v3, v0;
	_ =	sdelay $0x1  }
0x102: {  	v4 =	vadd.s32 v1, v4;
	_ =	sdelay $0x4  }
0x103: {  	[hbm4b:s4+s3] =	stream.indirect_vreg.scatter [tilespmem:s28], [sflag:$0x2], $0x80, v4, vm0, $0xb8;
	[tilespmem:$0x10280] =	vst v63  }
0x104: {  	v3 =	vperm.xlane v3, v2  }
0x105: {  	[hbm4b:s8+s3] =	stream.indirect_vreg.scatter [tilespmem:s29], [sflag:$0x2], $0x80, v4, vm0, $0xb8;
	[tilespmem:$0x10280] =	vst v63  }
0x106: {  	v3 =	vadd.s32 v1, v3  }
0x107: {  	[hbm4b:s9+s3] =	stream.indirect_vreg.scatter [tilespmem:s2], [sflag:$0x2], $0x80, v4, vm0, $0xb8;
	[tilespmem:$0x10280] =	vst v63  }
0x108: {  	_ = 	snop  }
0x109: {  	[hbm4b:s10+s3] =	stream.indirect_vreg.scatter [tilespmem:s12], [sflag:$0x2], $0x80, v4, vm0, $0xb8;
	[tilespmem:$0x10280] =	vst v63  }
0x10a: {  	_ = 	snop  }
0x10b: {  	[hbm4b:s4+s3] =	stream.indirect_vreg.scatter [tilespmem:s13], [sflag:$0x2], $0x80, v3, vm0, $0xb8;
	[tilespmem:$0x10280] =	vst v63  }
0x10c: {  	_ = 	snop  }
0x10d: {  	[hbm4b:s8+s3] =	stream.indirect_vreg.scatter [tilespmem:s19], [sflag:$0x2], $0x80, v3, vm0, $0xb8;
	[tilespmem:$0x10280] =	vst v63  }
0x10e: {  	_ = 	snop  }
0x10f: {  	[hbm4b:s9+s3] =	stream.indirect_vreg.scatter [tilespmem:s20], [sflag:$0x2], $0x80, v3, vm0, $0xb8;
	[tilespmem:$0x10280] =	vst v63  }
0x110: {  	_ = 	snop  }
0x111: {  	[hbm4b:s10+s3] =	stream.indirect_vreg.scatter [tilespmem:s18], [sflag:$0x2], $0x80, v3, vm0, $0xb8;
	[tilespmem:$0x10280] =	vst v63  }
0x112: {  	v3 =	vld [tilespmem:$0x190];
	_ =	sdelay $0x4  }
0x113: {  	v59 =	vshll.u32 v3, $0x3  }
0x114: {  	v3 =	vand.u32 $0x7, v3;
	v4 =	vand.u32 $0xFFFFFFC0, v59  }
0x115: {  	v3 =	vor.u32 v3, v4  }
0x116: {  	v4 =	vperm.xlane v3, v0;
	_ =	sdelay $0x1  }
0x117: {  	v4 =	vadd.s32 v1, v4;
	_ =	sdelay $0x4  }
0x118: {  	[hbm4b:s4+s3] =	stream.indirect_vreg.scatter [tilespmem:s23], [sflag:$0x2], $0x80, v4, vm0, $0xb8;
	[tilespmem:$0x10280] =	vst v63  }
0x119: {  	v3 =	vperm.xlane v3, v2  }
0x11a: {  	[hbm4b:s8+s3] =	stream.indirect_vreg.scatter [tilespmem:s24], [sflag:$0x2], $0x80, v4, vm0, $0xb8;
	[tilespmem:$0x10280] =	vst v63  }
0x11b: {  	v3 =	vadd.s32 v1, v3  }
0x11c: {  	[hbm4b:s9+s3] =	stream.indirect_vreg.scatter [tilespmem:s0], [sflag:$0x2], $0x80, v4, vm0, $0xb8;
	[tilespmem:$0x10280] =	vst v63  }
0x11d: {  	_ = 	snop  }
0x11e: {  	[hbm4b:s10+s3] =	stream.indirect_vreg.scatter [tilespmem:s30], [sflag:$0x2], $0x80, v4, vm0, $0xb8;
	[tilespmem:$0x10280] =	vst v63  }
0x11f: {  	_ = 	snop  }
0x120: {  	[hbm4b:s4+s3] =	stream.indirect_vreg.scatter [tilespmem:s31], [sflag:$0x2], $0x80, v3, vm0, $0xb8;
	[tilespmem:$0x10280] =	vst v63  }
0x121: {  	_ = 	snop  }
0x122: {  	[hbm4b:s8+s3] =	stream.indirect_vreg.scatter [tilespmem:s16], [sflag:$0x2], $0x80, v3, vm0, $0xb8;
	[tilespmem:$0x10280] =	vst v63  }
0x123: {  	_ = 	snop  }
0x124: {  	[hbm4b:s9+s3] =	stream.indirect_vreg.scatter [tilespmem:s17], [sflag:$0x2], $0x80, v3, vm0, $0xb8;
	[tilespmem:$0x10280] =	vst v63  }
0x125: {  	_ = 	snop  }
0x126: {  	[hbm4b:s10+s3] =	stream.indirect_vreg.scatter [tilespmem:s25], [sflag:$0x2], $0x80, v3, vm0, $0xb8;
	[tilespmem:$0x10280] =	vst v63  }
0x127: {  	_ =	swait.ge [sflag:s26], $0x8000  }
0x128: {  	[sflag:s26] =	ssyncset.done $0x0  }
0x129: {  	[sflag:s26] =	ssyncadd.s32 $0xFFFF8000  }
0x12a: {  	v3 =	vld [tilespmem:$0x60];
	_ =	sdelay $0x4  }
0x12b: {  	v60 =	vshll.u32 v3, $0x3  }
0x12c: {  	v3 =	vand.u32 $0x7, v3;
	v4 =	vand.u32 $0xFFFFFFC0, v60  }
0x12d: {  	v3 =	vor.u32 v3, v4  }
0x12e: {  	v4 =	vperm.xlane v3, v0;
	_ =	sdelay $0x1  }
0x12f: {  	v4 =	vadd.s32 v1, v4;
	_ =	sdelay $0x3  }
0x130: {  	s2 =	simm.s32 $0x8280  }
0x131: {  	[tilespmem:s2], [sflag:$0x1] =	stream.indirect_vreg.gather [hbm4b:s1+s3], $0x80, v4, vm0, $0xb8;
	[tilespmem:$0x10280] =	vst v63  }
0x132: {  	s13 =	simm.s32 $0x8A80;
	v3 =	vperm.xlane v3, v2  }
0x133: {  	[tilespmem:s13], [sflag:$0x1] =	stream.indirect_vreg.gather [hbm4b:s5+s3], $0x80, v4, vm0, $0xb8;
	[tilespmem:$0x10280] =	vst v63  }
0x134: {  	s16 =	simm.s32 $0x9280;
	v3 =	vadd.s32 v1, v3  }
0x135: {  	[tilespmem:s16], [sflag:$0x1] =	stream.indirect_vreg.gather [hbm4b:s6+s3], $0x80, v4, vm0, $0xb8;
	[tilespmem:$0x10280] =	vst v63  }
0x136: {  	s17 =	simm.s32 $0x9A80  }
0x137: {  	[tilespmem:s17], [sflag:$0x1] =	stream.indirect_vreg.gather [hbm4b:s7+s3], $0x80, v4, vm0, $0xb8;
	[tilespmem:$0x10280] =	vst v63  }
0x138: {  	s21 =	simm.s32 $0xA280  }
0x139: {  	[tilespmem:s21], [sflag:$0x1] =	stream.indirect_vreg.gather [hbm4b:s1+s3], $0x80, v3, vm0, $0xb8;
	[tilespmem:$0x10280] =	vst v63  }
0x13a: {  	s23 =	simm.s32 $0xAA80  }
0x13b: {  	[tilespmem:s23], [sflag:$0x1] =	stream.indirect_vreg.gather [hbm4b:s5+s3], $0x80, v3, vm0, $0xb8;
	[tilespmem:$0x10280] =	vst v63  }
0x13c: {  	s24 =	simm.s32 $0xB280  }
0x13d: {  	[tilespmem:s24], [sflag:$0x1] =	stream.indirect_vreg.gather [hbm4b:s6+s3], $0x80, v3, vm0, $0xb8;
	[tilespmem:$0x10280] =	vst v63  }
0x13e: {  	s0 =	simm.s32 $0xBA80  }
0x13f: {  	[tilespmem:s0], [sflag:$0x1] =	stream.indirect_vreg.gather [hbm4b:s7+s3], $0x80, v3, vm0, $0xb8;
	[tilespmem:$0x10280] =	vst v63  }
0x140: {  	v3 =	vld [tilespmem:$0x70];
	_ =	sdelay $0x4  }
0x141: {  	v61 =	vshll.u32 v3, $0x3  }
0x142: {  	v3 =	vand.u32 $0x7, v3;
	v4 =	vand.u32 $0xFFFFFFC0, v61  }
0x143: {  	v3 =	vor.u32 v3, v4  }
0x144: {  	v4 =	vperm.xlane v3, v0;
	_ =	sdelay $0x1  }
0x145: {  	v4 =	vadd.s32 v1, v4;
	_ =	sdelay $0x3  }
0x146: {  	s22 =	simm.s32 $0xC280  }
0x147: {  	[tilespmem:s22], [sflag:$0x1] =	stream.indirect_vreg.gather [hbm4b:s1+s3], $0x80, v4, vm0, $0xb8;
	[tilespmem:$0x10280] =	vst v63  }
0x148: {  	s2 =	simm.s32 $0xCA80;
	v3 =	vperm.xlane v3, v2  }
0x149: {  	[tilespmem:s2], [sflag:$0x1] =	stream.indirect_vreg.gather [hbm4b:s5+s3], $0x80, v4, vm0, $0xb8;
	[tilespmem:$0x10280] =	vst v63  }
0x14a: {  	s15 =	simm.s32 $0xD280;
	v3 =	vadd.s32 v1, v3  }
0x14b: {  	[tilespmem:s15], [sflag:$0x1] =	stream.indirect_vreg.gather [hbm4b:s6+s3], $0x80, v4, vm0, $0xb8;
	[tilespmem:$0x10280] =	vst v63  }
0x14c: {  	s16 =	simm.s32 $0xDA80  }
0x14d: {  	[tilespmem:s16], [sflag:$0x1] =	stream.indirect_vreg.gather [hbm4b:s7+s3], $0x80, v4, vm0, $0xb8;
	[tilespmem:$0x10280] =	vst v63  }
0x14e: {  	s17 =	simm.s32 $0xE280  }
0x14f: {  	[tilespmem:s17], [sflag:$0x1] =	stream.indirect_vreg.gather [hbm4b:s1+s3], $0x80, v3, vm0, $0xb8;
	[tilespmem:$0x10280] =	vst v63  }
0x150: {  	s25 =	simm.s32 $0xEA80  }
0x151: {  	[tilespmem:s25], [sflag:$0x1] =	stream.indirect_vreg.gather [hbm4b:s5+s3], $0x80, v3, vm0, $0xb8;
	[tilespmem:$0x10280] =	vst v63  }
0x152: {  	s29 =	simm.s32 $0xF280  }
0x153: {  	[tilespmem:s29], [sflag:$0x1] =	stream.indirect_vreg.gather [hbm4b:s6+s3], $0x80, v3, vm0, $0xb8;
	[tilespmem:$0x10280] =	vst v63  }
0x154: {  	s30 =	simm.s32 $0xFA80  }
0x155: {  	[tilespmem:s30], [sflag:$0x1] =	stream.indirect_vreg.gather [hbm4b:s7+s3], $0x80, v3, vm0, $0xb8;
	[tilespmem:$0x10280] =	vst v63  }
0x156: {  	_ =	swait.ge [sflag:s14], $0x8000  }
0x157: {  	[sflag:s14] =	ssyncset.done $0x0  }
0x158: {  	[sflag:s14] =	ssyncadd.s32 $0xFFFF8000  }
0x159: {  	v3 =	vld [tilespmem:$0x200];
	_ =	sdelay $0x4  }
0x15a: {  	v62 =	vshll.u32 v3, $0x3  }
0x15b: {  	v3 =	vand.u32 $0x7, v3;
	v4 =	vand.u32 $0xFFFFFFC0, v62  }
0x15c: {  	v3 =	vor.u32 v3, v4  }
0x15d: {  	v4 =	vperm.xlane v3, v0;
	_ =	sdelay $0x1  }
0x15e: {  	v4 =	vadd.s32 v1, v4;
	_ =	sdelay $0x3  }
0x15f: {  	s19 =	simm.s32 $0x8280  }
0x160: {  	[hbm4b:s4+s3] =	stream.indirect_vreg.scatter [tilespmem:s19], [sflag:$0x2], $0x80, v4, vm0, $0xb8;
	[tilespmem:$0x10280] =	vst v63  }
0x161: {  	s20 =	simm.s32 $0x8A80;
	v3 =	vperm.xlane v3, v2  }
0x162: {  	[hbm4b:s8+s3] =	stream.indirect_vreg.scatter [tilespmem:s20], [sflag:$0x2], $0x80, v4, vm0, $0xb8;
	[tilespmem:$0x10280] =	vst v63  }
0x163: {  	s13 =	simm.s32 $0x9280;
	v3 =	vadd.s32 v1, v3  }
0x164: {  	[hbm4b:s9+s3] =	stream.indirect_vreg.scatter [tilespmem:s13], [sflag:$0x2], $0x80, v4, vm0, $0xb8;
	[tilespmem:$0x10280] =	vst v63  }
0x165: {  	s18 =	simm.s32 $0x9A80  }
0x166: {  	[hbm4b:s10+s3] =	stream.indirect_vreg.scatter [tilespmem:s18], [sflag:$0x2], $0x80, v4, vm0, $0xb8;
	[tilespmem:$0x10280] =	vst v63  }
0x167: {  	_ = 	snop  }
0x168: {  	[hbm4b:s4+s3] =	stream.indirect_vreg.scatter [tilespmem:s21], [sflag:$0x2], $0x80, v3, vm0, $0xb8;
	[tilespmem:$0x10280] =	vst v63  }
0x169: {  	_ = 	snop  }
0x16a: {  	[hbm4b:s8+s3] =	stream.indirect_vreg.scatter [tilespmem:s23], [sflag:$0x2], $0x80, v3, vm0, $0xb8;
	[tilespmem:$0x10280] =	vst v63  }
0x16b: {  	_ = 	snop  }
0x16c: {  	[hbm4b:s9+s3] =	stream.indirect_vreg.scatter [tilespmem:s24], [sflag:$0x2], $0x80, v3, vm0, $0xb8;
	[tilespmem:$0x10280] =	vst v63  }
0x16d: {  	_ = 	snop  }
0x16e: {  	[hbm4b:s10+s3] =	stream.indirect_vreg.scatter [tilespmem:s0], [sflag:$0x2], $0x80, v3, vm0, $0xb8;
	[tilespmem:$0x10280] =	vst v63  }
0x16f: {  	v3 =	vld [tilespmem:$0x210];
	_ =	sdelay $0x4  }
0x170: {  	v63 =	vshll.u32 v3, $0x3  }
0x171: {  	v3 =	vand.u32 $0x7, v3;
	v4 =	vand.u32 $0xFFFFFFC0, v63  }
0x172: {  	v3 =	vor.u32 v3, v4  }
0x173: {  	v4 =	vperm.xlane v3, v0;
	_ =	sdelay $0x1  }
0x174: {  	v4 =	vadd.s32 v1, v4;
	_ =	sdelay $0x4  }
0x175: {  	[hbm4b:s4+s3] =	stream.indirect_vreg.scatter [tilespmem:s22], [sflag:$0x2], $0x80, v4, vm0, $0xb8;
	[tilespmem:$0x10280] =	vst v63  }
0x176: {  	v3 =	vperm.xlane v3, v2  }
0x177: {  	[hbm4b:s8+s3] =	stream.indirect_vreg.scatter [tilespmem:s2], [sflag:$0x2], $0x80, v4, vm0, $0xb8;
	[tilespmem:$0x10280] =	vst v63  }
0x178: {  	v3 =	vadd.s32 v1, v3  }
0x179: {  	[hbm4b:s9+s3] =	stream.indirect_vreg.scatter [tilespmem:s15], [sflag:$0x2], $0x80, v4, vm0, $0xb8;
	[tilespmem:$0x10280] =	vst v63  }
0x17a: {  	_ = 	snop  }
0x17b: {  	[hbm4b:s10+s3] =	stream.indirect_vreg.scatter [tilespmem:s16], [sflag:$0x2], $0x80, v4, vm0, $0xb8;
	[tilespmem:$0x10280] =	vst v63  }
0x17c: {  	_ = 	snop  }
0x17d: {  	[hbm4b:s4+s3] =	stream.indirect_vreg.scatter [tilespmem:s17], [sflag:$0x2], $0x80, v3, vm0, $0xb8;
	[tilespmem:$0x10280] =	vst v63  }
0x17e: {  	_ = 	snop  }
0x17f: {  	[hbm4b:s8+s3] =	stream.indirect_vreg.scatter [tilespmem:s25], [sflag:$0x2], $0x80, v3, vm0, $0xb8;
	[tilespmem:$0x10280] =	vst v63  }
0x180: {  	_ = 	snop  }
0x181: {  	[hbm4b:s9+s3] =	stream.indirect_vreg.scatter [tilespmem:s29], [sflag:$0x2], $0x80, v3, vm0, $0xb8;
	[tilespmem:$0x10280] =	vst v63  }
0x182: {  	_ = 	snop  }
0x183: {  	[hbm4b:s10+s3] =	stream.indirect_vreg.scatter [tilespmem:s30], [sflag:$0x2], $0x80, v3, vm0, $0xb8;
	[tilespmem:$0x10280] =	vst v63  }
0x184: {  	p0 =	sne.s32 s11, $0x1;
	_ =	swait.ge [sflag:s26], $0x8000  }
.Ltmp0:
0x185: {  	[sflag:s26] =	ssyncset.done $0x0;
	(pc) =	sbr.rel @p0 .LBB2_1-.Ltmp0, $4  }
0x186: {  	[sflag:s26] =	ssyncadd.s32 $0xFFFF8000  }
0x187: {  	_ =	swait.ge [sflag:s26], $0x8000  }
0x188: {  	[sflag:s26] =	ssyncset.done $0x0  }
0x189: {  	s11 =	sadd.s32 $0xFFFFFFFF, s11;
	[sflag:s26] =	ssyncadd.s32 $0xFFFF8000  }
0x18a: {  	_ =	sfence.sel $0x180000  }
0x18b: {  	[bflag:$0x0] =	sbarrier.arrive $0xFFFF  }
0x18c: {  	_ =	strace $0x90000047  }
0x18d: {  	s0 =	stileid.u32;
	[bflag:$0x2] =	sbarrier.arrive $0xFFFF  }
0x18e: {  	p0 =	sne.s32 s0, $0x0;
	s0 =	rddreg [dreg:$0x3]  }
0x18f: {  	s0 =	sadd.s32 @!p0 $0x100000, s0  }
0x190: {  	[sflag:s0] =	ssyncadd.tile.s32 @!p0 $0x1;
	_ =	shalt  }
.Lfunc_end2:
_tile_overlayer_lowered:
.L_overlay_start_2:
0x191: {  	(tag) =	ssettag $0x2  }
0x192: {  	s0 =	rddreg [dreg:$0x0];
	s2 =	stileid.u32  }
0x193: {  	s1 =	rddreg [dreg:$0x1];
	p0 =	sne.s32 s2, $0x0  }
0x194: {  	s3 =	rddreg [dreg:$0x2];
	[bflag:$0x3] =	sbarrier.arrive $0xFFFF;
	s2 =	simm.s32 @!p0 $0x1C03  }
0x195: {  	[timem:s3], [sflag:s2] =	dma.local @!p0 [hbm:s0], s1  }
0x196: {  	s0 =	simm.s32 @!p0 $0x3  }
0x197: {  	_ =	swait.ge @!p0 [sflag:s0], s1  }
0x198: {  	s1 =	ssub.s32 @!p0 $0x0, s1;
	[sflag:s0] =	ssyncset.done @!p0 $0x0  }
0x199: {  	[sflag:s0] =	ssyncadd.s32 @!p0 s1  }
0x19a: {  	[bflag:$0x3] =	sbarrier.arrive $0xFFFF  }
0x19b: {  	_ =	shalt  }

</sc_bundles>
